<compile_context>
chip_gen: v7x
topology: tpu7x:2x2x1
jax: 0.10.2.dev20260603
libtpu: 0.0.44.dev20260713+nightly
codegen_flags: <defaults>
</compile_context>

<pallas_src>
import functools

import jax
import jax.numpy as jnp
import numpy as np
from jax import lax
from jax.experimental import pallas as pl
from jax.experimental.pallas import tpu as pltpu
from jax.experimental.pallas import tpu_sc as plsc

N = 10000
K = 8
E = 160000
G = 64
NHID = 64
NL_RHO = 2
NHEAD = 4
DFF = 128
DH = NHID // NHEAD

NC = 2
NS = 16

_SC_MESH = plsc.VectorSubcoreMesh(core_axis_name="c", subcore_axis_name="s")

_CH = 624
_CH_TAIL = N - NS * _CH

_B = 128
_EPW0 = (E // (NC * NS * _B)) * _B
_NB0 = _EPW0 // _B
_TAIL0 = (E - NC * NS * _EPW0) // _B


def _rowchunk_copy(src_ref, dst_ref, sub):
    pltpu.sync_copy(src_ref.at[pl.ds(sub * _CH, _CH)],
                    dst_ref.at[pl.ds(sub * _CH, _CH)])

    @pl.when(sub == 0)
    def _():
        pltpu.sync_copy(src_ref.at[pl.ds(NS * _CH, _CH_TAIL)],
                        dst_ref.at[pl.ds(NS * _CH, _CH_TAIL)])


def _edge_batch(src_ref, dst_ref, table_ref, sidx, didx, gbuf, acc, gsem, base):
    pltpu.sync_copy(src_ref.at[pl.ds(base, _B)], sidx)
    pltpu.sync_copy(dst_ref.at[pl.ds(base, _B)], didx)
    pltpu.async_copy(table_ref.at[sidx], gbuf, gsem).wait()
    pltpu.sync_copy(gbuf, acc.at[didx], add=True)


def _agg0_body(ev_hbm, src_hbm, dst_hbm, zero_hbm, out_hbm,
               sidx, didx, gbuf, acc, gsem):
    core = lax.axis_index("c")
    sub = lax.axis_index("s")
    wid = sub * NC + core
    _rowchunk_copy(zero_hbm, acc, sub)
    plsc.subcore_barrier()

    def body(i, _):
        _edge_batch(src_hbm, dst_hbm, ev_hbm, sidx, didx, gbuf, acc, gsem,
                    wid * _EPW0 + i * _B)
        return 0

    lax.fori_loop(0, _NB0, body, 0)

    @pl.when(wid < _TAIL0)
    def _():
        _edge_batch(src_hbm, dst_hbm, ev_hbm, sidx, didx, gbuf, acc, gsem,
                    NC * NS * _EPW0 + wid * _B)

    plsc.subcore_barrier()
    _rowchunk_copy(acc, out_hbm.at[core], sub)


def _sc_agg0(ev, src, dst, zeros_nk):
    kfn = pl.kernel(
        _agg0_body,
        mesh=_SC_MESH,
        compiler_params=pltpu.CompilerParams(use_tc_tiling_on_sc=False),
        out_type=jax.ShapeDtypeStruct((NC, N, K), jnp.float32),
        scratch_types=[
            pltpu.VMEM((_B,), jnp.int32),
            pltpu.VMEM((_B,), jnp.int32),
            pltpu.VMEM((_B, K), jnp.float32),
            pltpu.VMEM_SHARED((N, K), jnp.float32),
            pltpu.SemaphoreType.DMA,
        ],
    )
    return kfn(ev, src, dst, zeros_nk)


def _agg1_body(x_hbm, srck_hbm, dst_hbm, zero_hbm, out_hbm,
               sidx_all, didx0, didx1, gbuf0, gbuf1, acc, sem0, sem1):
    core = lax.axis_index("c")
    sub = lax.axis_index("s")
    epw = (E // (NS * _B)) * _B
    nb = epw // _B
    tail = (E - NS * epw) // _B

    for kk in range(K // NC):
        k = core * (K // NC) + kk
        _rowchunk_copy(zero_hbm, acc, sub)
        pltpu.sync_copy(srck_hbm.at[k, pl.ds(sub * nb, nb)], sidx_all)
        plsc.subcore_barrier()
        srck1 = srck_hbm.at[k]

        @pl.when(sub < tail)
        def _():
            trow = NS * nb + sub
            pltpu.sync_copy(dst_hbm.at[trow, 0], didx0)
            pltpu.sync_copy(srck1.at[trow], didx1)
            pltpu.async_copy(x_hbm.at[didx1], gbuf0, sem0).wait()
            pltpu.sync_copy(gbuf0, acc.at[didx0], add=True)

        def start(i, g, sem):
            return pltpu.async_copy(x_hbm.at[sidx_all.at[i]], g, sem)

        start(0, gbuf0, sem0)

        def body(i2, _):
            a = 2 * i2
            start(a + 1, gbuf1, sem1)
            pltpu.sync_copy(dst_hbm.at[sub * nb + a, 0], didx0)
            pltpu.make_async_copy(x_hbm.at[sidx_all.at[a]], gbuf0, sem0).wait()
            pltpu.sync_copy(gbuf0, acc.at[didx0], add=True)

            @pl.when(i2 < nb // 2 - 1)
            def _():
                start(a + 2, gbuf0, sem0)

            pltpu.sync_copy(dst_hbm.at[sub * nb + a + 1, 0], didx1)
            pltpu.make_async_copy(x_hbm.at[sidx_all.at[a + 1]], gbuf1,
                                  sem1).wait()
            pltpu.sync_copy(gbuf1, acc.at[didx1], add=True)
            return 0

        lax.fori_loop(0, nb // 2, body, 0)
        plsc.subcore_barrier()
        _rowchunk_copy(acc, out_hbm.at[k], sub)
        plsc.subcore_barrier()


def _sc_agg1(x1cat_flat, srck, dst, zeros_big):
    nrows = E // _B
    srck = srck.reshape(K, nrows, _B)
    dst = dst.reshape(nrows, 1, _B)
    nb = (E // (NS * _B))
    kfn = pl.kernel(
        _agg1_body,
        mesh=_SC_MESH,
        compiler_params=pltpu.CompilerParams(use_tc_tiling_on_sc=False),
        out_type=jax.ShapeDtypeStruct((K, N, 2 * NHID), jnp.float32),
        scratch_types=[
            pltpu.VMEM((nb, _B), jnp.int32),
            pltpu.VMEM((_B,), jnp.int32),
            pltpu.VMEM((_B,), jnp.int32),
            pltpu.VMEM((_B, 2 * NHID), jnp.float32),
            pltpu.VMEM((_B, 2 * NHID), jnp.float32),
            pltpu.VMEM_SHARED((N, 2 * NHID), jnp.float32),
            pltpu.SemaphoreType.DMA,
            pltpu.SemaphoreType.DMA,
        ],
    )
    return kfn(x1cat_flat, srck, dst, zeros_big)



def _dot(a, b):
    return jnp.dot(a, b, precision=jax.lax.Precision.DEFAULT)


def _dot_hi(a, b):
    return jnp.dot(a, b, precision=jax.lax.Precision.HIGHEST)


def _b16(x):
    return x.astype(jnp.bfloat16).astype(jnp.float32)

_BN1 = 2000
_BN = 400


def _t1_kernel(ev_ref, parts_ref, maskf_ref, s_ref, stats_ref):
    i = pl.program_id(0)
    s = ev_ref[...] + parts_ref[0] + parts_ref[1]
    mk = maskf_ref[...]
    sm = s * mk

    @pl.when(i == 0)
    def _():
        stats_ref[...] = jnp.zeros_like(stats_ref)

    stats_ref[0, :] += jnp.sum(sm, axis=0)
    stats_ref[1, :] += jnp.sum(sm * s, axis=0)
    stats_ref[2, :] += jnp.sum(mk, axis=0)
    s_ref[...] = s


def _t1_stage(ev, parts, maskf):
    grid = N // _BN1
    return pl.pallas_call(
        _t1_kernel,
        grid=(grid,),
        in_specs=[
            pl.BlockSpec((_BN1, K), lambda i: (i, 0)),
            pl.BlockSpec((NC, _BN1, K), lambda i: (0, i, 0)),
            pl.BlockSpec((_BN1, K), lambda i: (i, 0)),
        ],
        out_specs=[
            pl.BlockSpec((_BN1, K), lambda i: (i, 0)),
            pl.BlockSpec((3, K), lambda i: (0, 0)),
        ],
        out_shape=[
            jax.ShapeDtypeStruct((N, K), jnp.float32),
            jax.ShapeDtypeStruct((3, K), jnp.float32),
        ],
    )(ev, parts, maskf)


def _t2_kernel(sT_ref, maskT_ref, a2_ref, b2_ref, x1_ref):
    s3 = sT_ref[...]
    y = s3 * a2_ref[0, :] + b2_ref[0, :]
    x1_ref[...] = jnp.maximum(y, 0.0) * maskT_ref[...]


def _t2_stage(sT, maskT, a2, b2):
    grid = N // _BN
    return pl.pallas_call(
        _t2_kernel,
        grid=(grid,),
        in_specs=[
            pl.BlockSpec((K, _BN, 1), lambda i: (0, i, 0)),
            pl.BlockSpec((K, _BN, 1), lambda i: (0, i, 0)),
            pl.BlockSpec((1, 2 * NHID), lambda i: (0, 0)),
            pl.BlockSpec((1, 2 * NHID), lambda i: (0, 0)),
        ],
        out_specs=pl.BlockSpec((K, _BN, 2 * NHID), lambda i: (0, i, 0)),
        out_shape=jax.ShapeDtypeStruct((K, N, 2 * NHID), jnp.float32),
    )(sT, maskT, a2, b2)


def _t3_kernel(x1_ref, agg_ref, w2_ref, maskT_ref, hcat_ref, stats_ref):
    i = pl.program_id(0)
    xs = x1_ref[...] + agg_ref[...]
    h = _dot(xs.reshape(K * _BN, 2 * NHID), w2_ref[...]).reshape(K, _BN, 2 * NHID)
    h = h * maskT_ref[...]

    @pl.when(i == 0)
    def _():
        stats_ref[...] = jnp.zeros_like(stats_ref)

    hf = h.reshape(K * _BN, 2 * NHID)
    stats_ref[0, :] += jnp.sum(hf, axis=0)
    stats_ref[1, :] += jnp.sum(hf * hf, axis=0)
    hcat_ref[...] = h


def _t3_stage(x1cat, agg1, w2, maskT):
    grid = N // _BN
    return pl.pallas_call(
        _t3_kernel,
        grid=(grid,),
        in_specs=[
            pl.BlockSpec((K, _BN, 2 * NHID), lambda i: (0, i, 0)),
            pl.BlockSpec((K, _BN, 2 * NHID), lambda i: (0, i, 0)),
            pl.BlockSpec((2 * NHID, 2 * NHID), lambda i: (0, 0)),
            pl.BlockSpec((K, _BN, 1), lambda i: (0, i, 0)),
        ],
        out_specs=[
            pl.BlockSpec((K, _BN, 2 * NHID), lambda i: (0, i, 0)),
            pl.BlockSpec((2, 2 * NHID), lambda i: (0, 0)),
        ],
        out_shape=[
            jax.ShapeDtypeStruct((K, N, 2 * NHID), jnp.float32),
            jax.ShapeDtypeStruct((2, 2 * NHID), jnp.float32),
        ],
    )(x1cat, agg1, w2, maskT)


def _layernorm_k(x, g, b):
    m = jnp.mean(x, axis=-1, keepdims=True)
    d = x - m
    v = jnp.mean(d * d, axis=-1, keepdims=True)
    return d / jnp.sqrt(v + 1e-5) * g + b


def _t4_kernel(hcat_ref, x1_ref, maskT_ref, sc2_ref, sh2_ref,
               isum_ref, hrep_ref, tw_refs, outw_ref, y_ref, stats_ref):
    i = pl.program_id(0)
    mk3 = maskT_ref[...]
    x2 = jnp.maximum(hcat_ref[...] * sc2_ref[0, :] + sh2_ref[0, :], 0.0)
    x2 = x2 * mk3 + x1_ref[...]
    x = x2[..., :NHID] + x2[..., NHID:]

    for l in range(NL_RHO):
        (wq, wk, wv, wo, ln1g, ln1b, ff1, ff1b, ff2, ff2b,
         ln2g, ln2b) = tw_refs[12 * l:12 * (l + 1)]
        xf = x.reshape(K * _BN, NHID)
        q = _dot(xf, wq[...]).reshape(K, _BN, NHID)
        kk = _dot(xf, wk[...]).reshape(K, _BN, NHID)
        v = _dot(xf, wv[...]).reshape(K, _BN, NHID)
        qb = _b16(q)
        kb = _b16(kk)
        sc = []
        for j in range(K):
            prod = (qb * kb[j][None, :, :]).reshape(K * _BN, NHID)
            ph = _b16(prod)
            plo = prod - ph
            sj = (_dot(ph, hrep_ref[...])
                  + _dot(plo, hrep_ref[...])).reshape(K, _BN, NHID)
            mj = mk3[j][None, :, :]
            sc.append(jnp.where(mj > 0.0, sj, -1e9))
        m8 = sc[0]
        for j in range(1, K):
            m8 = jnp.maximum(m8, sc[j])
        ssum = None
        es = []
        for j in range(K):
            ej = jnp.exp(sc[j] - m8)
            es.append(ej)
            ssum = ej if ssum is None else ssum + ej
        vb = _b16(v)
        o = None
        for j in range(K):
            contrib = _b16(es[j] / ssum) * vb[j][None, :, :]
            o = contrib if o is None else o + contrib
        o = _dot(o.reshape(K * _BN, NHID), wo[...]).reshape(K, _BN, NHID)
        x = _layernorm_k(x + o, ln1g[0, :], ln1b[0, :])
        xf = x.reshape(K * _BN, NHID)
        f = jnp.maximum(_dot(xf, ff1[...]) + ff1b[0, :], 0.0)
        f = (_dot(f, ff2[...]) + ff2b[0, :]).reshape(K, _BN, NHID)
        x = _layernorm_k(x + f, ln2g[0, :], ln2b[0, :])
        x = x * mk3

    hsum = x[0]
    for j in range(1, K):
        hsum = hsum + x[j]
    y = _dot(hsum, outw_ref[...])

    @pl.when(i == 0)
    def _():
        stats_ref[...] = jnp.zeros_like(stats_ref)

    stats_ref[0, :] += jnp.sum(y, axis=0)
    stats_ref[1, :] += jnp.sum(y * y, axis=0)
    y_ref[...] = y


def _t4_stage(hcat, x1cat, maskT, sc2, sh2, isum, hrep, tws, outw):
    grid = N // _BN
    full = lambda shape: pl.BlockSpec(shape, lambda i: tuple(0 for _ in shape))
    nblk3 = pl.BlockSpec((K, _BN, 2 * NHID), lambda i: (0, i, 0))

    def body(hcat_ref, x1_ref, maskT_ref, sc2_ref, sh2_ref, isum_ref,
             hrep_ref, *rest):
        tw_refs = rest[:-3]
        outw_ref, y_ref, stats_ref = rest[-3:]
        _t4_kernel(hcat_ref, x1_ref, maskT_ref, sc2_ref, sh2_ref,
                   isum_ref, hrep_ref, tw_refs, outw_ref, y_ref, stats_ref)

    in_specs = [
        nblk3, nblk3,
        pl.BlockSpec((K, _BN, 1), lambda i: (0, i, 0)),
        full((1, 2 * NHID)), full((1, 2 * NHID)),
        full((2 * NHID, NHID)), full((NHID, NHID)),
    ] + [full(t.shape) for t in tws] + [full((NHID, NHID))]
    return pl.pallas_call(
        body,
        grid=(grid,),
        in_specs=in_specs,
        out_specs=[
            pl.BlockSpec((_BN, NHID), lambda i: (i, 0)),
            pl.BlockSpec((2, NHID), lambda i: (0, 0)),
        ],
        out_shape=[
            jax.ShapeDtypeStruct((N, NHID), jnp.float32),
            jax.ShapeDtypeStruct((2, NHID), jnp.float32),
        ],
    )(hcat, x1cat, maskT, sc2, sh2, isum, hrep, *tws, outw)


def _t5_kernel(y_ref, stat_ref, g_ref, b_ref, o_ref):
    s1 = stat_ref[0, :]
    s2 = stat_ref[1, :]
    mean = s1 / N
    var = s2 / N - mean * mean
    o_ref[...] = (y_ref[...] - mean) / jnp.sqrt(var + 1e-5) * g_ref[...] + b_ref[...]


def _t5_stage(y, stats, g, b):
    grid = N // _BN1
    return pl.pallas_call(
        _t5_kernel,
        grid=(grid,),
        in_specs=[
            pl.BlockSpec((_BN1, NHID), lambda i: (i, 0)),
            pl.BlockSpec((2, NHID), lambda i: (0, 0)),
            pl.BlockSpec((NHID,), lambda i: (0,)),
            pl.BlockSpec((NHID,), lambda i: (0,)),
        ],
        out_specs=pl.BlockSpec((_BN1, NHID), lambda i: (i, 0)),
        out_shape=jax.ShapeDtypeStruct((N, NHID), jnp.float32),
    )(y, stats, g, b)


def kernel(eigen_vectors, eigen_values, batch, edge_index, params):
    f32 = jnp.float32
    ev = eigen_vectors.astype(f32)
    src = edge_index[0].astype(jnp.int32)
    dst = edge_index[1].astype(jnp.int32)
    batch = batch.astype(jnp.int32)

    size = (jnp.searchsorted(batch, jnp.arange(1, G + 1, dtype=jnp.int32))
            - jnp.searchsorted(batch, jnp.arange(G, dtype=jnp.int32)))
    cntn = size[batch]
    ar = jnp.arange(K, dtype=jnp.int32)
    maskf = (ar[None, :] < cntn[:, None]).astype(f32)
    maskT3 = (ar[:, None] < cntn[None, :]).astype(f32)[..., None]

    zeros_nk = jnp.zeros((N, K), f32)
    parts = _sc_agg0(ev, src, dst, zeros_nk)
    s, st1 = _t1_stage(ev, parts, maskf)
    s1 = jnp.sum(st1[0]); s2 = jnp.sum(st1[1])
    cnt = jnp.maximum(jnp.sum(st1[2]), 1.0)

    w0 = params['conv_W'][0][0]
    g0 = params['bn_g'][0]; b0 = params['bn_b'][0]
    mu = s1 / cnt
    var0 = w0 * w0 * jnp.maximum(s2 / cnt - mu * mu, 0.0)
    inv0 = g0 / jnp.sqrt(var0 + 1e-5)
    a_p = w0 * inv0
    b_p = b0 - w0 * mu * inv0
    b_m = b0 + w0 * mu * inv0
    a2 = jnp.concatenate([a_p, -a_p])[None, :]
    b2 = jnp.concatenate([b_p, b_m])[None, :]

    x1cat = _t2_stage(s.T[..., None], maskT3, a2, b2)

    srck = src[None, :] + (jnp.arange(K, dtype=jnp.int32) * N)[:, None]
    zeros_big = jnp.zeros((N, 2 * NHID), f32)
    agg1 = _sc_agg1(x1cat.reshape(K * N, 2 * NHID), srck, dst, zeros_big)

    w1 = params['conv_W'][1]
    zz = jnp.zeros_like(w1)
    w2 = jnp.block([[w1, zz], [zz, w1]])
    hcat, st3 = _t3_stage(x1cat, agg1, w2, maskT3)

    g1 = params['bn_g'][1]; b1 = params['bn_b'][1]
    mean3 = st3[0] / cnt
    var3 = jnp.maximum(st3[1] / cnt - mean3 * mean3, 0.0)
    g2 = jnp.concatenate([g1, g1]); b2c = jnp.concatenate([b1, b1])
    sc2 = (g2 / jnp.sqrt(var3 + 1e-5))[None, :]
    sh2 = (b2c - mean3 * g2 / jnp.sqrt(var3 + 1e-5))[None, :]

    eyeh = np.eye(NHID, dtype=np.float32)
    isum = jnp.asarray(np.concatenate([eyeh, eyeh], axis=0))
    hrep = jnp.asarray(np.kron(np.eye(NHEAD, dtype=np.float32),
                               np.ones((DH, DH), np.float32) / np.sqrt(DH)))
    tws = []
    for l in range(NL_RHO):
        p = params['tr'][l]
        tws += [p['Wq'], p['Wk'], p['Wv'], p['Wo'],
                p['ln1_g'][None, :], p['ln1_b'][None, :],
                p['ff1'], p['ff1_b'][None, :], p['ff2'], p['ff2_b'][None, :],
                p['ln2_g'][None, :], p['ln2_b'][None, :]]
    y, st4 = _t4_stage(hcat, x1cat, maskT3, sc2, sh2, isum, hrep, tws,
                       params['out_W'])
    return _t5_stage(y, st4, params['out_bn_g'], params['out_bn_b'])

# --- scband reference (transcript-rebuilt; emitter-appended) ---
"""Pipeline reference for scband-sign-net-13005160973001 (READ-ONLY COPY).

The authoritative reference and input builder live on the scoring server;
editing this copy changes nothing except your own understanding.
"""

import jax, jax.numpy as jnp
import numpy as np

N = 10000; K = 8; E = 160000; G = 64
NHID = 64; NL_PHI = 2; NL_RHO = 2; NHEAD = 4; DFF = 128


def _mat(key, shape, scale):
    return jax.random.normal(key, shape, jnp.float32) * scale


def setup_inputs(seed: int = 0) -> dict:
    key = jax.random.key(seed)
    ks = jax.random.split(key, 64)
    inp = {}
    inp['eigen_vectors'] = jax.random.normal(ks[0], (N, K), jnp.float32)
    inp['eigen_values'] = jax.random.uniform(ks[1], (N, K), jnp.float32)
    inp['batch'] = jnp.sort(jax.random.randint(ks[2], (N,), 0, G))
    inp['edge_index'] = jax.random.randint(ks[3], (2, E), 0, N)
    conv_W = [_mat(ks[4], (1, NHID), 0.5), _mat(ks[5], (NHID, NHID), 1.0 / np.sqrt(NHID))]
    tr = []
    for l in range(NL_RHO):
        kk = jax.random.split(ks[6 + l], 8)
        s = 1.0 / np.sqrt(NHID)
        tr.append({
            'Wq': _mat(kk[0], (NHID, NHID), s), 'Wk': _mat(kk[1], (NHID, NHID), s),
            'Wv': _mat(kk[2], (NHID, NHID), s), 'Wo': _mat(kk[3], (NHID, NHID), s),
            'ln1_g': jnp.ones((NHID,)), 'ln1_b': jnp.zeros((NHID,)),
            'ln2_g': jnp.ones((NHID,)), 'ln2_b': jnp.zeros((NHID,)),
            'ff1': _mat(kk[4], (NHID, DFF), s), 'ff1_b': jnp.zeros((DFF,)),
            'ff2': _mat(kk[5], (DFF, NHID), 1.0 / np.sqrt(DFF)), 'ff2_b': jnp.zeros((NHID,)),
        })
    params = {
        'conv_W': conv_W,
        'bn_g': [jnp.ones((NHID,)) for _ in range(NL_PHI)],
        'bn_b': [jnp.zeros((NHID,)) for _ in range(NL_PHI)],
        'tr': tr,
        'out_W': _mat(ks[10], (NHID, NHID), 1.0 / np.sqrt(NHID)),
        'out_bn_g': jnp.ones((NHID,)), 'out_bn_b': jnp.zeros((NHID,)),
    }
    inp['params'] = params
    return inp


def _layernorm(x, g, b):
    m = x.mean(-1, keepdims=True)
    v = x.var(-1, keepdims=True)
    return (x - m) / jnp.sqrt(v + 1e-5) * g + b


def _masked_bn(x, maskf, g, b):
    cnt = jnp.maximum(maskf.sum(), 1.0)
    mean = (x * maskf).sum(axis=(0, 1)) / cnt
    var = (((x - mean) ** 2) * maskf).sum(axis=(0, 1)) / cnt
    y = (x - mean) / jnp.sqrt(var + 1e-5) * g + b
    return y * maskf


def _gnn3d(x, edge_index, mask_t, params):
    # x: [K, N, d]; GIN message passing applied per-k slice; eps=0 (non-trained GIN eps)
    src, dst = edge_index[0], edge_index[1]
    maskf = mask_t[..., None].astype(jnp.float32)
    prev = jnp.zeros((), jnp.float32)
    for i in range(NL_PHI):
        agg = jnp.zeros(x.shape, x.dtype).at[:, dst, :].add(x[:, src, :])
        h = x + agg
        h = h @ params['conv_W'][i]
        h = h * maskf
        h = _masked_bn(h, maskf, params['bn_g'][i], params['bn_b'][i])
        h = jax.nn.relu(h)
        h = h * maskf
        x = h + prev
        prev = x
    return x


def _transformer_layer(x, mask, p):
    n, k, c = x.shape
    dh = c // NHEAD
    def heads(t):
        return t.reshape(n, k, NHEAD, dh).transpose(0, 2, 1, 3)
    q = heads(x @ p['Wq']); kk = heads(x @ p['Wk']); v = heads(x @ p['Wv'])
    scores = (q @ kk.transpose(0, 1, 3, 2)) / np.sqrt(dh)
    scores = jnp.where(mask[:, None, None, :], scores, -1e9)
    a = jax.nn.softmax(scores, axis=-1)
    o = (a @ v).transpose(0, 2, 1, 3).reshape(n, k, c) @ p['Wo']
    x = _layernorm(x + o, p['ln1_g'], p['ln1_b'])
    f = jax.nn.relu(x @ p['ff1'] + p['ff1_b']) @ p['ff2'] + p['ff2_b']
    x = _layernorm(x + f, p['ln2_g'], p['ln2_b'])
    return x * mask[..., None].astype(x.dtype)


def _forward(eigen_vectors, batch, edge_index, params):
    size = jnp.zeros((G,), jnp.int32).at[batch].add(1)
    mask_full = jnp.arange(K)[None, :] < size[batch][:, None]  # [N, K]
    x = eigen_vectors[..., None]  # [N, K, 1]
    mask_t = mask_full.T  # [K, N]
    xt = x.transpose(1, 0, 2)  # [K, N, 1]
    # sign-invariant: phi(x) + phi(-x)
    h = _gnn3d(xt, edge_index, mask_t, params) + _gnn3d(-xt, edge_index, mask_t, params)
    h = h.transpose(1, 0, 2)  # [N, K, NHID]
    # rho: set transformer over the K eigen slots (pos is overridden to 0 in the original code)
    for l in range(NL_RHO):
        h = _transformer_layer(h, mask_full, params['tr'][l])
    h = h.sum(axis=1)  # [N, NHID]
    h = h @ params['out_W']
    mean = h.mean(axis=0); var = h.var(axis=0)
    return (h - mean) / jnp.sqrt(var + 1e-5) * params['out_bn_g'] + params['out_bn_b']


def reference(eigen_vectors, eigen_values, batch, edge_index, params):
    # eigen_values only feeds eigen_encoder2 whose output is discarded (pos = 0) in the original code
    return _forward(eigen_vectors, batch, edge_index, params)

if __name__ == "__main__":
    import jax
    _d = setup_inputs()
    print(jax.jit(kernel)(*tuple(_d.values())))

</pallas_src>

<mosaic_0001>
#map = affine_map<(d0, d1) -> (0, 0)>
#map1 = affine_map<(d0, d1) -> (0, 0, 0)>
module attributes {stable_mosaic.version = 14 : i64} {
  func.func @_agg1_body(%arg0: i32, %arg1: i32, %arg2: memref<80000x128xf32, #tpu.memory_space<hbm>>, %arg3: memref<8x1250x128xi32, #tpu.memory_space<hbm>>, %arg4: memref<1250x1x128xi32, #tpu.memory_space<hbm>>, %arg5: memref<10000x128xf32, #tpu.memory_space<hbm>>, %arg6: memref<8x10000x128xf32, #tpu.memory_space<hbm>>, %arg7: memref<78x128xi32, #tpu.memory_space<vmem>>, %arg8: memref<128xi32, #tpu.memory_space<vmem>>, %arg9: memref<128xi32, #tpu.memory_space<vmem>>, %arg10: memref<128x128xf32, #tpu.memory_space<vmem>>, %arg11: memref<128x128xf32, #tpu.memory_space<vmem>>, %arg12: memref<10000x128xf32, #tpu.memory_space<vmem_shared>>, %arg13: memref<!tpu.dma_semaphore, #tpu.memory_space<semaphore_mem>>, %arg14: memref<!tpu.dma_semaphore, #tpu.memory_space<semaphore_mem>>) attributes {dimension_semantics = [#tpu.dimension_semantics<core_parallel>, #tpu.dimension_semantics<subcore_parallel>], iteration_bounds = array<i64: 2, 16>, scalar_prefetch = 0 : i64, scratch_operands = 8 : i64, tpu.core_type = #tpu.core_type<sc_vector_subcore>, window_params = [{transform_indices = #map}, {transform_indices = #map1}, {transform_indices = #map1}, {transform_indices = #map}, {transform_indices = #map1}]} {
    %mul3A = arith.constant 4 : i32
    %mul3A_0 = arith.muli %arg0, %mul3A : i32
    %add3A = arith.constant 0 : i32
    %add3A_1 = arith.addi %mul3A_0, %add3A : i32
    %mul3A_2 = arith.constant 624 : i32
    %mul3A_3 = arith.muli %arg1, %mul3A_2 : i32
    %mul3A_4 = arith.constant 624 : i32
    %mul3A_5 = arith.muli %arg1, %mul3A_4 : i32
    "tpu.region"() ({
      %run_scoped3A = tpu.sem_alloc : memref<!tpu.dma_semaphore, #tpu.memory_space<semaphore_mem>>
      %dma_start3A_175 = arith.constant 0 : i32
      %dma_start3A_176 = tpu.memref_slice %arg12[%mul3A_5, %dma_start3A_175] : memref<10000x128xf32, #tpu.memory_space<vmem_shared>> -> memref<624x128xf32, #tpu.memory_space<vmem_shared>>
      %dma_start3A_177 = arith.constant 0 : i32
      %dma_start3A_178 = tpu.memref_slice %arg5[%mul3A_3, %dma_start3A_177] : memref<10000x128xf32, #tpu.memory_space<hbm>> -> memref<624x128xf32, #tpu.memory_space<hbm>>
      tpu.enqueue_dma source(%dma_start3A_178 : memref<624x128xf32, #tpu.memory_space<hbm>>) target(%dma_start3A_176 : memref<624x128xf32, #tpu.memory_space<vmem_shared>>) target_semaphore(%run_scoped3A : memref<!tpu.dma_semaphore, #tpu.memory_space<semaphore_mem>>)
      %dma_wait3A = arith.constant 0 : i32
      %dma_wait3A_179 = tpu.memref_slice %arg12[%mul3A_5, %dma_wait3A] : memref<10000x128xf32, #tpu.memory_space<vmem_shared>> -> memref<624x128xf32, #tpu.memory_space<vmem_shared>>
      %dma_wait3A_180 = arith.constant 0 : i32
      %dma_wait3A_181 = tpu.memref_slice %arg5[%mul3A_3, %dma_wait3A_180] : memref<10000x128xf32, #tpu.memory_space<hbm>> -> memref<624x128xf32, #tpu.memory_space<hbm>>
      tpu.wait_dma2 semaphore(%run_scoped3A : memref<!tpu.dma_semaphore, #tpu.memory_space<semaphore_mem>>) src(%dma_wait3A_181 : memref<624x128xf32, #tpu.memory_space<hbm>>) dst(%dma_wait3A_179 : memref<624x128xf32, #tpu.memory_space<vmem_shared>>)
      tpu.yield
    }) : () -> ()
    %eq3A = arith.constant 0 : i32
    %eq3A_6 = arith.cmpi eq, %arg1, %eq3A : i32
    %convert_element_type3A = arith.extui %eq3A_6 : i1 to i32
    %cond3A = arith.constant 0 : i32
    %cond3A_7 = arith.cmpi ne, %convert_element_type3A, %cond3A : i32
    scf.if %cond3A_7 {
      "tpu.region"() ({
        %run_scoped3A = tpu.sem_alloc : memref<!tpu.dma_semaphore, #tpu.memory_space<semaphore_mem>>
        %dma_start3A_175 = arith.constant 9984 : i32
        %dma_start3A_176 = arith.constant 0 : i32
        %dma_start3A_177 = tpu.memref_slice %arg12[%dma_start3A_175, %dma_start3A_176] : memref<10000x128xf32, #tpu.memory_space<vmem_shared>> -> memref<16x128xf32, #tpu.memory_space<vmem_shared>>
        %dma_start3A_178 = arith.constant 9984 : i32
        %dma_start3A_179 = arith.constant 0 : i32
        %dma_start3A_180 = tpu.memref_slice %arg5[%dma_start3A_178, %dma_start3A_179] : memref<10000x128xf32, #tpu.memory_space<hbm>> -> memref<16x128xf32, #tpu.memory_space<hbm>>
        tpu.enqueue_dma source(%dma_start3A_180 : memref<16x128xf32, #tpu.memory_space<hbm>>) target(%dma_start3A_177 : memref<16x128xf32, #tpu.memory_space<vmem_shared>>) target_semaphore(%run_scoped3A : memref<!tpu.dma_semaphore, #tpu.memory_space<semaphore_mem>>)
        %dma_wait3A = arith.constant 9984 : i32
        %dma_wait3A_181 = arith.constant 0 : i32
        %dma_wait3A_182 = tpu.memref_slice %arg12[%dma_wait3A, %dma_wait3A_181] : memref<10000x128xf32, #tpu.memory_space<vmem_shared>> -> memref<16x128xf32, #tpu.memory_space<vmem_shared>>
        %dma_wait3A_183 = arith.constant 9984 : i32
        %dma_wait3A_184 = arith.constant 0 : i32
        %dma_wait3A_185 = tpu.memref_slice %arg5[%dma_wait3A_183, %dma_wait3A_184] : memref<10000x128xf32, #tpu.memory_space<hbm>> -> memref<16x128xf32, #tpu.memory_space<hbm>>
        tpu.wait_dma2 semaphore(%run_scoped3A : memref<!tpu.dma_semaphore, #tpu.memory_space<semaphore_mem>>) src(%dma_wait3A_185 : memref<16x128xf32, #tpu.memory_space<hbm>>) dst(%dma_wait3A_182 : memref<16x128xf32, #tpu.memory_space<vmem_shared>>)
        tpu.yield
      }) : () -> ()
    } else {
    }
    %mul3A_8 = arith.constant 78 : i32
    %mul3A_9 = arith.muli %arg1, %mul3A_8 : i32
    "tpu.region"() ({
      %run_scoped3A = tpu.sem_alloc : memref<!tpu.dma_semaphore, #tpu.memory_space<semaphore_mem>>
      %dma_start3A_175 = arith.constant 0 : i32
      %dma_start3A_176 = tpu.memref_slice %arg3[%add3A_1, %mul3A_9, %dma_start3A_175] : memref<8x1250x128xi32, #tpu.memory_space<hbm>> -> memref<1x78x128xi32, #tpu.memory_space<hbm>>
      %dma_start3A_177 = tpu.memref_squeeze %dma_start3A_176 : memref<1x78x128xi32, #tpu.memory_space<hbm>> -> memref<78x128xi32, #tpu.memory_space<hbm>>
      %dma_start3A_178 = arith.constant 0 : i32
      %dma_start3A_179 = tpu.memref_slice %arg3[%add3A_1, %mul3A_9, %dma_start3A_178] : memref<8x1250x128xi32, #tpu.memory_space<hbm>> -> memref<1x78x128xi32, #tpu.memory_space<hbm>>
      %dma_start3A_180 = tpu.memref_squeeze %dma_start3A_179 : memref<1x78x128xi32, #tpu.memory_space<hbm>> -> memref<78x128xi32, #tpu.memory_space<hbm>>
      tpu.enqueue_dma source(%dma_start3A_180 : memref<78x128xi32, #tpu.memory_space<hbm>>) target(%arg7 : memref<78x128xi32, #tpu.memory_space<vmem>>) target_semaphore(%run_scoped3A : memref<!tpu.dma_semaphore, #tpu.memory_space<semaphore_mem>>)
      %dma_wait3A = arith.constant 0 : i32
      %dma_wait3A_181 = tpu.memref_slice %arg3[%add3A_1, %mul3A_9, %dma_wait3A] : memref<8x1250x128xi32, #tpu.memory_space<hbm>> -> memref<1x78x128xi32, #tpu.memory_space<hbm>>
      %dma_wait3A_182 = tpu.memref_squeeze %dma_wait3A_181 : memref<1x78x128xi32, #tpu.memory_space<hbm>> -> memref<78x128xi32, #tpu.memory_space<hbm>>
      %dma_wait3A_183 = arith.constant 0 : i32
      %dma_wait3A_184 = tpu.memref_slice %arg3[%add3A_1, %mul3A_9, %dma_wait3A_183] : memref<8x1250x128xi32, #tpu.memory_space<hbm>> -> memref<1x78x128xi32, #tpu.memory_space<hbm>>
      %dma_wait3A_185 = tpu.memref_squeeze %dma_wait3A_184 : memref<1x78x128xi32, #tpu.memory_space<hbm>> -> memref<78x128xi32, #tpu.memory_space<hbm>>
      tpu.wait_dma2 semaphore(%run_scoped3A : memref<!tpu.dma_semaphore, #tpu.memory_space<semaphore_mem>>) src(%dma_wait3A_185 : memref<78x128xi32, #tpu.memory_space<hbm>>) dst(%arg7 : memref<78x128xi32, #tpu.memory_space<vmem>>)
      tpu.yield
    }) : () -> ()
    %barrier3A = arith.constant 0 : index
    tpu.barrier barrier_id(%barrier3A)
    %lt3A = arith.constant 2 : i32
    %lt3A_10 = arith.cmpi slt, %arg1, %lt3A : i32
    %convert_element_type3A_11 = arith.extui %lt3A_10 : i1 to i32
    %cond3A_12 = arith.constant 0 : i32
    %cond3A_13 = arith.cmpi ne, %convert_element_type3A_11, %cond3A_12 : i32
    scf.if %cond3A_13 {
      %add3A_175 = arith.constant 1248 : i32
      %add3A_176 = arith.addi %add3A_175, %arg1 : i32
      %run_scoped3A = arith.constant 0 : i32
      "tpu.region"() ({
        %run_scoped3A_182 = tpu.sem_alloc : memref<!tpu.dma_semaphore, #tpu.memory_space<semaphore_mem>>
        %dma_start3A_183 = arith.constant 0 : i32
        %dma_start3A_184 = tpu.memref_slice %arg4[%add3A_176, %run_scoped3A, %dma_start3A_183] : memref<1250x1x128xi32, #tpu.memory_space<hbm>> -> memref<1x1x128xi32, #tpu.memory_space<hbm>>
        %dma_start3A_185 = tpu.memref_squeeze %dma_start3A_184 : memref<1x1x128xi32, #tpu.memory_space<hbm>> -> memref<128xi32, #tpu.memory_space<hbm>>
        %dma_start3A_186 = arith.constant 0 : i32
        %dma_start3A_187 = tpu.memref_slice %arg4[%add3A_176, %run_scoped3A, %dma_start3A_186] : memref<1250x1x128xi32, #tpu.memory_space<hbm>> -> memref<1x1x128xi32, #tpu.memory_space<hbm>>
        %dma_start3A_188 = tpu.memref_squeeze %dma_start3A_187 : memref<1x1x128xi32, #tpu.memory_space<hbm>> -> memref<128xi32, #tpu.memory_space<hbm>>
        tpu.enqueue_dma source(%dma_start3A_188 : memref<128xi32, #tpu.memory_space<hbm>>) target(%arg8 : memref<128xi32, #tpu.memory_space<vmem>>) target_semaphore(%run_scoped3A_182 : memref<!tpu.dma_semaphore, #tpu.memory_space<semaphore_mem>>)
        %dma_wait3A_189 = arith.constant 0 : i32
        %dma_wait3A_190 = tpu.memref_slice %arg4[%add3A_176, %run_scoped3A, %dma_wait3A_189] : memref<1250x1x128xi32, #tpu.memory_space<hbm>> -> memref<1x1x128xi32, #tpu.memory_space<hbm>>
        %dma_wait3A_191 = tpu.memref_squeeze %dma_wait3A_190 : memref<1x1x128xi32, #tpu.memory_space<hbm>> -> memref<128xi32, #tpu.memory_space<hbm>>
        %dma_wait3A_192 = arith.constant 0 : i32
        %dma_wait3A_193 = tpu.memref_slice %arg4[%add3A_176, %run_scoped3A, %dma_wait3A_192] : memref<1250x1x128xi32, #tpu.memory_space<hbm>> -> memref<1x1x128xi32, #tpu.memory_space<hbm>>
        %dma_wait3A_194 = tpu.memref_squeeze %dma_wait3A_193 : memref<1x1x128xi32, #tpu.memory_space<hbm>> -> memref<128xi32, #tpu.memory_space<hbm>>
        tpu.wait_dma2 semaphore(%run_scoped3A_182 : memref<!tpu.dma_semaphore, #tpu.memory_space<semaphore_mem>>) src(%dma_wait3A_194 : memref<128xi32, #tpu.memory_space<hbm>>) dst(%arg8 : memref<128xi32, #tpu.memory_space<vmem>>)
        tpu.yield
      }) : () -> ()
      "tpu.region"() ({
        %run_scoped3A_182 = tpu.sem_alloc : memref<!tpu.dma_semaphore, #tpu.memory_space<semaphore_mem>>
        %dma_start3A_183 = arith.constant 0 : i32
        %dma_start3A_184 = arith.constant 0 : i32
        %dma_start3A_185 = tpu.memref_slice %arg3[%add3A_1, %dma_start3A_183, %dma_start3A_184] : memref<8x1250x128xi32, #tpu.memory_space<hbm>> -> memref<1x1250x128xi32, #tpu.memory_space<hbm>>
        %dma_start3A_186 = tpu.memref_squeeze %dma_start3A_185 : memref<1x1250x128xi32, #tpu.memory_space<hbm>> -> memref<1250x128xi32, #tpu.memory_space<hbm>>
        %dma_start3A_187 = arith.constant 0 : i32
        %dma_start3A_188 = tpu.memref_slice %dma_start3A_186[%add3A_176, %dma_start3A_187] : memref<1250x128xi32, #tpu.memory_space<hbm>> -> memref<1x128xi32, #tpu.memory_space<hbm>>
        %dma_start3A_189 = tpu.memref_squeeze %dma_start3A_188 : memref<1x128xi32, #tpu.memory_space<hbm>> -> memref<128xi32, #tpu.memory_space<hbm>>
        %dma_start3A_190 = arith.constant 0 : i32
        %dma_start3A_191 = arith.constant 0 : i32
        %dma_start3A_192 = tpu.memref_slice %arg3[%add3A_1, %dma_start3A_190, %dma_start3A_191] : memref<8x1250x128xi32, #tpu.memory_space<hbm>> -> memref<1x1250x128xi32, #tpu.memory_space<hbm>>
        %dma_start3A_193 = tpu.memref_squeeze %dma_start3A_192 : memref<1x1250x128xi32, #tpu.memory_space<hbm>> -> memref<1250x128xi32, #tpu.memory_space<hbm>>
        %dma_start3A_194 = arith.constant 0 : i32
        %dma_start3A_195 = tpu.memref_slice %dma_start3A_193[%add3A_176, %dma_start3A_194] : memref<1250x128xi32, #tpu.memory_space<hbm>> -> memref<1x128xi32, #tpu.memory_space<hbm>>
        %dma_start3A_196 = tpu.memref_squeeze %dma_start3A_195 : memref<1x128xi32, #tpu.memory_space<hbm>> -> memref<128xi32, #tpu.memory_space<hbm>>
        tpu.enqueue_dma source(%dma_start3A_196 : memref<128xi32, #tpu.memory_space<hbm>>) target(%arg9 : memref<128xi32, #tpu.memory_space<vmem>>) target_semaphore(%run_scoped3A_182 : memref<!tpu.dma_semaphore, #tpu.memory_space<semaphore_mem>>)
        %dma_wait3A_197 = arith.constant 0 : i32
        %dma_wait3A_198 = arith.constant 0 : i32
        %dma_wait3A_199 = tpu.memref_slice %arg3[%add3A_1, %dma_wait3A_197, %dma_wait3A_198] : memref<8x1250x128xi32, #tpu.memory_space<hbm>> -> memref<1x1250x128xi32, #tpu.memory_space<hbm>>
        %dma_wait3A_200 = tpu.memref_squeeze %dma_wait3A_199 : memref<1x1250x128xi32, #tpu.memory_space<hbm>> -> memref<1250x128xi32, #tpu.memory_space<hbm>>
        %dma_wait3A_201 = arith.constant 0 : i32
        %dma_wait3A_202 = tpu.memref_slice %dma_wait3A_200[%add3A_176, %dma_wait3A_201] : memref<1250x128xi32, #tpu.memory_space<hbm>> -> memref<1x128xi32, #tpu.memory_space<hbm>>
        %dma_wait3A_203 = tpu.memref_squeeze %dma_wait3A_202 : memref<1x128xi32, #tpu.memory_space<hbm>> -> memref<128xi32, #tpu.memory_space<hbm>>
        %dma_wait3A_204 = arith.constant 0 : i32
        %dma_wait3A_205 = arith.constant 0 : i32
        %dma_wait3A_206 = tpu.memref_slice %arg3[%add3A_1, %dma_wait3A_204, %dma_wait3A_205] : memref<8x1250x128xi32, #tpu.memory_space<hbm>> -> memref<1x1250x128xi32, #tpu.memory_space<hbm>>
        %dma_wait3A_207 = tpu.memref_squeeze %dma_wait3A_206 : memref<1x1250x128xi32, #tpu.memory_space<hbm>> -> memref<1250x128xi32, #tpu.memory_space<hbm>>
        %dma_wait3A_208 = arith.constant 0 : i32
        %dma_wait3A_209 = tpu.memref_slice %dma_wait3A_207[%add3A_176, %dma_wait3A_208] : memref<1250x128xi32, #tpu.memory_space<hbm>> -> memref<1x128xi32, #tpu.memory_space<hbm>>
        %dma_wait3A_210 = tpu.memref_squeeze %dma_wait3A_209 : memref<1x128xi32, #tpu.memory_space<hbm>> -> memref<128xi32, #tpu.memory_space<hbm>>
        tpu.wait_dma2 semaphore(%run_scoped3A_182 : memref<!tpu.dma_semaphore, #tpu.memory_space<semaphore_mem>>) src(%dma_wait3A_210 : memref<128xi32, #tpu.memory_space<hbm>>) dst(%arg9 : memref<128xi32, #tpu.memory_space<vmem>>)
        tpu.yield
      }) : () -> ()
      %dma_start3A_177 = arith.constant 0 : i32
      %dma_start3A_178 = arith.constant 0 : i32
      %dma_start3A_179 = tpu.memref_slice %arg2[%dma_start3A_177, %dma_start3A_178] : memref<80000x128xf32, #tpu.memory_space<hbm>> -> memref<80000x128xf32, #tpu.memory_space<hbm>>
      tpu.enqueue_indirect_dma source(%dma_start3A_179 : memref<80000x128xf32, #tpu.memory_space<hbm>>) target(%arg10 : memref<128x128xf32, #tpu.memory_space<vmem>>) offsets(%arg9 : memref<128xi32, #tpu.memory_space<vmem>>) semaphore(%arg13 : memref<!tpu.dma_semaphore, #tpu.memory_space<semaphore_mem>>)
      %dma_wait3A = arith.constant 0 : i32
      %dma_wait3A_180 = arith.constant 0 : i32
      %dma_wait3A_181 = tpu.memref_slice %arg2[%dma_wait3A, %dma_wait3A_180] : memref<80000x128xf32, #tpu.memory_space<hbm>> -> memref<80000x128xf32, #tpu.memory_space<hbm>>
      tpu.wait_indirect_dma semaphore(%arg13 : memref<!tpu.dma_semaphore, #tpu.memory_space<semaphore_mem>>) src(%dma_wait3A_181 : memref<80000x128xf32, #tpu.memory_space<hbm>>) dst(%arg10 : memref<128x128xf32, #tpu.memory_space<vmem>>)
      "tpu.region"() ({
        %run_scoped3A_182 = tpu.sem_alloc : memref<!tpu.dma_semaphore, #tpu.memory_space<semaphore_mem>>
        %dma_start3A_183 = arith.constant 0 : i32
        %dma_start3A_184 = arith.constant 0 : i32
        %dma_start3A_185 = tpu.memref_slice %arg12[%dma_start3A_183, %dma_start3A_184] : memref<10000x128xf32, #tpu.memory_space<vmem_shared>> -> memref<10000x128xf32, #tpu.memory_space<vmem_shared>>
        tpu.enqueue_indirect_dma source(%arg10 : memref<128x128xf32, #tpu.memory_space<vmem>>) target(%dma_start3A_185 : memref<10000x128xf32, #tpu.memory_space<vmem_shared>>) offsets(%arg8 : memref<128xi32, #tpu.memory_space<vmem>>) semaphore(%run_scoped3A_182 : memref<!tpu.dma_semaphore, #tpu.memory_space<semaphore_mem>>) {add = true}
        %dma_wait3A_186 = arith.constant 0 : i32
        %dma_wait3A_187 = arith.constant 0 : i32
        %dma_wait3A_188 = tpu.memref_slice %arg12[%dma_wait3A_186, %dma_wait3A_187] : memref<10000x128xf32, #tpu.memory_space<vmem_shared>> -> memref<10000x128xf32, #tpu.memory_space<vmem_shared>>
        tpu.wait_indirect_dma semaphore(%run_scoped3A_182 : memref<!tpu.dma_semaphore, #tpu.memory_space<semaphore_mem>>) src(%arg10 : memref<128x128xf32, #tpu.memory_space<vmem>>) dst(%dma_wait3A_188 : memref<10000x128xf32, #tpu.memory_space<vmem_shared>>)
        tpu.yield
      }) : () -> ()
    } else {
    }
    %dma_start3A = arith.constant 0 : i32
    %dma_start3A_14 = arith.constant 0 : i32
    %dma_start3A_15 = tpu.memref_slice %arg7[%dma_start3A, %dma_start3A_14] : memref<78x128xi32, #tpu.memory_space<vmem>> -> memref<1x128xi32, #tpu.memory_space<vmem>>
    %dma_start3A_16 = tpu.memref_squeeze %dma_start3A_15 : memref<1x128xi32, #tpu.memory_space<vmem>> -> memref<128xi32, #tpu.memory_space<vmem>>
    %dma_start3A_17 = arith.constant 0 : i32
    %dma_start3A_18 = arith.constant 0 : i32
    %dma_start3A_19 = tpu.memref_slice %arg2[%dma_start3A_17, %dma_start3A_18] : memref<80000x128xf32, #tpu.memory_space<hbm>> -> memref<80000x128xf32, #tpu.memory_space<hbm>>
    tpu.enqueue_indirect_dma source(%dma_start3A_19 : memref<80000x128xf32, #tpu.memory_space<hbm>>) target(%arg10 : memref<128x128xf32, #tpu.memory_space<vmem>>) offsets(%dma_start3A_16 : memref<128xi32, #tpu.memory_space<vmem>>) semaphore(%arg13 : memref<!tpu.dma_semaphore, #tpu.memory_space<semaphore_mem>>)
    %scan3A = arith.constant 0 : i32
    %scan3A_20 = arith.constant 0 : i32
    %scan3A_21 = arith.constant 39 : i32
    %scan3A_22 = arith.addi %scan3A_20, %scan3A_21 : i32
    %scan3A_23 = arith.constant 1 : i32
    %scan3A_24 = scf.for %scan3A_175 = %scan3A_20 to %scan3A_22 step %scan3A_23 iter_args(%scan3A_176 = %scan3A) -> (i32)  : i32 {
      %mul3A_177 = arith.constant 2 : i32
      %mul3A_178 = arith.muli %mul3A_177, %scan3A_175 : i32
      %add3A_179 = arith.constant 1 : i32
      %add3A_180 = arith.addi %mul3A_178, %add3A_179 : i32
      %dma_start3A_181 = arith.constant 0 : i32
      %dma_start3A_182 = tpu.memref_slice %arg7[%add3A_180, %dma_start3A_181] : memref<78x128xi32, #tpu.memory_space<vmem>> -> memref<1x128xi32, #tpu.memory_space<vmem>>
      %dma_start3A_183 = tpu.memref_squeeze %dma_start3A_182 : memref<1x128xi32, #tpu.memory_space<vmem>> -> memref<128xi32, #tpu.memory_space<vmem>>
      %dma_start3A_184 = arith.constant 0 : i32
      %dma_start3A_185 = arith.constant 0 : i32
      %dma_start3A_186 = tpu.memref_slice %arg2[%dma_start3A_184, %dma_start3A_185] : memref<80000x128xf32, #tpu.memory_space<hbm>> -> memref<80000x128xf32, #tpu.memory_space<hbm>>
      tpu.enqueue_indirect_dma source(%dma_start3A_186 : memref<80000x128xf32, #tpu.memory_space<hbm>>) target(%arg11 : memref<128x128xf32, #tpu.memory_space<vmem>>) offsets(%dma_start3A_183 : memref<128xi32, #tpu.memory_space<vmem>>) semaphore(%arg14 : memref<!tpu.dma_semaphore, #tpu.memory_space<semaphore_mem>>)
      %mul3A_187 = arith.constant 78 : i32
      %mul3A_188 = arith.muli %arg1, %mul3A_187 : i32
      %add3A_189 = arith.addi %mul3A_188, %mul3A_178 : i32
      %run_scoped3A = arith.constant 0 : i32
      "tpu.region"() ({
        %run_scoped3A_215 = tpu.sem_alloc : memref<!tpu.dma_semaphore, #tpu.memory_space<semaphore_mem>>
        %dma_start3A_216 = arith.constant 0 : i32
        %dma_start3A_217 = tpu.memref_slice %arg4[%add3A_189, %run_scoped3A, %dma_start3A_216] : memref<1250x1x128xi32, #tpu.memory_space<hbm>> -> memref<1x1x128xi32, #tpu.memory_space<hbm>>
        %dma_start3A_218 = tpu.memref_squeeze %dma_start3A_217 : memref<1x1x128xi32, #tpu.memory_space<hbm>> -> memref<128xi32, #tpu.memory_space<hbm>>
        %dma_start3A_219 = arith.constant 0 : i32
        %dma_start3A_220 = tpu.memref_slice %arg4[%add3A_189, %run_scoped3A, %dma_start3A_219] : memref<1250x1x128xi32, #tpu.memory_space<hbm>> -> memref<1x1x128xi32, #tpu.memory_space<hbm>>
        %dma_start3A_221 = tpu.memref_squeeze %dma_start3A_220 : memref<1x1x128xi32, #tpu.memory_space<hbm>> -> memref<128xi32, #tpu.memory_space<hbm>>
        tpu.enqueue_dma source(%dma_start3A_221 : memref<128xi32, #tpu.memory_space<hbm>>) target(%arg8 : memref<128xi32, #tpu.memory_space<vmem>>) target_semaphore(%run_scoped3A_215 : memref<!tpu.dma_semaphore, #tpu.memory_space<semaphore_mem>>)
        %dma_wait3A_222 = arith.constant 0 : i32
        %dma_wait3A_223 = tpu.memref_slice %arg4[%add3A_189, %run_scoped3A, %dma_wait3A_222] : memref<1250x1x128xi32, #tpu.memory_space<hbm>> -> memref<1x1x128xi32, #tpu.memory_space<hbm>>
        %dma_wait3A_224 = tpu.memref_squeeze %dma_wait3A_223 : memref<1x1x128xi32, #tpu.memory_space<hbm>> -> memref<128xi32, #tpu.memory_space<hbm>>
        %dma_wait3A_225 = arith.constant 0 : i32
        %dma_wait3A_226 = tpu.memref_slice %arg4[%add3A_189, %run_scoped3A, %dma_wait3A_225] : memref<1250x1x128xi32, #tpu.memory_space<hbm>> -> memref<1x1x128xi32, #tpu.memory_space<hbm>>
        %dma_wait3A_227 = tpu.memref_squeeze %dma_wait3A_226 : memref<1x1x128xi32, #tpu.memory_space<hbm>> -> memref<128xi32, #tpu.memory_space<hbm>>
        tpu.wait_dma2 semaphore(%run_scoped3A_215 : memref<!tpu.dma_semaphore, #tpu.memory_space<semaphore_mem>>) src(%dma_wait3A_227 : memref<128xi32, #tpu.memory_space<hbm>>) dst(%arg8 : memref<128xi32, #tpu.memory_space<vmem>>)
        tpu.yield
      }) : () -> ()
      %dma_wait3A = arith.constant 0 : i32
      %dma_wait3A_190 = tpu.memref_slice %arg7[%mul3A_178, %dma_wait3A] : memref<78x128xi32, #tpu.memory_space<vmem>> -> memref<1x128xi32, #tpu.memory_space<vmem>>
      %dma_wait3A_191 = tpu.memref_squeeze %dma_wait3A_190 : memref<1x128xi32, #tpu.memory_space<vmem>> -> memref<128xi32, #tpu.memory_space<vmem>>
      %dma_wait3A_192 = arith.constant 0 : i32
      %dma_wait3A_193 = arith.constant 0 : i32
      %dma_wait3A_194 = tpu.memref_slice %arg2[%dma_wait3A_192, %dma_wait3A_193] : memref<80000x128xf32, #tpu.memory_space<hbm>> -> memref<80000x128xf32, #tpu.memory_space<hbm>>
      tpu.wait_indirect_dma semaphore(%arg13 : memref<!tpu.dma_semaphore, #tpu.memory_space<semaphore_mem>>) src(%dma_wait3A_194 : memref<80000x128xf32, #tpu.memory_space<hbm>>) dst(%arg10 : memref<128x128xf32, #tpu.memory_space<vmem>>)
      "tpu.region"() ({
        %run_scoped3A_215 = tpu.sem_alloc : memref<!tpu.dma_semaphore, #tpu.memory_space<semaphore_mem>>
        %dma_start3A_216 = arith.constant 0 : i32
        %dma_start3A_217 = arith.constant 0 : i32
        %dma_start3A_218 = tpu.memref_slice %arg12[%dma_start3A_216, %dma_start3A_217] : memref<10000x128xf32, #tpu.memory_space<vmem_shared>> -> memref<10000x128xf32, #tpu.memory_space<vmem_shared>>
        tpu.enqueue_indirect_dma source(%arg10 : memref<128x128xf32, #tpu.memory_space<vmem>>) target(%dma_start3A_218 : memref<10000x128xf32, #tpu.memory_space<vmem_shared>>) offsets(%arg8 : memref<128xi32, #tpu.memory_space<vmem>>) semaphore(%run_scoped3A_215 : memref<!tpu.dma_semaphore, #tpu.memory_space<semaphore_mem>>) {add = true}
        %dma_wait3A_219 = arith.constant 0 : i32
        %dma_wait3A_220 = arith.constant 0 : i32
        %dma_wait3A_221 = tpu.memref_slice %arg12[%dma_wait3A_219, %dma_wait3A_220] : memref<10000x128xf32, #tpu.memory_space<vmem_shared>> -> memref<10000x128xf32, #tpu.memory_space<vmem_shared>>
        tpu.wait_indirect_dma semaphore(%run_scoped3A_215 : memref<!tpu.dma_semaphore, #tpu.memory_space<semaphore_mem>>) src(%arg10 : memref<128x128xf32, #tpu.memory_space<vmem>>) dst(%dma_wait3A_221 : memref<10000x128xf32, #tpu.memory_space<vmem_shared>>)
        tpu.yield
      }) : () -> ()
      %lt3A_195 = arith.constant 38 : i32
      %lt3A_196 = arith.cmpi slt, %scan3A_175, %lt3A_195 : i32
      %convert_element_type3A_197 = arith.extui %lt3A_196 : i1 to i32
      %cond3A_198 = arith.constant 0 : i32
      %cond3A_199 = arith.cmpi ne, %convert_element_type3A_197, %cond3A_198 : i32
      scf.if %cond3A_199 {
        %add3A_215 = arith.constant 2 : i32
        %add3A_216 = arith.addi %mul3A_178, %add3A_215 : i32
        %dma_start3A_217 = arith.constant 0 : i32
        %dma_start3A_218 = tpu.memref_slice %arg7[%add3A_216, %dma_start3A_217] : memref<78x128xi32, #tpu.memory_space<vmem>> -> memref<1x128xi32, #tpu.memory_space<vmem>>
        %dma_start3A_219 = tpu.memref_squeeze %dma_start3A_218 : memref<1x128xi32, #tpu.memory_space<vmem>> -> memref<128xi32, #tpu.memory_space<vmem>>
        %dma_start3A_220 = arith.constant 0 : i32
        %dma_start3A_221 = arith.constant 0 : i32
        %dma_start3A_222 = tpu.memref_slice %arg2[%dma_start3A_220, %dma_start3A_221] : memref<80000x128xf32, #tpu.memory_space<hbm>> -> memref<80000x128xf32, #tpu.memory_space<hbm>>
        tpu.enqueue_indirect_dma source(%dma_start3A_222 : memref<80000x128xf32, #tpu.memory_space<hbm>>) target(%arg10 : memref<128x128xf32, #tpu.memory_space<vmem>>) offsets(%dma_start3A_219 : memref<128xi32, #tpu.memory_space<vmem>>) semaphore(%arg13 : memref<!tpu.dma_semaphore, #tpu.memory_space<semaphore_mem>>)
      } else {
      }
      %mul3A_200 = arith.constant 78 : i32
      %mul3A_201 = arith.muli %arg1, %mul3A_200 : i32
      %add3A_202 = arith.addi %mul3A_201, %mul3A_178 : i32
      %add3A_203 = arith.constant 1 : i32
      %add3A_204 = arith.addi %add3A_202, %add3A_203 : i32
      %run_scoped3A_205 = arith.constant 0 : i32
      "tpu.region"() ({
        %run_scoped3A_215 = tpu.sem_alloc : memref<!tpu.dma_semaphore, #tpu.memory_space<semaphore_mem>>
        %dma_start3A_216 = arith.constant 0 : i32
        %dma_start3A_217 = tpu.memref_slice %arg4[%add3A_204, %run_scoped3A_205, %dma_start3A_216] : memref<1250x1x128xi32, #tpu.memory_space<hbm>> -> memref<1x1x128xi32, #tpu.memory_space<hbm>>
        %dma_start3A_218 = tpu.memref_squeeze %dma_start3A_217 : memref<1x1x128xi32, #tpu.memory_space<hbm>> -> memref<128xi32, #tpu.memory_space<hbm>>
        %dma_start3A_219 = arith.constant 0 : i32
        %dma_start3A_220 = tpu.memref_slice %arg4[%add3A_204, %run_scoped3A_205, %dma_start3A_219] : memref<1250x1x128xi32, #tpu.memory_space<hbm>> -> memref<1x1x128xi32, #tpu.memory_space<hbm>>
        %dma_start3A_221 = tpu.memref_squeeze %dma_start3A_220 : memref<1x1x128xi32, #tpu.memory_space<hbm>> -> memref<128xi32, #tpu.memory_space<hbm>>
        tpu.enqueue_dma source(%dma_start3A_221 : memref<128xi32, #tpu.memory_space<hbm>>) target(%arg9 : memref<128xi32, #tpu.memory_space<vmem>>) target_semaphore(%run_scoped3A_215 : memref<!tpu.dma_semaphore, #tpu.memory_space<semaphore_mem>>)
        %dma_wait3A_222 = arith.constant 0 : i32
        %dma_wait3A_223 = tpu.memref_slice %arg4[%add3A_204, %run_scoped3A_205, %dma_wait3A_222] : memref<1250x1x128xi32, #tpu.memory_space<hbm>> -> memref<1x1x128xi32, #tpu.memory_space<hbm>>
        %dma_wait3A_224 = tpu.memref_squeeze %dma_wait3A_223 : memref<1x1x128xi32, #tpu.memory_space<hbm>> -> memref<128xi32, #tpu.memory_space<hbm>>
        %dma_wait3A_225 = arith.constant 0 : i32
        %dma_wait3A_226 = tpu.memref_slice %arg4[%add3A_204, %run_scoped3A_205, %dma_wait3A_225] : memref<1250x1x128xi32, #tpu.memory_space<hbm>> -> memref<1x1x128xi32, #tpu.memory_space<hbm>>
        %dma_wait3A_227 = tpu.memref_squeeze %dma_wait3A_226 : memref<1x1x128xi32, #tpu.memory_space<hbm>> -> memref<128xi32, #tpu.memory_space<hbm>>
        tpu.wait_dma2 semaphore(%run_scoped3A_215 : memref<!tpu.dma_semaphore, #tpu.memory_space<semaphore_mem>>) src(%dma_wait3A_227 : memref<128xi32, #tpu.memory_space<hbm>>) dst(%arg9 : memref<128xi32, #tpu.memory_space<vmem>>)
        tpu.yield
      }) : () -> ()
      %add3A_206 = arith.constant 1 : i32
      %add3A_207 = arith.addi %mul3A_178, %add3A_206 : i32
      %dma_wait3A_208 = arith.constant 0 : i32
      %dma_wait3A_209 = tpu.memref_slice %arg7[%add3A_207, %dma_wait3A_208] : memref<78x128xi32, #tpu.memory_space<vmem>> -> memref<1x128xi32, #tpu.memory_space<vmem>>
      %dma_wait3A_210 = tpu.memref_squeeze %dma_wait3A_209 : memref<1x128xi32, #tpu.memory_space<vmem>> -> memref<128xi32, #tpu.memory_space<vmem>>
      %dma_wait3A_211 = arith.constant 0 : i32
      %dma_wait3A_212 = arith.constant 0 : i32
      %dma_wait3A_213 = tpu.memref_slice %arg2[%dma_wait3A_211, %dma_wait3A_212] : memref<80000x128xf32, #tpu.memory_space<hbm>> -> memref<80000x128xf32, #tpu.memory_space<hbm>>
      tpu.wait_indirect_dma semaphore(%arg14 : memref<!tpu.dma_semaphore, #tpu.memory_space<semaphore_mem>>) src(%dma_wait3A_213 : memref<80000x128xf32, #tpu.memory_space<hbm>>) dst(%arg11 : memref<128x128xf32, #tpu.memory_space<vmem>>)
      "tpu.region"() ({
        %run_scoped3A_215 = tpu.sem_alloc : memref<!tpu.dma_semaphore, #tpu.memory_space<semaphore_mem>>
        %dma_start3A_216 = arith.constant 0 : i32
        %dma_start3A_217 = arith.constant 0 : i32
        %dma_start3A_218 = tpu.memref_slice %arg12[%dma_start3A_216, %dma_start3A_217] : memref<10000x128xf32, #tpu.memory_space<vmem_shared>> -> memref<10000x128xf32, #tpu.memory_space<vmem_shared>>
        tpu.enqueue_indirect_dma source(%arg11 : memref<128x128xf32, #tpu.memory_space<vmem>>) target(%dma_start3A_218 : memref<10000x128xf32, #tpu.memory_space<vmem_shared>>) offsets(%arg9 : memref<128xi32, #tpu.memory_space<vmem>>) semaphore(%run_scoped3A_215 : memref<!tpu.dma_semaphore, #tpu.memory_space<semaphore_mem>>) {add = true}
        %dma_wait3A_219 = arith.constant 0 : i32
        %dma_wait3A_220 = arith.constant 0 : i32
        %dma_wait3A_221 = tpu.memref_slice %arg12[%dma_wait3A_219, %dma_wait3A_220] : memref<10000x128xf32, #tpu.memory_space<vmem_shared>> -> memref<10000x128xf32, #tpu.memory_space<vmem_shared>>
        tpu.wait_indirect_dma semaphore(%run_scoped3A_215 : memref<!tpu.dma_semaphore, #tpu.memory_space<semaphore_mem>>) src(%arg11 : memref<128x128xf32, #tpu.memory_space<vmem>>) dst(%dma_wait3A_221 : memref<10000x128xf32, #tpu.memory_space<vmem_shared>>)
        tpu.yield
      }) : () -> ()
      %scan3A_214 = arith.constant 0 : i32
      scf.yield %scan3A_214 : i32
    }
    %scan3A_25 = arith.constant 39 : i32
    %barrier3A_26 = arith.constant 0 : index
    tpu.barrier barrier_id(%barrier3A_26)
    %mul3A_27 = arith.constant 624 : i32
    %mul3A_28 = arith.muli %arg1, %mul3A_27 : i32
    %mul3A_29 = arith.constant 624 : i32
    %mul3A_30 = arith.muli %arg1, %mul3A_29 : i32
    "tpu.region"() ({
      %run_scoped3A = tpu.sem_alloc : memref<!tpu.dma_semaphore, #tpu.memory_space<semaphore_mem>>
      %dma_start3A_175 = arith.constant 0 : i32
      %dma_start3A_176 = arith.constant 0 : i32
      %dma_start3A_177 = tpu.memref_slice %arg6[%add3A_1, %dma_start3A_175, %dma_start3A_176] : memref<8x10000x128xf32, #tpu.memory_space<hbm>> -> memref<1x10000x128xf32, #tpu.memory_space<hbm>>
      %dma_start3A_178 = tpu.memref_squeeze %dma_start3A_177 : memref<1x10000x128xf32, #tpu.memory_space<hbm>> -> memref<10000x128xf32, #tpu.memory_space<hbm>>
      %dma_start3A_179 = arith.constant 0 : i32
      %dma_start3A_180 = tpu.memref_slice %dma_start3A_178[%mul3A_30, %dma_start3A_179] : memref<10000x128xf32, #tpu.memory_space<hbm>> -> memref<624x128xf32, #tpu.memory_space<hbm>>
      %dma_start3A_181 = arith.constant 0 : i32
      %dma_start3A_182 = tpu.memref_slice %arg12[%mul3A_28, %dma_start3A_181] : memref<10000x128xf32, #tpu.memory_space<vmem_shared>> -> memref<624x128xf32, #tpu.memory_space<vmem_shared>>
      tpu.enqueue_dma source(%dma_start3A_182 : memref<624x128xf32, #tpu.memory_space<vmem_shared>>) target(%dma_start3A_180 : memref<624x128xf32, #tpu.memory_space<hbm>>) target_semaphore(%run_scoped3A : memref<!tpu.dma_semaphore, #tpu.memory_space<semaphore_mem>>)
      %dma_wait3A = arith.constant 0 : i32
      %dma_wait3A_183 = arith.constant 0 : i32
      %dma_wait3A_184 = tpu.memref_slice %arg6[%add3A_1, %dma_wait3A, %dma_wait3A_183] : memref<8x10000x128xf32, #tpu.memory_space<hbm>> -> memref<1x10000x128xf32, #tpu.memory_space<hbm>>
      %dma_wait3A_185 = tpu.memref_squeeze %dma_wait3A_184 : memref<1x10000x128xf32, #tpu.memory_space<hbm>> -> memref<10000x128xf32, #tpu.memory_space<hbm>>
      %dma_wait3A_186 = arith.constant 0 : i32
      %dma_wait3A_187 = tpu.memref_slice %dma_wait3A_185[%mul3A_30, %dma_wait3A_186] : memref<10000x128xf32, #tpu.memory_space<hbm>> -> memref<624x128xf32, #tpu.memory_space<hbm>>
      %dma_wait3A_188 = arith.constant 0 : i32
      %dma_wait3A_189 = tpu.memref_slice %arg12[%mul3A_28, %dma_wait3A_188] : memref<10000x128xf32, #tpu.memory_space<vmem_shared>> -> memref<624x128xf32, #tpu.memory_space<vmem_shared>>
      tpu.wait_dma2 semaphore(%run_scoped3A : memref<!tpu.dma_semaphore, #tpu.memory_space<semaphore_mem>>) src(%dma_wait3A_189 : memref<624x128xf32, #tpu.memory_space<vmem_shared>>) dst(%dma_wait3A_187 : memref<624x128xf32, #tpu.memory_space<hbm>>)
      tpu.yield
    }) : () -> ()
    %eq3A_31 = arith.constant 0 : i32
    %eq3A_32 = arith.cmpi eq, %arg1, %eq3A_31 : i32
    %convert_element_type3A_33 = arith.extui %eq3A_32 : i1 to i32
    %cond3A_34 = arith.constant 0 : i32
    %cond3A_35 = arith.cmpi ne, %convert_element_type3A_33, %cond3A_34 : i32
    scf.if %cond3A_35 {
      "tpu.region"() ({
        %run_scoped3A = tpu.sem_alloc : memref<!tpu.dma_semaphore, #tpu.memory_space<semaphore_mem>>
        %dma_start3A_175 = arith.constant 0 : i32
        %dma_start3A_176 = arith.constant 0 : i32
        %dma_start3A_177 = tpu.memref_slice %arg6[%add3A_1, %dma_start3A_175, %dma_start3A_176] : memref<8x10000x128xf32, #tpu.memory_space<hbm>> -> memref<1x10000x128xf32, #tpu.memory_space<hbm>>
        %dma_start3A_178 = tpu.memref_squeeze %dma_start3A_177 : memref<1x10000x128xf32, #tpu.memory_space<hbm>> -> memref<10000x128xf32, #tpu.memory_space<hbm>>
        %dma_start3A_179 = arith.constant 9984 : i32
        %dma_start3A_180 = arith.constant 0 : i32
        %dma_start3A_181 = tpu.memref_slice %dma_start3A_178[%dma_start3A_179, %dma_start3A_180] : memref<10000x128xf32, #tpu.memory_space<hbm>> -> memref<16x128xf32, #tpu.memory_space<hbm>>
        %dma_start3A_182 = arith.constant 9984 : i32
        %dma_start3A_183 = arith.constant 0 : i32
        %dma_start3A_184 = tpu.memref_slice %arg12[%dma_start3A_182, %dma_start3A_183] : memref<10000x128xf32, #tpu.memory_space<vmem_shared>> -> memref<16x128xf32, #tpu.memory_space<vmem_shared>>
        tpu.enqueue_dma source(%dma_start3A_184 : memref<16x128xf32, #tpu.memory_space<vmem_shared>>) target(%dma_start3A_181 : memref<16x128xf32, #tpu.memory_space<hbm>>) target_semaphore(%run_scoped3A : memref<!tpu.dma_semaphore, #tpu.memory_space<semaphore_mem>>)
        %dma_wait3A = arith.constant 0 : i32
        %dma_wait3A_185 = arith.constant 0 : i32
        %dma_wait3A_186 = tpu.memref_slice %arg6[%add3A_1, %dma_wait3A, %dma_wait3A_185] : memref<8x10000x128xf32, #tpu.memory_space<hbm>> -> memref<1x10000x128xf32, #tpu.memory_space<hbm>>
        %dma_wait3A_187 = tpu.memref_squeeze %dma_wait3A_186 : memref<1x10000x128xf32, #tpu.memory_space<hbm>> -> memref<10000x128xf32, #tpu.memory_space<hbm>>
        %dma_wait3A_188 = arith.constant 9984 : i32
        %dma_wait3A_189 = arith.constant 0 : i32
        %dma_wait3A_190 = tpu.memref_slice %dma_wait3A_187[%dma_wait3A_188, %dma_wait3A_189] : memref<10000x128xf32, #tpu.memory_space<hbm>> -> memref<16x128xf32, #tpu.memory_space<hbm>>
        %dma_wait3A_191 = arith.constant 9984 : i32
        %dma_wait3A_192 = arith.constant 0 : i32
        %dma_wait3A_193 = tpu.memref_slice %arg12[%dma_wait3A_191, %dma_wait3A_192] : memref<10000x128xf32, #tpu.memory_space<vmem_shared>> -> memref<16x128xf32, #tpu.memory_space<vmem_shared>>
        tpu.wait_dma2 semaphore(%run_scoped3A : memref<!tpu.dma_semaphore, #tpu.memory_space<semaphore_mem>>) src(%dma_wait3A_193 : memref<16x128xf32, #tpu.memory_space<vmem_shared>>) dst(%dma_wait3A_190 : memref<16x128xf32, #tpu.memory_space<hbm>>)
        tpu.yield
      }) : () -> ()
    } else {
    }
    %barrier3A_36 = arith.constant 0 : index
    tpu.barrier barrier_id(%barrier3A_36)
    %mul3A_37 = arith.constant 4 : i32
    %mul3A_38 = arith.muli %arg0, %mul3A_37 : i32
    %add3A_39 = arith.constant 1 : i32
    %add3A_40 = arith.addi %mul3A_38, %add3A_39 : i32
    %mul3A_41 = arith.constant 624 : i32
    %mul3A_42 = arith.muli %arg1, %mul3A_41 : i32
    %mul3A_43 = arith.constant 624 : i32
    %mul3A_44 = arith.muli %arg1, %mul3A_43 : i32
    "tpu.region"() ({
      %run_scoped3A = tpu.sem_alloc : memref<!tpu.dma_semaphore, #tpu.memory_space<semaphore_mem>>
      %dma_start3A_175 = arith.constant 0 : i32
      %dma_start3A_176 = tpu.memref_slice %arg12[%mul3A_44, %dma_start3A_175] : memref<10000x128xf32, #tpu.memory_space<vmem_shared>> -> memref<624x128xf32, #tpu.memory_space<vmem_shared>>
      %dma_start3A_177 = arith.constant 0 : i32
      %dma_start3A_178 = tpu.memref_slice %arg5[%mul3A_42, %dma_start3A_177] : memref<10000x128xf32, #tpu.memory_space<hbm>> -> memref<624x128xf32, #tpu.memory_space<hbm>>
      tpu.enqueue_dma source(%dma_start3A_178 : memref<624x128xf32, #tpu.memory_space<hbm>>) target(%dma_start3A_176 : memref<624x128xf32, #tpu.memory_space<vmem_shared>>) target_semaphore(%run_scoped3A : memref<!tpu.dma_semaphore, #tpu.memory_space<semaphore_mem>>)
      %dma_wait3A = arith.constant 0 : i32
      %dma_wait3A_179 = tpu.memref_slice %arg12[%mul3A_44, %dma_wait3A] : memref<10000x128xf32, #tpu.memory_space<vmem_shared>> -> memref<624x128xf32, #tpu.memory_space<vmem_shared>>
      %dma_wait3A_180 = arith.constant 0 : i32
      %dma_wait3A_181 = tpu.memref_slice %arg5[%mul3A_42, %dma_wait3A_180] : memref<10000x128xf32, #tpu.memory_space<hbm>> -> memref<624x128xf32, #tpu.memory_space<hbm>>
      tpu.wait_dma2 semaphore(%run_scoped3A : memref<!tpu.dma_semaphore, #tpu.memory_space<semaphore_mem>>) src(%dma_wait3A_181 : memref<624x128xf32, #tpu.memory_space<hbm>>) dst(%dma_wait3A_179 : memref<624x128xf32, #tpu.memory_space<vmem_shared>>)
      tpu.yield
    }) : () -> ()
    %eq3A_45 = arith.constant 0 : i32
    %eq3A_46 = arith.cmpi eq, %arg1, %eq3A_45 : i32
    %convert_element_type3A_47 = arith.extui %eq3A_46 : i1 to i32
    %cond3A_48 = arith.constant 0 : i32
    %cond3A_49 = arith.cmpi ne, %convert_element_type3A_47, %cond3A_48 : i32
    scf.if %cond3A_49 {
      "tpu.region"() ({
        %run_scoped3A = tpu.sem_alloc : memref<!tpu.dma_semaphore, #tpu.memory_space<semaphore_mem>>
        %dma_start3A_175 = arith.constant 9984 : i32
        %dma_start3A_176 = arith.constant 0 : i32
        %dma_start3A_177 = tpu.memref_slice %arg12[%dma_start3A_175, %dma_start3A_176] : memref<10000x128xf32, #tpu.memory_space<vmem_shared>> -> memref<16x128xf32, #tpu.memory_space<vmem_shared>>
        %dma_start3A_178 = arith.constant 9984 : i32
        %dma_start3A_179 = arith.constant 0 : i32
        %dma_start3A_180 = tpu.memref_slice %arg5[%dma_start3A_178, %dma_start3A_179] : memref<10000x128xf32, #tpu.memory_space<hbm>> -> memref<16x128xf32, #tpu.memory_space<hbm>>
        tpu.enqueue_dma source(%dma_start3A_180 : memref<16x128xf32, #tpu.memory_space<hbm>>) target(%dma_start3A_177 : memref<16x128xf32, #tpu.memory_space<vmem_shared>>) target_semaphore(%run_scoped3A : memref<!tpu.dma_semaphore, #tpu.memory_space<semaphore_mem>>)
        %dma_wait3A = arith.constant 9984 : i32
        %dma_wait3A_181 = arith.constant 0 : i32
        %dma_wait3A_182 = tpu.memref_slice %arg12[%dma_wait3A, %dma_wait3A_181] : memref<10000x128xf32, #tpu.memory_space<vmem_shared>> -> memref<16x128xf32, #tpu.memory_space<vmem_shared>>
        %dma_wait3A_183 = arith.constant 9984 : i32
        %dma_wait3A_184 = arith.constant 0 : i32
        %dma_wait3A_185 = tpu.memref_slice %arg5[%dma_wait3A_183, %dma_wait3A_184] : memref<10000x128xf32, #tpu.memory_space<hbm>> -> memref<16x128xf32, #tpu.memory_space<hbm>>
        tpu.wait_dma2 semaphore(%run_scoped3A : memref<!tpu.dma_semaphore, #tpu.memory_space<semaphore_mem>>) src(%dma_wait3A_185 : memref<16x128xf32, #tpu.memory_space<hbm>>) dst(%dma_wait3A_182 : memref<16x128xf32, #tpu.memory_space<vmem_shared>>)
        tpu.yield
      }) : () -> ()
    } else {
    }
    %mul3A_50 = arith.constant 78 : i32
    %mul3A_51 = arith.muli %arg1, %mul3A_50 : i32
    "tpu.region"() ({
      %run_scoped3A = tpu.sem_alloc : memref<!tpu.dma_semaphore, #tpu.memory_space<semaphore_mem>>
      %dma_start3A_175 = arith.constant 0 : i32
      %dma_start3A_176 = tpu.memref_slice %arg3[%add3A_40, %mul3A_51, %dma_start3A_175] : memref<8x1250x128xi32, #tpu.memory_space<hbm>> -> memref<1x78x128xi32, #tpu.memory_space<hbm>>
      %dma_start3A_177 = tpu.memref_squeeze %dma_start3A_176 : memref<1x78x128xi32, #tpu.memory_space<hbm>> -> memref<78x128xi32, #tpu.memory_space<hbm>>
      %dma_start3A_178 = arith.constant 0 : i32
      %dma_start3A_179 = tpu.memref_slice %arg3[%add3A_40, %mul3A_51, %dma_start3A_178] : memref<8x1250x128xi32, #tpu.memory_space<hbm>> -> memref<1x78x128xi32, #tpu.memory_space<hbm>>
      %dma_start3A_180 = tpu.memref_squeeze %dma_start3A_179 : memref<1x78x128xi32, #tpu.memory_space<hbm>> -> memref<78x128xi32, #tpu.memory_space<hbm>>
      tpu.enqueue_dma source(%dma_start3A_180 : memref<78x128xi32, #tpu.memory_space<hbm>>) target(%arg7 : memref<78x128xi32, #tpu.memory_space<vmem>>) target_semaphore(%run_scoped3A : memref<!tpu.dma_semaphore, #tpu.memory_space<semaphore_mem>>)
      %dma_wait3A = arith.constant 0 : i32
      %dma_wait3A_181 = tpu.memref_slice %arg3[%add3A_40, %mul3A_51, %dma_wait3A] : memref<8x1250x128xi32, #tpu.memory_space<hbm>> -> memref<1x78x128xi32, #tpu.memory_space<hbm>>
      %dma_wait3A_182 = tpu.memref_squeeze %dma_wait3A_181 : memref<1x78x128xi32, #tpu.memory_space<hbm>> -> memref<78x128xi32, #tpu.memory_space<hbm>>
      %dma_wait3A_183 = arith.constant 0 : i32
      %dma_wait3A_184 = tpu.memref_slice %arg3[%add3A_40, %mul3A_51, %dma_wait3A_183] : memref<8x1250x128xi32, #tpu.memory_space<hbm>> -> memref<1x78x128xi32, #tpu.memory_space<hbm>>
      %dma_wait3A_185 = tpu.memref_squeeze %dma_wait3A_184 : memref<1x78x128xi32, #tpu.memory_space<hbm>> -> memref<78x128xi32, #tpu.memory_space<hbm>>
      tpu.wait_dma2 semaphore(%run_scoped3A : memref<!tpu.dma_semaphore, #tpu.memory_space<semaphore_mem>>) src(%dma_wait3A_185 : memref<78x128xi32, #tpu.memory_space<hbm>>) dst(%arg7 : memref<78x128xi32, #tpu.memory_space<vmem>>)
      tpu.yield
    }) : () -> ()
    %barrier3A_52 = arith.constant 0 : index
    tpu.barrier barrier_id(%barrier3A_52)
    %lt3A_53 = arith.constant 2 : i32
    %lt3A_54 = arith.cmpi slt, %arg1, %lt3A_53 : i32
    %convert_element_type3A_55 = arith.extui %lt3A_54 : i1 to i32
    %cond3A_56 = arith.constant 0 : i32
    %cond3A_57 = arith.cmpi ne, %convert_element_type3A_55, %cond3A_56 : i32
    scf.if %cond3A_57 {
      %add3A_175 = arith.constant 1248 : i32
      %add3A_176 = arith.addi %add3A_175, %arg1 : i32
      %run_scoped3A = arith.constant 0 : i32
      "tpu.region"() ({
        %run_scoped3A_182 = tpu.sem_alloc : memref<!tpu.dma_semaphore, #tpu.memory_space<semaphore_mem>>
        %dma_start3A_183 = arith.constant 0 : i32
        %dma_start3A_184 = tpu.memref_slice %arg4[%add3A_176, %run_scoped3A, %dma_start3A_183] : memref<1250x1x128xi32, #tpu.memory_space<hbm>> -> memref<1x1x128xi32, #tpu.memory_space<hbm>>
        %dma_start3A_185 = tpu.memref_squeeze %dma_start3A_184 : memref<1x1x128xi32, #tpu.memory_space<hbm>> -> memref<128xi32, #tpu.memory_space<hbm>>
        %dma_start3A_186 = arith.constant 0 : i32
        %dma_start3A_187 = tpu.memref_slice %arg4[%add3A_176, %run_scoped3A, %dma_start3A_186] : memref<1250x1x128xi32, #tpu.memory_space<hbm>> -> memref<1x1x128xi32, #tpu.memory_space<hbm>>
        %dma_start3A_188 = tpu.memref_squeeze %dma_start3A_187 : memref<1x1x128xi32, #tpu.memory_space<hbm>> -> memref<128xi32, #tpu.memory_space<hbm>>
        tpu.enqueue_dma source(%dma_start3A_188 : memref<128xi32, #tpu.memory_space<hbm>>) target(%arg8 : memref<128xi32, #tpu.memory_space<vmem>>) target_semaphore(%run_scoped3A_182 : memref<!tpu.dma_semaphore, #tpu.memory_space<semaphore_mem>>)
        %dma_wait3A_189 = arith.constant 0 : i32
        %dma_wait3A_190 = tpu.memref_slice %arg4[%add3A_176, %run_scoped3A, %dma_wait3A_189] : memref<1250x1x128xi32, #tpu.memory_space<hbm>> -> memref<1x1x128xi32, #tpu.memory_space<hbm>>
        %dma_wait3A_191 = tpu.memref_squeeze %dma_wait3A_190 : memref<1x1x128xi32, #tpu.memory_space<hbm>> -> memref<128xi32, #tpu.memory_space<hbm>>
        %dma_wait3A_192 = arith.constant 0 : i32
        %dma_wait3A_193 = tpu.memref_slice %arg4[%add3A_176, %run_scoped3A, %dma_wait3A_192] : memref<1250x1x128xi32, #tpu.memory_space<hbm>> -> memref<1x1x128xi32, #tpu.memory_space<hbm>>
        %dma_wait3A_194 = tpu.memref_squeeze %dma_wait3A_193 : memref<1x1x128xi32, #tpu.memory_space<hbm>> -> memref<128xi32, #tpu.memory_space<hbm>>
        tpu.wait_dma2 semaphore(%run_scoped3A_182 : memref<!tpu.dma_semaphore, #tpu.memory_space<semaphore_mem>>) src(%dma_wait3A_194 : memref<128xi32, #tpu.memory_space<hbm>>) dst(%arg8 : memref<128xi32, #tpu.memory_space<vmem>>)
        tpu.yield
      }) : () -> ()
      "tpu.region"() ({
        %run_scoped3A_182 = tpu.sem_alloc : memref<!tpu.dma_semaphore, #tpu.memory_space<semaphore_mem>>
        %dma_start3A_183 = arith.constant 0 : i32
        %dma_start3A_184 = arith.constant 0 : i32
        %dma_start3A_185 = tpu.memref_slice %arg3[%add3A_40, %dma_start3A_183, %dma_start3A_184] : memref<8x1250x128xi32, #tpu.memory_space<hbm>> -> memref<1x1250x128xi32, #tpu.memory_space<hbm>>
        %dma_start3A_186 = tpu.memref_squeeze %dma_start3A_185 : memref<1x1250x128xi32, #tpu.memory_space<hbm>> -> memref<1250x128xi32, #tpu.memory_space<hbm>>
        %dma_start3A_187 = arith.constant 0 : i32
        %dma_start3A_188 = tpu.memref_slice %dma_start3A_186[%add3A_176, %dma_start3A_187] : memref<1250x128xi32, #tpu.memory_space<hbm>> -> memref<1x128xi32, #tpu.memory_space<hbm>>
        %dma_start3A_189 = tpu.memref_squeeze %dma_start3A_188 : memref<1x128xi32, #tpu.memory_space<hbm>> -> memref<128xi32, #tpu.memory_space<hbm>>
        %dma_start3A_190 = arith.constant 0 : i32
        %dma_start3A_191 = arith.constant 0 : i32
        %dma_start3A_192 = tpu.memref_slice %arg3[%add3A_40, %dma_start3A_190, %dma_start3A_191] : memref<8x1250x128xi32, #tpu.memory_space<hbm>> -> memref<1x1250x128xi32, #tpu.memory_space<hbm>>
        %dma_start3A_193 = tpu.memref_squeeze %dma_start3A_192 : memref<1x1250x128xi32, #tpu.memory_space<hbm>> -> memref<1250x128xi32, #tpu.memory_space<hbm>>
        %dma_start3A_194 = arith.constant 0 : i32
        %dma_start3A_195 = tpu.memref_slice %dma_start3A_193[%add3A_176, %dma_start3A_194] : memref<1250x128xi32, #tpu.memory_space<hbm>> -> memref<1x128xi32, #tpu.memory_space<hbm>>
        %dma_start3A_196 = tpu.memref_squeeze %dma_start3A_195 : memref<1x128xi32, #tpu.memory_space<hbm>> -> memref<128xi32, #tpu.memory_space<hbm>>
        tpu.enqueue_dma source(%dma_start3A_196 : memref<128xi32, #tpu.memory_space<hbm>>) target(%arg9 : memref<128xi32, #tpu.memory_space<vmem>>) target_semaphore(%run_scoped3A_182 : memref<!tpu.dma_semaphore, #tpu.memory_space<semaphore_mem>>)
        %dma_wait3A_197 = arith.constant 0 : i32
        %dma_wait3A_198 = arith.constant 0 : i32
        %dma_wait3A_199 = tpu.memref_slice %arg3[%add3A_40, %dma_wait3A_197, %dma_wait3A_198] : memref<8x1250x128xi32, #tpu.memory_space<hbm>> -> memref<1x1250x128xi32, #tpu.memory_space<hbm>>
        %dma_wait3A_200 = tpu.memref_squeeze %dma_wait3A_199 : memref<1x1250x128xi32, #tpu.memory_space<hbm>> -> memref<1250x128xi32, #tpu.memory_space<hbm>>
        %dma_wait3A_201 = arith.constant 0 : i32
        %dma_wait3A_202 = tpu.memref_slice %dma_wait3A_200[%add3A_176, %dma_wait3A_201] : memref<1250x128xi32, #tpu.memory_space<hbm>> -> memref<1x128xi32, #tpu.memory_space<hbm>>
        %dma_wait3A_203 = tpu.memref_squeeze %dma_wait3A_202 : memref<1x128xi32, #tpu.memory_space<hbm>> -> memref<128xi32, #tpu.memory_space<hbm>>
        %dma_wait3A_204 = arith.constant 0 : i32
        %dma_wait3A_205 = arith.constant 0 : i32
        %dma_wait3A_206 = tpu.memref_slice %arg3[%add3A_40, %dma_wait3A_204, %dma_wait3A_205] : memref<8x1250x128xi32, #tpu.memory_space<hbm>> -> memref<1x1250x128xi32, #tpu.memory_space<hbm>>
        %dma_wait3A_207 = tpu.memref_squeeze %dma_wait3A_206 : memref<1x1250x128xi32, #tpu.memory_space<hbm>> -> memref<1250x128xi32, #tpu.memory_space<hbm>>
        %dma_wait3A_208 = arith.constant 0 : i32
        %dma_wait3A_209 = tpu.memref_slice %dma_wait3A_207[%add3A_176, %dma_wait3A_208] : memref<1250x128xi32, #tpu.memory_space<hbm>> -> memref<1x128xi32, #tpu.memory_space<hbm>>
        %dma_wait3A_210 = tpu.memref_squeeze %dma_wait3A_209 : memref<1x128xi32, #tpu.memory_space<hbm>> -> memref<128xi32, #tpu.memory_space<hbm>>
        tpu.wait_dma2 semaphore(%run_scoped3A_182 : memref<!tpu.dma_semaphore, #tpu.memory_space<semaphore_mem>>) src(%dma_wait3A_210 : memref<128xi32, #tpu.memory_space<hbm>>) dst(%arg9 : memref<128xi32, #tpu.memory_space<vmem>>)
        tpu.yield
      }) : () -> ()
      %dma_start3A_177 = arith.constant 0 : i32
      %dma_start3A_178 = arith.constant 0 : i32
      %dma_start3A_179 = tpu.memref_slice %arg2[%dma_start3A_177, %dma_start3A_178] : memref<80000x128xf32, #tpu.memory_space<hbm>> -> memref<80000x128xf32, #tpu.memory_space<hbm>>
      tpu.enqueue_indirect_dma source(%dma_start3A_179 : memref<80000x128xf32, #tpu.memory_space<hbm>>) target(%arg10 : memref<128x128xf32, #tpu.memory_space<vmem>>) offsets(%arg9 : memref<128xi32, #tpu.memory_space<vmem>>) semaphore(%arg13 : memref<!tpu.dma_semaphore, #tpu.memory_space<semaphore_mem>>)
      %dma_wait3A = arith.constant 0 : i32
      %dma_wait3A_180 = arith.constant 0 : i32
      %dma_wait3A_181 = tpu.memref_slice %arg2[%dma_wait3A, %dma_wait3A_180] : memref<80000x128xf32, #tpu.memory_space<hbm>> -> memref<80000x128xf32, #tpu.memory_space<hbm>>
      tpu.wait_indirect_dma semaphore(%arg13 : memref<!tpu.dma_semaphore, #tpu.memory_space<semaphore_mem>>) src(%dma_wait3A_181 : memref<80000x128xf32, #tpu.memory_space<hbm>>) dst(%arg10 : memref<128x128xf32, #tpu.memory_space<vmem>>)
      "tpu.region"() ({
        %run_scoped3A_182 = tpu.sem_alloc : memref<!tpu.dma_semaphore, #tpu.memory_space<semaphore_mem>>
        %dma_start3A_183 = arith.constant 0 : i32
        %dma_start3A_184 = arith.constant 0 : i32
        %dma_start3A_185 = tpu.memref_slice %arg12[%dma_start3A_183, %dma_start3A_184] : memref<10000x128xf32, #tpu.memory_space<vmem_shared>> -> memref<10000x128xf32, #tpu.memory_space<vmem_shared>>
        tpu.enqueue_indirect_dma source(%arg10 : memref<128x128xf32, #tpu.memory_space<vmem>>) target(%dma_start3A_185 : memref<10000x128xf32, #tpu.memory_space<vmem_shared>>) offsets(%arg8 : memref<128xi32, #tpu.memory_space<vmem>>) semaphore(%run_scoped3A_182 : memref<!tpu.dma_semaphore, #tpu.memory_space<semaphore_mem>>) {add = true}
        %dma_wait3A_186 = arith.constant 0 : i32
        %dma_wait3A_187 = arith.constant 0 : i32
        %dma_wait3A_188 = tpu.memref_slice %arg12[%dma_wait3A_186, %dma_wait3A_187] : memref<10000x128xf32, #tpu.memory_space<vmem_shared>> -> memref<10000x128xf32, #tpu.memory_space<vmem_shared>>
        tpu.wait_indirect_dma semaphore(%run_scoped3A_182 : memref<!tpu.dma_semaphore, #tpu.memory_space<semaphore_mem>>) src(%arg10 : memref<128x128xf32, #tpu.memory_space<vmem>>) dst(%dma_wait3A_188 : memref<10000x128xf32, #tpu.memory_space<vmem_shared>>)
        tpu.yield
      }) : () -> ()
    } else {
    }
    %dma_start3A_58 = arith.constant 0 : i32
    %dma_start3A_59 = arith.constant 0 : i32
    %dma_start3A_60 = tpu.memref_slice %arg7[%dma_start3A_58, %dma_start3A_59] : memref<78x128xi32, #tpu.memory_space<vmem>> -> memref<1x128xi32, #tpu.memory_space<vmem>>
    %dma_start3A_61 = tpu.memref_squeeze %dma_start3A_60 : memref<1x128xi32, #tpu.memory_space<vmem>> -> memref<128xi32, #tpu.memory_space<vmem>>
    %dma_start3A_62 = arith.constant 0 : i32
    %dma_start3A_63 = arith.constant 0 : i32
    %dma_start3A_64 = tpu.memref_slice %arg2[%dma_start3A_62, %dma_start3A_63] : memref<80000x128xf32, #tpu.memory_space<hbm>> -> memref<80000x128xf32, #tpu.memory_space<hbm>>
    tpu.enqueue_indirect_dma source(%dma_start3A_64 : memref<80000x128xf32, #tpu.memory_space<hbm>>) target(%arg10 : memref<128x128xf32, #tpu.memory_space<vmem>>) offsets(%dma_start3A_61 : memref<128xi32, #tpu.memory_space<vmem>>) semaphore(%arg13 : memref<!tpu.dma_semaphore, #tpu.memory_space<semaphore_mem>>)
    %scan3A_65 = arith.constant 0 : i32
    %scan3A_66 = arith.constant 0 : i32
    %scan3A_67 = arith.constant 39 : i32
    %scan3A_68 = arith.addi %scan3A_66, %scan3A_67 : i32
    %scan3A_69 = arith.constant 1 : i32
    %scan3A_70 = scf.for %scan3A_175 = %scan3A_66 to %scan3A_68 step %scan3A_69 iter_args(%scan3A_176 = %scan3A_65) -> (i32)  : i32 {
      %mul3A_177 = arith.constant 2 : i32
      %mul3A_178 = arith.muli %mul3A_177, %scan3A_175 : i32
      %add3A_179 = arith.constant 1 : i32
      %add3A_180 = arith.addi %mul3A_178, %add3A_179 : i32
      %dma_start3A_181 = arith.constant 0 : i32
      %dma_start3A_182 = tpu.memref_slice %arg7[%add3A_180, %dma_start3A_181] : memref<78x128xi32, #tpu.memory_space<vmem>> -> memref<1x128xi32, #tpu.memory_space<vmem>>
      %dma_start3A_183 = tpu.memref_squeeze %dma_start3A_182 : memref<1x128xi32, #tpu.memory_space<vmem>> -> memref<128xi32, #tpu.memory_space<vmem>>
      %dma_start3A_184 = arith.constant 0 : i32
      %dma_start3A_185 = arith.constant 0 : i32
      %dma_start3A_186 = tpu.memref_slice %arg2[%dma_start3A_184, %dma_start3A_185] : memref<80000x128xf32, #tpu.memory_space<hbm>> -> memref<80000x128xf32, #tpu.memory_space<hbm>>
      tpu.enqueue_indirect_dma source(%dma_start3A_186 : memref<80000x128xf32, #tpu.memory_space<hbm>>) target(%arg11 : memref<128x128xf32, #tpu.memory_space<vmem>>) offsets(%dma_start3A_183 : memref<128xi32, #tpu.memory_space<vmem>>) semaphore(%arg14 : memref<!tpu.dma_semaphore, #tpu.memory_space<semaphore_mem>>)
      %mul3A_187 = arith.constant 78 : i32
      %mul3A_188 = arith.muli %arg1, %mul3A_187 : i32
      %add3A_189 = arith.addi %mul3A_188, %mul3A_178 : i32
      %run_scoped3A = arith.constant 0 : i32
      "tpu.region"() ({
        %run_scoped3A_215 = tpu.sem_alloc : memref<!tpu.dma_semaphore, #tpu.memory_space<semaphore_mem>>
        %dma_start3A_216 = arith.constant 0 : i32
        %dma_start3A_217 = tpu.memref_slice %arg4[%add3A_189, %run_scoped3A, %dma_start3A_216] : memref<1250x1x128xi32, #tpu.memory_space<hbm>> -> memref<1x1x128xi32, #tpu.memory_space<hbm>>
        %dma_start3A_218 = tpu.memref_squeeze %dma_start3A_217 : memref<1x1x128xi32, #tpu.memory_space<hbm>> -> memref<128xi32, #tpu.memory_space<hbm>>
        %dma_start3A_219 = arith.constant 0 : i32
        %dma_start3A_220 = tpu.memref_slice %arg4[%add3A_189, %run_scoped3A, %dma_start3A_219] : memref<1250x1x128xi32, #tpu.memory_space<hbm>> -> memref<1x1x128xi32, #tpu.memory_space<hbm>>
        %dma_start3A_221 = tpu.memref_squeeze %dma_start3A_220 : memref<1x1x128xi32, #tpu.memory_space<hbm>> -> memref<128xi32, #tpu.memory_space<hbm>>
        tpu.enqueue_dma source(%dma_start3A_221 : memref<128xi32, #tpu.memory_space<hbm>>) target(%arg8 : memref<128xi32, #tpu.memory_space<vmem>>) target_semaphore(%run_scoped3A_215 : memref<!tpu.dma_semaphore, #tpu.memory_space<semaphore_mem>>)
        %dma_wait3A_222 = arith.constant 0 : i32
        %dma_wait3A_223 = tpu.memref_slice %arg4[%add3A_189, %run_scoped3A, %dma_wait3A_222] : memref<1250x1x128xi32, #tpu.memory_space<hbm>> -> memref<1x1x128xi32, #tpu.memory_space<hbm>>
        %dma_wait3A_224 = tpu.memref_squeeze %dma_wait3A_223 : memref<1x1x128xi32, #tpu.memory_space<hbm>> -> memref<128xi32, #tpu.memory_space<hbm>>
        %dma_wait3A_225 = arith.constant 0 : i32
        %dma_wait3A_226 = tpu.memref_slice %arg4[%add3A_189, %run_scoped3A, %dma_wait3A_225] : memref<1250x1x128xi32, #tpu.memory_space<hbm>> -> memref<1x1x128xi32, #tpu.memory_space<hbm>>
        %dma_wait3A_227 = tpu.memref_squeeze %dma_wait3A_226 : memref<1x1x128xi32, #tpu.memory_space<hbm>> -> memref<128xi32, #tpu.memory_space<hbm>>
        tpu.wait_dma2 semaphore(%run_scoped3A_215 : memref<!tpu.dma_semaphore, #tpu.memory_space<semaphore_mem>>) src(%dma_wait3A_227 : memref<128xi32, #tpu.memory_space<hbm>>) dst(%arg8 : memref<128xi32, #tpu.memory_space<vmem>>)
        tpu.yield
      }) : () -> ()
      %dma_wait3A = arith.constant 0 : i32
      %dma_wait3A_190 = tpu.memref_slice %arg7[%mul3A_178, %dma_wait3A] : memref<78x128xi32, #tpu.memory_space<vmem>> -> memref<1x128xi32, #tpu.memory_space<vmem>>
      %dma_wait3A_191 = tpu.memref_squeeze %dma_wait3A_190 : memref<1x128xi32, #tpu.memory_space<vmem>> -> memref<128xi32, #tpu.memory_space<vmem>>
      %dma_wait3A_192 = arith.constant 0 : i32
      %dma_wait3A_193 = arith.constant 0 : i32
      %dma_wait3A_194 = tpu.memref_slice %arg2[%dma_wait3A_192, %dma_wait3A_193] : memref<80000x128xf32, #tpu.memory_space<hbm>> -> memref<80000x128xf32, #tpu.memory_space<hbm>>
      tpu.wait_indirect_dma semaphore(%arg13 : memref<!tpu.dma_semaphore, #tpu.memory_space<semaphore_mem>>) src(%dma_wait3A_194 : memref<80000x128xf32, #tpu.memory_space<hbm>>) dst(%arg10 : memref<128x128xf32, #tpu.memory_space<vmem>>)
      "tpu.region"() ({
        %run_scoped3A_215 = tpu.sem_alloc : memref<!tpu.dma_semaphore, #tpu.memory_space<semaphore_mem>>
        %dma_start3A_216 = arith.constant 0 : i32
        %dma_start3A_217 = arith.constant 0 : i32
        %dma_start3A_218 = tpu.memref_slice %arg12[%dma_start3A_216, %dma_start3A_217] : memref<10000x128xf32, #tpu.memory_space<vmem_shared>> -> memref<10000x128xf32, #tpu.memory_space<vmem_shared>>
        tpu.enqueue_indirect_dma source(%arg10 : memref<128x128xf32, #tpu.memory_space<vmem>>) target(%dma_start3A_218 : memref<10000x128xf32, #tpu.memory_space<vmem_shared>>) offsets(%arg8 : memref<128xi32, #tpu.memory_space<vmem>>) semaphore(%run_scoped3A_215 : memref<!tpu.dma_semaphore, #tpu.memory_space<semaphore_mem>>) {add = true}
        %dma_wait3A_219 = arith.constant 0 : i32
        %dma_wait3A_220 = arith.constant 0 : i32
        %dma_wait3A_221 = tpu.memref_slice %arg12[%dma_wait3A_219, %dma_wait3A_220] : memref<10000x128xf32, #tpu.memory_space<vmem_shared>> -> memref<10000x128xf32, #tpu.memory_space<vmem_shared>>
        tpu.wait_indirect_dma semaphore(%run_scoped3A_215 : memref<!tpu.dma_semaphore, #tpu.memory_space<semaphore_mem>>) src(%arg10 : memref<128x128xf32, #tpu.memory_space<vmem>>) dst(%dma_wait3A_221 : memref<10000x128xf32, #tpu.memory_space<vmem_shared>>)
        tpu.yield
      }) : () -> ()
      %lt3A_195 = arith.constant 38 : i32
      %lt3A_196 = arith.cmpi slt, %scan3A_175, %lt3A_195 : i32
      %convert_element_type3A_197 = arith.extui %lt3A_196 : i1 to i32
      %cond3A_198 = arith.constant 0 : i32
      %cond3A_199 = arith.cmpi ne, %convert_element_type3A_197, %cond3A_198 : i32
      scf.if %cond3A_199 {
        %add3A_215 = arith.constant 2 : i32
        %add3A_216 = arith.addi %mul3A_178, %add3A_215 : i32
        %dma_start3A_217 = arith.constant 0 : i32
        %dma_start3A_218 = tpu.memref_slice %arg7[%add3A_216, %dma_start3A_217] : memref<78x128xi32, #tpu.memory_space<vmem>> -> memref<1x128xi32, #tpu.memory_space<vmem>>
        %dma_start3A_219 = tpu.memref_squeeze %dma_start3A_218 : memref<1x128xi32, #tpu.memory_space<vmem>> -> memref<128xi32, #tpu.memory_space<vmem>>
        %dma_start3A_220 = arith.constant 0 : i32
        %dma_start3A_221 = arith.constant 0 : i32
        %dma_start3A_222 = tpu.memref_slice %arg2[%dma_start3A_220, %dma_start3A_221] : memref<80000x128xf32, #tpu.memory_space<hbm>> -> memref<80000x128xf32, #tpu.memory_space<hbm>>
        tpu.enqueue_indirect_dma source(%dma_start3A_222 : memref<80000x128xf32, #tpu.memory_space<hbm>>) target(%arg10 : memref<128x128xf32, #tpu.memory_space<vmem>>) offsets(%dma_start3A_219 : memref<128xi32, #tpu.memory_space<vmem>>) semaphore(%arg13 : memref<!tpu.dma_semaphore, #tpu.memory_space<semaphore_mem>>)
      } else {
      }
      %mul3A_200 = arith.constant 78 : i32
      %mul3A_201 = arith.muli %arg1, %mul3A_200 : i32
      %add3A_202 = arith.addi %mul3A_201, %mul3A_178 : i32
      %add3A_203 = arith.constant 1 : i32
      %add3A_204 = arith.addi %add3A_202, %add3A_203 : i32
      %run_scoped3A_205 = arith.constant 0 : i32
      "tpu.region"() ({
        %run_scoped3A_215 = tpu.sem_alloc : memref<!tpu.dma_semaphore, #tpu.memory_space<semaphore_mem>>
        %dma_start3A_216 = arith.constant 0 : i32
        %dma_start3A_217 = tpu.memref_slice %arg4[%add3A_204, %run_scoped3A_205, %dma_start3A_216] : memref<1250x1x128xi32, #tpu.memory_space<hbm>> -> memref<1x1x128xi32, #tpu.memory_space<hbm>>
        %dma_start3A_218 = tpu.memref_squeeze %dma_start3A_217 : memref<1x1x128xi32, #tpu.memory_space<hbm>> -> memref<128xi32, #tpu.memory_space<hbm>>
        %dma_start3A_219 = arith.constant 0 : i32
        %dma_start3A_220 = tpu.memref_slice %arg4[%add3A_204, %run_scoped3A_205, %dma_start3A_219] : memref<1250x1x128xi32, #tpu.memory_space<hbm>> -> memref<1x1x128xi32, #tpu.memory_space<hbm>>
        %dma_start3A_221 = tpu.memref_squeeze %dma_start3A_220 : memref<1x1x128xi32, #tpu.memory_space<hbm>> -> memref<128xi32, #tpu.memory_space<hbm>>
        tpu.enqueue_dma source(%dma_start3A_221 : memref<128xi32, #tpu.memory_space<hbm>>) target(%arg9 : memref<128xi32, #tpu.memory_space<vmem>>) target_semaphore(%run_scoped3A_215 : memref<!tpu.dma_semaphore, #tpu.memory_space<semaphore_mem>>)
        %dma_wait3A_222 = arith.constant 0 : i32
        %dma_wait3A_223 = tpu.memref_slice %arg4[%add3A_204, %run_scoped3A_205, %dma_wait3A_222] : memref<1250x1x128xi32, #tpu.memory_space<hbm>> -> memref<1x1x128xi32, #tpu.memory_space<hbm>>
        %dma_wait3A_224 = tpu.memref_squeeze %dma_wait3A_223 : memref<1x1x128xi32, #tpu.memory_space<hbm>> -> memref<128xi32, #tpu.memory_space<hbm>>
        %dma_wait3A_225 = arith.constant 0 : i32
        %dma_wait3A_226 = tpu.memref_slice %arg4[%add3A_204, %run_scoped3A_205, %dma_wait3A_225] : memref<1250x1x128xi32, #tpu.memory_space<hbm>> -> memref<1x1x128xi32, #tpu.memory_space<hbm>>
        %dma_wait3A_227 = tpu.memref_squeeze %dma_wait3A_226 : memref<1x1x128xi32, #tpu.memory_space<hbm>> -> memref<128xi32, #tpu.memory_space<hbm>>
        tpu.wait_dma2 semaphore(%run_scoped3A_215 : memref<!tpu.dma_semaphore, #tpu.memory_space<semaphore_mem>>) src(%dma_wait3A_227 : memref<128xi32, #tpu.memory_space<hbm>>) dst(%arg9 : memref<128xi32, #tpu.memory_space<vmem>>)
        tpu.yield
      }) : () -> ()
      %add3A_206 = arith.constant 1 : i32
      %add3A_207 = arith.addi %mul3A_178, %add3A_206 : i32
      %dma_wait3A_208 = arith.constant 0 : i32
      %dma_wait3A_209 = tpu.memref_slice %arg7[%add3A_207, %dma_wait3A_208] : memref<78x128xi32, #tpu.memory_space<vmem>> -> memref<1x128xi32, #tpu.memory_space<vmem>>
      %dma_wait3A_210 = tpu.memref_squeeze %dma_wait3A_209 : memref<1x128xi32, #tpu.memory_space<vmem>> -> memref<128xi32, #tpu.memory_space<vmem>>
      %dma_wait3A_211 = arith.constant 0 : i32
      %dma_wait3A_212 = arith.constant 0 : i32
      %dma_wait3A_213 = tpu.memref_slice %arg2[%dma_wait3A_211, %dma_wait3A_212] : memref<80000x128xf32, #tpu.memory_space<hbm>> -> memref<80000x128xf32, #tpu.memory_space<hbm>>
      tpu.wait_indirect_dma semaphore(%arg14 : memref<!tpu.dma_semaphore, #tpu.memory_space<semaphore_mem>>) src(%dma_wait3A_213 : memref<80000x128xf32, #tpu.memory_space<hbm>>) dst(%arg11 : memref<128x128xf32, #tpu.memory_space<vmem>>)
      "tpu.region"() ({
        %run_scoped3A_215 = tpu.sem_alloc : memref<!tpu.dma_semaphore, #tpu.memory_space<semaphore_mem>>
        %dma_start3A_216 = arith.constant 0 : i32
        %dma_start3A_217 = arith.constant 0 : i32
        %dma_start3A_218 = tpu.memref_slice %arg12[%dma_start3A_216, %dma_start3A_217] : memref<10000x128xf32, #tpu.memory_space<vmem_shared>> -> memref<10000x128xf32, #tpu.memory_space<vmem_shared>>
        tpu.enqueue_indirect_dma source(%arg11 : memref<128x128xf32, #tpu.memory_space<vmem>>) target(%dma_start3A_218 : memref<10000x128xf32, #tpu.memory_space<vmem_shared>>) offsets(%arg9 : memref<128xi32, #tpu.memory_space<vmem>>) semaphore(%run_scoped3A_215 : memref<!tpu.dma_semaphore, #tpu.memory_space<semaphore_mem>>) {add = true}
        %dma_wait3A_219 = arith.constant 0 : i32
        %dma_wait3A_220 = arith.constant 0 : i32
        %dma_wait3A_221 = tpu.memref_slice %arg12[%dma_wait3A_219, %dma_wait3A_220] : memref<10000x128xf32, #tpu.memory_space<vmem_shared>> -> memref<10000x128xf32, #tpu.memory_space<vmem_shared>>
        tpu.wait_indirect_dma semaphore(%run_scoped3A_215 : memref<!tpu.dma_semaphore, #tpu.memory_space<semaphore_mem>>) src(%arg11 : memref<128x128xf32, #tpu.memory_space<vmem>>) dst(%dma_wait3A_221 : memref<10000x128xf32, #tpu.memory_space<vmem_shared>>)
        tpu.yield
      }) : () -> ()
      %scan3A_214 = arith.constant 0 : i32
      scf.yield %scan3A_214 : i32
    }
    %scan3A_71 = arith.constant 39 : i32
    %barrier3A_72 = arith.constant 0 : index
    tpu.barrier barrier_id(%barrier3A_72)
    %mul3A_73 = arith.constant 624 : i32
    %mul3A_74 = arith.muli %arg1, %mul3A_73 : i32
    %mul3A_75 = arith.constant 624 : i32
    %mul3A_76 = arith.muli %arg1, %mul3A_75 : i32
    "tpu.region"() ({
      %run_scoped3A = tpu.sem_alloc : memref<!tpu.dma_semaphore, #tpu.memory_space<semaphore_mem>>
      %dma_start3A_175 = arith.constant 0 : i32
      %dma_start3A_176 = arith.constant 0 : i32
      %dma_start3A_177 = tpu.memref_slice %arg6[%add3A_40, %dma_start3A_175, %dma_start3A_176] : memref<8x10000x128xf32, #tpu.memory_space<hbm>> -> memref<1x10000x128xf32, #tpu.memory_space<hbm>>
      %dma_start3A_178 = tpu.memref_squeeze %dma_start3A_177 : memref<1x10000x128xf32, #tpu.memory_space<hbm>> -> memref<10000x128xf32, #tpu.memory_space<hbm>>
      %dma_start3A_179 = arith.constant 0 : i32
      %dma_start3A_180 = tpu.memref_slice %dma_start3A_178[%mul3A_76, %dma_start3A_179] : memref<10000x128xf32, #tpu.memory_space<hbm>> -> memref<624x128xf32, #tpu.memory_space<hbm>>
      %dma_start3A_181 = arith.constant 0 : i32
      %dma_start3A_182 = tpu.memref_slice %arg12[%mul3A_74, %dma_start3A_181] : memref<10000x128xf32, #tpu.memory_space<vmem_shared>> -> memref<624x128xf32, #tpu.memory_space<vmem_shared>>
      tpu.enqueue_dma source(%dma_start3A_182 : memref<624x128xf32, #tpu.memory_space<vmem_shared>>) target(%dma_start3A_180 : memref<624x128xf32, #tpu.memory_space<hbm>>) target_semaphore(%run_scoped3A : memref<!tpu.dma_semaphore, #tpu.memory_space<semaphore_mem>>)
      %dma_wait3A = arith.constant 0 : i32
      %dma_wait3A_183 = arith.constant 0 : i32
      %dma_wait3A_184 = tpu.memref_slice %arg6[%add3A_40, %dma_wait3A, %dma_wait3A_183] : memref<8x10000x128xf32, #tpu.memory_space<hbm>> -> memref<1x10000x128xf32, #tpu.memory_space<hbm>>
      %dma_wait3A_185 = tpu.memref_squeeze %dma_wait3A_184 : memref<1x10000x128xf32, #tpu.memory_space<hbm>> -> memref<10000x128xf32, #tpu.memory_space<hbm>>
      %dma_wait3A_186 = arith.constant 0 : i32
      %dma_wait3A_187 = tpu.memref_slice %dma_wait3A_185[%mul3A_76, %dma_wait3A_186] : memref<10000x128xf32, #tpu.memory_space<hbm>> -> memref<624x128xf32, #tpu.memory_space<hbm>>
      %dma_wait3A_188 = arith.constant 0 : i32
      %dma_wait3A_189 = tpu.memref_slice %arg12[%mul3A_74, %dma_wait3A_188] : memref<10000x128xf32, #tpu.memory_space<vmem_shared>> -> memref<624x128xf32, #tpu.memory_space<vmem_shared>>
      tpu.wait_dma2 semaphore(%run_scoped3A : memref<!tpu.dma_semaphore, #tpu.memory_space<semaphore_mem>>) src(%dma_wait3A_189 : memref<624x128xf32, #tpu.memory_space<vmem_shared>>) dst(%dma_wait3A_187 : memref<624x128xf32, #tpu.memory_space<hbm>>)
      tpu.yield
    }) : () -> ()
    %eq3A_77 = arith.constant 0 : i32
    %eq3A_78 = arith.cmpi eq, %arg1, %eq3A_77 : i32
    %convert_element_type3A_79 = arith.extui %eq3A_78 : i1 to i32
    %cond3A_80 = arith.constant 0 : i32
    %cond3A_81 = arith.cmpi ne, %convert_element_type3A_79, %cond3A_80 : i32
    scf.if %cond3A_81 {
      "tpu.region"() ({
        %run_scoped3A = tpu.sem_alloc : memref<!tpu.dma_semaphore, #tpu.memory_space<semaphore_mem>>
        %dma_start3A_175 = arith.constant 0 : i32
        %dma_start3A_176 = arith.constant 0 : i32
        %dma_start3A_177 = tpu.memref_slice %arg6[%add3A_40, %dma_start3A_175, %dma_start3A_176] : memref<8x10000x128xf32, #tpu.memory_space<hbm>> -> memref<1x10000x128xf32, #tpu.memory_space<hbm>>
        %dma_start3A_178 = tpu.memref_squeeze %dma_start3A_177 : memref<1x10000x128xf32, #tpu.memory_space<hbm>> -> memref<10000x128xf32, #tpu.memory_space<hbm>>
        %dma_start3A_179 = arith.constant 9984 : i32
        %dma_start3A_180 = arith.constant 0 : i32
        %dma_start3A_181 = tpu.memref_slice %dma_start3A_178[%dma_start3A_179, %dma_start3A_180] : memref<10000x128xf32, #tpu.memory_space<hbm>> -> memref<16x128xf32, #tpu.memory_space<hbm>>
        %dma_start3A_182 = arith.constant 9984 : i32
        %dma_start3A_183 = arith.constant 0 : i32
        %dma_start3A_184 = tpu.memref_slice %arg12[%dma_start3A_182, %dma_start3A_183] : memref<10000x128xf32, #tpu.memory_space<vmem_shared>> -> memref<16x128xf32, #tpu.memory_space<vmem_shared>>
        tpu.enqueue_dma source(%dma_start3A_184 : memref<16x128xf32, #tpu.memory_space<vmem_shared>>) target(%dma_start3A_181 : memref<16x128xf32, #tpu.memory_space<hbm>>) target_semaphore(%run_scoped3A : memref<!tpu.dma_semaphore, #tpu.memory_space<semaphore_mem>>)
        %dma_wait3A = arith.constant 0 : i32
        %dma_wait3A_185 = arith.constant 0 : i32
        %dma_wait3A_186 = tpu.memref_slice %arg6[%add3A_40, %dma_wait3A, %dma_wait3A_185] : memref<8x10000x128xf32, #tpu.memory_space<hbm>> -> memref<1x10000x128xf32, #tpu.memory_space<hbm>>
        %dma_wait3A_187 = tpu.memref_squeeze %dma_wait3A_186 : memref<1x10000x128xf32, #tpu.memory_space<hbm>> -> memref<10000x128xf32, #tpu.memory_space<hbm>>
        %dma_wait3A_188 = arith.constant 9984 : i32
        %dma_wait3A_189 = arith.constant 0 : i32
        %dma_wait3A_190 = tpu.memref_slice %dma_wait3A_187[%dma_wait3A_188, %dma_wait3A_189] : memref<10000x128xf32, #tpu.memory_space<hbm>> -> memref<16x128xf32, #tpu.memory_space<hbm>>
        %dma_wait3A_191 = arith.constant 9984 : i32
        %dma_wait3A_192 = arith.constant 0 : i32
        %dma_wait3A_193 = tpu.memref_slice %arg12[%dma_wait3A_191, %dma_wait3A_192] : memref<10000x128xf32, #tpu.memory_space<vmem_shared>> -> memref<16x128xf32, #tpu.memory_space<vmem_shared>>
        tpu.wait_dma2 semaphore(%run_scoped3A : memref<!tpu.dma_semaphore, #tpu.memory_space<semaphore_mem>>) src(%dma_wait3A_193 : memref<16x128xf32, #tpu.memory_space<vmem_shared>>) dst(%dma_wait3A_190 : memref<16x128xf32, #tpu.memory_space<hbm>>)
        tpu.yield
      }) : () -> ()
    } else {
    }
    %barrier3A_82 = arith.constant 0 : index
    tpu.barrier barrier_id(%barrier3A_82)
    %mul3A_83 = arith.constant 4 : i32
    %mul3A_84 = arith.muli %arg0, %mul3A_83 : i32
    %add3A_85 = arith.constant 2 : i32
    %add3A_86 = arith.addi %mul3A_84, %add3A_85 : i32
    %mul3A_87 = arith.constant 624 : i32
    %mul3A_88 = arith.muli %arg1, %mul3A_87 : i32
    %mul3A_89 = arith.constant 624 : i32
    %mul3A_90 = arith.muli %arg1, %mul3A_89 : i32
    "tpu.region"() ({
      %run_scoped3A = tpu.sem_alloc : memref<!tpu.dma_semaphore, #tpu.memory_space<semaphore_mem>>
      %dma_start3A_175 = arith.constant 0 : i32
      %dma_start3A_176 = tpu.memref_slice %arg12[%mul3A_90, %dma_start3A_175] : memref<10000x128xf32, #tpu.memory_space<vmem_shared>> -> memref<624x128xf32, #tpu.memory_space<vmem_shared>>
      %dma_start3A_177 = arith.constant 0 : i32
      %dma_start3A_178 = tpu.memref_slice %arg5[%mul3A_88, %dma_start3A_177] : memref<10000x128xf32, #tpu.memory_space<hbm>> -> memref<624x128xf32, #tpu.memory_space<hbm>>
      tpu.enqueue_dma source(%dma_start3A_178 : memref<624x128xf32, #tpu.memory_space<hbm>>) target(%dma_start3A_176 : memref<624x128xf32, #tpu.memory_space<vmem_shared>>) target_semaphore(%run_scoped3A : memref<!tpu.dma_semaphore, #tpu.memory_space<semaphore_mem>>)
      %dma_wait3A = arith.constant 0 : i32
      %dma_wait3A_179 = tpu.memref_slice %arg12[%mul3A_90, %dma_wait3A] : memref<10000x128xf32, #tpu.memory_space<vmem_shared>> -> memref<624x128xf32, #tpu.memory_space<vmem_shared>>
      %dma_wait3A_180 = arith.constant 0 : i32
      %dma_wait3A_181 = tpu.memref_slice %arg5[%mul3A_88, %dma_wait3A_180] : memref<10000x128xf32, #tpu.memory_space<hbm>> -> memref<624x128xf32, #tpu.memory_space<hbm>>
      tpu.wait_dma2 semaphore(%run_scoped3A : memref<!tpu.dma_semaphore, #tpu.memory_space<semaphore_mem>>) src(%dma_wait3A_181 : memref<624x128xf32, #tpu.memory_space<hbm>>) dst(%dma_wait3A_179 : memref<624x128xf32, #tpu.memory_space<vmem_shared>>)
      tpu.yield
    }) : () -> ()
    %eq3A_91 = arith.constant 0 : i32
    %eq3A_92 = arith.cmpi eq, %arg1, %eq3A_91 : i32
    %convert_element_type3A_93 = arith.extui %eq3A_92 : i1 to i32
    %cond3A_94 = arith.constant 0 : i32
    %cond3A_95 = arith.cmpi ne, %convert_element_type3A_93, %cond3A_94 : i32
    scf.if %cond3A_95 {
      "tpu.region"() ({
        %run_scoped3A = tpu.sem_alloc : memref<!tpu.dma_semaphore, #tpu.memory_space<semaphore_mem>>
        %dma_start3A_175 = arith.constant 9984 : i32
        %dma_start3A_176 = arith.constant 0 : i32
        %dma_start3A_177 = tpu.memref_slice %arg12[%dma_start3A_175, %dma_start3A_176] : memref<10000x128xf32, #tpu.memory_space<vmem_shared>> -> memref<16x128xf32, #tpu.memory_space<vmem_shared>>
        %dma_start3A_178 = arith.constant 9984 : i32
        %dma_start3A_179 = arith.constant 0 : i32
        %dma_start3A_180 = tpu.memref_slice %arg5[%dma_start3A_178, %dma_start3A_179] : memref<10000x128xf32, #tpu.memory_space<hbm>> -> memref<16x128xf32, #tpu.memory_space<hbm>>
        tpu.enqueue_dma source(%dma_start3A_180 : memref<16x128xf32, #tpu.memory_space<hbm>>) target(%dma_start3A_177 : memref<16x128xf32, #tpu.memory_space<vmem_shared>>) target_semaphore(%run_scoped3A : memref<!tpu.dma_semaphore, #tpu.memory_space<semaphore_mem>>)
        %dma_wait3A = arith.constant 9984 : i32
        %dma_wait3A_181 = arith.constant 0 : i32
        %dma_wait3A_182 = tpu.memref_slice %arg12[%dma_wait3A, %dma_wait3A_181] : memref<10000x128xf32, #tpu.memory_space<vmem_shared>> -> memref<16x128xf32, #tpu.memory_space<vmem_shared>>
        %dma_wait3A_183 = arith.constant 9984 : i32
        %dma_wait3A_184 = arith.constant 0 : i32
        %dma_wait3A_185 = tpu.memref_slice %arg5[%dma_wait3A_183, %dma_wait3A_184] : memref<10000x128xf32, #tpu.memory_space<hbm>> -> memref<16x128xf32, #tpu.memory_space<hbm>>
        tpu.wait_dma2 semaphore(%run_scoped3A : memref<!tpu.dma_semaphore, #tpu.memory_space<semaphore_mem>>) src(%dma_wait3A_185 : memref<16x128xf32, #tpu.memory_space<hbm>>) dst(%dma_wait3A_182 : memref<16x128xf32, #tpu.memory_space<vmem_shared>>)
        tpu.yield
      }) : () -> ()
    } else {
    }
    %mul3A_96 = arith.constant 78 : i32
    %mul3A_97 = arith.muli %arg1, %mul3A_96 : i32
    "tpu.region"() ({
      %run_scoped3A = tpu.sem_alloc : memref<!tpu.dma_semaphore, #tpu.memory_space<semaphore_mem>>
      %dma_start3A_175 = arith.constant 0 : i32
      %dma_start3A_176 = tpu.memref_slice %arg3[%add3A_86, %mul3A_97, %dma_start3A_175] : memref<8x1250x128xi32, #tpu.memory_space<hbm>> -> memref<1x78x128xi32, #tpu.memory_space<hbm>>
      %dma_start3A_177 = tpu.memref_squeeze %dma_start3A_176 : memref<1x78x128xi32, #tpu.memory_space<hbm>> -> memref<78x128xi32, #tpu.memory_space<hbm>>
      %dma_start3A_178 = arith.constant 0 : i32
      %dma_start3A_179 = tpu.memref_slice %arg3[%add3A_86, %mul3A_97, %dma_start3A_178] : memref<8x1250x128xi32, #tpu.memory_space<hbm>> -> memref<1x78x128xi32, #tpu.memory_space<hbm>>
      %dma_start3A_180 = tpu.memref_squeeze %dma_start3A_179 : memref<1x78x128xi32, #tpu.memory_space<hbm>> -> memref<78x128xi32, #tpu.memory_space<hbm>>
      tpu.enqueue_dma source(%dma_start3A_180 : memref<78x128xi32, #tpu.memory_space<hbm>>) target(%arg7 : memref<78x128xi32, #tpu.memory_space<vmem>>) target_semaphore(%run_scoped3A : memref<!tpu.dma_semaphore, #tpu.memory_space<semaphore_mem>>)
      %dma_wait3A = arith.constant 0 : i32
      %dma_wait3A_181 = tpu.memref_slice %arg3[%add3A_86, %mul3A_97, %dma_wait3A] : memref<8x1250x128xi32, #tpu.memory_space<hbm>> -> memref<1x78x128xi32, #tpu.memory_space<hbm>>
      %dma_wait3A_182 = tpu.memref_squeeze %dma_wait3A_181 : memref<1x78x128xi32, #tpu.memory_space<hbm>> -> memref<78x128xi32, #tpu.memory_space<hbm>>
      %dma_wait3A_183 = arith.constant 0 : i32
      %dma_wait3A_184 = tpu.memref_slice %arg3[%add3A_86, %mul3A_97, %dma_wait3A_183] : memref<8x1250x128xi32, #tpu.memory_space<hbm>> -> memref<1x78x128xi32, #tpu.memory_space<hbm>>
      %dma_wait3A_185 = tpu.memref_squeeze %dma_wait3A_184 : memref<1x78x128xi32, #tpu.memory_space<hbm>> -> memref<78x128xi32, #tpu.memory_space<hbm>>
      tpu.wait_dma2 semaphore(%run_scoped3A : memref<!tpu.dma_semaphore, #tpu.memory_space<semaphore_mem>>) src(%dma_wait3A_185 : memref<78x128xi32, #tpu.memory_space<hbm>>) dst(%arg7 : memref<78x128xi32, #tpu.memory_space<vmem>>)
      tpu.yield
    }) : () -> ()
    %barrier3A_98 = arith.constant 0 : index
    tpu.barrier barrier_id(%barrier3A_98)
    %lt3A_99 = arith.constant 2 : i32
    %lt3A_100 = arith.cmpi slt, %arg1, %lt3A_99 : i32
    %convert_element_type3A_101 = arith.extui %lt3A_100 : i1 to i32
    %cond3A_102 = arith.constant 0 : i32
    %cond3A_103 = arith.cmpi ne, %convert_element_type3A_101, %cond3A_102 : i32
    scf.if %cond3A_103 {
      %add3A_175 = arith.constant 1248 : i32
      %add3A_176 = arith.addi %add3A_175, %arg1 : i32
      %run_scoped3A = arith.constant 0 : i32
      "tpu.region"() ({
        %run_scoped3A_182 = tpu.sem_alloc : memref<!tpu.dma_semaphore, #tpu.memory_space<semaphore_mem>>
        %dma_start3A_183 = arith.constant 0 : i32
        %dma_start3A_184 = tpu.memref_slice %arg4[%add3A_176, %run_scoped3A, %dma_start3A_183] : memref<1250x1x128xi32, #tpu.memory_space<hbm>> -> memref<1x1x128xi32, #tpu.memory_space<hbm>>
        %dma_start3A_185 = tpu.memref_squeeze %dma_start3A_184 : memref<1x1x128xi32, #tpu.memory_space<hbm>> -> memref<128xi32, #tpu.memory_space<hbm>>
        %dma_start3A_186 = arith.constant 0 : i32
        %dma_start3A_187 = tpu.memref_slice %arg4[%add3A_176, %run_scoped3A, %dma_start3A_186] : memref<1250x1x128xi32, #tpu.memory_space<hbm>> -> memref<1x1x128xi32, #tpu.memory_space<hbm>>
        %dma_start3A_188 = tpu.memref_squeeze %dma_start3A_187 : memref<1x1x128xi32, #tpu.memory_space<hbm>> -> memref<128xi32, #tpu.memory_space<hbm>>
        tpu.enqueue_dma source(%dma_start3A_188 : memref<128xi32, #tpu.memory_space<hbm>>) target(%arg8 : memref<128xi32, #tpu.memory_space<vmem>>) target_semaphore(%run_scoped3A_182 : memref<!tpu.dma_semaphore, #tpu.memory_space<semaphore_mem>>)
        %dma_wait3A_189 = arith.constant 0 : i32
        %dma_wait3A_190 = tpu.memref_slice %arg4[%add3A_176, %run_scoped3A, %dma_wait3A_189] : memref<1250x1x128xi32, #tpu.memory_space<hbm>> -> memref<1x1x128xi32, #tpu.memory_space<hbm>>
        %dma_wait3A_191 = tpu.memref_squeeze %dma_wait3A_190 : memref<1x1x128xi32, #tpu.memory_space<hbm>> -> memref<128xi32, #tpu.memory_space<hbm>>
        %dma_wait3A_192 = arith.constant 0 : i32
        %dma_wait3A_193 = tpu.memref_slice %arg4[%add3A_176, %run_scoped3A, %dma_wait3A_192] : memref<1250x1x128xi32, #tpu.memory_space<hbm>> -> memref<1x1x128xi32, #tpu.memory_space<hbm>>
        %dma_wait3A_194 = tpu.memref_squeeze %dma_wait3A_193 : memref<1x1x128xi32, #tpu.memory_space<hbm>> -> memref<128xi32, #tpu.memory_space<hbm>>
        tpu.wait_dma2 semaphore(%run_scoped3A_182 : memref<!tpu.dma_semaphore, #tpu.memory_space<semaphore_mem>>) src(%dma_wait3A_194 : memref<128xi32, #tpu.memory_space<hbm>>) dst(%arg8 : memref<128xi32, #tpu.memory_space<vmem>>)
        tpu.yield
      }) : () -> ()
      "tpu.region"() ({
        %run_scoped3A_182 = tpu.sem_alloc : memref<!tpu.dma_semaphore, #tpu.memory_space<semaphore_mem>>
        %dma_start3A_183 = arith.constant 0 : i32
        %dma_start3A_184 = arith.constant 0 : i32
        %dma_start3A_185 = tpu.memref_slice %arg3[%add3A_86, %dma_start3A_183, %dma_start3A_184] : memref<8x1250x128xi32, #tpu.memory_space<hbm>> -> memref<1x1250x128xi32, #tpu.memory_space<hbm>>
        %dma_start3A_186 = tpu.memref_squeeze %dma_start3A_185 : memref<1x1250x128xi32, #tpu.memory_space<hbm>> -> memref<1250x128xi32, #tpu.memory_space<hbm>>
        %dma_start3A_187 = arith.constant 0 : i32
        %dma_start3A_188 = tpu.memref_slice %dma_start3A_186[%add3A_176, %dma_start3A_187] : memref<1250x128xi32, #tpu.memory_space<hbm>> -> memref<1x128xi32, #tpu.memory_space<hbm>>
        %dma_start3A_189 = tpu.memref_squeeze %dma_start3A_188 : memref<1x128xi32, #tpu.memory_space<hbm>> -> memref<128xi32, #tpu.memory_space<hbm>>
        %dma_start3A_190 = arith.constant 0 : i32
        %dma_start3A_191 = arith.constant 0 : i32
        %dma_start3A_192 = tpu.memref_slice %arg3[%add3A_86, %dma_start3A_190, %dma_start3A_191] : memref<8x1250x128xi32, #tpu.memory_space<hbm>> -> memref<1x1250x128xi32, #tpu.memory_space<hbm>>
        %dma_start3A_193 = tpu.memref_squeeze %dma_start3A_192 : memref<1x1250x128xi32, #tpu.memory_space<hbm>> -> memref<1250x128xi32, #tpu.memory_space<hbm>>
        %dma_start3A_194 = arith.constant 0 : i32
        %dma_start3A_195 = tpu.memref_slice %dma_start3A_193[%add3A_176, %dma_start3A_194] : memref<1250x128xi32, #tpu.memory_space<hbm>> -> memref<1x128xi32, #tpu.memory_space<hbm>>
        %dma_start3A_196 = tpu.memref_squeeze %dma_start3A_195 : memref<1x128xi32, #tpu.memory_space<hbm>> -> memref<128xi32, #tpu.memory_space<hbm>>
        tpu.enqueue_dma source(%dma_start3A_196 : memref<128xi32, #tpu.memory_space<hbm>>) target(%arg9 : memref<128xi32, #tpu.memory_space<vmem>>) target_semaphore(%run_scoped3A_182 : memref<!tpu.dma_semaphore, #tpu.memory_space<semaphore_mem>>)
        %dma_wait3A_197 = arith.constant 0 : i32
        %dma_wait3A_198 = arith.constant 0 : i32
        %dma_wait3A_199 = tpu.memref_slice %arg3[%add3A_86, %dma_wait3A_197, %dma_wait3A_198] : memref<8x1250x128xi32, #tpu.memory_space<hbm>> -> memref<1x1250x128xi32, #tpu.memory_space<hbm>>
        %dma_wait3A_200 = tpu.memref_squeeze %dma_wait3A_199 : memref<1x1250x128xi32, #tpu.memory_space<hbm>> -> memref<1250x128xi32, #tpu.memory_space<hbm>>
        %dma_wait3A_201 = arith.constant 0 : i32
        %dma_wait3A_202 = tpu.memref_slice %dma_wait3A_200[%add3A_176, %dma_wait3A_201] : memref<1250x128xi32, #tpu.memory_space<hbm>> -> memref<1x128xi32, #tpu.memory_space<hbm>>
        %dma_wait3A_203 = tpu.memref_squeeze %dma_wait3A_202 : memref<1x128xi32, #tpu.memory_space<hbm>> -> memref<128xi32, #tpu.memory_space<hbm>>
        %dma_wait3A_204 = arith.constant 0 : i32
        %dma_wait3A_205 = arith.constant 0 : i32
        %dma_wait3A_206 = tpu.memref_slice %arg3[%add3A_86, %dma_wait3A_204, %dma_wait3A_205] : memref<8x1250x128xi32, #tpu.memory_space<hbm>> -> memref<1x1250x128xi32, #tpu.memory_space<hbm>>
        %dma_wait3A_207 = tpu.memref_squeeze %dma_wait3A_206 : memref<1x1250x128xi32, #tpu.memory_space<hbm>> -> memref<1250x128xi32, #tpu.memory_space<hbm>>
        %dma_wait3A_208 = arith.constant 0 : i32
        %dma_wait3A_209 = tpu.memref_slice %dma_wait3A_207[%add3A_176, %dma_wait3A_208] : memref<1250x128xi32, #tpu.memory_space<hbm>> -> memref<1x128xi32, #tpu.memory_space<hbm>>
        %dma_wait3A_210 = tpu.memref_squeeze %dma_wait3A_209 : memref<1x128xi32, #tpu.memory_space<hbm>> -> memref<128xi32, #tpu.memory_space<hbm>>
        tpu.wait_dma2 semaphore(%run_scoped3A_182 : memref<!tpu.dma_semaphore, #tpu.memory_space<semaphore_mem>>) src(%dma_wait3A_210 : memref<128xi32, #tpu.memory_space<hbm>>) dst(%arg9 : memref<128xi32, #tpu.memory_space<vmem>>)
        tpu.yield
      }) : () -> ()
      %dma_start3A_177 = arith.constant 0 : i32
      %dma_start3A_178 = arith.constant 0 : i32
      %dma_start3A_179 = tpu.memref_slice %arg2[%dma_start3A_177, %dma_start3A_178] : memref<80000x128xf32, #tpu.memory_space<hbm>> -> memref<80000x128xf32, #tpu.memory_space<hbm>>
      tpu.enqueue_indirect_dma source(%dma_start3A_179 : memref<80000x128xf32, #tpu.memory_space<hbm>>) target(%arg10 : memref<128x128xf32, #tpu.memory_space<vmem>>) offsets(%arg9 : memref<128xi32, #tpu.memory_space<vmem>>) semaphore(%arg13 : memref<!tpu.dma_semaphore, #tpu.memory_space<semaphore_mem>>)
      %dma_wait3A = arith.constant 0 : i32
      %dma_wait3A_180 = arith.constant 0 : i32
      %dma_wait3A_181 = tpu.memref_slice %arg2[%dma_wait3A, %dma_wait3A_180] : memref<80000x128xf32, #tpu.memory_space<hbm>> -> memref<80000x128xf32, #tpu.memory_space<hbm>>
      tpu.wait_indirect_dma semaphore(%arg13 : memref<!tpu.dma_semaphore, #tpu.memory_space<semaphore_mem>>) src(%dma_wait3A_181 : memref<80000x128xf32, #tpu.memory_space<hbm>>) dst(%arg10 : memref<128x128xf32, #tpu.memory_space<vmem>>)
      "tpu.region"() ({
        %run_scoped3A_182 = tpu.sem_alloc : memref<!tpu.dma_semaphore, #tpu.memory_space<semaphore_mem>>
        %dma_start3A_183 = arith.constant 0 : i32
        %dma_start3A_184 = arith.constant 0 : i32
        %dma_start3A_185 = tpu.memref_slice %arg12[%dma_start3A_183, %dma_start3A_184] : memref<10000x128xf32, #tpu.memory_space<vmem_shared>> -> memref<10000x128xf32, #tpu.memory_space<vmem_shared>>
        tpu.enqueue_indirect_dma source(%arg10 : memref<128x128xf32, #tpu.memory_space<vmem>>) target(%dma_start3A_185 : memref<10000x128xf32, #tpu.memory_space<vmem_shared>>) offsets(%arg8 : memref<128xi32, #tpu.memory_space<vmem>>) semaphore(%run_scoped3A_182 : memref<!tpu.dma_semaphore, #tpu.memory_space<semaphore_mem>>) {add = true}
        %dma_wait3A_186 = arith.constant 0 : i32
        %dma_wait3A_187 = arith.constant 0 : i32
        %dma_wait3A_188 = tpu.memref_slice %arg12[%dma_wait3A_186, %dma_wait3A_187] : memref<10000x128xf32, #tpu.memory_space<vmem_shared>> -> memref<10000x128xf32, #tpu.memory_space<vmem_shared>>
        tpu.wait_indirect_dma semaphore(%run_scoped3A_182 : memref<!tpu.dma_semaphore, #tpu.memory_space<semaphore_mem>>) src(%arg10 : memref<128x128xf32, #tpu.memory_space<vmem>>) dst(%dma_wait3A_188 : memref<10000x128xf32, #tpu.memory_space<vmem_shared>>)
        tpu.yield
      }) : () -> ()
    } else {
    }
    %dma_start3A_104 = arith.constant 0 : i32
    %dma_start3A_105 = arith.constant 0 : i32
    %dma_start3A_106 = tpu.memref_slice %arg7[%dma_start3A_104, %dma_start3A_105] : memref<78x128xi32, #tpu.memory_space<vmem>> -> memref<1x128xi32, #tpu.memory_space<vmem>>
    %dma_start3A_107 = tpu.memref_squeeze %dma_start3A_106 : memref<1x128xi32, #tpu.memory_space<vmem>> -> memref<128xi32, #tpu.memory_space<vmem>>
    %dma_start3A_108 = arith.constant 0 : i32
    %dma_start3A_109 = arith.constant 0 : i32
    %dma_start3A_110 = tpu.memref_slice %arg2[%dma_start3A_108, %dma_start3A_109] : memref<80000x128xf32, #tpu.memory_space<hbm>> -> memref<80000x128xf32, #tpu.memory_space<hbm>>
    tpu.enqueue_indirect_dma source(%dma_start3A_110 : memref<80000x128xf32, #tpu.memory_space<hbm>>) target(%arg10 : memref<128x128xf32, #tpu.memory_space<vmem>>) offsets(%dma_start3A_107 : memref<128xi32, #tpu.memory_space<vmem>>) semaphore(%arg13 : memref<!tpu.dma_semaphore, #tpu.memory_space<semaphore_mem>>)
    %scan3A_111 = arith.constant 0 : i32
    %scan3A_112 = arith.constant 0 : i32
    %scan3A_113 = arith.constant 39 : i32
    %scan3A_114 = arith.addi %scan3A_112, %scan3A_113 : i32
    %scan3A_115 = arith.constant 1 : i32
    %scan3A_116 = scf.for %scan3A_175 = %scan3A_112 to %scan3A_114 step %scan3A_115 iter_args(%scan3A_176 = %scan3A_111) -> (i32)  : i32 {
      %mul3A_177 = arith.constant 2 : i32
      %mul3A_178 = arith.muli %mul3A_177, %scan3A_175 : i32
      %add3A_179 = arith.constant 1 : i32
      %add3A_180 = arith.addi %mul3A_178, %add3A_179 : i32
      %dma_start3A_181 = arith.constant 0 : i32
      %dma_start3A_182 = tpu.memref_slice %arg7[%add3A_180, %dma_start3A_181] : memref<78x128xi32, #tpu.memory_space<vmem>> -> memref<1x128xi32, #tpu.memory_space<vmem>>
      %dma_start3A_183 = tpu.memref_squeeze %dma_start3A_182 : memref<1x128xi32, #tpu.memory_space<vmem>> -> memref<128xi32, #tpu.memory_space<vmem>>
      %dma_start3A_184 = arith.constant 0 : i32
      %dma_start3A_185 = arith.constant 0 : i32
      %dma_start3A_186 = tpu.memref_slice %arg2[%dma_start3A_184, %dma_start3A_185] : memref<80000x128xf32, #tpu.memory_space<hbm>> -> memref<80000x128xf32, #tpu.memory_space<hbm>>
      tpu.enqueue_indirect_dma source(%dma_start3A_186 : memref<80000x128xf32, #tpu.memory_space<hbm>>) target(%arg11 : memref<128x128xf32, #tpu.memory_space<vmem>>) offsets(%dma_start3A_183 : memref<128xi32, #tpu.memory_space<vmem>>) semaphore(%arg14 : memref<!tpu.dma_semaphore, #tpu.memory_space<semaphore_mem>>)
      %mul3A_187 = arith.constant 78 : i32
      %mul3A_188 = arith.muli %arg1, %mul3A_187 : i32
      %add3A_189 = arith.addi %mul3A_188, %mul3A_178 : i32
      %run_scoped3A = arith.constant 0 : i32
      "tpu.region"() ({
        %run_scoped3A_215 = tpu.sem_alloc : memref<!tpu.dma_semaphore, #tpu.memory_space<semaphore_mem>>
        %dma_start3A_216 = arith.constant 0 : i32
        %dma_start3A_217 = tpu.memref_slice %arg4[%add3A_189, %run_scoped3A, %dma_start3A_216] : memref<1250x1x128xi32, #tpu.memory_space<hbm>> -> memref<1x1x128xi32, #tpu.memory_space<hbm>>
        %dma_start3A_218 = tpu.memref_squeeze %dma_start3A_217 : memref<1x1x128xi32, #tpu.memory_space<hbm>> -> memref<128xi32, #tpu.memory_space<hbm>>
        %dma_start3A_219 = arith.constant 0 : i32
        %dma_start3A_220 = tpu.memref_slice %arg4[%add3A_189, %run_scoped3A, %dma_start3A_219] : memref<1250x1x128xi32, #tpu.memory_space<hbm>> -> memref<1x1x128xi32, #tpu.memory_space<hbm>>
        %dma_start3A_221 = tpu.memref_squeeze %dma_start3A_220 : memref<1x1x128xi32, #tpu.memory_space<hbm>> -> memref<128xi32, #tpu.memory_space<hbm>>
        tpu.enqueue_dma source(%dma_start3A_221 : memref<128xi32, #tpu.memory_space<hbm>>) target(%arg8 : memref<128xi32, #tpu.memory_space<vmem>>) target_semaphore(%run_scoped3A_215 : memref<!tpu.dma_semaphore, #tpu.memory_space<semaphore_mem>>)
        %dma_wait3A_222 = arith.constant 0 : i32
        %dma_wait3A_223 = tpu.memref_slice %arg4[%add3A_189, %run_scoped3A, %dma_wait3A_222] : memref<1250x1x128xi32, #tpu.memory_space<hbm>> -> memref<1x1x128xi32, #tpu.memory_space<hbm>>
        %dma_wait3A_224 = tpu.memref_squeeze %dma_wait3A_223 : memref<1x1x128xi32, #tpu.memory_space<hbm>> -> memref<128xi32, #tpu.memory_space<hbm>>
        %dma_wait3A_225 = arith.constant 0 : i32
        %dma_wait3A_226 = tpu.memref_slice %arg4[%add3A_189, %run_scoped3A, %dma_wait3A_225] : memref<1250x1x128xi32, #tpu.memory_space<hbm>> -> memref<1x1x128xi32, #tpu.memory_space<hbm>>
        %dma_wait3A_227 = tpu.memref_squeeze %dma_wait3A_226 : memref<1x1x128xi32, #tpu.memory_space<hbm>> -> memref<128xi32, #tpu.memory_space<hbm>>
        tpu.wait_dma2 semaphore(%run_scoped3A_215 : memref<!tpu.dma_semaphore, #tpu.memory_space<semaphore_mem>>) src(%dma_wait3A_227 : memref<128xi32, #tpu.memory_space<hbm>>) dst(%arg8 : memref<128xi32, #tpu.memory_space<vmem>>)
        tpu.yield
      }) : () -> ()
      %dma_wait3A = arith.constant 0 : i32
      %dma_wait3A_190 = tpu.memref_slice %arg7[%mul3A_178, %dma_wait3A] : memref<78x128xi32, #tpu.memory_space<vmem>> -> memref<1x128xi32, #tpu.memory_space<vmem>>
      %dma_wait3A_191 = tpu.memref_squeeze %dma_wait3A_190 : memref<1x128xi32, #tpu.memory_space<vmem>> -> memref<128xi32, #tpu.memory_space<vmem>>
      %dma_wait3A_192 = arith.constant 0 : i32
      %dma_wait3A_193 = arith.constant 0 : i32
      %dma_wait3A_194 = tpu.memref_slice %arg2[%dma_wait3A_192, %dma_wait3A_193] : memref<80000x128xf32, #tpu.memory_space<hbm>> -> memref<80000x128xf32, #tpu.memory_space<hbm>>
      tpu.wait_indirect_dma semaphore(%arg13 : memref<!tpu.dma_semaphore, #tpu.memory_space<semaphore_mem>>) src(%dma_wait3A_194 : memref<80000x128xf32, #tpu.memory_space<hbm>>) dst(%arg10 : memref<128x128xf32, #tpu.memory_space<vmem>>)
      "tpu.region"() ({
        %run_scoped3A_215 = tpu.sem_alloc : memref<!tpu.dma_semaphore, #tpu.memory_space<semaphore_mem>>
        %dma_start3A_216 = arith.constant 0 : i32
        %dma_start3A_217 = arith.constant 0 : i32
        %dma_start3A_218 = tpu.memref_slice %arg12[%dma_start3A_216, %dma_start3A_217] : memref<10000x128xf32, #tpu.memory_space<vmem_shared>> -> memref<10000x128xf32, #tpu.memory_space<vmem_shared>>
        tpu.enqueue_indirect_dma source(%arg10 : memref<128x128xf32, #tpu.memory_space<vmem>>) target(%dma_start3A_218 : memref<10000x128xf32, #tpu.memory_space<vmem_shared>>) offsets(%arg8 : memref<128xi32, #tpu.memory_space<vmem>>) semaphore(%run_scoped3A_215 : memref<!tpu.dma_semaphore, #tpu.memory_space<semaphore_mem>>) {add = true}
        %dma_wait3A_219 = arith.constant 0 : i32
        %dma_wait3A_220 = arith.constant 0 : i32
        %dma_wait3A_221 = tpu.memref_slice %arg12[%dma_wait3A_219, %dma_wait3A_220] : memref<10000x128xf32, #tpu.memory_space<vmem_shared>> -> memref<10000x128xf32, #tpu.memory_space<vmem_shared>>
        tpu.wait_indirect_dma semaphore(%run_scoped3A_215 : memref<!tpu.dma_semaphore, #tpu.memory_space<semaphore_mem>>) src(%arg10 : memref<128x128xf32, #tpu.memory_space<vmem>>) dst(%dma_wait3A_221 : memref<10000x128xf32, #tpu.memory_space<vmem_shared>>)
        tpu.yield
      }) : () -> ()
      %lt3A_195 = arith.constant 38 : i32
      %lt3A_196 = arith.cmpi slt, %scan3A_175, %lt3A_195 : i32
      %convert_element_type3A_197 = arith.extui %lt3A_196 : i1 to i32
      %cond3A_198 = arith.constant 0 : i32
      %cond3A_199 = arith.cmpi ne, %convert_element_type3A_197, %cond3A_198 : i32
      scf.if %cond3A_199 {
        %add3A_215 = arith.constant 2 : i32
        %add3A_216 = arith.addi %mul3A_178, %add3A_215 : i32
        %dma_start3A_217 = arith.constant 0 : i32
        %dma_start3A_218 = tpu.memref_slice %arg7[%add3A_216, %dma_start3A_217] : memref<78x128xi32, #tpu.memory_space<vmem>> -> memref<1x128xi32, #tpu.memory_space<vmem>>
        %dma_start3A_219 = tpu.memref_squeeze %dma_start3A_218 : memref<1x128xi32, #tpu.memory_space<vmem>> -> memref<128xi32, #tpu.memory_space<vmem>>
        %dma_start3A_220 = arith.constant 0 : i32
        %dma_start3A_221 = arith.constant 0 : i32
        %dma_start3A_222 = tpu.memref_slice %arg2[%dma_start3A_220, %dma_start3A_221] : memref<80000x128xf32, #tpu.memory_space<hbm>> -> memref<80000x128xf32, #tpu.memory_space<hbm>>
        tpu.enqueue_indirect_dma source(%dma_start3A_222 : memref<80000x128xf32, #tpu.memory_space<hbm>>) target(%arg10 : memref<128x128xf32, #tpu.memory_space<vmem>>) offsets(%dma_start3A_219 : memref<128xi32, #tpu.memory_space<vmem>>) semaphore(%arg13 : memref<!tpu.dma_semaphore, #tpu.memory_space<semaphore_mem>>)
      } else {
      }
      %mul3A_200 = arith.constant 78 : i32
      %mul3A_201 = arith.muli %arg1, %mul3A_200 : i32
      %add3A_202 = arith.addi %mul3A_201, %mul3A_178 : i32
      %add3A_203 = arith.constant 1 : i32
      %add3A_204 = arith.addi %add3A_202, %add3A_203 : i32
      %run_scoped3A_205 = arith.constant 0 : i32
      "tpu.region"() ({
        %run_scoped3A_215 = tpu.sem_alloc : memref<!tpu.dma_semaphore, #tpu.memory_space<semaphore_mem>>
        %dma_start3A_216 = arith.constant 0 : i32
        %dma_start3A_217 = tpu.memref_slice %arg4[%add3A_204, %run_scoped3A_205, %dma_start3A_216] : memref<1250x1x128xi32, #tpu.memory_space<hbm>> -> memref<1x1x128xi32, #tpu.memory_space<hbm>>
        %dma_start3A_218 = tpu.memref_squeeze %dma_start3A_217 : memref<1x1x128xi32, #tpu.memory_space<hbm>> -> memref<128xi32, #tpu.memory_space<hbm>>
        %dma_start3A_219 = arith.constant 0 : i32
        %dma_start3A_220 = tpu.memref_slice %arg4[%add3A_204, %run_scoped3A_205, %dma_start3A_219] : memref<1250x1x128xi32, #tpu.memory_space<hbm>> -> memref<1x1x128xi32, #tpu.memory_space<hbm>>
        %dma_start3A_221 = tpu.memref_squeeze %dma_start3A_220 : memref<1x1x128xi32, #tpu.memory_space<hbm>> -> memref<128xi32, #tpu.memory_space<hbm>>
        tpu.enqueue_dma source(%dma_start3A_221 : memref<128xi32, #tpu.memory_space<hbm>>) target(%arg9 : memref<128xi32, #tpu.memory_space<vmem>>) target_semaphore(%run_scoped3A_215 : memref<!tpu.dma_semaphore, #tpu.memory_space<semaphore_mem>>)
        %dma_wait3A_222 = arith.constant 0 : i32
        %dma_wait3A_223 = tpu.memref_slice %arg4[%add3A_204, %run_scoped3A_205, %dma_wait3A_222] : memref<1250x1x128xi32, #tpu.memory_space<hbm>> -> memref<1x1x128xi32, #tpu.memory_space<hbm>>
        %dma_wait3A_224 = tpu.memref_squeeze %dma_wait3A_223 : memref<1x1x128xi32, #tpu.memory_space<hbm>> -> memref<128xi32, #tpu.memory_space<hbm>>
        %dma_wait3A_225 = arith.constant 0 : i32
        %dma_wait3A_226 = tpu.memref_slice %arg4[%add3A_204, %run_scoped3A_205, %dma_wait3A_225] : memref<1250x1x128xi32, #tpu.memory_space<hbm>> -> memref<1x1x128xi32, #tpu.memory_space<hbm>>
        %dma_wait3A_227 = tpu.memref_squeeze %dma_wait3A_226 : memref<1x1x128xi32, #tpu.memory_space<hbm>> -> memref<128xi32, #tpu.memory_space<hbm>>
        tpu.wait_dma2 semaphore(%run_scoped3A_215 : memref<!tpu.dma_semaphore, #tpu.memory_space<semaphore_mem>>) src(%dma_wait3A_227 : memref<128xi32, #tpu.memory_space<hbm>>) dst(%arg9 : memref<128xi32, #tpu.memory_space<vmem>>)
        tpu.yield
      }) : () -> ()
      %add3A_206 = arith.constant 1 : i32
      %add3A_207 = arith.addi %mul3A_178, %add3A_206 : i32
      %dma_wait3A_208 = arith.constant 0 : i32
      %dma_wait3A_209 = tpu.memref_slice %arg7[%add3A_207, %dma_wait3A_208] : memref<78x128xi32, #tpu.memory_space<vmem>> -> memref<1x128xi32, #tpu.memory_space<vmem>>
      %dma_wait3A_210 = tpu.memref_squeeze %dma_wait3A_209 : memref<1x128xi32, #tpu.memory_space<vmem>> -> memref<128xi32, #tpu.memory_space<vmem>>
      %dma_wait3A_211 = arith.constant 0 : i32
      %dma_wait3A_212 = arith.constant 0 : i32
      %dma_wait3A_213 = tpu.memref_slice %arg2[%dma_wait3A_211, %dma_wait3A_212] : memref<80000x128xf32, #tpu.memory_space<hbm>> -> memref<80000x128xf32, #tpu.memory_space<hbm>>
      tpu.wait_indirect_dma semaphore(%arg14 : memref<!tpu.dma_semaphore, #tpu.memory_space<semaphore_mem>>) src(%dma_wait3A_213 : memref<80000x128xf32, #tpu.memory_space<hbm>>) dst(%arg11 : memref<128x128xf32, #tpu.memory_space<vmem>>)
      "tpu.region"() ({
        %run_scoped3A_215 = tpu.sem_alloc : memref<!tpu.dma_semaphore, #tpu.memory_space<semaphore_mem>>
        %dma_start3A_216 = arith.constant 0 : i32
        %dma_start3A_217 = arith.constant 0 : i32
        %dma_start3A_218 = tpu.memref_slice %arg12[%dma_start3A_216, %dma_start3A_217] : memref<10000x128xf32, #tpu.memory_space<vmem_shared>> -> memref<10000x128xf32, #tpu.memory_space<vmem_shared>>
        tpu.enqueue_indirect_dma source(%arg11 : memref<128x128xf32, #tpu.memory_space<vmem>>) target(%dma_start3A_218 : memref<10000x128xf32, #tpu.memory_space<vmem_shared>>) offsets(%arg9 : memref<128xi32, #tpu.memory_space<vmem>>) semaphore(%run_scoped3A_215 : memref<!tpu.dma_semaphore, #tpu.memory_space<semaphore_mem>>) {add = true}
        %dma_wait3A_219 = arith.constant 0 : i32
        %dma_wait3A_220 = arith.constant 0 : i32
        %dma_wait3A_221 = tpu.memref_slice %arg12[%dma_wait3A_219, %dma_wait3A_220] : memref<10000x128xf32, #tpu.memory_space<vmem_shared>> -> memref<10000x128xf32, #tpu.memory_space<vmem_shared>>
        tpu.wait_indirect_dma semaphore(%run_scoped3A_215 : memref<!tpu.dma_semaphore, #tpu.memory_space<semaphore_mem>>) src(%arg11 : memref<128x128xf32, #tpu.memory_space<vmem>>) dst(%dma_wait3A_221 : memref<10000x128xf32, #tpu.memory_space<vmem_shared>>)
        tpu.yield
      }) : () -> ()
      %scan3A_214 = arith.constant 0 : i32
      scf.yield %scan3A_214 : i32
    }
    %scan3A_117 = arith.constant 39 : i32
    %barrier3A_118 = arith.constant 0 : index
    tpu.barrier barrier_id(%barrier3A_118)
    %mul3A_119 = arith.constant 624 : i32
    %mul3A_120 = arith.muli %arg1, %mul3A_119 : i32
    %mul3A_121 = arith.constant 624 : i32
    %mul3A_122 = arith.muli %arg1, %mul3A_121 : i32
    "tpu.region"() ({
      %run_scoped3A = tpu.sem_alloc : memref<!tpu.dma_semaphore, #tpu.memory_space<semaphore_mem>>
      %dma_start3A_175 = arith.constant 0 : i32
      %dma_start3A_176 = arith.constant 0 : i32
      %dma_start3A_177 = tpu.memref_slice %arg6[%add3A_86, %dma_start3A_175, %dma_start3A_176] : memref<8x10000x128xf32, #tpu.memory_space<hbm>> -> memref<1x10000x128xf32, #tpu.memory_space<hbm>>
      %dma_start3A_178 = tpu.memref_squeeze %dma_start3A_177 : memref<1x10000x128xf32, #tpu.memory_space<hbm>> -> memref<10000x128xf32, #tpu.memory_space<hbm>>
      %dma_start3A_179 = arith.constant 0 : i32
      %dma_start3A_180 = tpu.memref_slice %dma_start3A_178[%mul3A_122, %dma_start3A_179] : memref<10000x128xf32, #tpu.memory_space<hbm>> -> memref<624x128xf32, #tpu.memory_space<hbm>>
      %dma_start3A_181 = arith.constant 0 : i32
      %dma_start3A_182 = tpu.memref_slice %arg12[%mul3A_120, %dma_start3A_181] : memref<10000x128xf32, #tpu.memory_space<vmem_shared>> -> memref<624x128xf32, #tpu.memory_space<vmem_shared>>
      tpu.enqueue_dma source(%dma_start3A_182 : memref<624x128xf32, #tpu.memory_space<vmem_shared>>) target(%dma_start3A_180 : memref<624x128xf32, #tpu.memory_space<hbm>>) target_semaphore(%run_scoped3A : memref<!tpu.dma_semaphore, #tpu.memory_space<semaphore_mem>>)
      %dma_wait3A = arith.constant 0 : i32
      %dma_wait3A_183 = arith.constant 0 : i32
      %dma_wait3A_184 = tpu.memref_slice %arg6[%add3A_86, %dma_wait3A, %dma_wait3A_183] : memref<8x10000x128xf32, #tpu.memory_space<hbm>> -> memref<1x10000x128xf32, #tpu.memory_space<hbm>>
      %dma_wait3A_185 = tpu.memref_squeeze %dma_wait3A_184 : memref<1x10000x128xf32, #tpu.memory_space<hbm>> -> memref<10000x128xf32, #tpu.memory_space<hbm>>
      %dma_wait3A_186 = arith.constant 0 : i32
      %dma_wait3A_187 = tpu.memref_slice %dma_wait3A_185[%mul3A_122, %dma_wait3A_186] : memref<10000x128xf32, #tpu.memory_space<hbm>> -> memref<624x128xf32, #tpu.memory_space<hbm>>
      %dma_wait3A_188 = arith.constant 0 : i32
      %dma_wait3A_189 = tpu.memref_slice %arg12[%mul3A_120, %dma_wait3A_188] : memref<10000x128xf32, #tpu.memory_space<vmem_shared>> -> memref<624x128xf32, #tpu.memory_space<vmem_shared>>
      tpu.wait_dma2 semaphore(%run_scoped3A : memref<!tpu.dma_semaphore, #tpu.memory_space<semaphore_mem>>) src(%dma_wait3A_189 : memref<624x128xf32, #tpu.memory_space<vmem_shared>>) dst(%dma_wait3A_187 : memref<624x128xf32, #tpu.memory_space<hbm>>)
      tpu.yield
    }) : () -> ()
    %eq3A_123 = arith.constant 0 : i32
    %eq3A_124 = arith.cmpi eq, %arg1, %eq3A_123 : i32
    %convert_element_type3A_125 = arith.extui %eq3A_124 : i1 to i32
    %cond3A_126 = arith.constant 0 : i32
    %cond3A_127 = arith.cmpi ne, %convert_element_type3A_125, %cond3A_126 : i32
    scf.if %cond3A_127 {
      "tpu.region"() ({
        %run_scoped3A = tpu.sem_alloc : memref<!tpu.dma_semaphore, #tpu.memory_space<semaphore_mem>>
        %dma_start3A_175 = arith.constant 0 : i32
        %dma_start3A_176 = arith.constant 0 : i32
        %dma_start3A_177 = tpu.memref_slice %arg6[%add3A_86, %dma_start3A_175, %dma_start3A_176] : memref<8x10000x128xf32, #tpu.memory_space<hbm>> -> memref<1x10000x128xf32, #tpu.memory_space<hbm>>
        %dma_start3A_178 = tpu.memref_squeeze %dma_start3A_177 : memref<1x10000x128xf32, #tpu.memory_space<hbm>> -> memref<10000x128xf32, #tpu.memory_space<hbm>>
        %dma_start3A_179 = arith.constant 9984 : i32
        %dma_start3A_180 = arith.constant 0 : i32
        %dma_start3A_181 = tpu.memref_slice %dma_start3A_178[%dma_start3A_179, %dma_start3A_180] : memref<10000x128xf32, #tpu.memory_space<hbm>> -> memref<16x128xf32, #tpu.memory_space<hbm>>
        %dma_start3A_182 = arith.constant 9984 : i32
        %dma_start3A_183 = arith.constant 0 : i32
        %dma_start3A_184 = tpu.memref_slice %arg12[%dma_start3A_182, %dma_start3A_183] : memref<10000x128xf32, #tpu.memory_space<vmem_shared>> -> memref<16x128xf32, #tpu.memory_space<vmem_shared>>
        tpu.enqueue_dma source(%dma_start3A_184 : memref<16x128xf32, #tpu.memory_space<vmem_shared>>) target(%dma_start3A_181 : memref<16x128xf32, #tpu.memory_space<hbm>>) target_semaphore(%run_scoped3A : memref<!tpu.dma_semaphore, #tpu.memory_space<semaphore_mem>>)
        %dma_wait3A = arith.constant 0 : i32
        %dma_wait3A_185 = arith.constant 0 : i32
        %dma_wait3A_186 = tpu.memref_slice %arg6[%add3A_86, %dma_wait3A, %dma_wait3A_185] : memref<8x10000x128xf32, #tpu.memory_space<hbm>> -> memref<1x10000x128xf32, #tpu.memory_space<hbm>>
        %dma_wait3A_187 = tpu.memref_squeeze %dma_wait3A_186 : memref<1x10000x128xf32, #tpu.memory_space<hbm>> -> memref<10000x128xf32, #tpu.memory_space<hbm>>
        %dma_wait3A_188 = arith.constant 9984 : i32
        %dma_wait3A_189 = arith.constant 0 : i32
        %dma_wait3A_190 = tpu.memref_slice %dma_wait3A_187[%dma_wait3A_188, %dma_wait3A_189] : memref<10000x128xf32, #tpu.memory_space<hbm>> -> memref<16x128xf32, #tpu.memory_space<hbm>>
        %dma_wait3A_191 = arith.constant 9984 : i32
        %dma_wait3A_192 = arith.constant 0 : i32
        %dma_wait3A_193 = tpu.memref_slice %arg12[%dma_wait3A_191, %dma_wait3A_192] : memref<10000x128xf32, #tpu.memory_space<vmem_shared>> -> memref<16x128xf32, #tpu.memory_space<vmem_shared>>
        tpu.wait_dma2 semaphore(%run_scoped3A : memref<!tpu.dma_semaphore, #tpu.memory_space<semaphore_mem>>) src(%dma_wait3A_193 : memref<16x128xf32, #tpu.memory_space<vmem_shared>>) dst(%dma_wait3A_190 : memref<16x128xf32, #tpu.memory_space<hbm>>)
        tpu.yield
      }) : () -> ()
    } else {
    }
    %barrier3A_128 = arith.constant 0 : index
    tpu.barrier barrier_id(%barrier3A_128)
    %mul3A_129 = arith.constant 4 : i32
    %mul3A_130 = arith.muli %arg0, %mul3A_129 : i32
    %add3A_131 = arith.constant 3 : i32
    %add3A_132 = arith.addi %mul3A_130, %add3A_131 : i32
    %mul3A_133 = arith.constant 624 : i32
    %mul3A_134 = arith.muli %arg1, %mul3A_133 : i32
    %mul3A_135 = arith.constant 624 : i32
    %mul3A_136 = arith.muli %arg1, %mul3A_135 : i32
    "tpu.region"() ({
      %run_scoped3A = tpu.sem_alloc : memref<!tpu.dma_semaphore, #tpu.memory_space<semaphore_mem>>
      %dma_start3A_175 = arith.constant 0 : i32
      %dma_start3A_176 = tpu.memref_slice %arg12[%mul3A_136, %dma_start3A_175] : memref<10000x128xf32, #tpu.memory_space<vmem_shared>> -> memref<624x128xf32, #tpu.memory_space<vmem_shared>>
      %dma_start3A_177 = arith.constant 0 : i32
      %dma_start3A_178 = tpu.memref_slice %arg5[%mul3A_134, %dma_start3A_177] : memref<10000x128xf32, #tpu.memory_space<hbm>> -> memref<624x128xf32, #tpu.memory_space<hbm>>
      tpu.enqueue_dma source(%dma_start3A_178 : memref<624x128xf32, #tpu.memory_space<hbm>>) target(%dma_start3A_176 : memref<624x128xf32, #tpu.memory_space<vmem_shared>>) target_semaphore(%run_scoped3A : memref<!tpu.dma_semaphore, #tpu.memory_space<semaphore_mem>>)
      %dma_wait3A = arith.constant 0 : i32
      %dma_wait3A_179 = tpu.memref_slice %arg12[%mul3A_136, %dma_wait3A] : memref<10000x128xf32, #tpu.memory_space<vmem_shared>> -> memref<624x128xf32, #tpu.memory_space<vmem_shared>>
      %dma_wait3A_180 = arith.constant 0 : i32
      %dma_wait3A_181 = tpu.memref_slice %arg5[%mul3A_134, %dma_wait3A_180] : memref<10000x128xf32, #tpu.memory_space<hbm>> -> memref<624x128xf32, #tpu.memory_space<hbm>>
      tpu.wait_dma2 semaphore(%run_scoped3A : memref<!tpu.dma_semaphore, #tpu.memory_space<semaphore_mem>>) src(%dma_wait3A_181 : memref<624x128xf32, #tpu.memory_space<hbm>>) dst(%dma_wait3A_179 : memref<624x128xf32, #tpu.memory_space<vmem_shared>>)
      tpu.yield
    }) : () -> ()
    %eq3A_137 = arith.constant 0 : i32
    %eq3A_138 = arith.cmpi eq, %arg1, %eq3A_137 : i32
    %convert_element_type3A_139 = arith.extui %eq3A_138 : i1 to i32
    %cond3A_140 = arith.constant 0 : i32
    %cond3A_141 = arith.cmpi ne, %convert_element_type3A_139, %cond3A_140 : i32
    scf.if %cond3A_141 {
      "tpu.region"() ({
        %run_scoped3A = tpu.sem_alloc : memref<!tpu.dma_semaphore, #tpu.memory_space<semaphore_mem>>
        %dma_start3A_175 = arith.constant 9984 : i32
        %dma_start3A_176 = arith.constant 0 : i32
        %dma_start3A_177 = tpu.memref_slice %arg12[%dma_start3A_175, %dma_start3A_176] : memref<10000x128xf32, #tpu.memory_space<vmem_shared>> -> memref<16x128xf32, #tpu.memory_space<vmem_shared>>
        %dma_start3A_178 = arith.constant 9984 : i32
        %dma_start3A_179 = arith.constant 0 : i32
        %dma_start3A_180 = tpu.memref_slice %arg5[%dma_start3A_178, %dma_start3A_179] : memref<10000x128xf32, #tpu.memory_space<hbm>> -> memref<16x128xf32, #tpu.memory_space<hbm>>
        tpu.enqueue_dma source(%dma_start3A_180 : memref<16x128xf32, #tpu.memory_space<hbm>>) target(%dma_start3A_177 : memref<16x128xf32, #tpu.memory_space<vmem_shared>>) target_semaphore(%run_scoped3A : memref<!tpu.dma_semaphore, #tpu.memory_space<semaphore_mem>>)
        %dma_wait3A = arith.constant 9984 : i32
        %dma_wait3A_181 = arith.constant 0 : i32
        %dma_wait3A_182 = tpu.memref_slice %arg12[%dma_wait3A, %dma_wait3A_181] : memref<10000x128xf32, #tpu.memory_space<vmem_shared>> -> memref<16x128xf32, #tpu.memory_space<vmem_shared>>
        %dma_wait3A_183 = arith.constant 9984 : i32
        %dma_wait3A_184 = arith.constant 0 : i32
        %dma_wait3A_185 = tpu.memref_slice %arg5[%dma_wait3A_183, %dma_wait3A_184] : memref<10000x128xf32, #tpu.memory_space<hbm>> -> memref<16x128xf32, #tpu.memory_space<hbm>>
        tpu.wait_dma2 semaphore(%run_scoped3A : memref<!tpu.dma_semaphore, #tpu.memory_space<semaphore_mem>>) src(%dma_wait3A_185 : memref<16x128xf32, #tpu.memory_space<hbm>>) dst(%dma_wait3A_182 : memref<16x128xf32, #tpu.memory_space<vmem_shared>>)
        tpu.yield
      }) : () -> ()
    } else {
    }
    %mul3A_142 = arith.constant 78 : i32
    %mul3A_143 = arith.muli %arg1, %mul3A_142 : i32
    "tpu.region"() ({
      %run_scoped3A = tpu.sem_alloc : memref<!tpu.dma_semaphore, #tpu.memory_space<semaphore_mem>>
      %dma_start3A_175 = arith.constant 0 : i32
      %dma_start3A_176 = tpu.memref_slice %arg3[%add3A_132, %mul3A_143, %dma_start3A_175] : memref<8x1250x128xi32, #tpu.memory_space<hbm>> -> memref<1x78x128xi32, #tpu.memory_space<hbm>>
      %dma_start3A_177 = tpu.memref_squeeze %dma_start3A_176 : memref<1x78x128xi32, #tpu.memory_space<hbm>> -> memref<78x128xi32, #tpu.memory_space<hbm>>
      %dma_start3A_178 = arith.constant 0 : i32
      %dma_start3A_179 = tpu.memref_slice %arg3[%add3A_132, %mul3A_143, %dma_start3A_178] : memref<8x1250x128xi32, #tpu.memory_space<hbm>> -> memref<1x78x128xi32, #tpu.memory_space<hbm>>
      %dma_start3A_180 = tpu.memref_squeeze %dma_start3A_179 : memref<1x78x128xi32, #tpu.memory_space<hbm>> -> memref<78x128xi32, #tpu.memory_space<hbm>>
      tpu.enqueue_dma source(%dma_start3A_180 : memref<78x128xi32, #tpu.memory_space<hbm>>) target(%arg7 : memref<78x128xi32, #tpu.memory_space<vmem>>) target_semaphore(%run_scoped3A : memref<!tpu.dma_semaphore, #tpu.memory_space<semaphore_mem>>)
      %dma_wait3A = arith.constant 0 : i32
      %dma_wait3A_181 = tpu.memref_slice %arg3[%add3A_132, %mul3A_143, %dma_wait3A] : memref<8x1250x128xi32, #tpu.memory_space<hbm>> -> memref<1x78x128xi32, #tpu.memory_space<hbm>>
      %dma_wait3A_182 = tpu.memref_squeeze %dma_wait3A_181 : memref<1x78x128xi32, #tpu.memory_space<hbm>> -> memref<78x128xi32, #tpu.memory_space<hbm>>
      %dma_wait3A_183 = arith.constant 0 : i32
      %dma_wait3A_184 = tpu.memref_slice %arg3[%add3A_132, %mul3A_143, %dma_wait3A_183] : memref<8x1250x128xi32, #tpu.memory_space<hbm>> -> memref<1x78x128xi32, #tpu.memory_space<hbm>>
      %dma_wait3A_185 = tpu.memref_squeeze %dma_wait3A_184 : memref<1x78x128xi32, #tpu.memory_space<hbm>> -> memref<78x128xi32, #tpu.memory_space<hbm>>
      tpu.wait_dma2 semaphore(%run_scoped3A : memref<!tpu.dma_semaphore, #tpu.memory_space<semaphore_mem>>) src(%dma_wait3A_185 : memref<78x128xi32, #tpu.memory_space<hbm>>) dst(%arg7 : memref<78x128xi32, #tpu.memory_space<vmem>>)
      tpu.yield
    }) : () -> ()
    %barrier3A_144 = arith.constant 0 : index
    tpu.barrier barrier_id(%barrier3A_144)
    %lt3A_145 = arith.constant 2 : i32
    %lt3A_146 = arith.cmpi slt, %arg1, %lt3A_145 : i32
    %convert_element_type3A_147 = arith.extui %lt3A_146 : i1 to i32
    %cond3A_148 = arith.constant 0 : i32
    %cond3A_149 = arith.cmpi ne, %convert_element_type3A_147, %cond3A_148 : i32
    scf.if %cond3A_149 {
      %add3A_175 = arith.constant 1248 : i32
      %add3A_176 = arith.addi %add3A_175, %arg1 : i32
      %run_scoped3A = arith.constant 0 : i32
      "tpu.region"() ({
        %run_scoped3A_182 = tpu.sem_alloc : memref<!tpu.dma_semaphore, #tpu.memory_space<semaphore_mem>>
        %dma_start3A_183 = arith.constant 0 : i32
        %dma_start3A_184 = tpu.memref_slice %arg4[%add3A_176, %run_scoped3A, %dma_start3A_183] : memref<1250x1x128xi32, #tpu.memory_space<hbm>> -> memref<1x1x128xi32, #tpu.memory_space<hbm>>
        %dma_start3A_185 = tpu.memref_squeeze %dma_start3A_184 : memref<1x1x128xi32, #tpu.memory_space<hbm>> -> memref<128xi32, #tpu.memory_space<hbm>>
        %dma_start3A_186 = arith.constant 0 : i32
        %dma_start3A_187 = tpu.memref_slice %arg4[%add3A_176, %run_scoped3A, %dma_start3A_186] : memref<1250x1x128xi32, #tpu.memory_space<hbm>> -> memref<1x1x128xi32, #tpu.memory_space<hbm>>
        %dma_start3A_188 = tpu.memref_squeeze %dma_start3A_187 : memref<1x1x128xi32, #tpu.memory_space<hbm>> -> memref<128xi32, #tpu.memory_space<hbm>>
        tpu.enqueue_dma source(%dma_start3A_188 : memref<128xi32, #tpu.memory_space<hbm>>) target(%arg8 : memref<128xi32, #tpu.memory_space<vmem>>) target_semaphore(%run_scoped3A_182 : memref<!tpu.dma_semaphore, #tpu.memory_space<semaphore_mem>>)
        %dma_wait3A_189 = arith.constant 0 : i32
        %dma_wait3A_190 = tpu.memref_slice %arg4[%add3A_176, %run_scoped3A, %dma_wait3A_189] : memref<1250x1x128xi32, #tpu.memory_space<hbm>> -> memref<1x1x128xi32, #tpu.memory_space<hbm>>
        %dma_wait3A_191 = tpu.memref_squeeze %dma_wait3A_190 : memref<1x1x128xi32, #tpu.memory_space<hbm>> -> memref<128xi32, #tpu.memory_space<hbm>>
        %dma_wait3A_192 = arith.constant 0 : i32
        %dma_wait3A_193 = tpu.memref_slice %arg4[%add3A_176, %run_scoped3A, %dma_wait3A_192] : memref<1250x1x128xi32, #tpu.memory_space<hbm>> -> memref<1x1x128xi32, #tpu.memory_space<hbm>>
        %dma_wait3A_194 = tpu.memref_squeeze %dma_wait3A_193 : memref<1x1x128xi32, #tpu.memory_space<hbm>> -> memref<128xi32, #tpu.memory_space<hbm>>
        tpu.wait_dma2 semaphore(%run_scoped3A_182 : memref<!tpu.dma_semaphore, #tpu.memory_space<semaphore_mem>>) src(%dma_wait3A_194 : memref<128xi32, #tpu.memory_space<hbm>>) dst(%arg8 : memref<128xi32, #tpu.memory_space<vmem>>)
        tpu.yield
      }) : () -> ()
      "tpu.region"() ({
        %run_scoped3A_182 = tpu.sem_alloc : memref<!tpu.dma_semaphore, #tpu.memory_space<semaphore_mem>>
        %dma_start3A_183 = arith.constant 0 : i32
        %dma_start3A_184 = arith.constant 0 : i32
        %dma_start3A_185 = tpu.memref_slice %arg3[%add3A_132, %dma_start3A_183, %dma_start3A_184] : memref<8x1250x128xi32, #tpu.memory_space<hbm>> -> memref<1x1250x128xi32, #tpu.memory_space<hbm>>
        %dma_start3A_186 = tpu.memref_squeeze %dma_start3A_185 : memref<1x1250x128xi32, #tpu.memory_space<hbm>> -> memref<1250x128xi32, #tpu.memory_space<hbm>>
        %dma_start3A_187 = arith.constant 0 : i32
        %dma_start3A_188 = tpu.memref_slice %dma_start3A_186[%add3A_176, %dma_start3A_187] : memref<1250x128xi32, #tpu.memory_space<hbm>> -> memref<1x128xi32, #tpu.memory_space<hbm>>
        %dma_start3A_189 = tpu.memref_squeeze %dma_start3A_188 : memref<1x128xi32, #tpu.memory_space<hbm>> -> memref<128xi32, #tpu.memory_space<hbm>>
        %dma_start3A_190 = arith.constant 0 : i32
        %dma_start3A_191 = arith.constant 0 : i32
        %dma_start3A_192 = tpu.memref_slice %arg3[%add3A_132, %dma_start3A_190, %dma_start3A_191] : memref<8x1250x128xi32, #tpu.memory_space<hbm>> -> memref<1x1250x128xi32, #tpu.memory_space<hbm>>
        %dma_start3A_193 = tpu.memref_squeeze %dma_start3A_192 : memref<1x1250x128xi32, #tpu.memory_space<hbm>> -> memref<1250x128xi32, #tpu.memory_space<hbm>>
        %dma_start3A_194 = arith.constant 0 : i32
        %dma_start3A_195 = tpu.memref_slice %dma_start3A_193[%add3A_176, %dma_start3A_194] : memref<1250x128xi32, #tpu.memory_space<hbm>> -> memref<1x128xi32, #tpu.memory_space<hbm>>
        %dma_start3A_196 = tpu.memref_squeeze %dma_start3A_195 : memref<1x128xi32, #tpu.memory_space<hbm>> -> memref<128xi32, #tpu.memory_space<hbm>>
        tpu.enqueue_dma source(%dma_start3A_196 : memref<128xi32, #tpu.memory_space<hbm>>) target(%arg9 : memref<128xi32, #tpu.memory_space<vmem>>) target_semaphore(%run_scoped3A_182 : memref<!tpu.dma_semaphore, #tpu.memory_space<semaphore_mem>>)
        %dma_wait3A_197 = arith.constant 0 : i32
        %dma_wait3A_198 = arith.constant 0 : i32
        %dma_wait3A_199 = tpu.memref_slice %arg3[%add3A_132, %dma_wait3A_197, %dma_wait3A_198] : memref<8x1250x128xi32, #tpu.memory_space<hbm>> -> memref<1x1250x128xi32, #tpu.memory_space<hbm>>
        %dma_wait3A_200 = tpu.memref_squeeze %dma_wait3A_199 : memref<1x1250x128xi32, #tpu.memory_space<hbm>> -> memref<1250x128xi32, #tpu.memory_space<hbm>>
        %dma_wait3A_201 = arith.constant 0 : i32
        %dma_wait3A_202 = tpu.memref_slice %dma_wait3A_200[%add3A_176, %dma_wait3A_201] : memref<1250x128xi32, #tpu.memory_space<hbm>> -> memref<1x128xi32, #tpu.memory_space<hbm>>
        %dma_wait3A_203 = tpu.memref_squeeze %dma_wait3A_202 : memref<1x128xi32, #tpu.memory_space<hbm>> -> memref<128xi32, #tpu.memory_space<hbm>>
        %dma_wait3A_204 = arith.constant 0 : i32
        %dma_wait3A_205 = arith.constant 0 : i32
        %dma_wait3A_206 = tpu.memref_slice %arg3[%add3A_132, %dma_wait3A_204, %dma_wait3A_205] : memref<8x1250x128xi32, #tpu.memory_space<hbm>> -> memref<1x1250x128xi32, #tpu.memory_space<hbm>>
        %dma_wait3A_207 = tpu.memref_squeeze %dma_wait3A_206 : memref<1x1250x128xi32, #tpu.memory_space<hbm>> -> memref<1250x128xi32, #tpu.memory_space<hbm>>
        %dma_wait3A_208 = arith.constant 0 : i32
        %dma_wait3A_209 = tpu.memref_slice %dma_wait3A_207[%add3A_176, %dma_wait3A_208] : memref<1250x128xi32, #tpu.memory_space<hbm>> -> memref<1x128xi32, #tpu.memory_space<hbm>>
        %dma_wait3A_210 = tpu.memref_squeeze %dma_wait3A_209 : memref<1x128xi32, #tpu.memory_space<hbm>> -> memref<128xi32, #tpu.memory_space<hbm>>
        tpu.wait_dma2 semaphore(%run_scoped3A_182 : memref<!tpu.dma_semaphore, #tpu.memory_space<semaphore_mem>>) src(%dma_wait3A_210 : memref<128xi32, #tpu.memory_space<hbm>>) dst(%arg9 : memref<128xi32, #tpu.memory_space<vmem>>)
        tpu.yield
      }) : () -> ()
      %dma_start3A_177 = arith.constant 0 : i32
      %dma_start3A_178 = arith.constant 0 : i32
      %dma_start3A_179 = tpu.memref_slice %arg2[%dma_start3A_177, %dma_start3A_178] : memref<80000x128xf32, #tpu.memory_space<hbm>> -> memref<80000x128xf32, #tpu.memory_space<hbm>>
      tpu.enqueue_indirect_dma source(%dma_start3A_179 : memref<80000x128xf32, #tpu.memory_space<hbm>>) target(%arg10 : memref<128x128xf32, #tpu.memory_space<vmem>>) offsets(%arg9 : memref<128xi32, #tpu.memory_space<vmem>>) semaphore(%arg13 : memref<!tpu.dma_semaphore, #tpu.memory_space<semaphore_mem>>)
      %dma_wait3A = arith.constant 0 : i32
      %dma_wait3A_180 = arith.constant 0 : i32
      %dma_wait3A_181 = tpu.memref_slice %arg2[%dma_wait3A, %dma_wait3A_180] : memref<80000x128xf32, #tpu.memory_space<hbm>> -> memref<80000x128xf32, #tpu.memory_space<hbm>>
      tpu.wait_indirect_dma semaphore(%arg13 : memref<!tpu.dma_semaphore, #tpu.memory_space<semaphore_mem>>) src(%dma_wait3A_181 : memref<80000x128xf32, #tpu.memory_space<hbm>>) dst(%arg10 : memref<128x128xf32, #tpu.memory_space<vmem>>)
      "tpu.region"() ({
        %run_scoped3A_182 = tpu.sem_alloc : memref<!tpu.dma_semaphore, #tpu.memory_space<semaphore_mem>>
        %dma_start3A_183 = arith.constant 0 : i32
        %dma_start3A_184 = arith.constant 0 : i32
        %dma_start3A_185 = tpu.memref_slice %arg12[%dma_start3A_183, %dma_start3A_184] : memref<10000x128xf32, #tpu.memory_space<vmem_shared>> -> memref<10000x128xf32, #tpu.memory_space<vmem_shared>>
        tpu.enqueue_indirect_dma source(%arg10 : memref<128x128xf32, #tpu.memory_space<vmem>>) target(%dma_start3A_185 : memref<10000x128xf32, #tpu.memory_space<vmem_shared>>) offsets(%arg8 : memref<128xi32, #tpu.memory_space<vmem>>) semaphore(%run_scoped3A_182 : memref<!tpu.dma_semaphore, #tpu.memory_space<semaphore_mem>>) {add = true}
        %dma_wait3A_186 = arith.constant 0 : i32
        %dma_wait3A_187 = arith.constant 0 : i32
        %dma_wait3A_188 = tpu.memref_slice %arg12[%dma_wait3A_186, %dma_wait3A_187] : memref<10000x128xf32, #tpu.memory_space<vmem_shared>> -> memref<10000x128xf32, #tpu.memory_space<vmem_shared>>
        tpu.wait_indirect_dma semaphore(%run_scoped3A_182 : memref<!tpu.dma_semaphore, #tpu.memory_space<semaphore_mem>>) src(%arg10 : memref<128x128xf32, #tpu.memory_space<vmem>>) dst(%dma_wait3A_188 : memref<10000x128xf32, #tpu.memory_space<vmem_shared>>)
        tpu.yield
      }) : () -> ()
    } else {
    }
    %dma_start3A_150 = arith.constant 0 : i32
    %dma_start3A_151 = arith.constant 0 : i32
    %dma_start3A_152 = tpu.memref_slice %arg7[%dma_start3A_150, %dma_start3A_151] : memref<78x128xi32, #tpu.memory_space<vmem>> -> memref<1x128xi32, #tpu.memory_space<vmem>>
    %dma_start3A_153 = tpu.memref_squeeze %dma_start3A_152 : memref<1x128xi32, #tpu.memory_space<vmem>> -> memref<128xi32, #tpu.memory_space<vmem>>
    %dma_start3A_154 = arith.constant 0 : i32
    %dma_start3A_155 = arith.constant 0 : i32
    %dma_start3A_156 = tpu.memref_slice %arg2[%dma_start3A_154, %dma_start3A_155] : memref<80000x128xf32, #tpu.memory_space<hbm>> -> memref<80000x128xf32, #tpu.memory_space<hbm>>
    tpu.enqueue_indirect_dma source(%dma_start3A_156 : memref<80000x128xf32, #tpu.memory_space<hbm>>) target(%arg10 : memref<128x128xf32, #tpu.memory_space<vmem>>) offsets(%dma_start3A_153 : memref<128xi32, #tpu.memory_space<vmem>>) semaphore(%arg13 : memref<!tpu.dma_semaphore, #tpu.memory_space<semaphore_mem>>)
    %scan3A_157 = arith.constant 0 : i32
    %scan3A_158 = arith.constant 0 : i32
    %scan3A_159 = arith.constant 39 : i32
    %scan3A_160 = arith.addi %scan3A_158, %scan3A_159 : i32
    %scan3A_161 = arith.constant 1 : i32
    %scan3A_162 = scf.for %scan3A_175 = %scan3A_158 to %scan3A_160 step %scan3A_161 iter_args(%scan3A_176 = %scan3A_157) -> (i32)  : i32 {
      %mul3A_177 = arith.constant 2 : i32
      %mul3A_178 = arith.muli %mul3A_177, %scan3A_175 : i32
      %add3A_179 = arith.constant 1 : i32
      %add3A_180 = arith.addi %mul3A_178, %add3A_179 : i32
      %dma_start3A_181 = arith.constant 0 : i32
      %dma_start3A_182 = tpu.memref_slice %arg7[%add3A_180, %dma_start3A_181] : memref<78x128xi32, #tpu.memory_space<vmem>> -> memref<1x128xi32, #tpu.memory_space<vmem>>
      %dma_start3A_183 = tpu.memref_squeeze %dma_start3A_182 : memref<1x128xi32, #tpu.memory_space<vmem>> -> memref<128xi32, #tpu.memory_space<vmem>>
      %dma_start3A_184 = arith.constant 0 : i32
      %dma_start3A_185 = arith.constant 0 : i32
      %dma_start3A_186 = tpu.memref_slice %arg2[%dma_start3A_184, %dma_start3A_185] : memref<80000x128xf32, #tpu.memory_space<hbm>> -> memref<80000x128xf32, #tpu.memory_space<hbm>>
      tpu.enqueue_indirect_dma source(%dma_start3A_186 : memref<80000x128xf32, #tpu.memory_space<hbm>>) target(%arg11 : memref<128x128xf32, #tpu.memory_space<vmem>>) offsets(%dma_start3A_183 : memref<128xi32, #tpu.memory_space<vmem>>) semaphore(%arg14 : memref<!tpu.dma_semaphore, #tpu.memory_space<semaphore_mem>>)
      %mul3A_187 = arith.constant 78 : i32
      %mul3A_188 = arith.muli %arg1, %mul3A_187 : i32
      %add3A_189 = arith.addi %mul3A_188, %mul3A_178 : i32
      %run_scoped3A = arith.constant 0 : i32
      "tpu.region"() ({
        %run_scoped3A_215 = tpu.sem_alloc : memref<!tpu.dma_semaphore, #tpu.memory_space<semaphore_mem>>
        %dma_start3A_216 = arith.constant 0 : i32
        %dma_start3A_217 = tpu.memref_slice %arg4[%add3A_189, %run_scoped3A, %dma_start3A_216] : memref<1250x1x128xi32, #tpu.memory_space<hbm>> -> memref<1x1x128xi32, #tpu.memory_space<hbm>>
        %dma_start3A_218 = tpu.memref_squeeze %dma_start3A_217 : memref<1x1x128xi32, #tpu.memory_space<hbm>> -> memref<128xi32, #tpu.memory_space<hbm>>
        %dma_start3A_219 = arith.constant 0 : i32
        %dma_start3A_220 = tpu.memref_slice %arg4[%add3A_189, %run_scoped3A, %dma_start3A_219] : memref<1250x1x128xi32, #tpu.memory_space<hbm>> -> memref<1x1x128xi32, #tpu.memory_space<hbm>>
        %dma_start3A_221 = tpu.memref_squeeze %dma_start3A_220 : memref<1x1x128xi32, #tpu.memory_space<hbm>> -> memref<128xi32, #tpu.memory_space<hbm>>
        tpu.enqueue_dma source(%dma_start3A_221 : memref<128xi32, #tpu.memory_space<hbm>>) target(%arg8 : memref<128xi32, #tpu.memory_space<vmem>>) target_semaphore(%run_scoped3A_215 : memref<!tpu.dma_semaphore, #tpu.memory_space<semaphore_mem>>)
        %dma_wait3A_222 = arith.constant 0 : i32
        %dma_wait3A_223 = tpu.memref_slice %arg4[%add3A_189, %run_scoped3A, %dma_wait3A_222] : memref<1250x1x128xi32, #tpu.memory_space<hbm>> -> memref<1x1x128xi32, #tpu.memory_space<hbm>>
        %dma_wait3A_224 = tpu.memref_squeeze %dma_wait3A_223 : memref<1x1x128xi32, #tpu.memory_space<hbm>> -> memref<128xi32, #tpu.memory_space<hbm>>
        %dma_wait3A_225 = arith.constant 0 : i32
        %dma_wait3A_226 = tpu.memref_slice %arg4[%add3A_189, %run_scoped3A, %dma_wait3A_225] : memref<1250x1x128xi32, #tpu.memory_space<hbm>> -> memref<1x1x128xi32, #tpu.memory_space<hbm>>
        %dma_wait3A_227 = tpu.memref_squeeze %dma_wait3A_226 : memref<1x1x128xi32, #tpu.memory_space<hbm>> -> memref<128xi32, #tpu.memory_space<hbm>>
        tpu.wait_dma2 semaphore(%run_scoped3A_215 : memref<!tpu.dma_semaphore, #tpu.memory_space<semaphore_mem>>) src(%dma_wait3A_227 : memref<128xi32, #tpu.memory_space<hbm>>) dst(%arg8 : memref<128xi32, #tpu.memory_space<vmem>>)
        tpu.yield
      }) : () -> ()
      %dma_wait3A = arith.constant 0 : i32
      %dma_wait3A_190 = tpu.memref_slice %arg7[%mul3A_178, %dma_wait3A] : memref<78x128xi32, #tpu.memory_space<vmem>> -> memref<1x128xi32, #tpu.memory_space<vmem>>
      %dma_wait3A_191 = tpu.memref_squeeze %dma_wait3A_190 : memref<1x128xi32, #tpu.memory_space<vmem>> -> memref<128xi32, #tpu.memory_space<vmem>>
      %dma_wait3A_192 = arith.constant 0 : i32
      %dma_wait3A_193 = arith.constant 0 : i32
      %dma_wait3A_194 = tpu.memref_slice %arg2[%dma_wait3A_192, %dma_wait3A_193] : memref<80000x128xf32, #tpu.memory_space<hbm>> -> memref<80000x128xf32, #tpu.memory_space<hbm>>
      tpu.wait_indirect_dma semaphore(%arg13 : memref<!tpu.dma_semaphore, #tpu.memory_space<semaphore_mem>>) src(%dma_wait3A_194 : memref<80000x128xf32, #tpu.memory_space<hbm>>) dst(%arg10 : memref<128x128xf32, #tpu.memory_space<vmem>>)
      "tpu.region"() ({
        %run_scoped3A_215 = tpu.sem_alloc : memref<!tpu.dma_semaphore, #tpu.memory_space<semaphore_mem>>
        %dma_start3A_216 = arith.constant 0 : i32
        %dma_start3A_217 = arith.constant 0 : i32
        %dma_start3A_218 = tpu.memref_slice %arg12[%dma_start3A_216, %dma_start3A_217] : memref<10000x128xf32, #tpu.memory_space<vmem_shared>> -> memref<10000x128xf32, #tpu.memory_space<vmem_shared>>
        tpu.enqueue_indirect_dma source(%arg10 : memref<128x128xf32, #tpu.memory_space<vmem>>) target(%dma_start3A_218 : memref<10000x128xf32, #tpu.memory_space<vmem_shared>>) offsets(%arg8 : memref<128xi32, #tpu.memory_space<vmem>>) semaphore(%run_scoped3A_215 : memref<!tpu.dma_semaphore, #tpu.memory_space<semaphore_mem>>) {add = true}
        %dma_wait3A_219 = arith.constant 0 : i32
        %dma_wait3A_220 = arith.constant 0 : i32
        %dma_wait3A_221 = tpu.memref_slice %arg12[%dma_wait3A_219, %dma_wait3A_220] : memref<10000x128xf32, #tpu.memory_space<vmem_shared>> -> memref<10000x128xf32, #tpu.memory_space<vmem_shared>>
        tpu.wait_indirect_dma semaphore(%run_scoped3A_215 : memref<!tpu.dma_semaphore, #tpu.memory_space<semaphore_mem>>) src(%arg10 : memref<128x128xf32, #tpu.memory_space<vmem>>) dst(%dma_wait3A_221 : memref<10000x128xf32, #tpu.memory_space<vmem_shared>>)
        tpu.yield
      }) : () -> ()
      %lt3A_195 = arith.constant 38 : i32
      %lt3A_196 = arith.cmpi slt, %scan3A_175, %lt3A_195 : i32
      %convert_element_type3A_197 = arith.extui %lt3A_196 : i1 to i32
      %cond3A_198 = arith.constant 0 : i32
      %cond3A_199 = arith.cmpi ne, %convert_element_type3A_197, %cond3A_198 : i32
      scf.if %cond3A_199 {
        %add3A_215 = arith.constant 2 : i32
        %add3A_216 = arith.addi %mul3A_178, %add3A_215 : i32
        %dma_start3A_217 = arith.constant 0 : i32
        %dma_start3A_218 = tpu.memref_slice %arg7[%add3A_216, %dma_start3A_217] : memref<78x128xi32, #tpu.memory_space<vmem>> -> memref<1x128xi32, #tpu.memory_space<vmem>>
        %dma_start3A_219 = tpu.memref_squeeze %dma_start3A_218 : memref<1x128xi32, #tpu.memory_space<vmem>> -> memref<128xi32, #tpu.memory_space<vmem>>
        %dma_start3A_220 = arith.constant 0 : i32
        %dma_start3A_221 = arith.constant 0 : i32
        %dma_start3A_222 = tpu.memref_slice %arg2[%dma_start3A_220, %dma_start3A_221] : memref<80000x128xf32, #tpu.memory_space<hbm>> -> memref<80000x128xf32, #tpu.memory_space<hbm>>
        tpu.enqueue_indirect_dma source(%dma_start3A_222 : memref<80000x128xf32, #tpu.memory_space<hbm>>) target(%arg10 : memref<128x128xf32, #tpu.memory_space<vmem>>) offsets(%dma_start3A_219 : memref<128xi32, #tpu.memory_space<vmem>>) semaphore(%arg13 : memref<!tpu.dma_semaphore, #tpu.memory_space<semaphore_mem>>)
      } else {
      }
      %mul3A_200 = arith.constant 78 : i32
      %mul3A_201 = arith.muli %arg1, %mul3A_200 : i32
      %add3A_202 = arith.addi %mul3A_201, %mul3A_178 : i32
      %add3A_203 = arith.constant 1 : i32
      %add3A_204 = arith.addi %add3A_202, %add3A_203 : i32
      %run_scoped3A_205 = arith.constant 0 : i32
      "tpu.region"() ({
        %run_scoped3A_215 = tpu.sem_alloc : memref<!tpu.dma_semaphore, #tpu.memory_space<semaphore_mem>>
        %dma_start3A_216 = arith.constant 0 : i32
        %dma_start3A_217 = tpu.memref_slice %arg4[%add3A_204, %run_scoped3A_205, %dma_start3A_216] : memref<1250x1x128xi32, #tpu.memory_space<hbm>> -> memref<1x1x128xi32, #tpu.memory_space<hbm>>
        %dma_start3A_218 = tpu.memref_squeeze %dma_start3A_217 : memref<1x1x128xi32, #tpu.memory_space<hbm>> -> memref<128xi32, #tpu.memory_space<hbm>>
        %dma_start3A_219 = arith.constant 0 : i32
        %dma_start3A_220 = tpu.memref_slice %arg4[%add3A_204, %run_scoped3A_205, %dma_start3A_219] : memref<1250x1x128xi32, #tpu.memory_space<hbm>> -> memref<1x1x128xi32, #tpu.memory_space<hbm>>
        %dma_start3A_221 = tpu.memref_squeeze %dma_start3A_220 : memref<1x1x128xi32, #tpu.memory_space<hbm>> -> memref<128xi32, #tpu.memory_space<hbm>>
        tpu.enqueue_dma source(%dma_start3A_221 : memref<128xi32, #tpu.memory_space<hbm>>) target(%arg9 : memref<128xi32, #tpu.memory_space<vmem>>) target_semaphore(%run_scoped3A_215 : memref<!tpu.dma_semaphore, #tpu.memory_space<semaphore_mem>>)
        %dma_wait3A_222 = arith.constant 0 : i32
        %dma_wait3A_223 = tpu.memref_slice %arg4[%add3A_204, %run_scoped3A_205, %dma_wait3A_222] : memref<1250x1x128xi32, #tpu.memory_space<hbm>> -> memref<1x1x128xi32, #tpu.memory_space<hbm>>
        %dma_wait3A_224 = tpu.memref_squeeze %dma_wait3A_223 : memref<1x1x128xi32, #tpu.memory_space<hbm>> -> memref<128xi32, #tpu.memory_space<hbm>>
        %dma_wait3A_225 = arith.constant 0 : i32
        %dma_wait3A_226 = tpu.memref_slice %arg4[%add3A_204, %run_scoped3A_205, %dma_wait3A_225] : memref<1250x1x128xi32, #tpu.memory_space<hbm>> -> memref<1x1x128xi32, #tpu.memory_space<hbm>>
        %dma_wait3A_227 = tpu.memref_squeeze %dma_wait3A_226 : memref<1x1x128xi32, #tpu.memory_space<hbm>> -> memref<128xi32, #tpu.memory_space<hbm>>
        tpu.wait_dma2 semaphore(%run_scoped3A_215 : memref<!tpu.dma_semaphore, #tpu.memory_space<semaphore_mem>>) src(%dma_wait3A_227 : memref<128xi32, #tpu.memory_space<hbm>>) dst(%arg9 : memref<128xi32, #tpu.memory_space<vmem>>)
        tpu.yield
      }) : () -> ()
      %add3A_206 = arith.constant 1 : i32
      %add3A_207 = arith.addi %mul3A_178, %add3A_206 : i32
      %dma_wait3A_208 = arith.constant 0 : i32
      %dma_wait3A_209 = tpu.memref_slice %arg7[%add3A_207, %dma_wait3A_208] : memref<78x128xi32, #tpu.memory_space<vmem>> -> memref<1x128xi32, #tpu.memory_space<vmem>>
      %dma_wait3A_210 = tpu.memref_squeeze %dma_wait3A_209 : memref<1x128xi32, #tpu.memory_space<vmem>> -> memref<128xi32, #tpu.memory_space<vmem>>
      %dma_wait3A_211 = arith.constant 0 : i32
      %dma_wait3A_212 = arith.constant 0 : i32
      %dma_wait3A_213 = tpu.memref_slice %arg2[%dma_wait3A_211, %dma_wait3A_212] : memref<80000x128xf32, #tpu.memory_space<hbm>> -> memref<80000x128xf32, #tpu.memory_space<hbm>>
      tpu.wait_indirect_dma semaphore(%arg14 : memref<!tpu.dma_semaphore, #tpu.memory_space<semaphore_mem>>) src(%dma_wait3A_213 : memref<80000x128xf32, #tpu.memory_space<hbm>>) dst(%arg11 : memref<128x128xf32, #tpu.memory_space<vmem>>)
      "tpu.region"() ({
        %run_scoped3A_215 = tpu.sem_alloc : memref<!tpu.dma_semaphore, #tpu.memory_space<semaphore_mem>>
        %dma_start3A_216 = arith.constant 0 : i32
        %dma_start3A_217 = arith.constant 0 : i32
        %dma_start3A_218 = tpu.memref_slice %arg12[%dma_start3A_216, %dma_start3A_217] : memref<10000x128xf32, #tpu.memory_space<vmem_shared>> -> memref<10000x128xf32, #tpu.memory_space<vmem_shared>>
        tpu.enqueue_indirect_dma source(%arg11 : memref<128x128xf32, #tpu.memory_space<vmem>>) target(%dma_start3A_218 : memref<10000x128xf32, #tpu.memory_space<vmem_shared>>) offsets(%arg9 : memref<128xi32, #tpu.memory_space<vmem>>) semaphore(%run_scoped3A_215 : memref<!tpu.dma_semaphore, #tpu.memory_space<semaphore_mem>>) {add = true}
        %dma_wait3A_219 = arith.constant 0 : i32
        %dma_wait3A_220 = arith.constant 0 : i32
        %dma_wait3A_221 = tpu.memref_slice %arg12[%dma_wait3A_219, %dma_wait3A_220] : memref<10000x128xf32, #tpu.memory_space<vmem_shared>> -> memref<10000x128xf32, #tpu.memory_space<vmem_shared>>
        tpu.wait_indirect_dma semaphore(%run_scoped3A_215 : memref<!tpu.dma_semaphore, #tpu.memory_space<semaphore_mem>>) src(%arg11 : memref<128x128xf32, #tpu.memory_space<vmem>>) dst(%dma_wait3A_221 : memref<10000x128xf32, #tpu.memory_space<vmem_shared>>)
        tpu.yield
      }) : () -> ()
      %scan3A_214 = arith.constant 0 : i32
      scf.yield %scan3A_214 : i32
    }
    %scan3A_163 = arith.constant 39 : i32
    %barrier3A_164 = arith.constant 0 : index
    tpu.barrier barrier_id(%barrier3A_164)
    %mul3A_165 = arith.constant 624 : i32
    %mul3A_166 = arith.muli %arg1, %mul3A_165 : i32
    %mul3A_167 = arith.constant 624 : i32
    %mul3A_168 = arith.muli %arg1, %mul3A_167 : i32
    "tpu.region"() ({
      %run_scoped3A = tpu.sem_alloc : memref<!tpu.dma_semaphore, #tpu.memory_space<semaphore_mem>>
      %dma_start3A_175 = arith.constant 0 : i32
      %dma_start3A_176 = arith.constant 0 : i32
      %dma_start3A_177 = tpu.memref_slice %arg6[%add3A_132, %dma_start3A_175, %dma_start3A_176] : memref<8x10000x128xf32, #tpu.memory_space<hbm>> -> memref<1x10000x128xf32, #tpu.memory_space<hbm>>
      %dma_start3A_178 = tpu.memref_squeeze %dma_start3A_177 : memref<1x10000x128xf32, #tpu.memory_space<hbm>> -> memref<10000x128xf32, #tpu.memory_space<hbm>>
      %dma_start3A_179 = arith.constant 0 : i32
      %dma_start3A_180 = tpu.memref_slice %dma_start3A_178[%mul3A_168, %dma_start3A_179] : memref<10000x128xf32, #tpu.memory_space<hbm>> -> memref<624x128xf32, #tpu.memory_space<hbm>>
      %dma_start3A_181 = arith.constant 0 : i32
      %dma_start3A_182 = tpu.memref_slice %arg12[%mul3A_166, %dma_start3A_181] : memref<10000x128xf32, #tpu.memory_space<vmem_shared>> -> memref<624x128xf32, #tpu.memory_space<vmem_shared>>
      tpu.enqueue_dma source(%dma_start3A_182 : memref<624x128xf32, #tpu.memory_space<vmem_shared>>) target(%dma_start3A_180 : memref<624x128xf32, #tpu.memory_space<hbm>>) target_semaphore(%run_scoped3A : memref<!tpu.dma_semaphore, #tpu.memory_space<semaphore_mem>>)
      %dma_wait3A = arith.constant 0 : i32
      %dma_wait3A_183 = arith.constant 0 : i32
      %dma_wait3A_184 = tpu.memref_slice %arg6[%add3A_132, %dma_wait3A, %dma_wait3A_183] : memref<8x10000x128xf32, #tpu.memory_space<hbm>> -> memref<1x10000x128xf32, #tpu.memory_space<hbm>>
      %dma_wait3A_185 = tpu.memref_squeeze %dma_wait3A_184 : memref<1x10000x128xf32, #tpu.memory_space<hbm>> -> memref<10000x128xf32, #tpu.memory_space<hbm>>
      %dma_wait3A_186 = arith.constant 0 : i32
      %dma_wait3A_187 = tpu.memref_slice %dma_wait3A_185[%mul3A_168, %dma_wait3A_186] : memref<10000x128xf32, #tpu.memory_space<hbm>> -> memref<624x128xf32, #tpu.memory_space<hbm>>
      %dma_wait3A_188 = arith.constant 0 : i32
      %dma_wait3A_189 = tpu.memref_slice %arg12[%mul3A_166, %dma_wait3A_188] : memref<10000x128xf32, #tpu.memory_space<vmem_shared>> -> memref<624x128xf32, #tpu.memory_space<vmem_shared>>
      tpu.wait_dma2 semaphore(%run_scoped3A : memref<!tpu.dma_semaphore, #tpu.memory_space<semaphore_mem>>) src(%dma_wait3A_189 : memref<624x128xf32, #tpu.memory_space<vmem_shared>>) dst(%dma_wait3A_187 : memref<624x128xf32, #tpu.memory_space<hbm>>)
      tpu.yield
    }) : () -> ()
    %eq3A_169 = arith.constant 0 : i32
    %eq3A_170 = arith.cmpi eq, %arg1, %eq3A_169 : i32
    %convert_element_type3A_171 = arith.extui %eq3A_170 : i1 to i32
    %cond3A_172 = arith.constant 0 : i32
    %cond3A_173 = arith.cmpi ne, %convert_element_type3A_171, %cond3A_172 : i32
    scf.if %cond3A_173 {
      "tpu.region"() ({
        %run_scoped3A = tpu.sem_alloc : memref<!tpu.dma_semaphore, #tpu.memory_space<semaphore_mem>>
        %dma_start3A_175 = arith.constant 0 : i32
        %dma_start3A_176 = arith.constant 0 : i32
        %dma_start3A_177 = tpu.memref_slice %arg6[%add3A_132, %dma_start3A_175, %dma_start3A_176] : memref<8x10000x128xf32, #tpu.memory_space<hbm>> -> memref<1x10000x128xf32, #tpu.memory_space<hbm>>
        %dma_start3A_178 = tpu.memref_squeeze %dma_start3A_177 : memref<1x10000x128xf32, #tpu.memory_space<hbm>> -> memref<10000x128xf32, #tpu.memory_space<hbm>>
        %dma_start3A_179 = arith.constant 9984 : i32
        %dma_start3A_180 = arith.constant 0 : i32
        %dma_start3A_181 = tpu.memref_slice %dma_start3A_178[%dma_start3A_179, %dma_start3A_180] : memref<10000x128xf32, #tpu.memory_space<hbm>> -> memref<16x128xf32, #tpu.memory_space<hbm>>
        %dma_start3A_182 = arith.constant 9984 : i32
        %dma_start3A_183 = arith.constant 0 : i32
        %dma_start3A_184 = tpu.memref_slice %arg12[%dma_start3A_182, %dma_start3A_183] : memref<10000x128xf32, #tpu.memory_space<vmem_shared>> -> memref<16x128xf32, #tpu.memory_space<vmem_shared>>
        tpu.enqueue_dma source(%dma_start3A_184 : memref<16x128xf32, #tpu.memory_space<vmem_shared>>) target(%dma_start3A_181 : memref<16x128xf32, #tpu.memory_space<hbm>>) target_semaphore(%run_scoped3A : memref<!tpu.dma_semaphore, #tpu.memory_space<semaphore_mem>>)
        %dma_wait3A = arith.constant 0 : i32
        %dma_wait3A_185 = arith.constant 0 : i32
        %dma_wait3A_186 = tpu.memref_slice %arg6[%add3A_132, %dma_wait3A, %dma_wait3A_185] : memref<8x10000x128xf32, #tpu.memory_space<hbm>> -> memref<1x10000x128xf32, #tpu.memory_space<hbm>>
        %dma_wait3A_187 = tpu.memref_squeeze %dma_wait3A_186 : memref<1x10000x128xf32, #tpu.memory_space<hbm>> -> memref<10000x128xf32, #tpu.memory_space<hbm>>
        %dma_wait3A_188 = arith.constant 9984 : i32
        %dma_wait3A_189 = arith.constant 0 : i32
        %dma_wait3A_190 = tpu.memref_slice %dma_wait3A_187[%dma_wait3A_188, %dma_wait3A_189] : memref<10000x128xf32, #tpu.memory_space<hbm>> -> memref<16x128xf32, #tpu.memory_space<hbm>>
        %dma_wait3A_191 = arith.constant 9984 : i32
        %dma_wait3A_192 = arith.constant 0 : i32
        %dma_wait3A_193 = tpu.memref_slice %arg12[%dma_wait3A_191, %dma_wait3A_192] : memref<10000x128xf32, #tpu.memory_space<vmem_shared>> -> memref<16x128xf32, #tpu.memory_space<vmem_shared>>
        tpu.wait_dma2 semaphore(%run_scoped3A : memref<!tpu.dma_semaphore, #tpu.memory_space<semaphore_mem>>) src(%dma_wait3A_193 : memref<16x128xf32, #tpu.memory_space<vmem_shared>>) dst(%dma_wait3A_190 : memref<16x128xf32, #tpu.memory_space<hbm>>)
        tpu.yield
      }) : () -> ()
    } else {
    }
    %barrier3A_174 = arith.constant 0 : index
    tpu.barrier barrier_id(%barrier3A_174)
    return
  }
}

#map = affine_map<(d0, d1) -> (0, 0)>
#map1 = affine_map<(d0, d1) -> (0)>
#map2 = affine_map<(d0, d1) -> (0, 0, 0)>
module attributes {stable_mosaic.version = 14 : i64} {
  func.func @_agg0_body(%arg0: i32, %arg1: i32, %arg2: memref<10000x8xf32, #tpu.memory_space<hbm>>, %arg3: memref<160000xi32, #tpu.memory_space<hbm>>, %arg4: memref<160000xi32, #tpu.memory_space<hbm>>, %arg5: memref<10000x8xf32, #tpu.memory_space<hbm>>, %arg6: memref<2x10000x8xf32, #tpu.memory_space<hbm>>, %arg7: memref<128xi32, #tpu.memory_space<vmem>>, %arg8: memref<128xi32, #tpu.memory_space<vmem>>, %arg9: memref<128x8xf32, #tpu.memory_space<vmem>>, %arg10: memref<10000x8xf32, #tpu.memory_space<vmem_shared>>, %arg11: memref<!tpu.dma_semaphore, #tpu.memory_space<semaphore_mem>>) attributes {dimension_semantics = [#tpu.dimension_semantics<core_parallel>, #tpu.dimension_semantics<subcore_parallel>], iteration_bounds = array<i64: 2, 16>, scalar_prefetch = 0 : i64, scratch_operands = 5 : i64, tpu.core_type = #tpu.core_type<sc_vector_subcore>, window_params = [{transform_indices = #map}, {transform_indices = #map1}, {transform_indices = #map1}, {transform_indices = #map}, {transform_indices = #map2}]} {
    %mul3A = arith.constant 2 : i32
    %mul3A_0 = arith.muli %arg1, %mul3A : i32
    %add3A = arith.addi %mul3A_0, %arg0 : i32
    %mul3A_1 = arith.constant 624 : i32
    %mul3A_2 = arith.muli %arg1, %mul3A_1 : i32
    %mul3A_3 = arith.constant 624 : i32
    %mul3A_4 = arith.muli %arg1, %mul3A_3 : i32
    "tpu.region"() ({
      %run_scoped3A = tpu.sem_alloc : memref<!tpu.dma_semaphore, #tpu.memory_space<semaphore_mem>>
      %dma_start3A = arith.constant 0 : i32
      %dma_start3A_27 = tpu.memref_slice %arg10[%mul3A_4, %dma_start3A] : memref<10000x8xf32, #tpu.memory_space<vmem_shared>> -> memref<624x8xf32, #tpu.memory_space<vmem_shared>>
      %dma_start3A_28 = arith.constant 0 : i32
      %dma_start3A_29 = tpu.memref_slice %arg5[%mul3A_2, %dma_start3A_28] : memref<10000x8xf32, #tpu.memory_space<hbm>> -> memref<624x8xf32, #tpu.memory_space<hbm>>
      tpu.enqueue_dma source(%dma_start3A_29 : memref<624x8xf32, #tpu.memory_space<hbm>>) target(%dma_start3A_27 : memref<624x8xf32, #tpu.memory_space<vmem_shared>>) target_semaphore(%run_scoped3A : memref<!tpu.dma_semaphore, #tpu.memory_space<semaphore_mem>>)
      %dma_wait3A = arith.constant 0 : i32
      %dma_wait3A_30 = tpu.memref_slice %arg10[%mul3A_4, %dma_wait3A] : memref<10000x8xf32, #tpu.memory_space<vmem_shared>> -> memref<624x8xf32, #tpu.memory_space<vmem_shared>>
      %dma_wait3A_31 = arith.constant 0 : i32
      %dma_wait3A_32 = tpu.memref_slice %arg5[%mul3A_2, %dma_wait3A_31] : memref<10000x8xf32, #tpu.memory_space<hbm>> -> memref<624x8xf32, #tpu.memory_space<hbm>>
      tpu.wait_dma2 semaphore(%run_scoped3A : memref<!tpu.dma_semaphore, #tpu.memory_space<semaphore_mem>>) src(%dma_wait3A_32 : memref<624x8xf32, #tpu.memory_space<hbm>>) dst(%dma_wait3A_30 : memref<624x8xf32, #tpu.memory_space<vmem_shared>>)
      tpu.yield
    }) : () -> ()
    %eq3A = arith.constant 0 : i32
    %eq3A_5 = arith.cmpi eq, %arg1, %eq3A : i32
    %convert_element_type3A = arith.extui %eq3A_5 : i1 to i32
    %cond3A = arith.constant 0 : i32
    %cond3A_6 = arith.cmpi ne, %convert_element_type3A, %cond3A : i32
    scf.if %cond3A_6 {
      "tpu.region"() ({
        %run_scoped3A = tpu.sem_alloc : memref<!tpu.dma_semaphore, #tpu.memory_space<semaphore_mem>>
        %dma_start3A = arith.constant 9984 : i32
        %dma_start3A_27 = arith.constant 0 : i32
        %dma_start3A_28 = tpu.memref_slice %arg10[%dma_start3A, %dma_start3A_27] : memref<10000x8xf32, #tpu.memory_space<vmem_shared>> -> memref<16x8xf32, #tpu.memory_space<vmem_shared>>
        %dma_start3A_29 = arith.constant 9984 : i32
        %dma_start3A_30 = arith.constant 0 : i32
        %dma_start3A_31 = tpu.memref_slice %arg5[%dma_start3A_29, %dma_start3A_30] : memref<10000x8xf32, #tpu.memory_space<hbm>> -> memref<16x8xf32, #tpu.memory_space<hbm>>
        tpu.enqueue_dma source(%dma_start3A_31 : memref<16x8xf32, #tpu.memory_space<hbm>>) target(%dma_start3A_28 : memref<16x8xf32, #tpu.memory_space<vmem_shared>>) target_semaphore(%run_scoped3A : memref<!tpu.dma_semaphore, #tpu.memory_space<semaphore_mem>>)
        %dma_wait3A = arith.constant 9984 : i32
        %dma_wait3A_32 = arith.constant 0 : i32
        %dma_wait3A_33 = tpu.memref_slice %arg10[%dma_wait3A, %dma_wait3A_32] : memref<10000x8xf32, #tpu.memory_space<vmem_shared>> -> memref<16x8xf32, #tpu.memory_space<vmem_shared>>
        %dma_wait3A_34 = arith.constant 9984 : i32
        %dma_wait3A_35 = arith.constant 0 : i32
        %dma_wait3A_36 = tpu.memref_slice %arg5[%dma_wait3A_34, %dma_wait3A_35] : memref<10000x8xf32, #tpu.memory_space<hbm>> -> memref<16x8xf32, #tpu.memory_space<hbm>>
        tpu.wait_dma2 semaphore(%run_scoped3A : memref<!tpu.dma_semaphore, #tpu.memory_space<semaphore_mem>>) src(%dma_wait3A_36 : memref<16x8xf32, #tpu.memory_space<hbm>>) dst(%dma_wait3A_33 : memref<16x8xf32, #tpu.memory_space<vmem_shared>>)
        tpu.yield
      }) : () -> ()
    } else {
    }
    %barrier3A = arith.constant 0 : index
    tpu.barrier barrier_id(%barrier3A)
    %scan3A = arith.constant 0 : i32
    %scan3A_7 = arith.constant 0 : i32
    %scan3A_8 = arith.constant 39 : i32
    %scan3A_9 = arith.addi %scan3A_7, %scan3A_8 : i32
    %scan3A_10 = arith.constant 1 : i32
    %scan3A_11 = scf.for %scan3A_27 = %scan3A_7 to %scan3A_9 step %scan3A_10 iter_args(%scan3A_28 = %scan3A) -> (i32)  : i32 {
      %mul3A_29 = arith.constant 4992 : i32
      %mul3A_30 = arith.muli %add3A, %mul3A_29 : i32
      %mul3A_31 = arith.constant 128 : i32
      %mul3A_32 = arith.muli %scan3A_27, %mul3A_31 : i32
      %add3A_33 = arith.addi %mul3A_30, %mul3A_32 : i32
      "tpu.region"() ({
        %run_scoped3A = tpu.sem_alloc : memref<!tpu.dma_semaphore, #tpu.memory_space<semaphore_mem>>
        %dma_start3A_39 = tpu.memref_slice %arg3[%add3A_33] : memref<160000xi32, #tpu.memory_space<hbm>> -> memref<128xi32, #tpu.memory_space<hbm>>
        %dma_start3A_40 = tpu.memref_slice %arg3[%add3A_33] : memref<160000xi32, #tpu.memory_space<hbm>> -> memref<128xi32, #tpu.memory_space<hbm>>
        tpu.enqueue_dma source(%dma_start3A_40 : memref<128xi32, #tpu.memory_space<hbm>>) target(%arg7 : memref<128xi32, #tpu.memory_space<vmem>>) target_semaphore(%run_scoped3A : memref<!tpu.dma_semaphore, #tpu.memory_space<semaphore_mem>>)
        %dma_wait3A_41 = tpu.memref_slice %arg3[%add3A_33] : memref<160000xi32, #tpu.memory_space<hbm>> -> memref<128xi32, #tpu.memory_space<hbm>>
        %dma_wait3A_42 = tpu.memref_slice %arg3[%add3A_33] : memref<160000xi32, #tpu.memory_space<hbm>> -> memref<128xi32, #tpu.memory_space<hbm>>
        tpu.wait_dma2 semaphore(%run_scoped3A : memref<!tpu.dma_semaphore, #tpu.memory_space<semaphore_mem>>) src(%dma_wait3A_42 : memref<128xi32, #tpu.memory_space<hbm>>) dst(%arg7 : memref<128xi32, #tpu.memory_space<vmem>>)
        tpu.yield
      }) : () -> ()
      "tpu.region"() ({
        %run_scoped3A = tpu.sem_alloc : memref<!tpu.dma_semaphore, #tpu.memory_space<semaphore_mem>>
        %dma_start3A_39 = tpu.memref_slice %arg4[%add3A_33] : memref<160000xi32, #tpu.memory_space<hbm>> -> memref<128xi32, #tpu.memory_space<hbm>>
        %dma_start3A_40 = tpu.memref_slice %arg4[%add3A_33] : memref<160000xi32, #tpu.memory_space<hbm>> -> memref<128xi32, #tpu.memory_space<hbm>>
        tpu.enqueue_dma source(%dma_start3A_40 : memref<128xi32, #tpu.memory_space<hbm>>) target(%arg8 : memref<128xi32, #tpu.memory_space<vmem>>) target_semaphore(%run_scoped3A : memref<!tpu.dma_semaphore, #tpu.memory_space<semaphore_mem>>)
        %dma_wait3A_41 = tpu.memref_slice %arg4[%add3A_33] : memref<160000xi32, #tpu.memory_space<hbm>> -> memref<128xi32, #tpu.memory_space<hbm>>
        %dma_wait3A_42 = tpu.memref_slice %arg4[%add3A_33] : memref<160000xi32, #tpu.memory_space<hbm>> -> memref<128xi32, #tpu.memory_space<hbm>>
        tpu.wait_dma2 semaphore(%run_scoped3A : memref<!tpu.dma_semaphore, #tpu.memory_space<semaphore_mem>>) src(%dma_wait3A_42 : memref<128xi32, #tpu.memory_space<hbm>>) dst(%arg8 : memref<128xi32, #tpu.memory_space<vmem>>)
        tpu.yield
      }) : () -> ()
      %dma_start3A = arith.constant 0 : i32
      %dma_start3A_34 = arith.constant 0 : i32
      %dma_start3A_35 = tpu.memref_slice %arg2[%dma_start3A, %dma_start3A_34] : memref<10000x8xf32, #tpu.memory_space<hbm>> -> memref<10000x8xf32, #tpu.memory_space<hbm>>
      tpu.enqueue_indirect_dma source(%dma_start3A_35 : memref<10000x8xf32, #tpu.memory_space<hbm>>) target(%arg9 : memref<128x8xf32, #tpu.memory_space<vmem>>) offsets(%arg7 : memref<128xi32, #tpu.memory_space<vmem>>) semaphore(%arg11 : memref<!tpu.dma_semaphore, #tpu.memory_space<semaphore_mem>>)
      %dma_wait3A = arith.constant 0 : i32
      %dma_wait3A_36 = arith.constant 0 : i32
      %dma_wait3A_37 = tpu.memref_slice %arg2[%dma_wait3A, %dma_wait3A_36] : memref<10000x8xf32, #tpu.memory_space<hbm>> -> memref<10000x8xf32, #tpu.memory_space<hbm>>
      tpu.wait_indirect_dma semaphore(%arg11 : memref<!tpu.dma_semaphore, #tpu.memory_space<semaphore_mem>>) src(%dma_wait3A_37 : memref<10000x8xf32, #tpu.memory_space<hbm>>) dst(%arg9 : memref<128x8xf32, #tpu.memory_space<vmem>>)
      "tpu.region"() ({
        %run_scoped3A = tpu.sem_alloc : memref<!tpu.dma_semaphore, #tpu.memory_space<semaphore_mem>>
        %dma_start3A_39 = arith.constant 0 : i32
        %dma_start3A_40 = arith.constant 0 : i32
        %dma_start3A_41 = tpu.memref_slice %arg10[%dma_start3A_39, %dma_start3A_40] : memref<10000x8xf32, #tpu.memory_space<vmem_shared>> -> memref<10000x8xf32, #tpu.memory_space<vmem_shared>>
        tpu.enqueue_indirect_dma source(%arg9 : memref<128x8xf32, #tpu.memory_space<vmem>>) target(%dma_start3A_41 : memref<10000x8xf32, #tpu.memory_space<vmem_shared>>) offsets(%arg8 : memref<128xi32, #tpu.memory_space<vmem>>) semaphore(%run_scoped3A : memref<!tpu.dma_semaphore, #tpu.memory_space<semaphore_mem>>) {add = true}
        %dma_wait3A_42 = arith.constant 0 : i32
        %dma_wait3A_43 = arith.constant 0 : i32
        %dma_wait3A_44 = tpu.memref_slice %arg10[%dma_wait3A_42, %dma_wait3A_43] : memref<10000x8xf32, #tpu.memory_space<vmem_shared>> -> memref<10000x8xf32, #tpu.memory_space<vmem_shared>>
        tpu.wait_indirect_dma semaphore(%run_scoped3A : memref<!tpu.dma_semaphore, #tpu.memory_space<semaphore_mem>>) src(%arg9 : memref<128x8xf32, #tpu.memory_space<vmem>>) dst(%dma_wait3A_44 : memref<10000x8xf32, #tpu.memory_space<vmem_shared>>)
        tpu.yield
      }) : () -> ()
      %scan3A_38 = arith.constant 0 : i32
      scf.yield %scan3A_38 : i32
    }
    %scan3A_12 = arith.constant 39 : i32
    %lt3A = arith.constant 2 : i32
    %lt3A_13 = arith.cmpi slt, %add3A, %lt3A : i32
    %convert_element_type3A_14 = arith.extui %lt3A_13 : i1 to i32
    %cond3A_15 = arith.constant 0 : i32
    %cond3A_16 = arith.cmpi ne, %convert_element_type3A_14, %cond3A_15 : i32
    scf.if %cond3A_16 {
      %mul3A_27 = arith.constant 128 : i32
      %mul3A_28 = arith.muli %add3A, %mul3A_27 : i32
      %add3A_29 = arith.constant 159744 : i32
      %add3A_30 = arith.addi %add3A_29, %mul3A_28 : i32
      "tpu.region"() ({
        %run_scoped3A = tpu.sem_alloc : memref<!tpu.dma_semaphore, #tpu.memory_space<semaphore_mem>>
        %dma_start3A_35 = tpu.memref_slice %arg3[%add3A_30] : memref<160000xi32, #tpu.memory_space<hbm>> -> memref<128xi32, #tpu.memory_space<hbm>>
        %dma_start3A_36 = tpu.memref_slice %arg3[%add3A_30] : memref<160000xi32, #tpu.memory_space<hbm>> -> memref<128xi32, #tpu.memory_space<hbm>>
        tpu.enqueue_dma source(%dma_start3A_36 : memref<128xi32, #tpu.memory_space<hbm>>) target(%arg7 : memref<128xi32, #tpu.memory_space<vmem>>) target_semaphore(%run_scoped3A : memref<!tpu.dma_semaphore, #tpu.memory_space<semaphore_mem>>)
        %dma_wait3A_37 = tpu.memref_slice %arg3[%add3A_30] : memref<160000xi32, #tpu.memory_space<hbm>> -> memref<128xi32, #tpu.memory_space<hbm>>
        %dma_wait3A_38 = tpu.memref_slice %arg3[%add3A_30] : memref<160000xi32, #tpu.memory_space<hbm>> -> memref<128xi32, #tpu.memory_space<hbm>>
        tpu.wait_dma2 semaphore(%run_scoped3A : memref<!tpu.dma_semaphore, #tpu.memory_space<semaphore_mem>>) src(%dma_wait3A_38 : memref<128xi32, #tpu.memory_space<hbm>>) dst(%arg7 : memref<128xi32, #tpu.memory_space<vmem>>)
        tpu.yield
      }) : () -> ()
      "tpu.region"() ({
        %run_scoped3A = tpu.sem_alloc : memref<!tpu.dma_semaphore, #tpu.memory_space<semaphore_mem>>
        %dma_start3A_35 = tpu.memref_slice %arg4[%add3A_30] : memref<160000xi32, #tpu.memory_space<hbm>> -> memref<128xi32, #tpu.memory_space<hbm>>
        %dma_start3A_36 = tpu.memref_slice %arg4[%add3A_30] : memref<160000xi32, #tpu.memory_space<hbm>> -> memref<128xi32, #tpu.memory_space<hbm>>
        tpu.enqueue_dma source(%dma_start3A_36 : memref<128xi32, #tpu.memory_space<hbm>>) target(%arg8 : memref<128xi32, #tpu.memory_space<vmem>>) target_semaphore(%run_scoped3A : memref<!tpu.dma_semaphore, #tpu.memory_space<semaphore_mem>>)
        %dma_wait3A_37 = tpu.memref_slice %arg4[%add3A_30] : memref<160000xi32, #tpu.memory_space<hbm>> -> memref<128xi32, #tpu.memory_space<hbm>>
        %dma_wait3A_38 = tpu.memref_slice %arg4[%add3A_30] : memref<160000xi32, #tpu.memory_space<hbm>> -> memref<128xi32, #tpu.memory_space<hbm>>
        tpu.wait_dma2 semaphore(%run_scoped3A : memref<!tpu.dma_semaphore, #tpu.memory_space<semaphore_mem>>) src(%dma_wait3A_38 : memref<128xi32, #tpu.memory_space<hbm>>) dst(%arg8 : memref<128xi32, #tpu.memory_space<vmem>>)
        tpu.yield
      }) : () -> ()
      %dma_start3A = arith.constant 0 : i32
      %dma_start3A_31 = arith.constant 0 : i32
      %dma_start3A_32 = tpu.memref_slice %arg2[%dma_start3A, %dma_start3A_31] : memref<10000x8xf32, #tpu.memory_space<hbm>> -> memref<10000x8xf32, #tpu.memory_space<hbm>>
      tpu.enqueue_indirect_dma source(%dma_start3A_32 : memref<10000x8xf32, #tpu.memory_space<hbm>>) target(%arg9 : memref<128x8xf32, #tpu.memory_space<vmem>>) offsets(%arg7 : memref<128xi32, #tpu.memory_space<vmem>>) semaphore(%arg11 : memref<!tpu.dma_semaphore, #tpu.memory_space<semaphore_mem>>)
      %dma_wait3A = arith.constant 0 : i32
      %dma_wait3A_33 = arith.constant 0 : i32
      %dma_wait3A_34 = tpu.memref_slice %arg2[%dma_wait3A, %dma_wait3A_33] : memref<10000x8xf32, #tpu.memory_space<hbm>> -> memref<10000x8xf32, #tpu.memory_space<hbm>>
      tpu.wait_indirect_dma semaphore(%arg11 : memref<!tpu.dma_semaphore, #tpu.memory_space<semaphore_mem>>) src(%dma_wait3A_34 : memref<10000x8xf32, #tpu.memory_space<hbm>>) dst(%arg9 : memref<128x8xf32, #tpu.memory_space<vmem>>)
      "tpu.region"() ({
        %run_scoped3A = tpu.sem_alloc : memref<!tpu.dma_semaphore, #tpu.memory_space<semaphore_mem>>
        %dma_start3A_35 = arith.constant 0 : i32
        %dma_start3A_36 = arith.constant 0 : i32
        %dma_start3A_37 = tpu.memref_slice %arg10[%dma_start3A_35, %dma_start3A_36] : memref<10000x8xf32, #tpu.memory_space<vmem_shared>> -> memref<10000x8xf32, #tpu.memory_space<vmem_shared>>
        tpu.enqueue_indirect_dma source(%arg9 : memref<128x8xf32, #tpu.memory_space<vmem>>) target(%dma_start3A_37 : memref<10000x8xf32, #tpu.memory_space<vmem_shared>>) offsets(%arg8 : memref<128xi32, #tpu.memory_space<vmem>>) semaphore(%run_scoped3A : memref<!tpu.dma_semaphore, #tpu.memory_space<semaphore_mem>>) {add = true}
        %dma_wait3A_38 = arith.constant 0 : i32
        %dma_wait3A_39 = arith.constant 0 : i32
        %dma_wait3A_40 = tpu.memref_slice %arg10[%dma_wait3A_38, %dma_wait3A_39] : memref<10000x8xf32, #tpu.memory_space<vmem_shared>> -> memref<10000x8xf32, #tpu.memory_space<vmem_shared>>
        tpu.wait_indirect_dma semaphore(%run_scoped3A : memref<!tpu.dma_semaphore, #tpu.memory_space<semaphore_mem>>) src(%arg9 : memref<128x8xf32, #tpu.memory_space<vmem>>) dst(%dma_wait3A_40 : memref<10000x8xf32, #tpu.memory_space<vmem_shared>>)
        tpu.yield
      }) : () -> ()
    } else {
    }
    %barrier3A_17 = arith.constant 0 : index
    tpu.barrier barrier_id(%barrier3A_17)
    %mul3A_18 = arith.constant 624 : i32
    %mul3A_19 = arith.muli %arg1, %mul3A_18 : i32
    %mul3A_20 = arith.constant 624 : i32
    %mul3A_21 = arith.muli %arg1, %mul3A_20 : i32
    "tpu.region"() ({
      %run_scoped3A = tpu.sem_alloc : memref<!tpu.dma_semaphore, #tpu.memory_space<semaphore_mem>>
      %dma_start3A = arith.constant 0 : i32
      %dma_start3A_27 = arith.constant 0 : i32
      %dma_start3A_28 = tpu.memref_slice %arg6[%arg0, %dma_start3A, %dma_start3A_27] : memref<2x10000x8xf32, #tpu.memory_space<hbm>> -> memref<1x10000x8xf32, #tpu.memory_space<hbm>>
      %dma_start3A_29 = tpu.memref_squeeze %dma_start3A_28 : memref<1x10000x8xf32, #tpu.memory_space<hbm>> -> memref<10000x8xf32, #tpu.memory_space<hbm>>
      %dma_start3A_30 = arith.constant 0 : i32
      %dma_start3A_31 = tpu.memref_slice %dma_start3A_29[%mul3A_21, %dma_start3A_30] : memref<10000x8xf32, #tpu.memory_space<hbm>> -> memref<624x8xf32, #tpu.memory_space<hbm>>
      %dma_start3A_32 = arith.constant 0 : i32
      %dma_start3A_33 = tpu.memref_slice %arg10[%mul3A_19, %dma_start3A_32] : memref<10000x8xf32, #tpu.memory_space<vmem_shared>> -> memref<624x8xf32, #tpu.memory_space<vmem_shared>>
      tpu.enqueue_dma source(%dma_start3A_33 : memref<624x8xf32, #tpu.memory_space<vmem_shared>>) target(%dma_start3A_31 : memref<624x8xf32, #tpu.memory_space<hbm>>) target_semaphore(%run_scoped3A : memref<!tpu.dma_semaphore, #tpu.memory_space<semaphore_mem>>)
      %dma_wait3A = arith.constant 0 : i32
      %dma_wait3A_34 = arith.constant 0 : i32
      %dma_wait3A_35 = tpu.memref_slice %arg6[%arg0, %dma_wait3A, %dma_wait3A_34] : memref<2x10000x8xf32, #tpu.memory_space<hbm>> -> memref<1x10000x8xf32, #tpu.memory_space<hbm>>
      %dma_wait3A_36 = tpu.memref_squeeze %dma_wait3A_35 : memref<1x10000x8xf32, #tpu.memory_space<hbm>> -> memref<10000x8xf32, #tpu.memory_space<hbm>>
      %dma_wait3A_37 = arith.constant 0 : i32
      %dma_wait3A_38 = tpu.memref_slice %dma_wait3A_36[%mul3A_21, %dma_wait3A_37] : memref<10000x8xf32, #tpu.memory_space<hbm>> -> memref<624x8xf32, #tpu.memory_space<hbm>>
      %dma_wait3A_39 = arith.constant 0 : i32
      %dma_wait3A_40 = tpu.memref_slice %arg10[%mul3A_19, %dma_wait3A_39] : memref<10000x8xf32, #tpu.memory_space<vmem_shared>> -> memref<624x8xf32, #tpu.memory_space<vmem_shared>>
      tpu.wait_dma2 semaphore(%run_scoped3A : memref<!tpu.dma_semaphore, #tpu.memory_space<semaphore_mem>>) src(%dma_wait3A_40 : memref<624x8xf32, #tpu.memory_space<vmem_shared>>) dst(%dma_wait3A_38 : memref<624x8xf32, #tpu.memory_space<hbm>>)
      tpu.yield
    }) : () -> ()
    %eq3A_22 = arith.constant 0 : i32
    %eq3A_23 = arith.cmpi eq, %arg1, %eq3A_22 : i32
    %convert_element_type3A_24 = arith.extui %eq3A_23 : i1 to i32
    %cond3A_25 = arith.constant 0 : i32
    %cond3A_26 = arith.cmpi ne, %convert_element_type3A_24, %cond3A_25 : i32
    scf.if %cond3A_26 {
      "tpu.region"() ({
        %run_scoped3A = tpu.sem_alloc : memref<!tpu.dma_semaphore, #tpu.memory_space<semaphore_mem>>
        %dma_start3A = arith.constant 0 : i32
        %dma_start3A_27 = arith.constant 0 : i32
        %dma_start3A_28 = tpu.memref_slice %arg6[%arg0, %dma_start3A, %dma_start3A_27] : memref<2x10000x8xf32, #tpu.memory_space<hbm>> -> memref<1x10000x8xf32, #tpu.memory_space<hbm>>
        %dma_start3A_29 = tpu.memref_squeeze %dma_start3A_28 : memref<1x10000x8xf32, #tpu.memory_space<hbm>> -> memref<10000x8xf32, #tpu.memory_space<hbm>>
        %dma_start3A_30 = arith.constant 9984 : i32
        %dma_start3A_31 = arith.constant 0 : i32
        %dma_start3A_32 = tpu.memref_slice %dma_start3A_29[%dma_start3A_30, %dma_start3A_31] : memref<10000x8xf32, #tpu.memory_space<hbm>> -> memref<16x8xf32, #tpu.memory_space<hbm>>
        %dma_start3A_33 = arith.constant 9984 : i32
        %dma_start3A_34 = arith.constant 0 : i32
        %dma_start3A_35 = tpu.memref_slice %arg10[%dma_start3A_33, %dma_start3A_34] : memref<10000x8xf32, #tpu.memory_space<vmem_shared>> -> memref<16x8xf32, #tpu.memory_space<vmem_shared>>
        tpu.enqueue_dma source(%dma_start3A_35 : memref<16x8xf32, #tpu.memory_space<vmem_shared>>) target(%dma_start3A_32 : memref<16x8xf32, #tpu.memory_space<hbm>>) target_semaphore(%run_scoped3A : memref<!tpu.dma_semaphore, #tpu.memory_space<semaphore_mem>>)
        %dma_wait3A = arith.constant 0 : i32
        %dma_wait3A_36 = arith.constant 0 : i32
        %dma_wait3A_37 = tpu.memref_slice %arg6[%arg0, %dma_wait3A, %dma_wait3A_36] : memref<2x10000x8xf32, #tpu.memory_space<hbm>> -> memref<1x10000x8xf32, #tpu.memory_space<hbm>>
        %dma_wait3A_38 = tpu.memref_squeeze %dma_wait3A_37 : memref<1x10000x8xf32, #tpu.memory_space<hbm>> -> memref<10000x8xf32, #tpu.memory_space<hbm>>
        %dma_wait3A_39 = arith.constant 9984 : i32
        %dma_wait3A_40 = arith.constant 0 : i32
        %dma_wait3A_41 = tpu.memref_slice %dma_wait3A_38[%dma_wait3A_39, %dma_wait3A_40] : memref<10000x8xf32, #tpu.memory_space<hbm>> -> memref<16x8xf32, #tpu.memory_space<hbm>>
        %dma_wait3A_42 = arith.constant 9984 : i32
        %dma_wait3A_43 = arith.constant 0 : i32
        %dma_wait3A_44 = tpu.memref_slice %arg10[%dma_wait3A_42, %dma_wait3A_43] : memref<10000x8xf32, #tpu.memory_space<vmem_shared>> -> memref<16x8xf32, #tpu.memory_space<vmem_shared>>
        tpu.wait_dma2 semaphore(%run_scoped3A : memref<!tpu.dma_semaphore, #tpu.memory_space<semaphore_mem>>) src(%dma_wait3A_44 : memref<16x8xf32, #tpu.memory_space<vmem_shared>>) dst(%dma_wait3A_41 : memref<16x8xf32, #tpu.memory_space<hbm>>)
        tpu.yield
      }) : () -> ()
    } else {
    }
    return
  }
}

module attributes {stable_mosaic.version = 14 : i64} {
  func.func @_t1_kernel(%arg0: i32, %arg1: memref<2000x8xf32, #tpu.memory_space<vmem>>, %arg2: memref<2x2000x8xf32, #tpu.memory_space<vmem>>, %arg3: memref<2000x8xf32, #tpu.memory_space<vmem>>, %arg4: memref<2000x8xf32, #tpu.memory_space<vmem>>, %arg5: memref<3x8xf32, #tpu.memory_space<vmem>>) attributes {dimension_semantics = [#tpu.dimension_semantics<arbitrary>], iteration_bounds = array<i64: 5>, scalar_prefetch = 0 : i64, scratch_operands = 0 : i64, tpu.core_type = #tpu.core_type<tc>, window_params = [{transform_indices = @transform_0, window_bounds = array<i64: 2000, 8>}, {transform_indices = @transform_1, window_bounds = array<i64: 2, 2000, 8>}, {transform_indices = @transform_2, window_bounds = array<i64: 2000, 8>}, {transform_indices = @transform_3, window_bounds = array<i64: 2000, 8>}, {pipeline_mode = #tpu.pipeline_mode<synchronous>, transform_indices = @transform_4, window_bounds = array<i64: 3, 8>}]} {
    %get3A = arith.constant 0 : index
    %get3A_0 = arith.constant 0 : index
    %get3A_1 = vector.load %arg1[%get3A, %get3A_0] : memref<2000x8xf32, #tpu.memory_space<vmem>>, vector<2000x8xf32>
    %get3A_2 = arith.constant 0 : index
    %get3A_3 = arith.constant 0 : index
    %get3A_4 = arith.constant 0 : index
    %get3A_5 = vector.load %arg2[%get3A_2, %get3A_3, %get3A_4] : memref<2x2000x8xf32, #tpu.memory_space<vmem>>, vector<1x2000x8xf32>
    %get3A_6 = vector.shape_cast %get3A_5 : vector<1x2000x8xf32> to vector<2000x8xf32>
    %add3A = arith.addf %get3A_1, %get3A_6 : vector<2000x8xf32>
    %get3A_7 = arith.constant 1 : index
    %get3A_8 = arith.constant 0 : index
    %get3A_9 = arith.constant 0 : index
    %get3A_10 = vector.load %arg2[%get3A_7, %get3A_8, %get3A_9] : memref<2x2000x8xf32, #tpu.memory_space<vmem>>, vector<1x2000x8xf32>
    %get3A_11 = vector.shape_cast %get3A_10 : vector<1x2000x8xf32> to vector<2000x8xf32>
    %add3A_12 = arith.addf %add3A, %get3A_11 : vector<2000x8xf32>
    %get3A_13 = arith.constant 0 : index
    %get3A_14 = arith.constant 0 : index
    %get3A_15 = vector.load %arg3[%get3A_13, %get3A_14] : memref<2000x8xf32, #tpu.memory_space<vmem>>, vector<2000x8xf32>
    %mul3A = arith.mulf %add3A_12, %get3A_15 : vector<2000x8xf32>
    %eq3A = arith.constant 0 : i32
    %eq3A_16 = arith.cmpi eq, %arg0, %eq3A : i32
    %convert_element_type3A = arith.extui %eq3A_16 : i1 to i32
    %cond3A = arith.constant 0 : i32
    %cond3A_17 = arith.cmpi ne, %convert_element_type3A, %cond3A : i32
    scf.if %cond3A_17 {
      %broadcast_in_dim3A = arith.constant 0.000000e+00 : f32
      %broadcast_in_dim3A_56 = vector.broadcast %broadcast_in_dim3A : f32 to vector<3x8xf32>
      %swap3A_57 = arith.constant 0 : index
      %swap3A_58 = arith.constant 0 : index
      %swap3A_59 = vector.load %arg5[%swap3A_57, %swap3A_58] : memref<3x8xf32, #tpu.memory_space<vmem>>, vector<3x8xf32>
      tpu.vector_store %arg5[%swap3A_57, %swap3A_58], %broadcast_in_dim3A_56 {strides = array<i32>} : memref<3x8xf32, #tpu.memory_space<vmem>>, vector<3x8xf32>,
    } else {
    }
    %get3A_18 = arith.constant 0 : index
    %get3A_19 = arith.constant 0 : index
    %get3A_20 = vector.load %arg5[%get3A_18, %get3A_19] : memref<3x8xf32, #tpu.memory_space<vmem>>, vector<1x8xf32>
    %get3A_21 = vector.shape_cast %get3A_20 : vector<1x8xf32> to vector<8xf32>
    %reduce_sum3A = arith.constant dense<0.000000e+00> : vector<8xf32>
    %reduce_sum3A_22 = vector.multi_reduction <add>, %mul3A, %reduce_sum3A [0] : vector<2000x8xf32> to vector<8xf32>
    %add3A_23 = arith.addf %get3A_21, %reduce_sum3A_22 : vector<8xf32>
    %swap3A = arith.constant 0 : index
    %swap3A_24 = arith.constant 0 : index
    %swap3A_25 = vector.load %arg5[%swap3A, %swap3A_24] : memref<3x8xf32, #tpu.memory_space<vmem>>, vector<1x8xf32>
    %swap3A_26 = vector.shape_cast %swap3A_25 : vector<1x8xf32> to vector<8xf32>
    %swap3A_27 = vector.shape_cast %add3A_23 : vector<8xf32> to vector<1x8xf32>
    tpu.vector_store %arg5[%swap3A, %swap3A_24], %swap3A_27 {strides = array<i32>} : memref<3x8xf32, #tpu.memory_space<vmem>>, vector<1x8xf32>,
    %get3A_28 = arith.constant 1 : index
    %get3A_29 = arith.constant 0 : index
    %get3A_30 = vector.load %arg5[%get3A_28, %get3A_29] : memref<3x8xf32, #tpu.memory_space<vmem>>, vector<1x8xf32>
    %get3A_31 = vector.shape_cast %get3A_30 : vector<1x8xf32> to vector<8xf32>
    %mul3A_32 = arith.mulf %mul3A, %add3A_12 : vector<2000x8xf32>
    %reduce_sum3A_33 = arith.constant dense<0.000000e+00> : vector<8xf32>
    %reduce_sum3A_34 = vector.multi_reduction <add>, %mul3A_32, %reduce_sum3A_33 [0] : vector<2000x8xf32> to vector<8xf32>
    %add3A_35 = arith.addf %get3A_31, %reduce_sum3A_34 : vector<8xf32>
    %swap3A_36 = arith.constant 1 : index
    %swap3A_37 = arith.constant 0 : index
    %swap3A_38 = vector.load %arg5[%swap3A_36, %swap3A_37] : memref<3x8xf32, #tpu.memory_space<vmem>>, vector<1x8xf32>
    %swap3A_39 = vector.shape_cast %swap3A_38 : vector<1x8xf32> to vector<8xf32>
    %swap3A_40 = vector.shape_cast %add3A_35 : vector<8xf32> to vector<1x8xf32>
    tpu.vector_store %arg5[%swap3A_36, %swap3A_37], %swap3A_40 {strides = array<i32>} : memref<3x8xf32, #tpu.memory_space<vmem>>, vector<1x8xf32>,
    %get3A_41 = arith.constant 2 : index
    %get3A_42 = arith.constant 0 : index
    %get3A_43 = vector.load %arg5[%get3A_41, %get3A_42] : memref<3x8xf32, #tpu.memory_space<vmem>>, vector<1x8xf32>
    %get3A_44 = vector.shape_cast %get3A_43 : vector<1x8xf32> to vector<8xf32>
    %reduce_sum3A_45 = arith.constant dense<0.000000e+00> : vector<8xf32>
    %reduce_sum3A_46 = vector.multi_reduction <add>, %get3A_15, %reduce_sum3A_45 [0] : vector<2000x8xf32> to vector<8xf32>
    %add3A_47 = arith.addf %get3A_44, %reduce_sum3A_46 : vector<8xf32>
    %swap3A_48 = arith.constant 2 : index
    %swap3A_49 = arith.constant 0 : index
    %swap3A_50 = vector.load %arg5[%swap3A_48, %swap3A_49] : memref<3x8xf32, #tpu.memory_space<vmem>>, vector<1x8xf32>
    %swap3A_51 = vector.shape_cast %swap3A_50 : vector<1x8xf32> to vector<8xf32>
    %swap3A_52 = vector.shape_cast %add3A_47 : vector<8xf32> to vector<1x8xf32>
    tpu.vector_store %arg5[%swap3A_48, %swap3A_49], %swap3A_52 {strides = array<i32>} : memref<3x8xf32, #tpu.memory_space<vmem>>, vector<1x8xf32>,
    %swap3A_53 = arith.constant 0 : index
    %swap3A_54 = arith.constant 0 : index
    %swap3A_55 = vector.load %arg4[%swap3A_53, %swap3A_54] : memref<2000x8xf32, #tpu.memory_space<vmem>>, vector<2000x8xf32>
    tpu.vector_store %arg4[%swap3A_53, %swap3A_54], %add3A_12 {strides = array<i32>} : memref<2000x8xf32, #tpu.memory_space<vmem>>, vector<2000x8xf32>,
    return
  }
  func.func @transform_0(%arg0: i32) -> (i32, i32) {
    %c0_i32 = arith.constant 0 : i32
    %c0_i32_0 = arith.constant 0 : i32
    return %arg0, %c0_i32 : i32, i32
  }
  func.func @transform_1(%arg0: i32) -> (i32, i32, i32) {
    %c0_i32 = arith.constant 0 : i32
    %c0_i32_0 = arith.constant 0 : i32
    %c0_i32_1 = arith.constant 0 : i32
    return %c0_i32, %arg0, %c0_i32_0 : i32, i32, i32
  }
  func.func @transform_2(%arg0: i32) -> (i32, i32) {
    %c0_i32 = arith.constant 0 : i32
    %c0_i32_0 = arith.constant 0 : i32
    return %arg0, %c0_i32 : i32, i32
  }
  func.func @transform_3(%arg0: i32) -> (i32, i32) {
    %c0_i32 = arith.constant 0 : i32
    %c0_i32_0 = arith.constant 0 : i32
    return %arg0, %c0_i32 : i32, i32
  }
  func.func @transform_4(%arg0: i32) -> (i32, i32) {
    %c0_i32 = arith.constant 0 : i32
    %c0_i32_0 = arith.constant 0 : i32
    %c0_i32_1 = arith.constant 0 : i32
    return %c0_i32, %c0_i32_0 : i32, i32
  }
}

module attributes {stable_mosaic.version = 14 : i64} {
  func.func @_t2_kernel(%arg0: i32, %arg1: memref<8x400x1xf32, #tpu.memory_space<vmem>>, %arg2: memref<8x400x1xf32, #tpu.memory_space<vmem>>, %arg3: memref<1x128xf32, #tpu.memory_space<vmem>>, %arg4: memref<1x128xf32, #tpu.memory_space<vmem>>, %arg5: memref<8x400x128xf32, #tpu.memory_space<vmem>>) attributes {dimension_semantics = [#tpu.dimension_semantics<arbitrary>], iteration_bounds = array<i64: 25>, scalar_prefetch = 0 : i64, scratch_operands = 0 : i64, tpu.core_type = #tpu.core_type<tc>, window_params = [{transform_indices = @transform_0, window_bounds = array<i64: 8, 400, 1>}, {transform_indices = @transform_1, window_bounds = array<i64: 8, 400, 1>}, {pipeline_mode = #tpu.pipeline_mode<synchronous>, transform_indices = @transform_2, window_bounds = array<i64: 1, 128>}, {pipeline_mode = #tpu.pipeline_mode<synchronous>, transform_indices = @transform_3, window_bounds = array<i64: 1, 128>}, {transform_indices = @transform_4, window_bounds = array<i64: 8, 400, 128>}]} {
    %get3A = arith.constant 0 : index
    %get3A_0 = arith.constant 0 : index
    %get3A_1 = arith.constant 0 : index
    %get3A_2 = vector.load %arg1[%get3A, %get3A_0, %get3A_1] : memref<8x400x1xf32, #tpu.memory_space<vmem>>, vector<8x400x1xf32>
    %get3A_3 = arith.constant 0 : index
    %get3A_4 = arith.constant 0 : index
    %get3A_5 = vector.load %arg3[%get3A_3, %get3A_4] : memref<1x128xf32, #tpu.memory_space<vmem>>, vector<1x128xf32>
    %get3A_6 = vector.shape_cast %get3A_5 : vector<1x128xf32> to vector<128xf32>
    %broadcast_in_dim3A = vector.shape_cast %get3A_6 : vector<128xf32> to vector<1x1x128xf32>
    %mul3A = vector.broadcast %get3A_2 : vector<8x400x1xf32> to vector<8x400x128xf32>
    %mul3A_7 = vector.broadcast %broadcast_in_dim3A : vector<1x1x128xf32> to vector<8x400x128xf32>
    %mul3A_8 = arith.mulf %mul3A, %mul3A_7 : vector<8x400x128xf32>
    %get3A_9 = arith.constant 0 : index
    %get3A_10 = arith.constant 0 : index
    %get3A_11 = vector.load %arg4[%get3A_9, %get3A_10] : memref<1x128xf32, #tpu.memory_space<vmem>>, vector<1x128xf32>
    %get3A_12 = vector.shape_cast %get3A_11 : vector<1x128xf32> to vector<128xf32>
    %broadcast_in_dim3A_13 = vector.shape_cast %get3A_12 : vector<128xf32> to vector<1x1x128xf32>
    %add3A = vector.broadcast %broadcast_in_dim3A_13 : vector<1x1x128xf32> to vector<8x400x128xf32>
    %add3A_14 = arith.addf %mul3A_8, %add3A : vector<8x400x128xf32>
    %max3A = arith.constant 0.000000e+00 : f32
    %max3A_15 = vector.broadcast %max3A : f32 to vector<8x400x128xf32>
    %max3A_16 = arith.maximumf %add3A_14, %max3A_15 : vector<8x400x128xf32>
    %get3A_17 = arith.constant 0 : index
    %get3A_18 = arith.constant 0 : index
    %get3A_19 = arith.constant 0 : index
    %get3A_20 = vector.load %arg2[%get3A_17, %get3A_18, %get3A_19] : memref<8x400x1xf32, #tpu.memory_space<vmem>>, vector<8x400x1xf32>
    %mul3A_21 = vector.broadcast %get3A_20 : vector<8x400x1xf32> to vector<8x400x128xf32>
    %mul3A_22 = arith.mulf %max3A_16, %mul3A_21 : vector<8x400x128xf32>
    %swap3A = arith.constant 0 : index
    %swap3A_23 = arith.constant 0 : index
    %swap3A_24 = arith.constant 0 : index
    %swap3A_25 = vector.load %arg5[%swap3A, %swap3A_23, %swap3A_24] : memref<8x400x128xf32, #tpu.memory_space<vmem>>, vector<8x400x128xf32>
    tpu.vector_store %arg5[%swap3A, %swap3A_23, %swap3A_24], %mul3A_22 {strides = array<i32>} : memref<8x400x128xf32, #tpu.memory_space<vmem>>, vector<8x400x128xf32>,
    return
  }
  func.func @transform_0(%arg0: i32) -> (i32, i32, i32) {
    %c0_i32 = arith.constant 0 : i32
    %c0_i32_0 = arith.constant 0 : i32
    %c0_i32_1 = arith.constant 0 : i32
    return %c0_i32, %arg0, %c0_i32_0 : i32, i32, i32
  }
  func.func @transform_1(%arg0: i32) -> (i32, i32, i32) {
    %c0_i32 = arith.constant 0 : i32
    %c0_i32_0 = arith.constant 0 : i32
    %c0_i32_1 = arith.constant 0 : i32
    return %c0_i32, %arg0, %c0_i32_0 : i32, i32, i32
  }
  func.func @transform_2(%arg0: i32) -> (i32, i32) {
    %c0_i32 = arith.constant 0 : i32
    %c0_i32_0 = arith.constant 0 : i32
    %c0_i32_1 = arith.constant 0 : i32
    return %c0_i32, %c0_i32_0 : i32, i32
  }
  func.func @transform_3(%arg0: i32) -> (i32, i32) {
    %c0_i32 = arith.constant 0 : i32
    %c0_i32_0 = arith.constant 0 : i32
    %c0_i32_1 = arith.constant 0 : i32
    return %c0_i32, %c0_i32_0 : i32, i32
  }
  func.func @transform_4(%arg0: i32) -> (i32, i32, i32) {
    %c0_i32 = arith.constant 0 : i32
    %c0_i32_0 = arith.constant 0 : i32
    %c0_i32_1 = arith.constant 0 : i32
    return %c0_i32, %arg0, %c0_i32_0 : i32, i32, i32
  }
}

module attributes {stable_mosaic.version = 14 : i64} {
  func.func @_t3_kernel(%arg0: i32, %arg1: memref<8x400x128xf32, #tpu.memory_space<vmem>>, %arg2: memref<8x400x128xf32, #tpu.memory_space<vmem>>, %arg3: memref<128x128xf32, #tpu.memory_space<vmem>>, %arg4: memref<8x400x1xf32, #tpu.memory_space<vmem>>, %arg5: memref<8x400x128xf32, #tpu.memory_space<vmem>>, %arg6: memref<2x128xf32, #tpu.memory_space<vmem>>) attributes {dimension_semantics = [#tpu.dimension_semantics<arbitrary>], iteration_bounds = array<i64: 25>, scalar_prefetch = 0 : i64, scratch_operands = 0 : i64, tpu.core_type = #tpu.core_type<tc>, window_params = [{transform_indices = @transform_0, window_bounds = array<i64: 8, 400, 128>}, {transform_indices = @transform_1, window_bounds = array<i64: 8, 400, 128>}, {pipeline_mode = #tpu.pipeline_mode<synchronous>, transform_indices = @transform_2, window_bounds = array<i64: 128, 128>}, {transform_indices = @transform_3, window_bounds = array<i64: 8, 400, 1>}, {transform_indices = @transform_4, window_bounds = array<i64: 8, 400, 128>}, {pipeline_mode = #tpu.pipeline_mode<synchronous>, transform_indices = @transform_5, window_bounds = array<i64: 2, 128>}]} {
    %get3A = arith.constant 0 : index
    %get3A_0 = arith.constant 0 : index
    %get3A_1 = arith.constant 0 : index
    %get3A_2 = vector.load %arg1[%get3A, %get3A_0, %get3A_1] : memref<8x400x128xf32, #tpu.memory_space<vmem>>, vector<8x400x128xf32>
    %get3A_3 = arith.constant 0 : index
    %get3A_4 = arith.constant 0 : index
    %get3A_5 = arith.constant 0 : index
    %get3A_6 = vector.load %arg2[%get3A_3, %get3A_4, %get3A_5] : memref<8x400x128xf32, #tpu.memory_space<vmem>>, vector<8x400x128xf32>
    %add3A = arith.addf %get3A_2, %get3A_6 : vector<8x400x128xf32>
    %reshape3A = vector.shape_cast %add3A : vector<8x400x128xf32> to vector<3200x128xf32>
    %get3A_7 = arith.constant 0 : index
    %get3A_8 = arith.constant 0 : index
    %get3A_9 = vector.load %arg3[%get3A_7, %get3A_8] : memref<128x128xf32, #tpu.memory_space<vmem>>, vector<128x128xf32>
    %dot_general3A = arith.constant dense<0.000000e+00> : vector<3200x128xf32>
    %dot_general3A_10 = tpu.matmul %reshape3A, %get3A_9, %dot_general3A {dimension_numbers = #tpu.dot_dimension_numbers<[1], [0], [0], [1], [0, 0, 1, 1], [], []>, transpose_lhs_hint = false} : vector<3200x128xf32>, vector<128x128xf32>, vector<3200x128xf32> -> vector<3200x128xf32>
    %reshape3A_11 = vector.shape_cast %dot_general3A_10 : vector<3200x128xf32> to vector<8x400x128xf32>
    %get3A_12 = arith.constant 0 : index
    %get3A_13 = arith.constant 0 : index
    %get3A_14 = arith.constant 0 : index
    %get3A_15 = vector.load %arg4[%get3A_12, %get3A_13, %get3A_14] : memref<8x400x1xf32, #tpu.memory_space<vmem>>, vector<8x400x1xf32>
    %mul3A = vector.broadcast %get3A_15 : vector<8x400x1xf32> to vector<8x400x128xf32>
    %mul3A_16 = arith.mulf %reshape3A_11, %mul3A : vector<8x400x128xf32>
    %eq3A = arith.constant 0 : i32
    %eq3A_17 = arith.cmpi eq, %arg0, %eq3A : i32
    %convert_element_type3A = arith.extui %eq3A_17 : i1 to i32
    %cond3A = arith.constant 0 : i32
    %cond3A_18 = arith.cmpi ne, %convert_element_type3A, %cond3A : i32
    scf.if %cond3A_18 {
      %broadcast_in_dim3A = arith.constant 0.000000e+00 : f32
      %broadcast_in_dim3A_47 = vector.broadcast %broadcast_in_dim3A : f32 to vector<2x128xf32>
      %swap3A_48 = arith.constant 0 : index
      %swap3A_49 = arith.constant 0 : index
      %swap3A_50 = vector.load %arg6[%swap3A_48, %swap3A_49] : memref<2x128xf32, #tpu.memory_space<vmem>>, vector<2x128xf32>
      tpu.vector_store %arg6[%swap3A_48, %swap3A_49], %broadcast_in_dim3A_47 {strides = array<i32>} : memref<2x128xf32, #tpu.memory_space<vmem>>, vector<2x128xf32>,
    } else {
    }
    %reshape3A_19 = vector.shape_cast %mul3A_16 : vector<8x400x128xf32> to vector<3200x128xf32>
    %get3A_20 = arith.constant 0 : index
    %get3A_21 = arith.constant 0 : index
    %get3A_22 = vector.load %arg6[%get3A_20, %get3A_21] : memref<2x128xf32, #tpu.memory_space<vmem>>, vector<1x128xf32>
    %get3A_23 = vector.shape_cast %get3A_22 : vector<1x128xf32> to vector<128xf32>
    %reduce_sum3A = arith.constant dense<0.000000e+00> : vector<128xf32>
    %reduce_sum3A_24 = vector.multi_reduction <add>, %reshape3A_19, %reduce_sum3A [0] : vector<3200x128xf32> to vector<128xf32>
    %add3A_25 = arith.addf %get3A_23, %reduce_sum3A_24 : vector<128xf32>
    %swap3A = arith.constant 0 : index
    %swap3A_26 = arith.constant 0 : index
    %swap3A_27 = vector.load %arg6[%swap3A, %swap3A_26] : memref<2x128xf32, #tpu.memory_space<vmem>>, vector<1x128xf32>
    %swap3A_28 = vector.shape_cast %swap3A_27 : vector<1x128xf32> to vector<128xf32>
    %swap3A_29 = vector.shape_cast %add3A_25 : vector<128xf32> to vector<1x128xf32>
    tpu.vector_store %arg6[%swap3A, %swap3A_26], %swap3A_29 {strides = array<i32>} : memref<2x128xf32, #tpu.memory_space<vmem>>, vector<1x128xf32>,
    %get3A_30 = arith.constant 1 : index
    %get3A_31 = arith.constant 0 : index
    %get3A_32 = vector.load %arg6[%get3A_30, %get3A_31] : memref<2x128xf32, #tpu.memory_space<vmem>>, vector<1x128xf32>
    %get3A_33 = vector.shape_cast %get3A_32 : vector<1x128xf32> to vector<128xf32>
    %mul3A_34 = arith.mulf %reshape3A_19, %reshape3A_19 : vector<3200x128xf32>
    %reduce_sum3A_35 = arith.constant dense<0.000000e+00> : vector<128xf32>
    %reduce_sum3A_36 = vector.multi_reduction <add>, %mul3A_34, %reduce_sum3A_35 [0] : vector<3200x128xf32> to vector<128xf32>
    %add3A_37 = arith.addf %get3A_33, %reduce_sum3A_36 : vector<128xf32>
    %swap3A_38 = arith.constant 1 : index
    %swap3A_39 = arith.constant 0 : index
    %swap3A_40 = vector.load %arg6[%swap3A_38, %swap3A_39] : memref<2x128xf32, #tpu.memory_space<vmem>>, vector<1x128xf32>
    %swap3A_41 = vector.shape_cast %swap3A_40 : vector<1x128xf32> to vector<128xf32>
    %swap3A_42 = vector.shape_cast %add3A_37 : vector<128xf32> to vector<1x128xf32>
    tpu.vector_store %arg6[%swap3A_38, %swap3A_39], %swap3A_42 {strides = array<i32>} : memref<2x128xf32, #tpu.memory_space<vmem>>, vector<1x128xf32>,
    %swap3A_43 = arith.constant 0 : index
    %swap3A_44 = arith.constant 0 : index
    %swap3A_45 = arith.constant 0 : index
    %swap3A_46 = vector.load %arg5[%swap3A_43, %swap3A_44, %swap3A_45] : memref<8x400x128xf32, #tpu.memory_space<vmem>>, vector<8x400x128xf32>
    tpu.vector_store %arg5[%swap3A_43, %swap3A_44, %swap3A_45], %mul3A_16 {strides = array<i32>} : memref<8x400x128xf32, #tpu.memory_space<vmem>>, vector<8x400x128xf32>,
    return
  }
  func.func @transform_0(%arg0: i32) -> (i32, i32, i32) {
    %c0_i32 = arith.constant 0 : i32
    %c0_i32_0 = arith.constant 0 : i32
    %c0_i32_1 = arith.constant 0 : i32
    return %c0_i32, %arg0, %c0_i32_0 : i32, i32, i32
  }
  func.func @transform_1(%arg0: i32) -> (i32, i32, i32) {
    %c0_i32 = arith.constant 0 : i32
    %c0_i32_0 = arith.constant 0 : i32
    %c0_i32_1 = arith.constant 0 : i32
    return %c0_i32, %arg0, %c0_i32_0 : i32, i32, i32
  }
  func.func @transform_2(%arg0: i32) -> (i32, i32) {
    %c0_i32 = arith.constant 0 : i32
    %c0_i32_0 = arith.constant 0 : i32
    %c0_i32_1 = arith.constant 0 : i32
    return %c0_i32, %c0_i32_0 : i32, i32
  }
  func.func @transform_3(%arg0: i32) -> (i32, i32, i32) {
    %c0_i32 = arith.constant 0 : i32
    %c0_i32_0 = arith.constant 0 : i32
    %c0_i32_1 = arith.constant 0 : i32
    return %c0_i32, %arg0, %c0_i32_0 : i32, i32, i32
  }
  func.func @transform_4(%arg0: i32) -> (i32, i32, i32) {
    %c0_i32 = arith.constant 0 : i32
    %c0_i32_0 = arith.constant 0 : i32
    %c0_i32_1 = arith.constant 0 : i32
    return %c0_i32, %arg0, %c0_i32_0 : i32, i32, i32
  }
  func.func @transform_5(%arg0: i32) -> (i32, i32) {
    %c0_i32 = arith.constant 0 : i32
    %c0_i32_0 = arith.constant 0 : i32
    %c0_i32_1 = arith.constant 0 : i32
    return %c0_i32, %c0_i32_0 : i32, i32
  }
}

module attributes {stable_mosaic.version = 14 : i64} {
  func.func @body(%arg0: i32, %arg1: memref<8x400x128xf32, #tpu.memory_space<vmem>>, %arg2: memref<8x400x128xf32, #tpu.memory_space<vmem>>, %arg3: memref<8x400x1xf32, #tpu.memory_space<vmem>>, %arg4: memref<1x128xf32, #tpu.memory_space<vmem>>, %arg5: memref<1x128xf32, #tpu.memory_space<vmem>>, %arg6: memref<128x64xf32, #tpu.memory_space<vmem>>, %arg7: memref<64x64xf32, #tpu.memory_space<vmem>>, %arg8: memref<64x64xf32, #tpu.memory_space<vmem>>, %arg9: memref<64x64xf32, #tpu.memory_space<vmem>>, %arg10: memref<64x64xf32, #tpu.memory_space<vmem>>, %arg11: memref<64x64xf32, #tpu.memory_space<vmem>>, %arg12: memref<1x64xf32, #tpu.memory_space<vmem>>, %arg13: memref<1x64xf32, #tpu.memory_space<vmem>>, %arg14: memref<64x128xf32, #tpu.memory_space<vmem>>, %arg15: memref<1x128xf32, #tpu.memory_space<vmem>>, %arg16: memref<128x64xf32, #tpu.memory_space<vmem>>, %arg17: memref<1x64xf32, #tpu.memory_space<vmem>>, %arg18: memref<1x64xf32, #tpu.memory_space<vmem>>, %arg19: memref<1x64xf32, #tpu.memory_space<vmem>>, %arg20: memref<64x64xf32, #tpu.memory_space<vmem>>, %arg21: memref<64x64xf32, #tpu.memory_space<vmem>>, %arg22: memref<64x64xf32, #tpu.memory_space<vmem>>, %arg23: memref<64x64xf32, #tpu.memory_space<vmem>>, %arg24: memref<1x64xf32, #tpu.memory_space<vmem>>, %arg25: memref<1x64xf32, #tpu.memory_space<vmem>>, %arg26: memref<64x128xf32, #tpu.memory_space<vmem>>, %arg27: memref<1x128xf32, #tpu.memory_space<vmem>>, %arg28: memref<128x64xf32, #tpu.memory_space<vmem>>, %arg29: memref<1x64xf32, #tpu.memory_space<vmem>>, %arg30: memref<1x64xf32, #tpu.memory_space<vmem>>, %arg31: memref<1x64xf32, #tpu.memory_space<vmem>>, %arg32: memref<64x64xf32, #tpu.memory_space<vmem>>, %arg33: memref<400x64xf32, #tpu.memory_space<vmem>>, %arg34: memref<2x64xf32, #tpu.memory_space<vmem>>) attributes {dimension_semantics = [#tpu.dimension_semantics<arbitrary>], iteration_bounds = array<i64: 25>, scalar_prefetch = 0 : i64, scratch_operands = 0 : i64, tpu.core_type = #tpu.core_type<tc>, window_params = [{transform_indices = @transform_0, window_bounds = array<i64: 8, 400, 128>}, {transform_indices = @transform_1, window_bounds = array<i64: 8, 400, 128>}, {transform_indices = @transform_2, window_bounds = array<i64: 8, 400, 1>}, {pipeline_mode = #tpu.pipeline_mode<synchronous>, transform_indices = @transform_3, window_bounds = array<i64: 1, 128>}, {pipeline_mode = #tpu.pipeline_mode<synchronous>, transform_indices = @transform_4, window_bounds = array<i64: 1, 128>}, {pipeline_mode = #tpu.pipeline_mode<synchronous>, transform_indices = @transform_5, window_bounds = array<i64: 128, 64>}, {pipeline_mode = #tpu.pipeline_mode<synchronous>, transform_indices = @transform_6, window_bounds = array<i64: 64, 64>}, {pipeline_mode = #tpu.pipeline_mode<synchronous>, transform_indices = @transform_7, window_bounds = array<i64: 64, 64>}, {pipeline_mode = #tpu.pipeline_mode<synchronous>, transform_indices = @transform_8, window_bounds = array<i64: 64, 64>}, {pipeline_mode = #tpu.pipeline_mode<synchronous>, transform_indices = @transform_9, window_bounds = array<i64: 64, 64>}, {pipeline_mode = #tpu.pipeline_mode<synchronous>, transform_indices = @transform_10, window_bounds = array<i64: 64, 64>}, {pipeline_mode = #tpu.pipeline_mode<synchronous>, transform_indices = @transform_11, window_bounds = array<i64: 1, 64>}, {pipeline_mode = #tpu.pipeline_mode<synchronous>, transform_indices = @transform_12, window_bounds = array<i64: 1, 64>}, {pipeline_mode = #tpu.pipeline_mode<synchronous>, transform_indices = @transform_13, window_bounds = array<i64: 64, 128>}, {pipeline_mode = #tpu.pipeline_mode<synchronous>, transform_indices = @transform_14, window_bounds = array<i64: 1, 128>}, {pipeline_mode = #tpu.pipeline_mode<synchronous>, transform_indices = @transform_15, window_bounds = array<i64: 128, 64>}, {pipeline_mode = #tpu.pipeline_mode<synchronous>, transform_indices = @transform_16, window_bounds = array<i64: 1, 64>}, {pipeline_mode = #tpu.pipeline_mode<synchronous>, transform_indices = @transform_17, window_bounds = array<i64: 1, 64>}, {pipeline_mode = #tpu.pipeline_mode<synchronous>, transform_indices = @transform_18, window_bounds = array<i64: 1, 64>}, {pipeline_mode = #tpu.pipeline_mode<synchronous>, transform_indices = @transform_19, window_bounds = array<i64: 64, 64>}, {pipeline_mode = #tpu.pipeline_mode<synchronous>, transform_indices = @transform_20, window_bounds = array<i64: 64, 64>}, {pipeline_mode = #tpu.pipeline_mode<synchronous>, transform_indices = @transform_21, window_bounds = array<i64: 64, 64>}, {pipeline_mode = #tpu.pipeline_mode<synchronous>, transform_indices = @transform_22, window_bounds = array<i64: 64, 64>}, {pipeline_mode = #tpu.pipeline_mode<synchronous>, transform_indices = @transform_23, window_bounds = array<i64: 1, 64>}, {pipeline_mode = #tpu.pipeline_mode<synchronous>, transform_indices = @transform_24, window_bounds = array<i64: 1, 64>}, {pipeline_mode = #tpu.pipeline_mode<synchronous>, transform_indices = @transform_25, window_bounds = array<i64: 64, 128>}, {pipeline_mode = #tpu.pipeline_mode<synchronous>, transform_indices = @transform_26, window_bounds = array<i64: 1, 128>}, {pipeline_mode = #tpu.pipeline_mode<synchronous>, transform_indices = @transform_27, window_bounds = array<i64: 128, 64>}, {pipeline_mode = #tpu.pipeline_mode<synchronous>, transform_indices = @transform_28, window_bounds = array<i64: 1, 64>}, {pipeline_mode = #tpu.pipeline_mode<synchronous>, transform_indices = @transform_29, window_bounds = array<i64: 1, 64>}, {pipeline_mode = #tpu.pipeline_mode<synchronous>, transform_indices = @transform_30, window_bounds = array<i64: 1, 64>}, {pipeline_mode = #tpu.pipeline_mode<synchronous>, transform_indices = @transform_31, window_bounds = array<i64: 64, 64>}, {transform_indices = @transform_32, window_bounds = array<i64: 400, 64>}, {pipeline_mode = #tpu.pipeline_mode<synchronous>, transform_indices = @transform_33, window_bounds = array<i64: 2, 64>}]} {
    %get3A = arith.constant 0 : index
    %get3A_0 = arith.constant 0 : index
    %get3A_1 = arith.constant 0 : index
    %get3A_2 = vector.load %arg3[%get3A, %get3A_0, %get3A_1] : memref<8x400x1xf32, #tpu.memory_space<vmem>>, vector<8x400x1xf32>
    %get3A_3 = arith.constant 0 : index
    %get3A_4 = arith.constant 0 : index
    %get3A_5 = arith.constant 0 : index
    %get3A_6 = vector.load %arg1[%get3A_3, %get3A_4, %get3A_5] : memref<8x400x128xf32, #tpu.memory_space<vmem>>, vector<8x400x128xf32>
    %get3A_7 = arith.constant 0 : index
    %get3A_8 = arith.constant 0 : index
    %get3A_9 = vector.load %arg4[%get3A_7, %get3A_8] : memref<1x128xf32, #tpu.memory_space<vmem>>, vector<1x128xf32>
    %get3A_10 = vector.shape_cast %get3A_9 : vector<1x128xf32> to vector<128xf32>
    %broadcast_in_dim3A = vector.shape_cast %get3A_10 : vector<128xf32> to vector<1x1x128xf32>
    %mul3A = vector.broadcast %broadcast_in_dim3A : vector<1x1x128xf32> to vector<8x400x128xf32>
    %mul3A_11 = arith.mulf %get3A_6, %mul3A : vector<8x400x128xf32>
    %get3A_12 = arith.constant 0 : index
    %get3A_13 = arith.constant 0 : index
    %get3A_14 = vector.load %arg5[%get3A_12, %get3A_13] : memref<1x128xf32, #tpu.memory_space<vmem>>, vector<1x128xf32>
    %get3A_15 = vector.shape_cast %get3A_14 : vector<1x128xf32> to vector<128xf32>
    %broadcast_in_dim3A_16 = vector.shape_cast %get3A_15 : vector<128xf32> to vector<1x1x128xf32>
    %add3A = vector.broadcast %broadcast_in_dim3A_16 : vector<1x1x128xf32> to vector<8x400x128xf32>
    %add3A_17 = arith.addf %mul3A_11, %add3A : vector<8x400x128xf32>
    %max3A = arith.constant 0.000000e+00 : f32
    %max3A_18 = vector.broadcast %max3A : f32 to vector<8x400x128xf32>
    %max3A_19 = arith.maximumf %add3A_17, %max3A_18 : vector<8x400x128xf32>
    %mul3A_20 = vector.broadcast %get3A_2 : vector<8x400x1xf32> to vector<8x400x128xf32>
    %mul3A_21 = arith.mulf %max3A_19, %mul3A_20 : vector<8x400x128xf32>
    %get3A_22 = arith.constant 0 : index
    %get3A_23 = arith.constant 0 : index
    %get3A_24 = arith.constant 0 : index
    %get3A_25 = vector.load %arg2[%get3A_22, %get3A_23, %get3A_24] : memref<8x400x128xf32, #tpu.memory_space<vmem>>, vector<8x400x128xf32>
    %add3A_26 = arith.addf %mul3A_21, %get3A_25 : vector<8x400x128xf32>
    %slice3A = vector.extract_strided_slice %add3A_26 {offsets = [0, 0, 0], sizes = [8, 400, 64], strides = [1, 1, 1]} : vector<8x400x128xf32> to vector<8x400x64xf32>
    %slice3A_27 = vector.extract_strided_slice %add3A_26 {offsets = [0, 0, 64], sizes = [8, 400, 64], strides = [1, 1, 1]} : vector<8x400x128xf32> to vector<8x400x64xf32>
    %add3A_28 = arith.addf %slice3A, %slice3A_27 : vector<8x400x64xf32>
    %reshape3A = vector.shape_cast %add3A_28 : vector<8x400x64xf32> to vector<3200x64xf32>
    %get3A_29 = arith.constant 0 : index
    %get3A_30 = arith.constant 0 : index
    %get3A_31 = vector.load %arg8[%get3A_29, %get3A_30] : memref<64x64xf32, #tpu.memory_space<vmem>>, vector<64x64xf32>
    %dot_general3A = arith.constant dense<0.000000e+00> : vector<3200x64xf32>
    %dot_general3A_32 = tpu.matmul %reshape3A, %get3A_31, %dot_general3A {dimension_numbers = #tpu.dot_dimension_numbers<[1], [0], [0], [1], [0, 0, 1, 1], [], []>, transpose_lhs_hint = false} : vector<3200x64xf32>, vector<64x64xf32>, vector<3200x64xf32> -> vector<3200x64xf32>
    %reshape3A_33 = vector.shape_cast %dot_general3A_32 : vector<3200x64xf32> to vector<8x400x64xf32>
    %get3A_34 = arith.constant 0 : index
    %get3A_35 = arith.constant 0 : index
    %get3A_36 = vector.load %arg9[%get3A_34, %get3A_35] : memref<64x64xf32, #tpu.memory_space<vmem>>, vector<64x64xf32>
    %dot_general3A_37 = arith.constant dense<0.000000e+00> : vector<3200x64xf32>
    %dot_general3A_38 = tpu.matmul %reshape3A, %get3A_36, %dot_general3A_37 {dimension_numbers = #tpu.dot_dimension_numbers<[1], [0], [0], [1], [0, 0, 1, 1], [], []>, transpose_lhs_hint = false} : vector<3200x64xf32>, vector<64x64xf32>, vector<3200x64xf32> -> vector<3200x64xf32>
    %reshape3A_39 = vector.shape_cast %dot_general3A_38 : vector<3200x64xf32> to vector<8x400x64xf32>
    %get3A_40 = arith.constant 0 : index
    %get3A_41 = arith.constant 0 : index
    %get3A_42 = vector.load %arg10[%get3A_40, %get3A_41] : memref<64x64xf32, #tpu.memory_space<vmem>>, vector<64x64xf32>
    %dot_general3A_43 = arith.constant dense<0.000000e+00> : vector<3200x64xf32>
    %dot_general3A_44 = tpu.matmul %reshape3A, %get3A_42, %dot_general3A_43 {dimension_numbers = #tpu.dot_dimension_numbers<[1], [0], [0], [1], [0, 0, 1, 1], [], []>, transpose_lhs_hint = false} : vector<3200x64xf32>, vector<64x64xf32>, vector<3200x64xf32> -> vector<3200x64xf32>
    %reshape3A_45 = vector.shape_cast %dot_general3A_44 : vector<3200x64xf32> to vector<8x400x64xf32>
    %convert_element_type3A = arith.truncf %reshape3A_33 : vector<8x400x64xf32> to vector<8x400x64xbf16>
    %convert_element_type3A_46 = arith.extf %convert_element_type3A : vector<8x400x64xbf16> to vector<8x400x64xf32>
    %convert_element_type3A_47 = arith.truncf %reshape3A_39 : vector<8x400x64xf32> to vector<8x400x64xbf16>
    %convert_element_type3A_48 = arith.extf %convert_element_type3A_47 : vector<8x400x64xbf16> to vector<8x400x64xf32>
    %slice3A_49 = vector.extract_strided_slice %convert_element_type3A_48 {offsets = [0, 0, 0], sizes = [1, 400, 64], strides = [1, 1, 1]} : vector<8x400x64xf32> to vector<1x400x64xf32>
    %squeeze3A = vector.shape_cast %slice3A_49 : vector<1x400x64xf32> to vector<400x64xf32>
    %broadcast_in_dim3A_50 = vector.shape_cast %squeeze3A : vector<400x64xf32> to vector<1x400x64xf32>
    %mul3A_51 = vector.broadcast %broadcast_in_dim3A_50 : vector<1x400x64xf32> to vector<8x400x64xf32>
    %mul3A_52 = arith.mulf %convert_element_type3A_46, %mul3A_51 : vector<8x400x64xf32>
    %reshape3A_53 = vector.shape_cast %mul3A_52 : vector<8x400x64xf32> to vector<3200x64xf32>
    %convert_element_type3A_54 = arith.truncf %reshape3A_53 : vector<3200x64xf32> to vector<3200x64xbf16>
    %convert_element_type3A_55 = arith.extf %convert_element_type3A_54 : vector<3200x64xbf16> to vector<3200x64xf32>
    %sub3A = arith.subf %reshape3A_53, %convert_element_type3A_55 : vector<3200x64xf32>
    %get3A_56 = arith.constant 0 : index
    %get3A_57 = arith.constant 0 : index
    %get3A_58 = vector.load %arg7[%get3A_56, %get3A_57] : memref<64x64xf32, #tpu.memory_space<vmem>>, vector<64x64xf32>
    %dot_general3A_59 = arith.constant dense<0.000000e+00> : vector<3200x64xf32>
    %dot_general3A_60 = tpu.matmul %convert_element_type3A_55, %get3A_58, %dot_general3A_59 {dimension_numbers = #tpu.dot_dimension_numbers<[1], [0], [0], [1], [0, 0, 1, 1], [], []>, transpose_lhs_hint = false} : vector<3200x64xf32>, vector<64x64xf32>, vector<3200x64xf32> -> vector<3200x64xf32>
    %get3A_61 = arith.constant 0 : index
    %get3A_62 = arith.constant 0 : index
    %get3A_63 = vector.load %arg7[%get3A_61, %get3A_62] : memref<64x64xf32, #tpu.memory_space<vmem>>, vector<64x64xf32>
    %dot_general3A_64 = arith.constant dense<0.000000e+00> : vector<3200x64xf32>
    %dot_general3A_65 = tpu.matmul %sub3A, %get3A_63, %dot_general3A_64 {dimension_numbers = #tpu.dot_dimension_numbers<[1], [0], [0], [1], [0, 0, 1, 1], [], []>, transpose_lhs_hint = false} : vector<3200x64xf32>, vector<64x64xf32>, vector<3200x64xf32> -> vector<3200x64xf32>
    %add3A_66 = arith.addf %dot_general3A_60, %dot_general3A_65 : vector<3200x64xf32>
    %reshape3A_67 = vector.shape_cast %add3A_66 : vector<3200x64xf32> to vector<8x400x64xf32>
    %slice3A_68 = vector.extract_strided_slice %get3A_2 {offsets = [0, 0, 0], sizes = [1, 400, 1], strides = [1, 1, 1]} : vector<8x400x1xf32> to vector<1x400x1xf32>
    %squeeze3A_69 = vector.shape_cast %slice3A_68 : vector<1x400x1xf32> to vector<400x1xf32>
    %broadcast_in_dim3A_70 = vector.shape_cast %squeeze3A_69 : vector<400x1xf32> to vector<1x400x1xf32>
    %gt3A = arith.constant 0.000000e+00 : f32
    %gt3A_71 = vector.broadcast %gt3A : f32 to vector<1x400x1xf32>
    %gt3A_72 = arith.cmpf ogt, %broadcast_in_dim3A_70, %gt3A_71 : vector<1x400x1xf32>
    %jit3A = arith.constant -1.000000e+09 : f32
    %broadcast_in_dim3A_73 = vector.shape_cast %gt3A_72 : vector<1x400x1xi1> to vector<1x400x1xi1>
    %broadcast_in_dim3A_74 = vector.broadcast %broadcast_in_dim3A_73 : vector<1x400x1xi1> to vector<8x400x64xi1>
    %broadcast_in_dim3A_75 = vector.broadcast %jit3A : f32 to vector<8x400x64xf32>
    %select_n3A = arith.select %broadcast_in_dim3A_74, %reshape3A_67, %broadcast_in_dim3A_75 : vector<8x400x64xi1>, vector<8x400x64xf32>
    %slice3A_76 = vector.extract_strided_slice %convert_element_type3A_48 {offsets = [1, 0, 0], sizes = [1, 400, 64], strides = [1, 1, 1]} : vector<8x400x64xf32> to vector<1x400x64xf32>
    %squeeze3A_77 = vector.shape_cast %slice3A_76 : vector<1x400x64xf32> to vector<400x64xf32>
    %broadcast_in_dim3A_78 = vector.shape_cast %squeeze3A_77 : vector<400x64xf32> to vector<1x400x64xf32>
    %mul3A_79 = vector.broadcast %broadcast_in_dim3A_78 : vector<1x400x64xf32> to vector<8x400x64xf32>
    %mul3A_80 = arith.mulf %convert_element_type3A_46, %mul3A_79 : vector<8x400x64xf32>
    %reshape3A_81 = vector.shape_cast %mul3A_80 : vector<8x400x64xf32> to vector<3200x64xf32>
    %convert_element_type3A_82 = arith.truncf %reshape3A_81 : vector<3200x64xf32> to vector<3200x64xbf16>
    %convert_element_type3A_83 = arith.extf %convert_element_type3A_82 : vector<3200x64xbf16> to vector<3200x64xf32>
    %sub3A_84 = arith.subf %reshape3A_81, %convert_element_type3A_83 : vector<3200x64xf32>
    %get3A_85 = arith.constant 0 : index
    %get3A_86 = arith.constant 0 : index
    %get3A_87 = vector.load %arg7[%get3A_85, %get3A_86] : memref<64x64xf32, #tpu.memory_space<vmem>>, vector<64x64xf32>
    %dot_general3A_88 = arith.constant dense<0.000000e+00> : vector<3200x64xf32>
    %dot_general3A_89 = tpu.matmul %convert_element_type3A_83, %get3A_87, %dot_general3A_88 {dimension_numbers = #tpu.dot_dimension_numbers<[1], [0], [0], [1], [0, 0, 1, 1], [], []>, transpose_lhs_hint = false} : vector<3200x64xf32>, vector<64x64xf32>, vector<3200x64xf32> -> vector<3200x64xf32>
    %get3A_90 = arith.constant 0 : index
    %get3A_91 = arith.constant 0 : index
    %get3A_92 = vector.load %arg7[%get3A_90, %get3A_91] : memref<64x64xf32, #tpu.memory_space<vmem>>, vector<64x64xf32>
    %dot_general3A_93 = arith.constant dense<0.000000e+00> : vector<3200x64xf32>
    %dot_general3A_94 = tpu.matmul %sub3A_84, %get3A_92, %dot_general3A_93 {dimension_numbers = #tpu.dot_dimension_numbers<[1], [0], [0], [1], [0, 0, 1, 1], [], []>, transpose_lhs_hint = false} : vector<3200x64xf32>, vector<64x64xf32>, vector<3200x64xf32> -> vector<3200x64xf32>
    %add3A_95 = arith.addf %dot_general3A_89, %dot_general3A_94 : vector<3200x64xf32>
    %reshape3A_96 = vector.shape_cast %add3A_95 : vector<3200x64xf32> to vector<8x400x64xf32>
    %slice3A_97 = vector.extract_strided_slice %get3A_2 {offsets = [1, 0, 0], sizes = [1, 400, 1], strides = [1, 1, 1]} : vector<8x400x1xf32> to vector<1x400x1xf32>
    %squeeze3A_98 = vector.shape_cast %slice3A_97 : vector<1x400x1xf32> to vector<400x1xf32>
    %broadcast_in_dim3A_99 = vector.shape_cast %squeeze3A_98 : vector<400x1xf32> to vector<1x400x1xf32>
    %gt3A_100 = arith.constant 0.000000e+00 : f32
    %gt3A_101 = vector.broadcast %gt3A_100 : f32 to vector<1x400x1xf32>
    %gt3A_102 = arith.cmpf ogt, %broadcast_in_dim3A_99, %gt3A_101 : vector<1x400x1xf32>
    %jit3A_103 = arith.constant -1.000000e+09 : f32
    %broadcast_in_dim3A_104 = vector.shape_cast %gt3A_102 : vector<1x400x1xi1> to vector<1x400x1xi1>
    %broadcast_in_dim3A_105 = vector.broadcast %broadcast_in_dim3A_104 : vector<1x400x1xi1> to vector<8x400x64xi1>
    %broadcast_in_dim3A_106 = vector.broadcast %jit3A_103 : f32 to vector<8x400x64xf32>
    %select_n3A_107 = arith.select %broadcast_in_dim3A_105, %reshape3A_96, %broadcast_in_dim3A_106 : vector<8x400x64xi1>, vector<8x400x64xf32>
    %slice3A_108 = vector.extract_strided_slice %convert_element_type3A_48 {offsets = [2, 0, 0], sizes = [1, 400, 64], strides = [1, 1, 1]} : vector<8x400x64xf32> to vector<1x400x64xf32>
    %squeeze3A_109 = vector.shape_cast %slice3A_108 : vector<1x400x64xf32> to vector<400x64xf32>
    %broadcast_in_dim3A_110 = vector.shape_cast %squeeze3A_109 : vector<400x64xf32> to vector<1x400x64xf32>
    %mul3A_111 = vector.broadcast %broadcast_in_dim3A_110 : vector<1x400x64xf32> to vector<8x400x64xf32>
    %mul3A_112 = arith.mulf %convert_element_type3A_46, %mul3A_111 : vector<8x400x64xf32>
    %reshape3A_113 = vector.shape_cast %mul3A_112 : vector<8x400x64xf32> to vector<3200x64xf32>
    %convert_element_type3A_114 = arith.truncf %reshape3A_113 : vector<3200x64xf32> to vector<3200x64xbf16>
    %convert_element_type3A_115 = arith.extf %convert_element_type3A_114 : vector<3200x64xbf16> to vector<3200x64xf32>
    %sub3A_116 = arith.subf %reshape3A_113, %convert_element_type3A_115 : vector<3200x64xf32>
    %get3A_117 = arith.constant 0 : index
    %get3A_118 = arith.constant 0 : index
    %get3A_119 = vector.load %arg7[%get3A_117, %get3A_118] : memref<64x64xf32, #tpu.memory_space<vmem>>, vector<64x64xf32>
    %dot_general3A_120 = arith.constant dense<0.000000e+00> : vector<3200x64xf32>
    %dot_general3A_121 = tpu.matmul %convert_element_type3A_115, %get3A_119, %dot_general3A_120 {dimension_numbers = #tpu.dot_dimension_numbers<[1], [0], [0], [1], [0, 0, 1, 1], [], []>, transpose_lhs_hint = false} : vector<3200x64xf32>, vector<64x64xf32>, vector<3200x64xf32> -> vector<3200x64xf32>
    %get3A_122 = arith.constant 0 : index
    %get3A_123 = arith.constant 0 : index
    %get3A_124 = vector.load %arg7[%get3A_122, %get3A_123] : memref<64x64xf32, #tpu.memory_space<vmem>>, vector<64x64xf32>
    %dot_general3A_125 = arith.constant dense<0.000000e+00> : vector<3200x64xf32>
    %dot_general3A_126 = tpu.matmul %sub3A_116, %get3A_124, %dot_general3A_125 {dimension_numbers = #tpu.dot_dimension_numbers<[1], [0], [0], [1], [0, 0, 1, 1], [], []>, transpose_lhs_hint = false} : vector<3200x64xf32>, vector<64x64xf32>, vector<3200x64xf32> -> vector<3200x64xf32>
    %add3A_127 = arith.addf %dot_general3A_121, %dot_general3A_126 : vector<3200x64xf32>
    %reshape3A_128 = vector.shape_cast %add3A_127 : vector<3200x64xf32> to vector<8x400x64xf32>
    %slice3A_129 = vector.extract_strided_slice %get3A_2 {offsets = [2, 0, 0], sizes = [1, 400, 1], strides = [1, 1, 1]} : vector<8x400x1xf32> to vector<1x400x1xf32>
    %squeeze3A_130 = vector.shape_cast %slice3A_129 : vector<1x400x1xf32> to vector<400x1xf32>
    %broadcast_in_dim3A_131 = vector.shape_cast %squeeze3A_130 : vector<400x1xf32> to vector<1x400x1xf32>
    %gt3A_132 = arith.constant 0.000000e+00 : f32
    %gt3A_133 = vector.broadcast %gt3A_132 : f32 to vector<1x400x1xf32>
    %gt3A_134 = arith.cmpf ogt, %broadcast_in_dim3A_131, %gt3A_133 : vector<1x400x1xf32>
    %jit3A_135 = arith.constant -1.000000e+09 : f32
    %broadcast_in_dim3A_136 = vector.shape_cast %gt3A_134 : vector<1x400x1xi1> to vector<1x400x1xi1>
    %broadcast_in_dim3A_137 = vector.broadcast %broadcast_in_dim3A_136 : vector<1x400x1xi1> to vector<8x400x64xi1>
    %broadcast_in_dim3A_138 = vector.broadcast %jit3A_135 : f32 to vector<8x400x64xf32>
    %select_n3A_139 = arith.select %broadcast_in_dim3A_137, %reshape3A_128, %broadcast_in_dim3A_138 : vector<8x400x64xi1>, vector<8x400x64xf32>
    %slice3A_140 = vector.extract_strided_slice %convert_element_type3A_48 {offsets = [3, 0, 0], sizes = [1, 400, 64], strides = [1, 1, 1]} : vector<8x400x64xf32> to vector<1x400x64xf32>
    %squeeze3A_141 = vector.shape_cast %slice3A_140 : vector<1x400x64xf32> to vector<400x64xf32>
    %broadcast_in_dim3A_142 = vector.shape_cast %squeeze3A_141 : vector<400x64xf32> to vector<1x400x64xf32>
    %mul3A_143 = vector.broadcast %broadcast_in_dim3A_142 : vector<1x400x64xf32> to vector<8x400x64xf32>
    %mul3A_144 = arith.mulf %convert_element_type3A_46, %mul3A_143 : vector<8x400x64xf32>
    %reshape3A_145 = vector.shape_cast %mul3A_144 : vector<8x400x64xf32> to vector<3200x64xf32>
    %convert_element_type3A_146 = arith.truncf %reshape3A_145 : vector<3200x64xf32> to vector<3200x64xbf16>
    %convert_element_type3A_147 = arith.extf %convert_element_type3A_146 : vector<3200x64xbf16> to vector<3200x64xf32>
    %sub3A_148 = arith.subf %reshape3A_145, %convert_element_type3A_147 : vector<3200x64xf32>
    %get3A_149 = arith.constant 0 : index
    %get3A_150 = arith.constant 0 : index
    %get3A_151 = vector.load %arg7[%get3A_149, %get3A_150] : memref<64x64xf32, #tpu.memory_space<vmem>>, vector<64x64xf32>
    %dot_general3A_152 = arith.constant dense<0.000000e+00> : vector<3200x64xf32>
    %dot_general3A_153 = tpu.matmul %convert_element_type3A_147, %get3A_151, %dot_general3A_152 {dimension_numbers = #tpu.dot_dimension_numbers<[1], [0], [0], [1], [0, 0, 1, 1], [], []>, transpose_lhs_hint = false} : vector<3200x64xf32>, vector<64x64xf32>, vector<3200x64xf32> -> vector<3200x64xf32>
    %get3A_154 = arith.constant 0 : index
    %get3A_155 = arith.constant 0 : index
    %get3A_156 = vector.load %arg7[%get3A_154, %get3A_155] : memref<64x64xf32, #tpu.memory_space<vmem>>, vector<64x64xf32>
    %dot_general3A_157 = arith.constant dense<0.000000e+00> : vector<3200x64xf32>
    %dot_general3A_158 = tpu.matmul %sub3A_148, %get3A_156, %dot_general3A_157 {dimension_numbers = #tpu.dot_dimension_numbers<[1], [0], [0], [1], [0, 0, 1, 1], [], []>, transpose_lhs_hint = false} : vector<3200x64xf32>, vector<64x64xf32>, vector<3200x64xf32> -> vector<3200x64xf32>
    %add3A_159 = arith.addf %dot_general3A_153, %dot_general3A_158 : vector<3200x64xf32>
    %reshape3A_160 = vector.shape_cast %add3A_159 : vector<3200x64xf32> to vector<8x400x64xf32>
    %slice3A_161 = vector.extract_strided_slice %get3A_2 {offsets = [3, 0, 0], sizes = [1, 400, 1], strides = [1, 1, 1]} : vector<8x400x1xf32> to vector<1x400x1xf32>
    %squeeze3A_162 = vector.shape_cast %slice3A_161 : vector<1x400x1xf32> to vector<400x1xf32>
    %broadcast_in_dim3A_163 = vector.shape_cast %squeeze3A_162 : vector<400x1xf32> to vector<1x400x1xf32>
    %gt3A_164 = arith.constant 0.000000e+00 : f32
    %gt3A_165 = vector.broadcast %gt3A_164 : f32 to vector<1x400x1xf32>
    %gt3A_166 = arith.cmpf ogt, %broadcast_in_dim3A_163, %gt3A_165 : vector<1x400x1xf32>
    %jit3A_167 = arith.constant -1.000000e+09 : f32
    %broadcast_in_dim3A_168 = vector.shape_cast %gt3A_166 : vector<1x400x1xi1> to vector<1x400x1xi1>
    %broadcast_in_dim3A_169 = vector.broadcast %broadcast_in_dim3A_168 : vector<1x400x1xi1> to vector<8x400x64xi1>
    %broadcast_in_dim3A_170 = vector.broadcast %jit3A_167 : f32 to vector<8x400x64xf32>
    %select_n3A_171 = arith.select %broadcast_in_dim3A_169, %reshape3A_160, %broadcast_in_dim3A_170 : vector<8x400x64xi1>, vector<8x400x64xf32>
    %slice3A_172 = vector.extract_strided_slice %convert_element_type3A_48 {offsets = [4, 0, 0], sizes = [1, 400, 64], strides = [1, 1, 1]} : vector<8x400x64xf32> to vector<1x400x64xf32>
    %squeeze3A_173 = vector.shape_cast %slice3A_172 : vector<1x400x64xf32> to vector<400x64xf32>
    %broadcast_in_dim3A_174 = vector.shape_cast %squeeze3A_173 : vector<400x64xf32> to vector<1x400x64xf32>
    %mul3A_175 = vector.broadcast %broadcast_in_dim3A_174 : vector<1x400x64xf32> to vector<8x400x64xf32>
    %mul3A_176 = arith.mulf %convert_element_type3A_46, %mul3A_175 : vector<8x400x64xf32>
    %reshape3A_177 = vector.shape_cast %mul3A_176 : vector<8x400x64xf32> to vector<3200x64xf32>
    %convert_element_type3A_178 = arith.truncf %reshape3A_177 : vector<3200x64xf32> to vector<3200x64xbf16>
    %convert_element_type3A_179 = arith.extf %convert_element_type3A_178 : vector<3200x64xbf16> to vector<3200x64xf32>
    %sub3A_180 = arith.subf %reshape3A_177, %convert_element_type3A_179 : vector<3200x64xf32>
    %get3A_181 = arith.constant 0 : index
    %get3A_182 = arith.constant 0 : index
    %get3A_183 = vector.load %arg7[%get3A_181, %get3A_182] : memref<64x64xf32, #tpu.memory_space<vmem>>, vector<64x64xf32>
    %dot_general3A_184 = arith.constant dense<0.000000e+00> : vector<3200x64xf32>
    %dot_general3A_185 = tpu.matmul %convert_element_type3A_179, %get3A_183, %dot_general3A_184 {dimension_numbers = #tpu.dot_dimension_numbers<[1], [0], [0], [1], [0, 0, 1, 1], [], []>, transpose_lhs_hint = false} : vector<3200x64xf32>, vector<64x64xf32>, vector<3200x64xf32> -> vector<3200x64xf32>
    %get3A_186 = arith.constant 0 : index
    %get3A_187 = arith.constant 0 : index
    %get3A_188 = vector.load %arg7[%get3A_186, %get3A_187] : memref<64x64xf32, #tpu.memory_space<vmem>>, vector<64x64xf32>
    %dot_general3A_189 = arith.constant dense<0.000000e+00> : vector<3200x64xf32>
    %dot_general3A_190 = tpu.matmul %sub3A_180, %get3A_188, %dot_general3A_189 {dimension_numbers = #tpu.dot_dimension_numbers<[1], [0], [0], [1], [0, 0, 1, 1], [], []>, transpose_lhs_hint = false} : vector<3200x64xf32>, vector<64x64xf32>, vector<3200x64xf32> -> vector<3200x64xf32>
    %add3A_191 = arith.addf %dot_general3A_185, %dot_general3A_190 : vector<3200x64xf32>
    %reshape3A_192 = vector.shape_cast %add3A_191 : vector<3200x64xf32> to vector<8x400x64xf32>
    %slice3A_193 = vector.extract_strided_slice %get3A_2 {offsets = [4, 0, 0], sizes = [1, 400, 1], strides = [1, 1, 1]} : vector<8x400x1xf32> to vector<1x400x1xf32>
    %squeeze3A_194 = vector.shape_cast %slice3A_193 : vector<1x400x1xf32> to vector<400x1xf32>
    %broadcast_in_dim3A_195 = vector.shape_cast %squeeze3A_194 : vector<400x1xf32> to vector<1x400x1xf32>
    %gt3A_196 = arith.constant 0.000000e+00 : f32
    %gt3A_197 = vector.broadcast %gt3A_196 : f32 to vector<1x400x1xf32>
    %gt3A_198 = arith.cmpf ogt, %broadcast_in_dim3A_195, %gt3A_197 : vector<1x400x1xf32>
    %jit3A_199 = arith.constant -1.000000e+09 : f32
    %broadcast_in_dim3A_200 = vector.shape_cast %gt3A_198 : vector<1x400x1xi1> to vector<1x400x1xi1>
    %broadcast_in_dim3A_201 = vector.broadcast %broadcast_in_dim3A_200 : vector<1x400x1xi1> to vector<8x400x64xi1>
    %broadcast_in_dim3A_202 = vector.broadcast %jit3A_199 : f32 to vector<8x400x64xf32>
    %select_n3A_203 = arith.select %broadcast_in_dim3A_201, %reshape3A_192, %broadcast_in_dim3A_202 : vector<8x400x64xi1>, vector<8x400x64xf32>
    %slice3A_204 = vector.extract_strided_slice %convert_element_type3A_48 {offsets = [5, 0, 0], sizes = [1, 400, 64], strides = [1, 1, 1]} : vector<8x400x64xf32> to vector<1x400x64xf32>
    %squeeze3A_205 = vector.shape_cast %slice3A_204 : vector<1x400x64xf32> to vector<400x64xf32>
    %broadcast_in_dim3A_206 = vector.shape_cast %squeeze3A_205 : vector<400x64xf32> to vector<1x400x64xf32>
    %mul3A_207 = vector.broadcast %broadcast_in_dim3A_206 : vector<1x400x64xf32> to vector<8x400x64xf32>
    %mul3A_208 = arith.mulf %convert_element_type3A_46, %mul3A_207 : vector<8x400x64xf32>
    %reshape3A_209 = vector.shape_cast %mul3A_208 : vector<8x400x64xf32> to vector<3200x64xf32>
    %convert_element_type3A_210 = arith.truncf %reshape3A_209 : vector<3200x64xf32> to vector<3200x64xbf16>
    %convert_element_type3A_211 = arith.extf %convert_element_type3A_210 : vector<3200x64xbf16> to vector<3200x64xf32>
    %sub3A_212 = arith.subf %reshape3A_209, %convert_element_type3A_211 : vector<3200x64xf32>
    %get3A_213 = arith.constant 0 : index
    %get3A_214 = arith.constant 0 : index
    %get3A_215 = vector.load %arg7[%get3A_213, %get3A_214] : memref<64x64xf32, #tpu.memory_space<vmem>>, vector<64x64xf32>
    %dot_general3A_216 = arith.constant dense<0.000000e+00> : vector<3200x64xf32>
    %dot_general3A_217 = tpu.matmul %convert_element_type3A_211, %get3A_215, %dot_general3A_216 {dimension_numbers = #tpu.dot_dimension_numbers<[1], [0], [0], [1], [0, 0, 1, 1], [], []>, transpose_lhs_hint = false} : vector<3200x64xf32>, vector<64x64xf32>, vector<3200x64xf32> -> vector<3200x64xf32>
    %get3A_218 = arith.constant 0 : index
    %get3A_219 = arith.constant 0 : index
    %get3A_220 = vector.load %arg7[%get3A_218, %get3A_219] : memref<64x64xf32, #tpu.memory_space<vmem>>, vector<64x64xf32>
    %dot_general3A_221 = arith.constant dense<0.000000e+00> : vector<3200x64xf32>
    %dot_general3A_222 = tpu.matmul %sub3A_212, %get3A_220, %dot_general3A_221 {dimension_numbers = #tpu.dot_dimension_numbers<[1], [0], [0], [1], [0, 0, 1, 1], [], []>, transpose_lhs_hint = false} : vector<3200x64xf32>, vector<64x64xf32>, vector<3200x64xf32> -> vector<3200x64xf32>
    %add3A_223 = arith.addf %dot_general3A_217, %dot_general3A_222 : vector<3200x64xf32>
    %reshape3A_224 = vector.shape_cast %add3A_223 : vector<3200x64xf32> to vector<8x400x64xf32>
    %slice3A_225 = vector.extract_strided_slice %get3A_2 {offsets = [5, 0, 0], sizes = [1, 400, 1], strides = [1, 1, 1]} : vector<8x400x1xf32> to vector<1x400x1xf32>
    %squeeze3A_226 = vector.shape_cast %slice3A_225 : vector<1x400x1xf32> to vector<400x1xf32>
    %broadcast_in_dim3A_227 = vector.shape_cast %squeeze3A_226 : vector<400x1xf32> to vector<1x400x1xf32>
    %gt3A_228 = arith.constant 0.000000e+00 : f32
    %gt3A_229 = vector.broadcast %gt3A_228 : f32 to vector<1x400x1xf32>
    %gt3A_230 = arith.cmpf ogt, %broadcast_in_dim3A_227, %gt3A_229 : vector<1x400x1xf32>
    %jit3A_231 = arith.constant -1.000000e+09 : f32
    %broadcast_in_dim3A_232 = vector.shape_cast %gt3A_230 : vector<1x400x1xi1> to vector<1x400x1xi1>
    %broadcast_in_dim3A_233 = vector.broadcast %broadcast_in_dim3A_232 : vector<1x400x1xi1> to vector<8x400x64xi1>
    %broadcast_in_dim3A_234 = vector.broadcast %jit3A_231 : f32 to vector<8x400x64xf32>
    %select_n3A_235 = arith.select %broadcast_in_dim3A_233, %reshape3A_224, %broadcast_in_dim3A_234 : vector<8x400x64xi1>, vector<8x400x64xf32>
    %slice3A_236 = vector.extract_strided_slice %convert_element_type3A_48 {offsets = [6, 0, 0], sizes = [1, 400, 64], strides = [1, 1, 1]} : vector<8x400x64xf32> to vector<1x400x64xf32>
    %squeeze3A_237 = vector.shape_cast %slice3A_236 : vector<1x400x64xf32> to vector<400x64xf32>
    %broadcast_in_dim3A_238 = vector.shape_cast %squeeze3A_237 : vector<400x64xf32> to vector<1x400x64xf32>
    %mul3A_239 = vector.broadcast %broadcast_in_dim3A_238 : vector<1x400x64xf32> to vector<8x400x64xf32>
    %mul3A_240 = arith.mulf %convert_element_type3A_46, %mul3A_239 : vector<8x400x64xf32>
    %reshape3A_241 = vector.shape_cast %mul3A_240 : vector<8x400x64xf32> to vector<3200x64xf32>
    %convert_element_type3A_242 = arith.truncf %reshape3A_241 : vector<3200x64xf32> to vector<3200x64xbf16>
    %convert_element_type3A_243 = arith.extf %convert_element_type3A_242 : vector<3200x64xbf16> to vector<3200x64xf32>
    %sub3A_244 = arith.subf %reshape3A_241, %convert_element_type3A_243 : vector<3200x64xf32>
    %get3A_245 = arith.constant 0 : index
    %get3A_246 = arith.constant 0 : index
    %get3A_247 = vector.load %arg7[%get3A_245, %get3A_246] : memref<64x64xf32, #tpu.memory_space<vmem>>, vector<64x64xf32>
    %dot_general3A_248 = arith.constant dense<0.000000e+00> : vector<3200x64xf32>
    %dot_general3A_249 = tpu.matmul %convert_element_type3A_243, %get3A_247, %dot_general3A_248 {dimension_numbers = #tpu.dot_dimension_numbers<[1], [0], [0], [1], [0, 0, 1, 1], [], []>, transpose_lhs_hint = false} : vector<3200x64xf32>, vector<64x64xf32>, vector<3200x64xf32> -> vector<3200x64xf32>
    %get3A_250 = arith.constant 0 : index
    %get3A_251 = arith.constant 0 : index
    %get3A_252 = vector.load %arg7[%get3A_250, %get3A_251] : memref<64x64xf32, #tpu.memory_space<vmem>>, vector<64x64xf32>
    %dot_general3A_253 = arith.constant dense<0.000000e+00> : vector<3200x64xf32>
    %dot_general3A_254 = tpu.matmul %sub3A_244, %get3A_252, %dot_general3A_253 {dimension_numbers = #tpu.dot_dimension_numbers<[1], [0], [0], [1], [0, 0, 1, 1], [], []>, transpose_lhs_hint = false} : vector<3200x64xf32>, vector<64x64xf32>, vector<3200x64xf32> -> vector<3200x64xf32>
    %add3A_255 = arith.addf %dot_general3A_249, %dot_general3A_254 : vector<3200x64xf32>
    %reshape3A_256 = vector.shape_cast %add3A_255 : vector<3200x64xf32> to vector<8x400x64xf32>
    %slice3A_257 = vector.extract_strided_slice %get3A_2 {offsets = [6, 0, 0], sizes = [1, 400, 1], strides = [1, 1, 1]} : vector<8x400x1xf32> to vector<1x400x1xf32>
    %squeeze3A_258 = vector.shape_cast %slice3A_257 : vector<1x400x1xf32> to vector<400x1xf32>
    %broadcast_in_dim3A_259 = vector.shape_cast %squeeze3A_258 : vector<400x1xf32> to vector<1x400x1xf32>
    %gt3A_260 = arith.constant 0.000000e+00 : f32
    %gt3A_261 = vector.broadcast %gt3A_260 : f32 to vector<1x400x1xf32>
    %gt3A_262 = arith.cmpf ogt, %broadcast_in_dim3A_259, %gt3A_261 : vector<1x400x1xf32>
    %jit3A_263 = arith.constant -1.000000e+09 : f32
    %broadcast_in_dim3A_264 = vector.shape_cast %gt3A_262 : vector<1x400x1xi1> to vector<1x400x1xi1>
    %broadcast_in_dim3A_265 = vector.broadcast %broadcast_in_dim3A_264 : vector<1x400x1xi1> to vector<8x400x64xi1>
    %broadcast_in_dim3A_266 = vector.broadcast %jit3A_263 : f32 to vector<8x400x64xf32>
    %select_n3A_267 = arith.select %broadcast_in_dim3A_265, %reshape3A_256, %broadcast_in_dim3A_266 : vector<8x400x64xi1>, vector<8x400x64xf32>
    %slice3A_268 = vector.extract_strided_slice %convert_element_type3A_48 {offsets = [7, 0, 0], sizes = [1, 400, 64], strides = [1, 1, 1]} : vector<8x400x64xf32> to vector<1x400x64xf32>
    %squeeze3A_269 = vector.shape_cast %slice3A_268 : vector<1x400x64xf32> to vector<400x64xf32>
    %broadcast_in_dim3A_270 = vector.shape_cast %squeeze3A_269 : vector<400x64xf32> to vector<1x400x64xf32>
    %mul3A_271 = vector.broadcast %broadcast_in_dim3A_270 : vector<1x400x64xf32> to vector<8x400x64xf32>
    %mul3A_272 = arith.mulf %convert_element_type3A_46, %mul3A_271 : vector<8x400x64xf32>
    %reshape3A_273 = vector.shape_cast %mul3A_272 : vector<8x400x64xf32> to vector<3200x64xf32>
    %convert_element_type3A_274 = arith.truncf %reshape3A_273 : vector<3200x64xf32> to vector<3200x64xbf16>
    %convert_element_type3A_275 = arith.extf %convert_element_type3A_274 : vector<3200x64xbf16> to vector<3200x64xf32>
    %sub3A_276 = arith.subf %reshape3A_273, %convert_element_type3A_275 : vector<3200x64xf32>
    %get3A_277 = arith.constant 0 : index
    %get3A_278 = arith.constant 0 : index
    %get3A_279 = vector.load %arg7[%get3A_277, %get3A_278] : memref<64x64xf32, #tpu.memory_space<vmem>>, vector<64x64xf32>
    %dot_general3A_280 = arith.constant dense<0.000000e+00> : vector<3200x64xf32>
    %dot_general3A_281 = tpu.matmul %convert_element_type3A_275, %get3A_279, %dot_general3A_280 {dimension_numbers = #tpu.dot_dimension_numbers<[1], [0], [0], [1], [0, 0, 1, 1], [], []>, transpose_lhs_hint = false} : vector<3200x64xf32>, vector<64x64xf32>, vector<3200x64xf32> -> vector<3200x64xf32>
    %get3A_282 = arith.constant 0 : index
    %get3A_283 = arith.constant 0 : index
    %get3A_284 = vector.load %arg7[%get3A_282, %get3A_283] : memref<64x64xf32, #tpu.memory_space<vmem>>, vector<64x64xf32>
    %dot_general3A_285 = arith.constant dense<0.000000e+00> : vector<3200x64xf32>
    %dot_general3A_286 = tpu.matmul %sub3A_276, %get3A_284, %dot_general3A_285 {dimension_numbers = #tpu.dot_dimension_numbers<[1], [0], [0], [1], [0, 0, 1, 1], [], []>, transpose_lhs_hint = false} : vector<3200x64xf32>, vector<64x64xf32>, vector<3200x64xf32> -> vector<3200x64xf32>
    %add3A_287 = arith.addf %dot_general3A_281, %dot_general3A_286 : vector<3200x64xf32>
    %reshape3A_288 = vector.shape_cast %add3A_287 : vector<3200x64xf32> to vector<8x400x64xf32>
    %slice3A_289 = vector.extract_strided_slice %get3A_2 {offsets = [7, 0, 0], sizes = [1, 400, 1], strides = [1, 1, 1]} : vector<8x400x1xf32> to vector<1x400x1xf32>
    %squeeze3A_290 = vector.shape_cast %slice3A_289 : vector<1x400x1xf32> to vector<400x1xf32>
    %broadcast_in_dim3A_291 = vector.shape_cast %squeeze3A_290 : vector<400x1xf32> to vector<1x400x1xf32>
    %gt3A_292 = arith.constant 0.000000e+00 : f32
    %gt3A_293 = vector.broadcast %gt3A_292 : f32 to vector<1x400x1xf32>
    %gt3A_294 = arith.cmpf ogt, %broadcast_in_dim3A_291, %gt3A_293 : vector<1x400x1xf32>
    %jit3A_295 = arith.constant -1.000000e+09 : f32
    %broadcast_in_dim3A_296 = vector.shape_cast %gt3A_294 : vector<1x400x1xi1> to vector<1x400x1xi1>
    %broadcast_in_dim3A_297 = vector.broadcast %broadcast_in_dim3A_296 : vector<1x400x1xi1> to vector<8x400x64xi1>
    %broadcast_in_dim3A_298 = vector.broadcast %jit3A_295 : f32 to vector<8x400x64xf32>
    %select_n3A_299 = arith.select %broadcast_in_dim3A_297, %reshape3A_288, %broadcast_in_dim3A_298 : vector<8x400x64xi1>, vector<8x400x64xf32>
    %max3A_300 = arith.maximumf %select_n3A, %select_n3A_107 : vector<8x400x64xf32>
    %max3A_301 = arith.maximumf %max3A_300, %select_n3A_139 : vector<8x400x64xf32>
    %max3A_302 = arith.maximumf %max3A_301, %select_n3A_171 : vector<8x400x64xf32>
    %max3A_303 = arith.maximumf %max3A_302, %select_n3A_203 : vector<8x400x64xf32>
    %max3A_304 = arith.maximumf %max3A_303, %select_n3A_235 : vector<8x400x64xf32>
    %max3A_305 = arith.maximumf %max3A_304, %select_n3A_267 : vector<8x400x64xf32>
    %max3A_306 = arith.maximumf %max3A_305, %select_n3A_299 : vector<8x400x64xf32>
    %sub3A_307 = arith.subf %select_n3A, %max3A_306 : vector<8x400x64xf32>
    %exp3A = math.exp %sub3A_307 : vector<8x400x64xf32>
    %sub3A_308 = arith.subf %select_n3A_107, %max3A_306 : vector<8x400x64xf32>
    %exp3A_309 = math.exp %sub3A_308 : vector<8x400x64xf32>
    %add3A_310 = arith.addf %exp3A, %exp3A_309 : vector<8x400x64xf32>
    %sub3A_311 = arith.subf %select_n3A_139, %max3A_306 : vector<8x400x64xf32>
    %exp3A_312 = math.exp %sub3A_311 : vector<8x400x64xf32>
    %add3A_313 = arith.addf %add3A_310, %exp3A_312 : vector<8x400x64xf32>
    %sub3A_314 = arith.subf %select_n3A_171, %max3A_306 : vector<8x400x64xf32>
    %exp3A_315 = math.exp %sub3A_314 : vector<8x400x64xf32>
    %add3A_316 = arith.addf %add3A_313, %exp3A_315 : vector<8x400x64xf32>
    %sub3A_317 = arith.subf %select_n3A_203, %max3A_306 : vector<8x400x64xf32>
    %exp3A_318 = math.exp %sub3A_317 : vector<8x400x64xf32>
    %add3A_319 = arith.addf %add3A_316, %exp3A_318 : vector<8x400x64xf32>
    %sub3A_320 = arith.subf %select_n3A_235, %max3A_306 : vector<8x400x64xf32>
    %exp3A_321 = math.exp %sub3A_320 : vector<8x400x64xf32>
    %add3A_322 = arith.addf %add3A_319, %exp3A_321 : vector<8x400x64xf32>
    %sub3A_323 = arith.subf %select_n3A_267, %max3A_306 : vector<8x400x64xf32>
    %exp3A_324 = math.exp %sub3A_323 : vector<8x400x64xf32>
    %add3A_325 = arith.addf %add3A_322, %exp3A_324 : vector<8x400x64xf32>
    %sub3A_326 = arith.subf %select_n3A_299, %max3A_306 : vector<8x400x64xf32>
    %exp3A_327 = math.exp %sub3A_326 : vector<8x400x64xf32>
    %add3A_328 = arith.addf %add3A_325, %exp3A_327 : vector<8x400x64xf32>
    %convert_element_type3A_329 = arith.truncf %reshape3A_45 : vector<8x400x64xf32> to vector<8x400x64xbf16>
    %convert_element_type3A_330 = arith.extf %convert_element_type3A_329 : vector<8x400x64xbf16> to vector<8x400x64xf32>
    %div3A = arith.divf %exp3A, %add3A_328 : vector<8x400x64xf32>
    %convert_element_type3A_331 = arith.truncf %div3A : vector<8x400x64xf32> to vector<8x400x64xbf16>
    %convert_element_type3A_332 = arith.extf %convert_element_type3A_331 : vector<8x400x64xbf16> to vector<8x400x64xf32>
    %slice3A_333 = vector.extract_strided_slice %convert_element_type3A_330 {offsets = [0, 0, 0], sizes = [1, 400, 64], strides = [1, 1, 1]} : vector<8x400x64xf32> to vector<1x400x64xf32>
    %squeeze3A_334 = vector.shape_cast %slice3A_333 : vector<1x400x64xf32> to vector<400x64xf32>
    %broadcast_in_dim3A_335 = vector.shape_cast %squeeze3A_334 : vector<400x64xf32> to vector<1x400x64xf32>
    %mul3A_336 = vector.broadcast %broadcast_in_dim3A_335 : vector<1x400x64xf32> to vector<8x400x64xf32>
    %mul3A_337 = arith.mulf %convert_element_type3A_332, %mul3A_336 : vector<8x400x64xf32>
    %div3A_338 = arith.divf %exp3A_309, %add3A_328 : vector<8x400x64xf32>
    %convert_element_type3A_339 = arith.truncf %div3A_338 : vector<8x400x64xf32> to vector<8x400x64xbf16>
    %convert_element_type3A_340 = arith.extf %convert_element_type3A_339 : vector<8x400x64xbf16> to vector<8x400x64xf32>
    %slice3A_341 = vector.extract_strided_slice %convert_element_type3A_330 {offsets = [1, 0, 0], sizes = [1, 400, 64], strides = [1, 1, 1]} : vector<8x400x64xf32> to vector<1x400x64xf32>
    %squeeze3A_342 = vector.shape_cast %slice3A_341 : vector<1x400x64xf32> to vector<400x64xf32>
    %broadcast_in_dim3A_343 = vector.shape_cast %squeeze3A_342 : vector<400x64xf32> to vector<1x400x64xf32>
    %mul3A_344 = vector.broadcast %broadcast_in_dim3A_343 : vector<1x400x64xf32> to vector<8x400x64xf32>
    %mul3A_345 = arith.mulf %convert_element_type3A_340, %mul3A_344 : vector<8x400x64xf32>
    %add3A_346 = arith.addf %mul3A_337, %mul3A_345 : vector<8x400x64xf32>
    %div3A_347 = arith.divf %exp3A_312, %add3A_328 : vector<8x400x64xf32>
    %convert_element_type3A_348 = arith.truncf %div3A_347 : vector<8x400x64xf32> to vector<8x400x64xbf16>
    %convert_element_type3A_349 = arith.extf %convert_element_type3A_348 : vector<8x400x64xbf16> to vector<8x400x64xf32>
    %slice3A_350 = vector.extract_strided_slice %convert_element_type3A_330 {offsets = [2, 0, 0], sizes = [1, 400, 64], strides = [1, 1, 1]} : vector<8x400x64xf32> to vector<1x400x64xf32>
    %squeeze3A_351 = vector.shape_cast %slice3A_350 : vector<1x400x64xf32> to vector<400x64xf32>
    %broadcast_in_dim3A_352 = vector.shape_cast %squeeze3A_351 : vector<400x64xf32> to vector<1x400x64xf32>
    %mul3A_353 = vector.broadcast %broadcast_in_dim3A_352 : vector<1x400x64xf32> to vector<8x400x64xf32>
    %mul3A_354 = arith.mulf %convert_element_type3A_349, %mul3A_353 : vector<8x400x64xf32>
    %add3A_355 = arith.addf %add3A_346, %mul3A_354 : vector<8x400x64xf32>
    %div3A_356 = arith.divf %exp3A_315, %add3A_328 : vector<8x400x64xf32>
    %convert_element_type3A_357 = arith.truncf %div3A_356 : vector<8x400x64xf32> to vector<8x400x64xbf16>
    %convert_element_type3A_358 = arith.extf %convert_element_type3A_357 : vector<8x400x64xbf16> to vector<8x400x64xf32>
    %slice3A_359 = vector.extract_strided_slice %convert_element_type3A_330 {offsets = [3, 0, 0], sizes = [1, 400, 64], strides = [1, 1, 1]} : vector<8x400x64xf32> to vector<1x400x64xf32>
    %squeeze3A_360 = vector.shape_cast %slice3A_359 : vector<1x400x64xf32> to vector<400x64xf32>
    %broadcast_in_dim3A_361 = vector.shape_cast %squeeze3A_360 : vector<400x64xf32> to vector<1x400x64xf32>
    %mul3A_362 = vector.broadcast %broadcast_in_dim3A_361 : vector<1x400x64xf32> to vector<8x400x64xf32>
    %mul3A_363 = arith.mulf %convert_element_type3A_358, %mul3A_362 : vector<8x400x64xf32>
    %add3A_364 = arith.addf %add3A_355, %mul3A_363 : vector<8x400x64xf32>
    %div3A_365 = arith.divf %exp3A_318, %add3A_328 : vector<8x400x64xf32>
    %convert_element_type3A_366 = arith.truncf %div3A_365 : vector<8x400x64xf32> to vector<8x400x64xbf16>
    %convert_element_type3A_367 = arith.extf %convert_element_type3A_366 : vector<8x400x64xbf16> to vector<8x400x64xf32>
    %slice3A_368 = vector.extract_strided_slice %convert_element_type3A_330 {offsets = [4, 0, 0], sizes = [1, 400, 64], strides = [1, 1, 1]} : vector<8x400x64xf32> to vector<1x400x64xf32>
    %squeeze3A_369 = vector.shape_cast %slice3A_368 : vector<1x400x64xf32> to vector<400x64xf32>
    %broadcast_in_dim3A_370 = vector.shape_cast %squeeze3A_369 : vector<400x64xf32> to vector<1x400x64xf32>
    %mul3A_371 = vector.broadcast %broadcast_in_dim3A_370 : vector<1x400x64xf32> to vector<8x400x64xf32>
    %mul3A_372 = arith.mulf %convert_element_type3A_367, %mul3A_371 : vector<8x400x64xf32>
    %add3A_373 = arith.addf %add3A_364, %mul3A_372 : vector<8x400x64xf32>
    %div3A_374 = arith.divf %exp3A_321, %add3A_328 : vector<8x400x64xf32>
    %convert_element_type3A_375 = arith.truncf %div3A_374 : vector<8x400x64xf32> to vector<8x400x64xbf16>
    %convert_element_type3A_376 = arith.extf %convert_element_type3A_375 : vector<8x400x64xbf16> to vector<8x400x64xf32>
    %slice3A_377 = vector.extract_strided_slice %convert_element_type3A_330 {offsets = [5, 0, 0], sizes = [1, 400, 64], strides = [1, 1, 1]} : vector<8x400x64xf32> to vector<1x400x64xf32>
    %squeeze3A_378 = vector.shape_cast %slice3A_377 : vector<1x400x64xf32> to vector<400x64xf32>
    %broadcast_in_dim3A_379 = vector.shape_cast %squeeze3A_378 : vector<400x64xf32> to vector<1x400x64xf32>
    %mul3A_380 = vector.broadcast %broadcast_in_dim3A_379 : vector<1x400x64xf32> to vector<8x400x64xf32>
    %mul3A_381 = arith.mulf %convert_element_type3A_376, %mul3A_380 : vector<8x400x64xf32>
    %add3A_382 = arith.addf %add3A_373, %mul3A_381 : vector<8x400x64xf32>
    %div3A_383 = arith.divf %exp3A_324, %add3A_328 : vector<8x400x64xf32>
    %convert_element_type3A_384 = arith.truncf %div3A_383 : vector<8x400x64xf32> to vector<8x400x64xbf16>
    %convert_element_type3A_385 = arith.extf %convert_element_type3A_384 : vector<8x400x64xbf16> to vector<8x400x64xf32>
    %slice3A_386 = vector.extract_strided_slice %convert_element_type3A_330 {offsets = [6, 0, 0], sizes = [1, 400, 64], strides = [1, 1, 1]} : vector<8x400x64xf32> to vector<1x400x64xf32>
    %squeeze3A_387 = vector.shape_cast %slice3A_386 : vector<1x400x64xf32> to vector<400x64xf32>
    %broadcast_in_dim3A_388 = vector.shape_cast %squeeze3A_387 : vector<400x64xf32> to vector<1x400x64xf32>
    %mul3A_389 = vector.broadcast %broadcast_in_dim3A_388 : vector<1x400x64xf32> to vector<8x400x64xf32>
    %mul3A_390 = arith.mulf %convert_element_type3A_385, %mul3A_389 : vector<8x400x64xf32>
    %add3A_391 = arith.addf %add3A_382, %mul3A_390 : vector<8x400x64xf32>
    %div3A_392 = arith.divf %exp3A_327, %add3A_328 : vector<8x400x64xf32>
    %convert_element_type3A_393 = arith.truncf %div3A_392 : vector<8x400x64xf32> to vector<8x400x64xbf16>
    %convert_element_type3A_394 = arith.extf %convert_element_type3A_393 : vector<8x400x64xbf16> to vector<8x400x64xf32>
    %slice3A_395 = vector.extract_strided_slice %convert_element_type3A_330 {offsets = [7, 0, 0], sizes = [1, 400, 64], strides = [1, 1, 1]} : vector<8x400x64xf32> to vector<1x400x64xf32>
    %squeeze3A_396 = vector.shape_cast %slice3A_395 : vector<1x400x64xf32> to vector<400x64xf32>
    %broadcast_in_dim3A_397 = vector.shape_cast %squeeze3A_396 : vector<400x64xf32> to vector<1x400x64xf32>
    %mul3A_398 = vector.broadcast %broadcast_in_dim3A_397 : vector<1x400x64xf32> to vector<8x400x64xf32>
    %mul3A_399 = arith.mulf %convert_element_type3A_394, %mul3A_398 : vector<8x400x64xf32>
    %add3A_400 = arith.addf %add3A_391, %mul3A_399 : vector<8x400x64xf32>
    %reshape3A_401 = vector.shape_cast %add3A_400 : vector<8x400x64xf32> to vector<3200x64xf32>
    %get3A_402 = arith.constant 0 : index
    %get3A_403 = arith.constant 0 : index
    %get3A_404 = vector.load %arg11[%get3A_402, %get3A_403] : memref<64x64xf32, #tpu.memory_space<vmem>>, vector<64x64xf32>
    %dot_general3A_405 = arith.constant dense<0.000000e+00> : vector<3200x64xf32>
    %dot_general3A_406 = tpu.matmul %reshape3A_401, %get3A_404, %dot_general3A_405 {dimension_numbers = #tpu.dot_dimension_numbers<[1], [0], [0], [1], [0, 0, 1, 1], [], []>, transpose_lhs_hint = false} : vector<3200x64xf32>, vector<64x64xf32>, vector<3200x64xf32> -> vector<3200x64xf32>
    %reshape3A_407 = vector.shape_cast %dot_general3A_406 : vector<3200x64xf32> to vector<8x400x64xf32>
    %add3A_408 = arith.addf %add3A_28, %reshape3A_407 : vector<8x400x64xf32>
    %get3A_409 = arith.constant 0 : index
    %get3A_410 = arith.constant 0 : index
    %get3A_411 = vector.load %arg12[%get3A_409, %get3A_410] : memref<1x64xf32, #tpu.memory_space<vmem>>, vector<1x64xf32>
    %get3A_412 = vector.shape_cast %get3A_411 : vector<1x64xf32> to vector<64xf32>
    %get3A_413 = arith.constant 0 : index
    %get3A_414 = arith.constant 0 : index
    %get3A_415 = vector.load %arg13[%get3A_413, %get3A_414] : memref<1x64xf32, #tpu.memory_space<vmem>>, vector<1x64xf32>
    %get3A_416 = vector.shape_cast %get3A_415 : vector<1x64xf32> to vector<64xf32>
    %reduce_sum3A = arith.constant dense<0.000000e+00> : vector<8x400xf32>
    %reduce_sum3A_417 = vector.multi_reduction <add>, %add3A_408, %reduce_sum3A [2] : vector<8x400x64xf32> to vector<8x400xf32>
    %broadcast_in_dim3A_418 = vector.shape_cast %reduce_sum3A_417 : vector<8x400xf32> to vector<8x400x1xf32>
    %div3A_419 = arith.constant 6.400000e+01 : f32
    %div3A_420 = vector.broadcast %div3A_419 : f32 to vector<8x400x1xf32>
    %div3A_421 = arith.divf %broadcast_in_dim3A_418, %div3A_420 : vector<8x400x1xf32>
    %sub3A_422 = vector.broadcast %div3A_421 : vector<8x400x1xf32> to vector<8x400x64xf32>
    %sub3A_423 = arith.subf %add3A_408, %sub3A_422 : vector<8x400x64xf32>
    %mul3A_424 = arith.mulf %sub3A_423, %sub3A_423 : vector<8x400x64xf32>
    %reduce_sum3A_425 = arith.constant dense<0.000000e+00> : vector<8x400xf32>
    %reduce_sum3A_426 = vector.multi_reduction <add>, %mul3A_424, %reduce_sum3A_425 [2] : vector<8x400x64xf32> to vector<8x400xf32>
    %broadcast_in_dim3A_427 = vector.shape_cast %reduce_sum3A_426 : vector<8x400xf32> to vector<8x400x1xf32>
    %div3A_428 = arith.constant 6.400000e+01 : f32
    %div3A_429 = vector.broadcast %div3A_428 : f32 to vector<8x400x1xf32>
    %div3A_430 = arith.divf %broadcast_in_dim3A_427, %div3A_429 : vector<8x400x1xf32>
    %add3A_431 = arith.constant 9.99999974E-6 : f32
    %add3A_432 = vector.broadcast %add3A_431 : f32 to vector<8x400x1xf32>
    %add3A_433 = arith.addf %div3A_430, %add3A_432 : vector<8x400x1xf32>
    %sqrt3A = math.sqrt %add3A_433 : vector<8x400x1xf32>
    %div3A_434 = vector.broadcast %sqrt3A : vector<8x400x1xf32> to vector<8x400x64xf32>
    %div3A_435 = arith.divf %sub3A_423, %div3A_434 : vector<8x400x64xf32>
    %broadcast_in_dim3A_436 = vector.shape_cast %get3A_412 : vector<64xf32> to vector<1x1x64xf32>
    %mul3A_437 = vector.broadcast %broadcast_in_dim3A_436 : vector<1x1x64xf32> to vector<8x400x64xf32>
    %mul3A_438 = arith.mulf %div3A_435, %mul3A_437 : vector<8x400x64xf32>
    %broadcast_in_dim3A_439 = vector.shape_cast %get3A_416 : vector<64xf32> to vector<1x1x64xf32>
    %add3A_440 = vector.broadcast %broadcast_in_dim3A_439 : vector<1x1x64xf32> to vector<8x400x64xf32>
    %add3A_441 = arith.addf %mul3A_438, %add3A_440 : vector<8x400x64xf32>
    %reshape3A_442 = vector.shape_cast %add3A_441 : vector<8x400x64xf32> to vector<3200x64xf32>
    %get3A_443 = arith.constant 0 : index
    %get3A_444 = arith.constant 0 : index
    %get3A_445 = vector.load %arg14[%get3A_443, %get3A_444] : memref<64x128xf32, #tpu.memory_space<vmem>>, vector<64x128xf32>
    %dot_general3A_446 = arith.constant dense<0.000000e+00> : vector<3200x128xf32>
    %dot_general3A_447 = tpu.matmul %reshape3A_442, %get3A_445, %dot_general3A_446 {dimension_numbers = #tpu.dot_dimension_numbers<[1], [0], [0], [1], [0, 0, 1, 1], [], []>, transpose_lhs_hint = false} : vector<3200x64xf32>, vector<64x128xf32>, vector<3200x128xf32> -> vector<3200x128xf32>
    %get3A_448 = arith.constant 0 : index
    %get3A_449 = arith.constant 0 : index
    %get3A_450 = vector.load %arg15[%get3A_448, %get3A_449] : memref<1x128xf32, #tpu.memory_space<vmem>>, vector<1x128xf32>
    %get3A_451 = vector.shape_cast %get3A_450 : vector<1x128xf32> to vector<128xf32>
    %broadcast_in_dim3A_452 = vector.shape_cast %get3A_451 : vector<128xf32> to vector<1x128xf32>
    %add3A_453 = vector.broadcast %broadcast_in_dim3A_452 : vector<1x128xf32> to vector<3200x128xf32>
    %add3A_454 = arith.addf %dot_general3A_447, %add3A_453 : vector<3200x128xf32>
    %max3A_455 = arith.constant 0.000000e+00 : f32
    %max3A_456 = vector.broadcast %max3A_455 : f32 to vector<3200x128xf32>
    %max3A_457 = arith.maximumf %add3A_454, %max3A_456 : vector<3200x128xf32>
    %get3A_458 = arith.constant 0 : index
    %get3A_459 = arith.constant 0 : index
    %get3A_460 = vector.load %arg16[%get3A_458, %get3A_459] : memref<128x64xf32, #tpu.memory_space<vmem>>, vector<128x64xf32>
    %dot_general3A_461 = arith.constant dense<0.000000e+00> : vector<3200x64xf32>
    %dot_general3A_462 = tpu.matmul %max3A_457, %get3A_460, %dot_general3A_461 {dimension_numbers = #tpu.dot_dimension_numbers<[1], [0], [0], [1], [0, 0, 1, 1], [], []>, transpose_lhs_hint = false} : vector<3200x128xf32>, vector<128x64xf32>, vector<3200x64xf32> -> vector<3200x64xf32>
    %get3A_463 = arith.constant 0 : index
    %get3A_464 = arith.constant 0 : index
    %get3A_465 = vector.load %arg17[%get3A_463, %get3A_464] : memref<1x64xf32, #tpu.memory_space<vmem>>, vector<1x64xf32>
    %get3A_466 = vector.shape_cast %get3A_465 : vector<1x64xf32> to vector<64xf32>
    %broadcast_in_dim3A_467 = vector.shape_cast %get3A_466 : vector<64xf32> to vector<1x64xf32>
    %add3A_468 = vector.broadcast %broadcast_in_dim3A_467 : vector<1x64xf32> to vector<3200x64xf32>
    %add3A_469 = arith.addf %dot_general3A_462, %add3A_468 : vector<3200x64xf32>
    %reshape3A_470 = vector.shape_cast %add3A_469 : vector<3200x64xf32> to vector<8x400x64xf32>
    %add3A_471 = arith.addf %add3A_441, %reshape3A_470 : vector<8x400x64xf32>
    %get3A_472 = arith.constant 0 : index
    %get3A_473 = arith.constant 0 : index
    %get3A_474 = vector.load %arg18[%get3A_472, %get3A_473] : memref<1x64xf32, #tpu.memory_space<vmem>>, vector<1x64xf32>
    %get3A_475 = vector.shape_cast %get3A_474 : vector<1x64xf32> to vector<64xf32>
    %get3A_476 = arith.constant 0 : index
    %get3A_477 = arith.constant 0 : index
    %get3A_478 = vector.load %arg19[%get3A_476, %get3A_477] : memref<1x64xf32, #tpu.memory_space<vmem>>, vector<1x64xf32>
    %get3A_479 = vector.shape_cast %get3A_478 : vector<1x64xf32> to vector<64xf32>
    %reduce_sum3A_480 = arith.constant dense<0.000000e+00> : vector<8x400xf32>
    %reduce_sum3A_481 = vector.multi_reduction <add>, %add3A_471, %reduce_sum3A_480 [2] : vector<8x400x64xf32> to vector<8x400xf32>
    %broadcast_in_dim3A_482 = vector.shape_cast %reduce_sum3A_481 : vector<8x400xf32> to vector<8x400x1xf32>
    %div3A_483 = arith.constant 6.400000e+01 : f32
    %div3A_484 = vector.broadcast %div3A_483 : f32 to vector<8x400x1xf32>
    %div3A_485 = arith.divf %broadcast_in_dim3A_482, %div3A_484 : vector<8x400x1xf32>
    %sub3A_486 = vector.broadcast %div3A_485 : vector<8x400x1xf32> to vector<8x400x64xf32>
    %sub3A_487 = arith.subf %add3A_471, %sub3A_486 : vector<8x400x64xf32>
    %mul3A_488 = arith.mulf %sub3A_487, %sub3A_487 : vector<8x400x64xf32>
    %reduce_sum3A_489 = arith.constant dense<0.000000e+00> : vector<8x400xf32>
    %reduce_sum3A_490 = vector.multi_reduction <add>, %mul3A_488, %reduce_sum3A_489 [2] : vector<8x400x64xf32> to vector<8x400xf32>
    %broadcast_in_dim3A_491 = vector.shape_cast %reduce_sum3A_490 : vector<8x400xf32> to vector<8x400x1xf32>
    %div3A_492 = arith.constant 6.400000e+01 : f32
    %div3A_493 = vector.broadcast %div3A_492 : f32 to vector<8x400x1xf32>
    %div3A_494 = arith.divf %broadcast_in_dim3A_491, %div3A_493 : vector<8x400x1xf32>
    %add3A_495 = arith.constant 9.99999974E-6 : f32
    %add3A_496 = vector.broadcast %add3A_495 : f32 to vector<8x400x1xf32>
    %add3A_497 = arith.addf %div3A_494, %add3A_496 : vector<8x400x1xf32>
    %sqrt3A_498 = math.sqrt %add3A_497 : vector<8x400x1xf32>
    %div3A_499 = vector.broadcast %sqrt3A_498 : vector<8x400x1xf32> to vector<8x400x64xf32>
    %div3A_500 = arith.divf %sub3A_487, %div3A_499 : vector<8x400x64xf32>
    %broadcast_in_dim3A_501 = vector.shape_cast %get3A_475 : vector<64xf32> to vector<1x1x64xf32>
    %mul3A_502 = vector.broadcast %broadcast_in_dim3A_501 : vector<1x1x64xf32> to vector<8x400x64xf32>
    %mul3A_503 = arith.mulf %div3A_500, %mul3A_502 : vector<8x400x64xf32>
    %broadcast_in_dim3A_504 = vector.shape_cast %get3A_479 : vector<64xf32> to vector<1x1x64xf32>
    %add3A_505 = vector.broadcast %broadcast_in_dim3A_504 : vector<1x1x64xf32> to vector<8x400x64xf32>
    %add3A_506 = arith.addf %mul3A_503, %add3A_505 : vector<8x400x64xf32>
    %mul3A_507 = vector.broadcast %get3A_2 : vector<8x400x1xf32> to vector<8x400x64xf32>
    %mul3A_508 = arith.mulf %add3A_506, %mul3A_507 : vector<8x400x64xf32>
    %reshape3A_509 = vector.shape_cast %mul3A_508 : vector<8x400x64xf32> to vector<3200x64xf32>
    %get3A_510 = arith.constant 0 : index
    %get3A_511 = arith.constant 0 : index
    %get3A_512 = vector.load %arg20[%get3A_510, %get3A_511] : memref<64x64xf32, #tpu.memory_space<vmem>>, vector<64x64xf32>
    %dot_general3A_513 = arith.constant dense<0.000000e+00> : vector<3200x64xf32>
    %dot_general3A_514 = tpu.matmul %reshape3A_509, %get3A_512, %dot_general3A_513 {dimension_numbers = #tpu.dot_dimension_numbers<[1], [0], [0], [1], [0, 0, 1, 1], [], []>, transpose_lhs_hint = false} : vector<3200x64xf32>, vector<64x64xf32>, vector<3200x64xf32> -> vector<3200x64xf32>
    %reshape3A_515 = vector.shape_cast %dot_general3A_514 : vector<3200x64xf32> to vector<8x400x64xf32>
    %get3A_516 = arith.constant 0 : index
    %get3A_517 = arith.constant 0 : index
    %get3A_518 = vector.load %arg21[%get3A_516, %get3A_517] : memref<64x64xf32, #tpu.memory_space<vmem>>, vector<64x64xf32>
    %dot_general3A_519 = arith.constant dense<0.000000e+00> : vector<3200x64xf32>
    %dot_general3A_520 = tpu.matmul %reshape3A_509, %get3A_518, %dot_general3A_519 {dimension_numbers = #tpu.dot_dimension_numbers<[1], [0], [0], [1], [0, 0, 1, 1], [], []>, transpose_lhs_hint = false} : vector<3200x64xf32>, vector<64x64xf32>, vector<3200x64xf32> -> vector<3200x64xf32>
    %reshape3A_521 = vector.shape_cast %dot_general3A_520 : vector<3200x64xf32> to vector<8x400x64xf32>
    %get3A_522 = arith.constant 0 : index
    %get3A_523 = arith.constant 0 : index
    %get3A_524 = vector.load %arg22[%get3A_522, %get3A_523] : memref<64x64xf32, #tpu.memory_space<vmem>>, vector<64x64xf32>
    %dot_general3A_525 = arith.constant dense<0.000000e+00> : vector<3200x64xf32>
    %dot_general3A_526 = tpu.matmul %reshape3A_509, %get3A_524, %dot_general3A_525 {dimension_numbers = #tpu.dot_dimension_numbers<[1], [0], [0], [1], [0, 0, 1, 1], [], []>, transpose_lhs_hint = false} : vector<3200x64xf32>, vector<64x64xf32>, vector<3200x64xf32> -> vector<3200x64xf32>
    %reshape3A_527 = vector.shape_cast %dot_general3A_526 : vector<3200x64xf32> to vector<8x400x64xf32>
    %convert_element_type3A_528 = arith.truncf %reshape3A_515 : vector<8x400x64xf32> to vector<8x400x64xbf16>
    %convert_element_type3A_529 = arith.extf %convert_element_type3A_528 : vector<8x400x64xbf16> to vector<8x400x64xf32>
    %convert_element_type3A_530 = arith.truncf %reshape3A_521 : vector<8x400x64xf32> to vector<8x400x64xbf16>
    %convert_element_type3A_531 = arith.extf %convert_element_type3A_530 : vector<8x400x64xbf16> to vector<8x400x64xf32>
    %slice3A_532 = vector.extract_strided_slice %convert_element_type3A_531 {offsets = [0, 0, 0], sizes = [1, 400, 64], strides = [1, 1, 1]} : vector<8x400x64xf32> to vector<1x400x64xf32>
    %squeeze3A_533 = vector.shape_cast %slice3A_532 : vector<1x400x64xf32> to vector<400x64xf32>
    %broadcast_in_dim3A_534 = vector.shape_cast %squeeze3A_533 : vector<400x64xf32> to vector<1x400x64xf32>
    %mul3A_535 = vector.broadcast %broadcast_in_dim3A_534 : vector<1x400x64xf32> to vector<8x400x64xf32>
    %mul3A_536 = arith.mulf %convert_element_type3A_529, %mul3A_535 : vector<8x400x64xf32>
    %reshape3A_537 = vector.shape_cast %mul3A_536 : vector<8x400x64xf32> to vector<3200x64xf32>
    %convert_element_type3A_538 = arith.truncf %reshape3A_537 : vector<3200x64xf32> to vector<3200x64xbf16>
    %convert_element_type3A_539 = arith.extf %convert_element_type3A_538 : vector<3200x64xbf16> to vector<3200x64xf32>
    %sub3A_540 = arith.subf %reshape3A_537, %convert_element_type3A_539 : vector<3200x64xf32>
    %get3A_541 = arith.constant 0 : index
    %get3A_542 = arith.constant 0 : index
    %get3A_543 = vector.load %arg7[%get3A_541, %get3A_542] : memref<64x64xf32, #tpu.memory_space<vmem>>, vector<64x64xf32>
    %dot_general3A_544 = arith.constant dense<0.000000e+00> : vector<3200x64xf32>
    %dot_general3A_545 = tpu.matmul %convert_element_type3A_539, %get3A_543, %dot_general3A_544 {dimension_numbers = #tpu.dot_dimension_numbers<[1], [0], [0], [1], [0, 0, 1, 1], [], []>, transpose_lhs_hint = false} : vector<3200x64xf32>, vector<64x64xf32>, vector<3200x64xf32> -> vector<3200x64xf32>
    %get3A_546 = arith.constant 0 : index
    %get3A_547 = arith.constant 0 : index
    %get3A_548 = vector.load %arg7[%get3A_546, %get3A_547] : memref<64x64xf32, #tpu.memory_space<vmem>>, vector<64x64xf32>
    %dot_general3A_549 = arith.constant dense<0.000000e+00> : vector<3200x64xf32>
    %dot_general3A_550 = tpu.matmul %sub3A_540, %get3A_548, %dot_general3A_549 {dimension_numbers = #tpu.dot_dimension_numbers<[1], [0], [0], [1], [0, 0, 1, 1], [], []>, transpose_lhs_hint = false} : vector<3200x64xf32>, vector<64x64xf32>, vector<3200x64xf32> -> vector<3200x64xf32>
    %add3A_551 = arith.addf %dot_general3A_545, %dot_general3A_550 : vector<3200x64xf32>
    %reshape3A_552 = vector.shape_cast %add3A_551 : vector<3200x64xf32> to vector<8x400x64xf32>
    %slice3A_553 = vector.extract_strided_slice %get3A_2 {offsets = [0, 0, 0], sizes = [1, 400, 1], strides = [1, 1, 1]} : vector<8x400x1xf32> to vector<1x400x1xf32>
    %squeeze3A_554 = vector.shape_cast %slice3A_553 : vector<1x400x1xf32> to vector<400x1xf32>
    %broadcast_in_dim3A_555 = vector.shape_cast %squeeze3A_554 : vector<400x1xf32> to vector<1x400x1xf32>
    %gt3A_556 = arith.constant 0.000000e+00 : f32
    %gt3A_557 = vector.broadcast %gt3A_556 : f32 to vector<1x400x1xf32>
    %gt3A_558 = arith.cmpf ogt, %broadcast_in_dim3A_555, %gt3A_557 : vector<1x400x1xf32>
    %jit3A_559 = arith.constant -1.000000e+09 : f32
    %broadcast_in_dim3A_560 = vector.shape_cast %gt3A_558 : vector<1x400x1xi1> to vector<1x400x1xi1>
    %broadcast_in_dim3A_561 = vector.broadcast %broadcast_in_dim3A_560 : vector<1x400x1xi1> to vector<8x400x64xi1>
    %broadcast_in_dim3A_562 = vector.broadcast %jit3A_559 : f32 to vector<8x400x64xf32>
    %select_n3A_563 = arith.select %broadcast_in_dim3A_561, %reshape3A_552, %broadcast_in_dim3A_562 : vector<8x400x64xi1>, vector<8x400x64xf32>
    %slice3A_564 = vector.extract_strided_slice %convert_element_type3A_531 {offsets = [1, 0, 0], sizes = [1, 400, 64], strides = [1, 1, 1]} : vector<8x400x64xf32> to vector<1x400x64xf32>
    %squeeze3A_565 = vector.shape_cast %slice3A_564 : vector<1x400x64xf32> to vector<400x64xf32>
    %broadcast_in_dim3A_566 = vector.shape_cast %squeeze3A_565 : vector<400x64xf32> to vector<1x400x64xf32>
    %mul3A_567 = vector.broadcast %broadcast_in_dim3A_566 : vector<1x400x64xf32> to vector<8x400x64xf32>
    %mul3A_568 = arith.mulf %convert_element_type3A_529, %mul3A_567 : vector<8x400x64xf32>
    %reshape3A_569 = vector.shape_cast %mul3A_568 : vector<8x400x64xf32> to vector<3200x64xf32>
    %convert_element_type3A_570 = arith.truncf %reshape3A_569 : vector<3200x64xf32> to vector<3200x64xbf16>
    %convert_element_type3A_571 = arith.extf %convert_element_type3A_570 : vector<3200x64xbf16> to vector<3200x64xf32>
    %sub3A_572 = arith.subf %reshape3A_569, %convert_element_type3A_571 : vector<3200x64xf32>
    %get3A_573 = arith.constant 0 : index
    %get3A_574 = arith.constant 0 : index
    %get3A_575 = vector.load %arg7[%get3A_573, %get3A_574] : memref<64x64xf32, #tpu.memory_space<vmem>>, vector<64x64xf32>
    %dot_general3A_576 = arith.constant dense<0.000000e+00> : vector<3200x64xf32>
    %dot_general3A_577 = tpu.matmul %convert_element_type3A_571, %get3A_575, %dot_general3A_576 {dimension_numbers = #tpu.dot_dimension_numbers<[1], [0], [0], [1], [0, 0, 1, 1], [], []>, transpose_lhs_hint = false} : vector<3200x64xf32>, vector<64x64xf32>, vector<3200x64xf32> -> vector<3200x64xf32>
    %get3A_578 = arith.constant 0 : index
    %get3A_579 = arith.constant 0 : index
    %get3A_580 = vector.load %arg7[%get3A_578, %get3A_579] : memref<64x64xf32, #tpu.memory_space<vmem>>, vector<64x64xf32>
    %dot_general3A_581 = arith.constant dense<0.000000e+00> : vector<3200x64xf32>
    %dot_general3A_582 = tpu.matmul %sub3A_572, %get3A_580, %dot_general3A_581 {dimension_numbers = #tpu.dot_dimension_numbers<[1], [0], [0], [1], [0, 0, 1, 1], [], []>, transpose_lhs_hint = false} : vector<3200x64xf32>, vector<64x64xf32>, vector<3200x64xf32> -> vector<3200x64xf32>
    %add3A_583 = arith.addf %dot_general3A_577, %dot_general3A_582 : vector<3200x64xf32>
    %reshape3A_584 = vector.shape_cast %add3A_583 : vector<3200x64xf32> to vector<8x400x64xf32>
    %slice3A_585 = vector.extract_strided_slice %get3A_2 {offsets = [1, 0, 0], sizes = [1, 400, 1], strides = [1, 1, 1]} : vector<8x400x1xf32> to vector<1x400x1xf32>
    %squeeze3A_586 = vector.shape_cast %slice3A_585 : vector<1x400x1xf32> to vector<400x1xf32>
    %broadcast_in_dim3A_587 = vector.shape_cast %squeeze3A_586 : vector<400x1xf32> to vector<1x400x1xf32>
    %gt3A_588 = arith.constant 0.000000e+00 : f32
    %gt3A_589 = vector.broadcast %gt3A_588 : f32 to vector<1x400x1xf32>
    %gt3A_590 = arith.cmpf ogt, %broadcast_in_dim3A_587, %gt3A_589 : vector<1x400x1xf32>
    %jit3A_591 = arith.constant -1.000000e+09 : f32
    %broadcast_in_dim3A_592 = vector.shape_cast %gt3A_590 : vector<1x400x1xi1> to vector<1x400x1xi1>
    %broadcast_in_dim3A_593 = vector.broadcast %broadcast_in_dim3A_592 : vector<1x400x1xi1> to vector<8x400x64xi1>
    %broadcast_in_dim3A_594 = vector.broadcast %jit3A_591 : f32 to vector<8x400x64xf32>
    %select_n3A_595 = arith.select %broadcast_in_dim3A_593, %reshape3A_584, %broadcast_in_dim3A_594 : vector<8x400x64xi1>, vector<8x400x64xf32>
    %slice3A_596 = vector.extract_strided_slice %convert_element_type3A_531 {offsets = [2, 0, 0], sizes = [1, 400, 64], strides = [1, 1, 1]} : vector<8x400x64xf32> to vector<1x400x64xf32>
    %squeeze3A_597 = vector.shape_cast %slice3A_596 : vector<1x400x64xf32> to vector<400x64xf32>
    %broadcast_in_dim3A_598 = vector.shape_cast %squeeze3A_597 : vector<400x64xf32> to vector<1x400x64xf32>
    %mul3A_599 = vector.broadcast %broadcast_in_dim3A_598 : vector<1x400x64xf32> to vector<8x400x64xf32>
    %mul3A_600 = arith.mulf %convert_element_type3A_529, %mul3A_599 : vector<8x400x64xf32>
    %reshape3A_601 = vector.shape_cast %mul3A_600 : vector<8x400x64xf32> to vector<3200x64xf32>
    %convert_element_type3A_602 = arith.truncf %reshape3A_601 : vector<3200x64xf32> to vector<3200x64xbf16>
    %convert_element_type3A_603 = arith.extf %convert_element_type3A_602 : vector<3200x64xbf16> to vector<3200x64xf32>
    %sub3A_604 = arith.subf %reshape3A_601, %convert_element_type3A_603 : vector<3200x64xf32>
    %get3A_605 = arith.constant 0 : index
    %get3A_606 = arith.constant 0 : index
    %get3A_607 = vector.load %arg7[%get3A_605, %get3A_606] : memref<64x64xf32, #tpu.memory_space<vmem>>, vector<64x64xf32>
    %dot_general3A_608 = arith.constant dense<0.000000e+00> : vector<3200x64xf32>
    %dot_general3A_609 = tpu.matmul %convert_element_type3A_603, %get3A_607, %dot_general3A_608 {dimension_numbers = #tpu.dot_dimension_numbers<[1], [0], [0], [1], [0, 0, 1, 1], [], []>, transpose_lhs_hint = false} : vector<3200x64xf32>, vector<64x64xf32>, vector<3200x64xf32> -> vector<3200x64xf32>
    %get3A_610 = arith.constant 0 : index
    %get3A_611 = arith.constant 0 : index
    %get3A_612 = vector.load %arg7[%get3A_610, %get3A_611] : memref<64x64xf32, #tpu.memory_space<vmem>>, vector<64x64xf32>
    %dot_general3A_613 = arith.constant dense<0.000000e+00> : vector<3200x64xf32>
    %dot_general3A_614 = tpu.matmul %sub3A_604, %get3A_612, %dot_general3A_613 {dimension_numbers = #tpu.dot_dimension_numbers<[1], [0], [0], [1], [0, 0, 1, 1], [], []>, transpose_lhs_hint = false} : vector<3200x64xf32>, vector<64x64xf32>, vector<3200x64xf32> -> vector<3200x64xf32>
    %add3A_615 = arith.addf %dot_general3A_609, %dot_general3A_614 : vector<3200x64xf32>
    %reshape3A_616 = vector.shape_cast %add3A_615 : vector<3200x64xf32> to vector<8x400x64xf32>
    %slice3A_617 = vector.extract_strided_slice %get3A_2 {offsets = [2, 0, 0], sizes = [1, 400, 1], strides = [1, 1, 1]} : vector<8x400x1xf32> to vector<1x400x1xf32>
    %squeeze3A_618 = vector.shape_cast %slice3A_617 : vector<1x400x1xf32> to vector<400x1xf32>
    %broadcast_in_dim3A_619 = vector.shape_cast %squeeze3A_618 : vector<400x1xf32> to vector<1x400x1xf32>
    %gt3A_620 = arith.constant 0.000000e+00 : f32
    %gt3A_621 = vector.broadcast %gt3A_620 : f32 to vector<1x400x1xf32>
    %gt3A_622 = arith.cmpf ogt, %broadcast_in_dim3A_619, %gt3A_621 : vector<1x400x1xf32>
    %jit3A_623 = arith.constant -1.000000e+09 : f32
    %broadcast_in_dim3A_624 = vector.shape_cast %gt3A_622 : vector<1x400x1xi1> to vector<1x400x1xi1>
    %broadcast_in_dim3A_625 = vector.broadcast %broadcast_in_dim3A_624 : vector<1x400x1xi1> to vector<8x400x64xi1>
    %broadcast_in_dim3A_626 = vector.broadcast %jit3A_623 : f32 to vector<8x400x64xf32>
    %select_n3A_627 = arith.select %broadcast_in_dim3A_625, %reshape3A_616, %broadcast_in_dim3A_626 : vector<8x400x64xi1>, vector<8x400x64xf32>
    %slice3A_628 = vector.extract_strided_slice %convert_element_type3A_531 {offsets = [3, 0, 0], sizes = [1, 400, 64], strides = [1, 1, 1]} : vector<8x400x64xf32> to vector<1x400x64xf32>
    %squeeze3A_629 = vector.shape_cast %slice3A_628 : vector<1x400x64xf32> to vector<400x64xf32>
    %broadcast_in_dim3A_630 = vector.shape_cast %squeeze3A_629 : vector<400x64xf32> to vector<1x400x64xf32>
    %mul3A_631 = vector.broadcast %broadcast_in_dim3A_630 : vector<1x400x64xf32> to vector<8x400x64xf32>
    %mul3A_632 = arith.mulf %convert_element_type3A_529, %mul3A_631 : vector<8x400x64xf32>
    %reshape3A_633 = vector.shape_cast %mul3A_632 : vector<8x400x64xf32> to vector<3200x64xf32>
    %convert_element_type3A_634 = arith.truncf %reshape3A_633 : vector<3200x64xf32> to vector<3200x64xbf16>
    %convert_element_type3A_635 = arith.extf %convert_element_type3A_634 : vector<3200x64xbf16> to vector<3200x64xf32>
    %sub3A_636 = arith.subf %reshape3A_633, %convert_element_type3A_635 : vector<3200x64xf32>
    %get3A_637 = arith.constant 0 : index
    %get3A_638 = arith.constant 0 : index
    %get3A_639 = vector.load %arg7[%get3A_637, %get3A_638] : memref<64x64xf32, #tpu.memory_space<vmem>>, vector<64x64xf32>
    %dot_general3A_640 = arith.constant dense<0.000000e+00> : vector<3200x64xf32>
    %dot_general3A_641 = tpu.matmul %convert_element_type3A_635, %get3A_639, %dot_general3A_640 {dimension_numbers = #tpu.dot_dimension_numbers<[1], [0], [0], [1], [0, 0, 1, 1], [], []>, transpose_lhs_hint = false} : vector<3200x64xf32>, vector<64x64xf32>, vector<3200x64xf32> -> vector<3200x64xf32>
    %get3A_642 = arith.constant 0 : index
    %get3A_643 = arith.constant 0 : index
    %get3A_644 = vector.load %arg7[%get3A_642, %get3A_643] : memref<64x64xf32, #tpu.memory_space<vmem>>, vector<64x64xf32>
    %dot_general3A_645 = arith.constant dense<0.000000e+00> : vector<3200x64xf32>
    %dot_general3A_646 = tpu.matmul %sub3A_636, %get3A_644, %dot_general3A_645 {dimension_numbers = #tpu.dot_dimension_numbers<[1], [0], [0], [1], [0, 0, 1, 1], [], []>, transpose_lhs_hint = false} : vector<3200x64xf32>, vector<64x64xf32>, vector<3200x64xf32> -> vector<3200x64xf32>
    %add3A_647 = arith.addf %dot_general3A_641, %dot_general3A_646 : vector<3200x64xf32>
    %reshape3A_648 = vector.shape_cast %add3A_647 : vector<3200x64xf32> to vector<8x400x64xf32>
    %slice3A_649 = vector.extract_strided_slice %get3A_2 {offsets = [3, 0, 0], sizes = [1, 400, 1], strides = [1, 1, 1]} : vector<8x400x1xf32> to vector<1x400x1xf32>
    %squeeze3A_650 = vector.shape_cast %slice3A_649 : vector<1x400x1xf32> to vector<400x1xf32>
    %broadcast_in_dim3A_651 = vector.shape_cast %squeeze3A_650 : vector<400x1xf32> to vector<1x400x1xf32>
    %gt3A_652 = arith.constant 0.000000e+00 : f32
    %gt3A_653 = vector.broadcast %gt3A_652 : f32 to vector<1x400x1xf32>
    %gt3A_654 = arith.cmpf ogt, %broadcast_in_dim3A_651, %gt3A_653 : vector<1x400x1xf32>
    %jit3A_655 = arith.constant -1.000000e+09 : f32
    %broadcast_in_dim3A_656 = vector.shape_cast %gt3A_654 : vector<1x400x1xi1> to vector<1x400x1xi1>
    %broadcast_in_dim3A_657 = vector.broadcast %broadcast_in_dim3A_656 : vector<1x400x1xi1> to vector<8x400x64xi1>
    %broadcast_in_dim3A_658 = vector.broadcast %jit3A_655 : f32 to vector<8x400x64xf32>
    %select_n3A_659 = arith.select %broadcast_in_dim3A_657, %reshape3A_648, %broadcast_in_dim3A_658 : vector<8x400x64xi1>, vector<8x400x64xf32>
    %slice3A_660 = vector.extract_strided_slice %convert_element_type3A_531 {offsets = [4, 0, 0], sizes = [1, 400, 64], strides = [1, 1, 1]} : vector<8x400x64xf32> to vector<1x400x64xf32>
    %squeeze3A_661 = vector.shape_cast %slice3A_660 : vector<1x400x64xf32> to vector<400x64xf32>
    %broadcast_in_dim3A_662 = vector.shape_cast %squeeze3A_661 : vector<400x64xf32> to vector<1x400x64xf32>
    %mul3A_663 = vector.broadcast %broadcast_in_dim3A_662 : vector<1x400x64xf32> to vector<8x400x64xf32>
    %mul3A_664 = arith.mulf %convert_element_type3A_529, %mul3A_663 : vector<8x400x64xf32>
    %reshape3A_665 = vector.shape_cast %mul3A_664 : vector<8x400x64xf32> to vector<3200x64xf32>
    %convert_element_type3A_666 = arith.truncf %reshape3A_665 : vector<3200x64xf32> to vector<3200x64xbf16>
    %convert_element_type3A_667 = arith.extf %convert_element_type3A_666 : vector<3200x64xbf16> to vector<3200x64xf32>
    %sub3A_668 = arith.subf %reshape3A_665, %convert_element_type3A_667 : vector<3200x64xf32>
    %get3A_669 = arith.constant 0 : index
    %get3A_670 = arith.constant 0 : index
    %get3A_671 = vector.load %arg7[%get3A_669, %get3A_670] : memref<64x64xf32, #tpu.memory_space<vmem>>, vector<64x64xf32>
    %dot_general3A_672 = arith.constant dense<0.000000e+00> : vector<3200x64xf32>
    %dot_general3A_673 = tpu.matmul %convert_element_type3A_667, %get3A_671, %dot_general3A_672 {dimension_numbers = #tpu.dot_dimension_numbers<[1], [0], [0], [1], [0, 0, 1, 1], [], []>, transpose_lhs_hint = false} : vector<3200x64xf32>, vector<64x64xf32>, vector<3200x64xf32> -> vector<3200x64xf32>
    %get3A_674 = arith.constant 0 : index
    %get3A_675 = arith.constant 0 : index
    %get3A_676 = vector.load %arg7[%get3A_674, %get3A_675] : memref<64x64xf32, #tpu.memory_space<vmem>>, vector<64x64xf32>
    %dot_general3A_677 = arith.constant dense<0.000000e+00> : vector<3200x64xf32>
    %dot_general3A_678 = tpu.matmul %sub3A_668, %get3A_676, %dot_general3A_677 {dimension_numbers = #tpu.dot_dimension_numbers<[1], [0], [0], [1], [0, 0, 1, 1], [], []>, transpose_lhs_hint = false} : vector<3200x64xf32>, vector<64x64xf32>, vector<3200x64xf32> -> vector<3200x64xf32>
    %add3A_679 = arith.addf %dot_general3A_673, %dot_general3A_678 : vector<3200x64xf32>
    %reshape3A_680 = vector.shape_cast %add3A_679 : vector<3200x64xf32> to vector<8x400x64xf32>
    %slice3A_681 = vector.extract_strided_slice %get3A_2 {offsets = [4, 0, 0], sizes = [1, 400, 1], strides = [1, 1, 1]} : vector<8x400x1xf32> to vector<1x400x1xf32>
    %squeeze3A_682 = vector.shape_cast %slice3A_681 : vector<1x400x1xf32> to vector<400x1xf32>
    %broadcast_in_dim3A_683 = vector.shape_cast %squeeze3A_682 : vector<400x1xf32> to vector<1x400x1xf32>
    %gt3A_684 = arith.constant 0.000000e+00 : f32
    %gt3A_685 = vector.broadcast %gt3A_684 : f32 to vector<1x400x1xf32>
    %gt3A_686 = arith.cmpf ogt, %broadcast_in_dim3A_683, %gt3A_685 : vector<1x400x1xf32>
    %jit3A_687 = arith.constant -1.000000e+09 : f32
    %broadcast_in_dim3A_688 = vector.shape_cast %gt3A_686 : vector<1x400x1xi1> to vector<1x400x1xi1>
    %broadcast_in_dim3A_689 = vector.broadcast %broadcast_in_dim3A_688 : vector<1x400x1xi1> to vector<8x400x64xi1>
    %broadcast_in_dim3A_690 = vector.broadcast %jit3A_687 : f32 to vector<8x400x64xf32>
    %select_n3A_691 = arith.select %broadcast_in_dim3A_689, %reshape3A_680, %broadcast_in_dim3A_690 : vector<8x400x64xi1>, vector<8x400x64xf32>
    %slice3A_692 = vector.extract_strided_slice %convert_element_type3A_531 {offsets = [5, 0, 0], sizes = [1, 400, 64], strides = [1, 1, 1]} : vector<8x400x64xf32> to vector<1x400x64xf32>
    %squeeze3A_693 = vector.shape_cast %slice3A_692 : vector<1x400x64xf32> to vector<400x64xf32>
    %broadcast_in_dim3A_694 = vector.shape_cast %squeeze3A_693 : vector<400x64xf32> to vector<1x400x64xf32>
    %mul3A_695 = vector.broadcast %broadcast_in_dim3A_694 : vector<1x400x64xf32> to vector<8x400x64xf32>
    %mul3A_696 = arith.mulf %convert_element_type3A_529, %mul3A_695 : vector<8x400x64xf32>
    %reshape3A_697 = vector.shape_cast %mul3A_696 : vector<8x400x64xf32> to vector<3200x64xf32>
    %convert_element_type3A_698 = arith.truncf %reshape3A_697 : vector<3200x64xf32> to vector<3200x64xbf16>
    %convert_element_type3A_699 = arith.extf %convert_element_type3A_698 : vector<3200x64xbf16> to vector<3200x64xf32>
    %sub3A_700 = arith.subf %reshape3A_697, %convert_element_type3A_699 : vector<3200x64xf32>
    %get3A_701 = arith.constant 0 : index
    %get3A_702 = arith.constant 0 : index
    %get3A_703 = vector.load %arg7[%get3A_701, %get3A_702] : memref<64x64xf32, #tpu.memory_space<vmem>>, vector<64x64xf32>
    %dot_general3A_704 = arith.constant dense<0.000000e+00> : vector<3200x64xf32>
    %dot_general3A_705 = tpu.matmul %convert_element_type3A_699, %get3A_703, %dot_general3A_704 {dimension_numbers = #tpu.dot_dimension_numbers<[1], [0], [0], [1], [0, 0, 1, 1], [], []>, transpose_lhs_hint = false} : vector<3200x64xf32>, vector<64x64xf32>, vector<3200x64xf32> -> vector<3200x64xf32>
    %get3A_706 = arith.constant 0 : index
    %get3A_707 = arith.constant 0 : index
    %get3A_708 = vector.load %arg7[%get3A_706, %get3A_707] : memref<64x64xf32, #tpu.memory_space<vmem>>, vector<64x64xf32>
    %dot_general3A_709 = arith.constant dense<0.000000e+00> : vector<3200x64xf32>
    %dot_general3A_710 = tpu.matmul %sub3A_700, %get3A_708, %dot_general3A_709 {dimension_numbers = #tpu.dot_dimension_numbers<[1], [0], [0], [1], [0, 0, 1, 1], [], []>, transpose_lhs_hint = false} : vector<3200x64xf32>, vector<64x64xf32>, vector<3200x64xf32> -> vector<3200x64xf32>
    %add3A_711 = arith.addf %dot_general3A_705, %dot_general3A_710 : vector<3200x64xf32>
    %reshape3A_712 = vector.shape_cast %add3A_711 : vector<3200x64xf32> to vector<8x400x64xf32>
    %slice3A_713 = vector.extract_strided_slice %get3A_2 {offsets = [5, 0, 0], sizes = [1, 400, 1], strides = [1, 1, 1]} : vector<8x400x1xf32> to vector<1x400x1xf32>
    %squeeze3A_714 = vector.shape_cast %slice3A_713 : vector<1x400x1xf32> to vector<400x1xf32>
    %broadcast_in_dim3A_715 = vector.shape_cast %squeeze3A_714 : vector<400x1xf32> to vector<1x400x1xf32>
    %gt3A_716 = arith.constant 0.000000e+00 : f32
    %gt3A_717 = vector.broadcast %gt3A_716 : f32 to vector<1x400x1xf32>
    %gt3A_718 = arith.cmpf ogt, %broadcast_in_dim3A_715, %gt3A_717 : vector<1x400x1xf32>
    %jit3A_719 = arith.constant -1.000000e+09 : f32
    %broadcast_in_dim3A_720 = vector.shape_cast %gt3A_718 : vector<1x400x1xi1> to vector<1x400x1xi1>
    %broadcast_in_dim3A_721 = vector.broadcast %broadcast_in_dim3A_720 : vector<1x400x1xi1> to vector<8x400x64xi1>
    %broadcast_in_dim3A_722 = vector.broadcast %jit3A_719 : f32 to vector<8x400x64xf32>
    %select_n3A_723 = arith.select %broadcast_in_dim3A_721, %reshape3A_712, %broadcast_in_dim3A_722 : vector<8x400x64xi1>, vector<8x400x64xf32>
    %slice3A_724 = vector.extract_strided_slice %convert_element_type3A_531 {offsets = [6, 0, 0], sizes = [1, 400, 64], strides = [1, 1, 1]} : vector<8x400x64xf32> to vector<1x400x64xf32>
    %squeeze3A_725 = vector.shape_cast %slice3A_724 : vector<1x400x64xf32> to vector<400x64xf32>
    %broadcast_in_dim3A_726 = vector.shape_cast %squeeze3A_725 : vector<400x64xf32> to vector<1x400x64xf32>
    %mul3A_727 = vector.broadcast %broadcast_in_dim3A_726 : vector<1x400x64xf32> to vector<8x400x64xf32>
    %mul3A_728 = arith.mulf %convert_element_type3A_529, %mul3A_727 : vector<8x400x64xf32>
    %reshape3A_729 = vector.shape_cast %mul3A_728 : vector<8x400x64xf32> to vector<3200x64xf32>
    %convert_element_type3A_730 = arith.truncf %reshape3A_729 : vector<3200x64xf32> to vector<3200x64xbf16>
    %convert_element_type3A_731 = arith.extf %convert_element_type3A_730 : vector<3200x64xbf16> to vector<3200x64xf32>
    %sub3A_732 = arith.subf %reshape3A_729, %convert_element_type3A_731 : vector<3200x64xf32>
    %get3A_733 = arith.constant 0 : index
    %get3A_734 = arith.constant 0 : index
    %get3A_735 = vector.load %arg7[%get3A_733, %get3A_734] : memref<64x64xf32, #tpu.memory_space<vmem>>, vector<64x64xf32>
    %dot_general3A_736 = arith.constant dense<0.000000e+00> : vector<3200x64xf32>
    %dot_general3A_737 = tpu.matmul %convert_element_type3A_731, %get3A_735, %dot_general3A_736 {dimension_numbers = #tpu.dot_dimension_numbers<[1], [0], [0], [1], [0, 0, 1, 1], [], []>, transpose_lhs_hint = false} : vector<3200x64xf32>, vector<64x64xf32>, vector<3200x64xf32> -> vector<3200x64xf32>
    %get3A_738 = arith.constant 0 : index
    %get3A_739 = arith.constant 0 : index
    %get3A_740 = vector.load %arg7[%get3A_738, %get3A_739] : memref<64x64xf32, #tpu.memory_space<vmem>>, vector<64x64xf32>
    %dot_general3A_741 = arith.constant dense<0.000000e+00> : vector<3200x64xf32>
    %dot_general3A_742 = tpu.matmul %sub3A_732, %get3A_740, %dot_general3A_741 {dimension_numbers = #tpu.dot_dimension_numbers<[1], [0], [0], [1], [0, 0, 1, 1], [], []>, transpose_lhs_hint = false} : vector<3200x64xf32>, vector<64x64xf32>, vector<3200x64xf32> -> vector<3200x64xf32>
    %add3A_743 = arith.addf %dot_general3A_737, %dot_general3A_742 : vector<3200x64xf32>
    %reshape3A_744 = vector.shape_cast %add3A_743 : vector<3200x64xf32> to vector<8x400x64xf32>
    %slice3A_745 = vector.extract_strided_slice %get3A_2 {offsets = [6, 0, 0], sizes = [1, 400, 1], strides = [1, 1, 1]} : vector<8x400x1xf32> to vector<1x400x1xf32>
    %squeeze3A_746 = vector.shape_cast %slice3A_745 : vector<1x400x1xf32> to vector<400x1xf32>
    %broadcast_in_dim3A_747 = vector.shape_cast %squeeze3A_746 : vector<400x1xf32> to vector<1x400x1xf32>
    %gt3A_748 = arith.constant 0.000000e+00 : f32
    %gt3A_749 = vector.broadcast %gt3A_748 : f32 to vector<1x400x1xf32>
    %gt3A_750 = arith.cmpf ogt, %broadcast_in_dim3A_747, %gt3A_749 : vector<1x400x1xf32>
    %jit3A_751 = arith.constant -1.000000e+09 : f32
    %broadcast_in_dim3A_752 = vector.shape_cast %gt3A_750 : vector<1x400x1xi1> to vector<1x400x1xi1>
    %broadcast_in_dim3A_753 = vector.broadcast %broadcast_in_dim3A_752 : vector<1x400x1xi1> to vector<8x400x64xi1>
    %broadcast_in_dim3A_754 = vector.broadcast %jit3A_751 : f32 to vector<8x400x64xf32>
    %select_n3A_755 = arith.select %broadcast_in_dim3A_753, %reshape3A_744, %broadcast_in_dim3A_754 : vector<8x400x64xi1>, vector<8x400x64xf32>
    %slice3A_756 = vector.extract_strided_slice %convert_element_type3A_531 {offsets = [7, 0, 0], sizes = [1, 400, 64], strides = [1, 1, 1]} : vector<8x400x64xf32> to vector<1x400x64xf32>
    %squeeze3A_757 = vector.shape_cast %slice3A_756 : vector<1x400x64xf32> to vector<400x64xf32>
    %broadcast_in_dim3A_758 = vector.shape_cast %squeeze3A_757 : vector<400x64xf32> to vector<1x400x64xf32>
    %mul3A_759 = vector.broadcast %broadcast_in_dim3A_758 : vector<1x400x64xf32> to vector<8x400x64xf32>
    %mul3A_760 = arith.mulf %convert_element_type3A_529, %mul3A_759 : vector<8x400x64xf32>
    %reshape3A_761 = vector.shape_cast %mul3A_760 : vector<8x400x64xf32> to vector<3200x64xf32>
    %convert_element_type3A_762 = arith.truncf %reshape3A_761 : vector<3200x64xf32> to vector<3200x64xbf16>
    %convert_element_type3A_763 = arith.extf %convert_element_type3A_762 : vector<3200x64xbf16> to vector<3200x64xf32>
    %sub3A_764 = arith.subf %reshape3A_761, %convert_element_type3A_763 : vector<3200x64xf32>
    %get3A_765 = arith.constant 0 : index
    %get3A_766 = arith.constant 0 : index
    %get3A_767 = vector.load %arg7[%get3A_765, %get3A_766] : memref<64x64xf32, #tpu.memory_space<vmem>>, vector<64x64xf32>
    %dot_general3A_768 = arith.constant dense<0.000000e+00> : vector<3200x64xf32>
    %dot_general3A_769 = tpu.matmul %convert_element_type3A_763, %get3A_767, %dot_general3A_768 {dimension_numbers = #tpu.dot_dimension_numbers<[1], [0], [0], [1], [0, 0, 1, 1], [], []>, transpose_lhs_hint = false} : vector<3200x64xf32>, vector<64x64xf32>, vector<3200x64xf32> -> vector<3200x64xf32>
    %get3A_770 = arith.constant 0 : index
    %get3A_771 = arith.constant 0 : index
    %get3A_772 = vector.load %arg7[%get3A_770, %get3A_771] : memref<64x64xf32, #tpu.memory_space<vmem>>, vector<64x64xf32>
    %dot_general3A_773 = arith.constant dense<0.000000e+00> : vector<3200x64xf32>
    %dot_general3A_774 = tpu.matmul %sub3A_764, %get3A_772, %dot_general3A_773 {dimension_numbers = #tpu.dot_dimension_numbers<[1], [0], [0], [1], [0, 0, 1, 1], [], []>, transpose_lhs_hint = false} : vector<3200x64xf32>, vector<64x64xf32>, vector<3200x64xf32> -> vector<3200x64xf32>
    %add3A_775 = arith.addf %dot_general3A_769, %dot_general3A_774 : vector<3200x64xf32>
    %reshape3A_776 = vector.shape_cast %add3A_775 : vector<3200x64xf32> to vector<8x400x64xf32>
    %slice3A_777 = vector.extract_strided_slice %get3A_2 {offsets = [7, 0, 0], sizes = [1, 400, 1], strides = [1, 1, 1]} : vector<8x400x1xf32> to vector<1x400x1xf32>
    %squeeze3A_778 = vector.shape_cast %slice3A_777 : vector<1x400x1xf32> to vector<400x1xf32>
    %broadcast_in_dim3A_779 = vector.shape_cast %squeeze3A_778 : vector<400x1xf32> to vector<1x400x1xf32>
    %gt3A_780 = arith.constant 0.000000e+00 : f32
    %gt3A_781 = vector.broadcast %gt3A_780 : f32 to vector<1x400x1xf32>
    %gt3A_782 = arith.cmpf ogt, %broadcast_in_dim3A_779, %gt3A_781 : vector<1x400x1xf32>
    %jit3A_783 = arith.constant -1.000000e+09 : f32
    %broadcast_in_dim3A_784 = vector.shape_cast %gt3A_782 : vector<1x400x1xi1> to vector<1x400x1xi1>
    %broadcast_in_dim3A_785 = vector.broadcast %broadcast_in_dim3A_784 : vector<1x400x1xi1> to vector<8x400x64xi1>
    %broadcast_in_dim3A_786 = vector.broadcast %jit3A_783 : f32 to vector<8x400x64xf32>
    %select_n3A_787 = arith.select %broadcast_in_dim3A_785, %reshape3A_776, %broadcast_in_dim3A_786 : vector<8x400x64xi1>, vector<8x400x64xf32>
    %max3A_788 = arith.maximumf %select_n3A_563, %select_n3A_595 : vector<8x400x64xf32>
    %max3A_789 = arith.maximumf %max3A_788, %select_n3A_627 : vector<8x400x64xf32>
    %max3A_790 = arith.maximumf %max3A_789, %select_n3A_659 : vector<8x400x64xf32>
    %max3A_791 = arith.maximumf %max3A_790, %select_n3A_691 : vector<8x400x64xf32>
    %max3A_792 = arith.maximumf %max3A_791, %select_n3A_723 : vector<8x400x64xf32>
    %max3A_793 = arith.maximumf %max3A_792, %select_n3A_755 : vector<8x400x64xf32>
    %max3A_794 = arith.maximumf %max3A_793, %select_n3A_787 : vector<8x400x64xf32>
    %sub3A_795 = arith.subf %select_n3A_563, %max3A_794 : vector<8x400x64xf32>
    %exp3A_796 = math.exp %sub3A_795 : vector<8x400x64xf32>
    %sub3A_797 = arith.subf %select_n3A_595, %max3A_794 : vector<8x400x64xf32>
    %exp3A_798 = math.exp %sub3A_797 : vector<8x400x64xf32>
    %add3A_799 = arith.addf %exp3A_796, %exp3A_798 : vector<8x400x64xf32>
    %sub3A_800 = arith.subf %select_n3A_627, %max3A_794 : vector<8x400x64xf32>
    %exp3A_801 = math.exp %sub3A_800 : vector<8x400x64xf32>
    %add3A_802 = arith.addf %add3A_799, %exp3A_801 : vector<8x400x64xf32>
    %sub3A_803 = arith.subf %select_n3A_659, %max3A_794 : vector<8x400x64xf32>
    %exp3A_804 = math.exp %sub3A_803 : vector<8x400x64xf32>
    %add3A_805 = arith.addf %add3A_802, %exp3A_804 : vector<8x400x64xf32>
    %sub3A_806 = arith.subf %select_n3A_691, %max3A_794 : vector<8x400x64xf32>
    %exp3A_807 = math.exp %sub3A_806 : vector<8x400x64xf32>
    %add3A_808 = arith.addf %add3A_805, %exp3A_807 : vector<8x400x64xf32>
    %sub3A_809 = arith.subf %select_n3A_723, %max3A_794 : vector<8x400x64xf32>
    %exp3A_810 = math.exp %sub3A_809 : vector<8x400x64xf32>
    %add3A_811 = arith.addf %add3A_808, %exp3A_810 : vector<8x400x64xf32>
    %sub3A_812 = arith.subf %select_n3A_755, %max3A_794 : vector<8x400x64xf32>
    %exp3A_813 = math.exp %sub3A_812 : vector<8x400x64xf32>
    %add3A_814 = arith.addf %add3A_811, %exp3A_813 : vector<8x400x64xf32>
    %sub3A_815 = arith.subf %select_n3A_787, %max3A_794 : vector<8x400x64xf32>
    %exp3A_816 = math.exp %sub3A_815 : vector<8x400x64xf32>
    %add3A_817 = arith.addf %add3A_814, %exp3A_816 : vector<8x400x64xf32>
    %convert_element_type3A_818 = arith.truncf %reshape3A_527 : vector<8x400x64xf32> to vector<8x400x64xbf16>
    %convert_element_type3A_819 = arith.extf %convert_element_type3A_818 : vector<8x400x64xbf16> to vector<8x400x64xf32>
    %div3A_820 = arith.divf %exp3A_796, %add3A_817 : vector<8x400x64xf32>
    %convert_element_type3A_821 = arith.truncf %div3A_820 : vector<8x400x64xf32> to vector<8x400x64xbf16>
    %convert_element_type3A_822 = arith.extf %convert_element_type3A_821 : vector<8x400x64xbf16> to vector<8x400x64xf32>
    %slice3A_823 = vector.extract_strided_slice %convert_element_type3A_819 {offsets = [0, 0, 0], sizes = [1, 400, 64], strides = [1, 1, 1]} : vector<8x400x64xf32> to vector<1x400x64xf32>
    %squeeze3A_824 = vector.shape_cast %slice3A_823 : vector<1x400x64xf32> to vector<400x64xf32>
    %broadcast_in_dim3A_825 = vector.shape_cast %squeeze3A_824 : vector<400x64xf32> to vector<1x400x64xf32>
    %mul3A_826 = vector.broadcast %broadcast_in_dim3A_825 : vector<1x400x64xf32> to vector<8x400x64xf32>
    %mul3A_827 = arith.mulf %convert_element_type3A_822, %mul3A_826 : vector<8x400x64xf32>
    %div3A_828 = arith.divf %exp3A_798, %add3A_817 : vector<8x400x64xf32>
    %convert_element_type3A_829 = arith.truncf %div3A_828 : vector<8x400x64xf32> to vector<8x400x64xbf16>
    %convert_element_type3A_830 = arith.extf %convert_element_type3A_829 : vector<8x400x64xbf16> to vector<8x400x64xf32>
    %slice3A_831 = vector.extract_strided_slice %convert_element_type3A_819 {offsets = [1, 0, 0], sizes = [1, 400, 64], strides = [1, 1, 1]} : vector<8x400x64xf32> to vector<1x400x64xf32>
    %squeeze3A_832 = vector.shape_cast %slice3A_831 : vector<1x400x64xf32> to vector<400x64xf32>
    %broadcast_in_dim3A_833 = vector.shape_cast %squeeze3A_832 : vector<400x64xf32> to vector<1x400x64xf32>
    %mul3A_834 = vector.broadcast %broadcast_in_dim3A_833 : vector<1x400x64xf32> to vector<8x400x64xf32>
    %mul3A_835 = arith.mulf %convert_element_type3A_830, %mul3A_834 : vector<8x400x64xf32>
    %add3A_836 = arith.addf %mul3A_827, %mul3A_835 : vector<8x400x64xf32>
    %div3A_837 = arith.divf %exp3A_801, %add3A_817 : vector<8x400x64xf32>
    %convert_element_type3A_838 = arith.truncf %div3A_837 : vector<8x400x64xf32> to vector<8x400x64xbf16>
    %convert_element_type3A_839 = arith.extf %convert_element_type3A_838 : vector<8x400x64xbf16> to vector<8x400x64xf32>
    %slice3A_840 = vector.extract_strided_slice %convert_element_type3A_819 {offsets = [2, 0, 0], sizes = [1, 400, 64], strides = [1, 1, 1]} : vector<8x400x64xf32> to vector<1x400x64xf32>
    %squeeze3A_841 = vector.shape_cast %slice3A_840 : vector<1x400x64xf32> to vector<400x64xf32>
    %broadcast_in_dim3A_842 = vector.shape_cast %squeeze3A_841 : vector<400x64xf32> to vector<1x400x64xf32>
    %mul3A_843 = vector.broadcast %broadcast_in_dim3A_842 : vector<1x400x64xf32> to vector<8x400x64xf32>
    %mul3A_844 = arith.mulf %convert_element_type3A_839, %mul3A_843 : vector<8x400x64xf32>
    %add3A_845 = arith.addf %add3A_836, %mul3A_844 : vector<8x400x64xf32>
    %div3A_846 = arith.divf %exp3A_804, %add3A_817 : vector<8x400x64xf32>
    %convert_element_type3A_847 = arith.truncf %div3A_846 : vector<8x400x64xf32> to vector<8x400x64xbf16>
    %convert_element_type3A_848 = arith.extf %convert_element_type3A_847 : vector<8x400x64xbf16> to vector<8x400x64xf32>
    %slice3A_849 = vector.extract_strided_slice %convert_element_type3A_819 {offsets = [3, 0, 0], sizes = [1, 400, 64], strides = [1, 1, 1]} : vector<8x400x64xf32> to vector<1x400x64xf32>
    %squeeze3A_850 = vector.shape_cast %slice3A_849 : vector<1x400x64xf32> to vector<400x64xf32>
    %broadcast_in_dim3A_851 = vector.shape_cast %squeeze3A_850 : vector<400x64xf32> to vector<1x400x64xf32>
    %mul3A_852 = vector.broadcast %broadcast_in_dim3A_851 : vector<1x400x64xf32> to vector<8x400x64xf32>
    %mul3A_853 = arith.mulf %convert_element_type3A_848, %mul3A_852 : vector<8x400x64xf32>
    %add3A_854 = arith.addf %add3A_845, %mul3A_853 : vector<8x400x64xf32>
    %div3A_855 = arith.divf %exp3A_807, %add3A_817 : vector<8x400x64xf32>
    %convert_element_type3A_856 = arith.truncf %div3A_855 : vector<8x400x64xf32> to vector<8x400x64xbf16>
    %convert_element_type3A_857 = arith.extf %convert_element_type3A_856 : vector<8x400x64xbf16> to vector<8x400x64xf32>
    %slice3A_858 = vector.extract_strided_slice %convert_element_type3A_819 {offsets = [4, 0, 0], sizes = [1, 400, 64], strides = [1, 1, 1]} : vector<8x400x64xf32> to vector<1x400x64xf32>
    %squeeze3A_859 = vector.shape_cast %slice3A_858 : vector<1x400x64xf32> to vector<400x64xf32>
    %broadcast_in_dim3A_860 = vector.shape_cast %squeeze3A_859 : vector<400x64xf32> to vector<1x400x64xf32>
    %mul3A_861 = vector.broadcast %broadcast_in_dim3A_860 : vector<1x400x64xf32> to vector<8x400x64xf32>
    %mul3A_862 = arith.mulf %convert_element_type3A_857, %mul3A_861 : vector<8x400x64xf32>
    %add3A_863 = arith.addf %add3A_854, %mul3A_862 : vector<8x400x64xf32>
    %div3A_864 = arith.divf %exp3A_810, %add3A_817 : vector<8x400x64xf32>
    %convert_element_type3A_865 = arith.truncf %div3A_864 : vector<8x400x64xf32> to vector<8x400x64xbf16>
    %convert_element_type3A_866 = arith.extf %convert_element_type3A_865 : vector<8x400x64xbf16> to vector<8x400x64xf32>
    %slice3A_867 = vector.extract_strided_slice %convert_element_type3A_819 {offsets = [5, 0, 0], sizes = [1, 400, 64], strides = [1, 1, 1]} : vector<8x400x64xf32> to vector<1x400x64xf32>
    %squeeze3A_868 = vector.shape_cast %slice3A_867 : vector<1x400x64xf32> to vector<400x64xf32>
    %broadcast_in_dim3A_869 = vector.shape_cast %squeeze3A_868 : vector<400x64xf32> to vector<1x400x64xf32>
    %mul3A_870 = vector.broadcast %broadcast_in_dim3A_869 : vector<1x400x64xf32> to vector<8x400x64xf32>
    %mul3A_871 = arith.mulf %convert_element_type3A_866, %mul3A_870 : vector<8x400x64xf32>
    %add3A_872 = arith.addf %add3A_863, %mul3A_871 : vector<8x400x64xf32>
    %div3A_873 = arith.divf %exp3A_813, %add3A_817 : vector<8x400x64xf32>
    %convert_element_type3A_874 = arith.truncf %div3A_873 : vector<8x400x64xf32> to vector<8x400x64xbf16>
    %convert_element_type3A_875 = arith.extf %convert_element_type3A_874 : vector<8x400x64xbf16> to vector<8x400x64xf32>
    %slice3A_876 = vector.extract_strided_slice %convert_element_type3A_819 {offsets = [6, 0, 0], sizes = [1, 400, 64], strides = [1, 1, 1]} : vector<8x400x64xf32> to vector<1x400x64xf32>
    %squeeze3A_877 = vector.shape_cast %slice3A_876 : vector<1x400x64xf32> to vector<400x64xf32>
    %broadcast_in_dim3A_878 = vector.shape_cast %squeeze3A_877 : vector<400x64xf32> to vector<1x400x64xf32>
    %mul3A_879 = vector.broadcast %broadcast_in_dim3A_878 : vector<1x400x64xf32> to vector<8x400x64xf32>
    %mul3A_880 = arith.mulf %convert_element_type3A_875, %mul3A_879 : vector<8x400x64xf32>
    %add3A_881 = arith.addf %add3A_872, %mul3A_880 : vector<8x400x64xf32>
    %div3A_882 = arith.divf %exp3A_816, %add3A_817 : vector<8x400x64xf32>
    %convert_element_type3A_883 = arith.truncf %div3A_882 : vector<8x400x64xf32> to vector<8x400x64xbf16>
    %convert_element_type3A_884 = arith.extf %convert_element_type3A_883 : vector<8x400x64xbf16> to vector<8x400x64xf32>
    %slice3A_885 = vector.extract_strided_slice %convert_element_type3A_819 {offsets = [7, 0, 0], sizes = [1, 400, 64], strides = [1, 1, 1]} : vector<8x400x64xf32> to vector<1x400x64xf32>
    %squeeze3A_886 = vector.shape_cast %slice3A_885 : vector<1x400x64xf32> to vector<400x64xf32>
    %broadcast_in_dim3A_887 = vector.shape_cast %squeeze3A_886 : vector<400x64xf32> to vector<1x400x64xf32>
    %mul3A_888 = vector.broadcast %broadcast_in_dim3A_887 : vector<1x400x64xf32> to vector<8x400x64xf32>
    %mul3A_889 = arith.mulf %convert_element_type3A_884, %mul3A_888 : vector<8x400x64xf32>
    %add3A_890 = arith.addf %add3A_881, %mul3A_889 : vector<8x400x64xf32>
    %reshape3A_891 = vector.shape_cast %add3A_890 : vector<8x400x64xf32> to vector<3200x64xf32>
    %get3A_892 = arith.constant 0 : index
    %get3A_893 = arith.constant 0 : index
    %get3A_894 = vector.load %arg23[%get3A_892, %get3A_893] : memref<64x64xf32, #tpu.memory_space<vmem>>, vector<64x64xf32>
    %dot_general3A_895 = arith.constant dense<0.000000e+00> : vector<3200x64xf32>
    %dot_general3A_896 = tpu.matmul %reshape3A_891, %get3A_894, %dot_general3A_895 {dimension_numbers = #tpu.dot_dimension_numbers<[1], [0], [0], [1], [0, 0, 1, 1], [], []>, transpose_lhs_hint = false} : vector<3200x64xf32>, vector<64x64xf32>, vector<3200x64xf32> -> vector<3200x64xf32>
    %reshape3A_897 = vector.shape_cast %dot_general3A_896 : vector<3200x64xf32> to vector<8x400x64xf32>
    %add3A_898 = arith.addf %mul3A_508, %reshape3A_897 : vector<8x400x64xf32>
    %get3A_899 = arith.constant 0 : index
    %get3A_900 = arith.constant 0 : index
    %get3A_901 = vector.load %arg24[%get3A_899, %get3A_900] : memref<1x64xf32, #tpu.memory_space<vmem>>, vector<1x64xf32>
    %get3A_902 = vector.shape_cast %get3A_901 : vector<1x64xf32> to vector<64xf32>
    %get3A_903 = arith.constant 0 : index
    %get3A_904 = arith.constant 0 : index
    %get3A_905 = vector.load %arg25[%get3A_903, %get3A_904] : memref<1x64xf32, #tpu.memory_space<vmem>>, vector<1x64xf32>
    %get3A_906 = vector.shape_cast %get3A_905 : vector<1x64xf32> to vector<64xf32>
    %reduce_sum3A_907 = arith.constant dense<0.000000e+00> : vector<8x400xf32>
    %reduce_sum3A_908 = vector.multi_reduction <add>, %add3A_898, %reduce_sum3A_907 [2] : vector<8x400x64xf32> to vector<8x400xf32>
    %broadcast_in_dim3A_909 = vector.shape_cast %reduce_sum3A_908 : vector<8x400xf32> to vector<8x400x1xf32>
    %div3A_910 = arith.constant 6.400000e+01 : f32
    %div3A_911 = vector.broadcast %div3A_910 : f32 to vector<8x400x1xf32>
    %div3A_912 = arith.divf %broadcast_in_dim3A_909, %div3A_911 : vector<8x400x1xf32>
    %sub3A_913 = vector.broadcast %div3A_912 : vector<8x400x1xf32> to vector<8x400x64xf32>
    %sub3A_914 = arith.subf %add3A_898, %sub3A_913 : vector<8x400x64xf32>
    %mul3A_915 = arith.mulf %sub3A_914, %sub3A_914 : vector<8x400x64xf32>
    %reduce_sum3A_916 = arith.constant dense<0.000000e+00> : vector<8x400xf32>
    %reduce_sum3A_917 = vector.multi_reduction <add>, %mul3A_915, %reduce_sum3A_916 [2] : vector<8x400x64xf32> to vector<8x400xf32>
    %broadcast_in_dim3A_918 = vector.shape_cast %reduce_sum3A_917 : vector<8x400xf32> to vector<8x400x1xf32>
    %div3A_919 = arith.constant 6.400000e+01 : f32
    %div3A_920 = vector.broadcast %div3A_919 : f32 to vector<8x400x1xf32>
    %div3A_921 = arith.divf %broadcast_in_dim3A_918, %div3A_920 : vector<8x400x1xf32>
    %add3A_922 = arith.constant 9.99999974E-6 : f32
    %add3A_923 = vector.broadcast %add3A_922 : f32 to vector<8x400x1xf32>
    %add3A_924 = arith.addf %div3A_921, %add3A_923 : vector<8x400x1xf32>
    %sqrt3A_925 = math.sqrt %add3A_924 : vector<8x400x1xf32>
    %div3A_926 = vector.broadcast %sqrt3A_925 : vector<8x400x1xf32> to vector<8x400x64xf32>
    %div3A_927 = arith.divf %sub3A_914, %div3A_926 : vector<8x400x64xf32>
    %broadcast_in_dim3A_928 = vector.shape_cast %get3A_902 : vector<64xf32> to vector<1x1x64xf32>
    %mul3A_929 = vector.broadcast %broadcast_in_dim3A_928 : vector<1x1x64xf32> to vector<8x400x64xf32>
    %mul3A_930 = arith.mulf %div3A_927, %mul3A_929 : vector<8x400x64xf32>
    %broadcast_in_dim3A_931 = vector.shape_cast %get3A_906 : vector<64xf32> to vector<1x1x64xf32>
    %add3A_932 = vector.broadcast %broadcast_in_dim3A_931 : vector<1x1x64xf32> to vector<8x400x64xf32>
    %add3A_933 = arith.addf %mul3A_930, %add3A_932 : vector<8x400x64xf32>
    %reshape3A_934 = vector.shape_cast %add3A_933 : vector<8x400x64xf32> to vector<3200x64xf32>
    %get3A_935 = arith.constant 0 : index
    %get3A_936 = arith.constant 0 : index
    %get3A_937 = vector.load %arg26[%get3A_935, %get3A_936] : memref<64x128xf32, #tpu.memory_space<vmem>>, vector<64x128xf32>
    %dot_general3A_938 = arith.constant dense<0.000000e+00> : vector<3200x128xf32>
    %dot_general3A_939 = tpu.matmul %reshape3A_934, %get3A_937, %dot_general3A_938 {dimension_numbers = #tpu.dot_dimension_numbers<[1], [0], [0], [1], [0, 0, 1, 1], [], []>, transpose_lhs_hint = false} : vector<3200x64xf32>, vector<64x128xf32>, vector<3200x128xf32> -> vector<3200x128xf32>
    %get3A_940 = arith.constant 0 : index
    %get3A_941 = arith.constant 0 : index
    %get3A_942 = vector.load %arg27[%get3A_940, %get3A_941] : memref<1x128xf32, #tpu.memory_space<vmem>>, vector<1x128xf32>
    %get3A_943 = vector.shape_cast %get3A_942 : vector<1x128xf32> to vector<128xf32>
    %broadcast_in_dim3A_944 = vector.shape_cast %get3A_943 : vector<128xf32> to vector<1x128xf32>
    %add3A_945 = vector.broadcast %broadcast_in_dim3A_944 : vector<1x128xf32> to vector<3200x128xf32>
    %add3A_946 = arith.addf %dot_general3A_939, %add3A_945 : vector<3200x128xf32>
    %max3A_947 = arith.constant 0.000000e+00 : f32
    %max3A_948 = vector.broadcast %max3A_947 : f32 to vector<3200x128xf32>
    %max3A_949 = arith.maximumf %add3A_946, %max3A_948 : vector<3200x128xf32>
    %get3A_950 = arith.constant 0 : index
    %get3A_951 = arith.constant 0 : index
    %get3A_952 = vector.load %arg28[%get3A_950, %get3A_951] : memref<128x64xf32, #tpu.memory_space<vmem>>, vector<128x64xf32>
    %dot_general3A_953 = arith.constant dense<0.000000e+00> : vector<3200x64xf32>
    %dot_general3A_954 = tpu.matmul %max3A_949, %get3A_952, %dot_general3A_953 {dimension_numbers = #tpu.dot_dimension_numbers<[1], [0], [0], [1], [0, 0, 1, 1], [], []>, transpose_lhs_hint = false} : vector<3200x128xf32>, vector<128x64xf32>, vector<3200x64xf32> -> vector<3200x64xf32>
    %get3A_955 = arith.constant 0 : index
    %get3A_956 = arith.constant 0 : index
    %get3A_957 = vector.load %arg29[%get3A_955, %get3A_956] : memref<1x64xf32, #tpu.memory_space<vmem>>, vector<1x64xf32>
    %get3A_958 = vector.shape_cast %get3A_957 : vector<1x64xf32> to vector<64xf32>
    %broadcast_in_dim3A_959 = vector.shape_cast %get3A_958 : vector<64xf32> to vector<1x64xf32>
    %add3A_960 = vector.broadcast %broadcast_in_dim3A_959 : vector<1x64xf32> to vector<3200x64xf32>
    %add3A_961 = arith.addf %dot_general3A_954, %add3A_960 : vector<3200x64xf32>
    %reshape3A_962 = vector.shape_cast %add3A_961 : vector<3200x64xf32> to vector<8x400x64xf32>
    %add3A_963 = arith.addf %add3A_933, %reshape3A_962 : vector<8x400x64xf32>
    %get3A_964 = arith.constant 0 : index
    %get3A_965 = arith.constant 0 : index
    %get3A_966 = vector.load %arg30[%get3A_964, %get3A_965] : memref<1x64xf32, #tpu.memory_space<vmem>>, vector<1x64xf32>
    %get3A_967 = vector.shape_cast %get3A_966 : vector<1x64xf32> to vector<64xf32>
    %get3A_968 = arith.constant 0 : index
    %get3A_969 = arith.constant 0 : index
    %get3A_970 = vector.load %arg31[%get3A_968, %get3A_969] : memref<1x64xf32, #tpu.memory_space<vmem>>, vector<1x64xf32>
    %get3A_971 = vector.shape_cast %get3A_970 : vector<1x64xf32> to vector<64xf32>
    %reduce_sum3A_972 = arith.constant dense<0.000000e+00> : vector<8x400xf32>
    %reduce_sum3A_973 = vector.multi_reduction <add>, %add3A_963, %reduce_sum3A_972 [2] : vector<8x400x64xf32> to vector<8x400xf32>
    %broadcast_in_dim3A_974 = vector.shape_cast %reduce_sum3A_973 : vector<8x400xf32> to vector<8x400x1xf32>
    %div3A_975 = arith.constant 6.400000e+01 : f32
    %div3A_976 = vector.broadcast %div3A_975 : f32 to vector<8x400x1xf32>
    %div3A_977 = arith.divf %broadcast_in_dim3A_974, %div3A_976 : vector<8x400x1xf32>
    %sub3A_978 = vector.broadcast %div3A_977 : vector<8x400x1xf32> to vector<8x400x64xf32>
    %sub3A_979 = arith.subf %add3A_963, %sub3A_978 : vector<8x400x64xf32>
    %mul3A_980 = arith.mulf %sub3A_979, %sub3A_979 : vector<8x400x64xf32>
    %reduce_sum3A_981 = arith.constant dense<0.000000e+00> : vector<8x400xf32>
    %reduce_sum3A_982 = vector.multi_reduction <add>, %mul3A_980, %reduce_sum3A_981 [2] : vector<8x400x64xf32> to vector<8x400xf32>
    %broadcast_in_dim3A_983 = vector.shape_cast %reduce_sum3A_982 : vector<8x400xf32> to vector<8x400x1xf32>
    %div3A_984 = arith.constant 6.400000e+01 : f32
    %div3A_985 = vector.broadcast %div3A_984 : f32 to vector<8x400x1xf32>
    %div3A_986 = arith.divf %broadcast_in_dim3A_983, %div3A_985 : vector<8x400x1xf32>
    %add3A_987 = arith.constant 9.99999974E-6 : f32
    %add3A_988 = vector.broadcast %add3A_987 : f32 to vector<8x400x1xf32>
    %add3A_989 = arith.addf %div3A_986, %add3A_988 : vector<8x400x1xf32>
    %sqrt3A_990 = math.sqrt %add3A_989 : vector<8x400x1xf32>
    %div3A_991 = vector.broadcast %sqrt3A_990 : vector<8x400x1xf32> to vector<8x400x64xf32>
    %div3A_992 = arith.divf %sub3A_979, %div3A_991 : vector<8x400x64xf32>
    %broadcast_in_dim3A_993 = vector.shape_cast %get3A_967 : vector<64xf32> to vector<1x1x64xf32>
    %mul3A_994 = vector.broadcast %broadcast_in_dim3A_993 : vector<1x1x64xf32> to vector<8x400x64xf32>
    %mul3A_995 = arith.mulf %div3A_992, %mul3A_994 : vector<8x400x64xf32>
    %broadcast_in_dim3A_996 = vector.shape_cast %get3A_971 : vector<64xf32> to vector<1x1x64xf32>
    %add3A_997 = vector.broadcast %broadcast_in_dim3A_996 : vector<1x1x64xf32> to vector<8x400x64xf32>
    %add3A_998 = arith.addf %mul3A_995, %add3A_997 : vector<8x400x64xf32>
    %mul3A_999 = vector.broadcast %get3A_2 : vector<8x400x1xf32> to vector<8x400x64xf32>
    %mul3A_1000 = arith.mulf %add3A_998, %mul3A_999 : vector<8x400x64xf32>
    %slice3A_1001 = vector.extract_strided_slice %mul3A_1000 {offsets = [0, 0, 0], sizes = [1, 400, 64], strides = [1, 1, 1]} : vector<8x400x64xf32> to vector<1x400x64xf32>
    %squeeze3A_1002 = vector.shape_cast %slice3A_1001 : vector<1x400x64xf32> to vector<400x64xf32>
    %slice3A_1003 = vector.extract_strided_slice %mul3A_1000 {offsets = [1, 0, 0], sizes = [1, 400, 64], strides = [1, 1, 1]} : vector<8x400x64xf32> to vector<1x400x64xf32>
    %squeeze3A_1004 = vector.shape_cast %slice3A_1003 : vector<1x400x64xf32> to vector<400x64xf32>
    %add3A_1005 = arith.addf %squeeze3A_1002, %squeeze3A_1004 : vector<400x64xf32>
    %slice3A_1006 = vector.extract_strided_slice %mul3A_1000 {offsets = [2, 0, 0], sizes = [1, 400, 64], strides = [1, 1, 1]} : vector<8x400x64xf32> to vector<1x400x64xf32>
    %squeeze3A_1007 = vector.shape_cast %slice3A_1006 : vector<1x400x64xf32> to vector<400x64xf32>
    %add3A_1008 = arith.addf %add3A_1005, %squeeze3A_1007 : vector<400x64xf32>
    %slice3A_1009 = vector.extract_strided_slice %mul3A_1000 {offsets = [3, 0, 0], sizes = [1, 400, 64], strides = [1, 1, 1]} : vector<8x400x64xf32> to vector<1x400x64xf32>
    %squeeze3A_1010 = vector.shape_cast %slice3A_1009 : vector<1x400x64xf32> to vector<400x64xf32>
    %add3A_1011 = arith.addf %add3A_1008, %squeeze3A_1010 : vector<400x64xf32>
    %slice3A_1012 = vector.extract_strided_slice %mul3A_1000 {offsets = [4, 0, 0], sizes = [1, 400, 64], strides = [1, 1, 1]} : vector<8x400x64xf32> to vector<1x400x64xf32>
    %squeeze3A_1013 = vector.shape_cast %slice3A_1012 : vector<1x400x64xf32> to vector<400x64xf32>
    %add3A_1014 = arith.addf %add3A_1011, %squeeze3A_1013 : vector<400x64xf32>
    %slice3A_1015 = vector.extract_strided_slice %mul3A_1000 {offsets = [5, 0, 0], sizes = [1, 400, 64], strides = [1, 1, 1]} : vector<8x400x64xf32> to vector<1x400x64xf32>
    %squeeze3A_1016 = vector.shape_cast %slice3A_1015 : vector<1x400x64xf32> to vector<400x64xf32>
    %add3A_1017 = arith.addf %add3A_1014, %squeeze3A_1016 : vector<400x64xf32>
    %slice3A_1018 = vector.extract_strided_slice %mul3A_1000 {offsets = [6, 0, 0], sizes = [1, 400, 64], strides = [1, 1, 1]} : vector<8x400x64xf32> to vector<1x400x64xf32>
    %squeeze3A_1019 = vector.shape_cast %slice3A_1018 : vector<1x400x64xf32> to vector<400x64xf32>
    %add3A_1020 = arith.addf %add3A_1017, %squeeze3A_1019 : vector<400x64xf32>
    %slice3A_1021 = vector.extract_strided_slice %mul3A_1000 {offsets = [7, 0, 0], sizes = [1, 400, 64], strides = [1, 1, 1]} : vector<8x400x64xf32> to vector<1x400x64xf32>
    %squeeze3A_1022 = vector.shape_cast %slice3A_1021 : vector<1x400x64xf32> to vector<400x64xf32>
    %add3A_1023 = arith.addf %add3A_1020, %squeeze3A_1022 : vector<400x64xf32>
    %get3A_1024 = arith.constant 0 : index
    %get3A_1025 = arith.constant 0 : index
    %get3A_1026 = vector.load %arg32[%get3A_1024, %get3A_1025] : memref<64x64xf32, #tpu.memory_space<vmem>>, vector<64x64xf32>
    %dot_general3A_1027 = arith.constant dense<0.000000e+00> : vector<400x64xf32>
    %dot_general3A_1028 = tpu.matmul %add3A_1023, %get3A_1026, %dot_general3A_1027 {dimension_numbers = #tpu.dot_dimension_numbers<[1], [0], [0], [1], [0, 0, 1, 1], [], []>, transpose_lhs_hint = false} : vector<400x64xf32>, vector<64x64xf32>, vector<400x64xf32> -> vector<400x64xf32>
    %eq3A = arith.constant 0 : i32
    %eq3A_1029 = arith.cmpi eq, %arg0, %eq3A : i32
    %convert_element_type3A_1030 = arith.extui %eq3A_1029 : i1 to i32
    %cond3A = arith.constant 0 : i32
    %cond3A_1031 = arith.cmpi ne, %convert_element_type3A_1030, %cond3A : i32
    scf.if %cond3A_1031 {
      %broadcast_in_dim3A_1059 = arith.constant 0.000000e+00 : f32
      %broadcast_in_dim3A_1060 = vector.broadcast %broadcast_in_dim3A_1059 : f32 to vector<2x64xf32>
      %swap3A_1061 = arith.constant 0 : index
      %swap3A_1062 = arith.constant 0 : index
      %swap3A_1063 = vector.load %arg34[%swap3A_1061, %swap3A_1062] : memref<2x64xf32, #tpu.memory_space<vmem>>, vector<2x64xf32>
      tpu.vector_store %arg34[%swap3A_1061, %swap3A_1062], %broadcast_in_dim3A_1060 {strides = array<i32>} : memref<2x64xf32, #tpu.memory_space<vmem>>, vector<2x64xf32>,
    } else {
    }
    %get3A_1032 = arith.constant 0 : index
    %get3A_1033 = arith.constant 0 : index
    %get3A_1034 = vector.load %arg34[%get3A_1032, %get3A_1033] : memref<2x64xf32, #tpu.memory_space<vmem>>, vector<1x64xf32>
    %get3A_1035 = vector.shape_cast %get3A_1034 : vector<1x64xf32> to vector<64xf32>
    %reduce_sum3A_1036 = arith.constant dense<0.000000e+00> : vector<64xf32>
    %reduce_sum3A_1037 = vector.multi_reduction <add>, %dot_general3A_1028, %reduce_sum3A_1036 [0] : vector<400x64xf32> to vector<64xf32>
    %add3A_1038 = arith.addf %get3A_1035, %reduce_sum3A_1037 : vector<64xf32>
    %swap3A = arith.constant 0 : index
    %swap3A_1039 = arith.constant 0 : index
    %swap3A_1040 = vector.load %arg34[%swap3A, %swap3A_1039] : memref<2x64xf32, #tpu.memory_space<vmem>>, vector<1x64xf32>
    %swap3A_1041 = vector.shape_cast %swap3A_1040 : vector<1x64xf32> to vector<64xf32>
    %swap3A_1042 = vector.shape_cast %add3A_1038 : vector<64xf32> to vector<1x64xf32>
    tpu.vector_store %arg34[%swap3A, %swap3A_1039], %swap3A_1042 {strides = array<i32>} : memref<2x64xf32, #tpu.memory_space<vmem>>, vector<1x64xf32>,
    %get3A_1043 = arith.constant 1 : index
    %get3A_1044 = arith.constant 0 : index
    %get3A_1045 = vector.load %arg34[%get3A_1043, %get3A_1044] : memref<2x64xf32, #tpu.memory_space<vmem>>, vector<1x64xf32>
    %get3A_1046 = vector.shape_cast %get3A_1045 : vector<1x64xf32> to vector<64xf32>
    %mul3A_1047 = arith.mulf %dot_general3A_1028, %dot_general3A_1028 : vector<400x64xf32>
    %reduce_sum3A_1048 = arith.constant dense<0.000000e+00> : vector<64xf32>
    %reduce_sum3A_1049 = vector.multi_reduction <add>, %mul3A_1047, %reduce_sum3A_1048 [0] : vector<400x64xf32> to vector<64xf32>
    %add3A_1050 = arith.addf %get3A_1046, %reduce_sum3A_1049 : vector<64xf32>
    %swap3A_1051 = arith.constant 1 : index
    %swap3A_1052 = arith.constant 0 : index
    %swap3A_1053 = vector.load %arg34[%swap3A_1051, %swap3A_1052] : memref<2x64xf32, #tpu.memory_space<vmem>>, vector<1x64xf32>
    %swap3A_1054 = vector.shape_cast %swap3A_1053 : vector<1x64xf32> to vector<64xf32>
    %swap3A_1055 = vector.shape_cast %add3A_1050 : vector<64xf32> to vector<1x64xf32>
    tpu.vector_store %arg34[%swap3A_1051, %swap3A_1052], %swap3A_1055 {strides = array<i32>} : memref<2x64xf32, #tpu.memory_space<vmem>>, vector<1x64xf32>,
    %swap3A_1056 = arith.constant 0 : index
    %swap3A_1057 = arith.constant 0 : index
    %swap3A_1058 = vector.load %arg33[%swap3A_1056, %swap3A_1057] : memref<400x64xf32, #tpu.memory_space<vmem>>, vector<400x64xf32>
    tpu.vector_store %arg33[%swap3A_1056, %swap3A_1057], %dot_general3A_1028 {strides = array<i32>} : memref<400x64xf32, #tpu.memory_space<vmem>>, vector<400x64xf32>,
    return
  }
  func.func @transform_0(%arg0: i32) -> (i32, i32, i32) {
    %c0_i32 = arith.constant 0 : i32
    %c0_i32_0 = arith.constant 0 : i32
    %c0_i32_1 = arith.constant 0 : i32
    return %c0_i32, %arg0, %c0_i32_0 : i32, i32, i32
  }
  func.func @transform_1(%arg0: i32) -> (i32, i32, i32) {
    %c0_i32 = arith.constant 0 : i32
    %c0_i32_0 = arith.constant 0 : i32
    %c0_i32_1 = arith.constant 0 : i32
    return %c0_i32, %arg0, %c0_i32_0 : i32, i32, i32
  }
  func.func @transform_2(%arg0: i32) -> (i32, i32, i32) {
    %c0_i32 = arith.constant 0 : i32
    %c0_i32_0 = arith.constant 0 : i32
    %c0_i32_1 = arith.constant 0 : i32
    return %c0_i32, %arg0, %c0_i32_0 : i32, i32, i32
  }
  func.func @transform_3(%arg0: i32) -> (i32, i32) {
    %c0_i32 = arith.constant 0 : i32
    %c0_i32_0 = arith.constant 0 : i32
    %c0_i32_1 = arith.constant 0 : i32
    return %c0_i32, %c0_i32_0 : i32, i32
  }
  func.func @transform_4(%arg0: i32) -> (i32, i32) {
    %c0_i32 = arith.constant 0 : i32
    %c0_i32_0 = arith.constant 0 : i32
    %c0_i32_1 = arith.constant 0 : i32
    return %c0_i32, %c0_i32_0 : i32, i32
  }
  func.func @transform_5(%arg0: i32) -> (i32, i32) {
    %c0_i32 = arith.constant 0 : i32
    %c0_i32_0 = arith.constant 0 : i32
    %c0_i32_1 = arith.constant 0 : i32
    return %c0_i32, %c0_i32_0 : i32, i32
  }
  func.func @transform_6(%arg0: i32) -> (i32, i32) {
    %c0_i32 = arith.constant 0 : i32
    %c0_i32_0 = arith.constant 0 : i32
    %c0_i32_1 = arith.constant 0 : i32
    return %c0_i32, %c0_i32_0 : i32, i32
  }
  func.func @transform_7(%arg0: i32) -> (i32, i32) {
    %c0_i32 = arith.constant 0 : i32
    %c0_i32_0 = arith.constant 0 : i32
    %c0_i32_1 = arith.constant 0 : i32
    return %c0_i32, %c0_i32_0 : i32, i32
  }
  func.func @transform_8(%arg0: i32) -> (i32, i32) {
    %c0_i32 = arith.constant 0 : i32
    %c0_i32_0 = arith.constant 0 : i32
    %c0_i32_1 = arith.constant 0 : i32
    return %c0_i32, %c0_i32_0 : i32, i32
  }
  func.func @transform_9(%arg0: i32) -> (i32, i32) {
    %c0_i32 = arith.constant 0 : i32
    %c0_i32_0 = arith.constant 0 : i32
    %c0_i32_1 = arith.constant 0 : i32
    return %c0_i32, %c0_i32_0 : i32, i32
  }
  func.func @transform_10(%arg0: i32) -> (i32, i32) {
    %c0_i32 = arith.constant 0 : i32
    %c0_i32_0 = arith.constant 0 : i32
    %c0_i32_1 = arith.constant 0 : i32
    return %c0_i32, %c0_i32_0 : i32, i32
  }
  func.func @transform_11(%arg0: i32) -> (i32, i32) {
    %c0_i32 = arith.constant 0 : i32
    %c0_i32_0 = arith.constant 0 : i32
    %c0_i32_1 = arith.constant 0 : i32
    return %c0_i32, %c0_i32_0 : i32, i32
  }
  func.func @transform_12(%arg0: i32) -> (i32, i32) {
    %c0_i32 = arith.constant 0 : i32
    %c0_i32_0 = arith.constant 0 : i32
    %c0_i32_1 = arith.constant 0 : i32
    return %c0_i32, %c0_i32_0 : i32, i32
  }
  func.func @transform_13(%arg0: i32) -> (i32, i32) {
    %c0_i32 = arith.constant 0 : i32
    %c0_i32_0 = arith.constant 0 : i32
    %c0_i32_1 = arith.constant 0 : i32
    return %c0_i32, %c0_i32_0 : i32, i32
  }
  func.func @transform_14(%arg0: i32) -> (i32, i32) {
    %c0_i32 = arith.constant 0 : i32
    %c0_i32_0 = arith.constant 0 : i32
    %c0_i32_1 = arith.constant 0 : i32
    return %c0_i32, %c0_i32_0 : i32, i32
  }
  func.func @transform_15(%arg0: i32) -> (i32, i32) {
    %c0_i32 = arith.constant 0 : i32
    %c0_i32_0 = arith.constant 0 : i32
    %c0_i32_1 = arith.constant 0 : i32
    return %c0_i32, %c0_i32_0 : i32, i32
  }
  func.func @transform_16(%arg0: i32) -> (i32, i32) {
    %c0_i32 = arith.constant 0 : i32
    %c0_i32_0 = arith.constant 0 : i32
    %c0_i32_1 = arith.constant 0 : i32
    return %c0_i32, %c0_i32_0 : i32, i32
  }
  func.func @transform_17(%arg0: i32) -> (i32, i32) {
    %c0_i32 = arith.constant 0 : i32
    %c0_i32_0 = arith.constant 0 : i32
    %c0_i32_1 = arith.constant 0 : i32
    return %c0_i32, %c0_i32_0 : i32, i32
  }
  func.func @transform_18(%arg0: i32) -> (i32, i32) {
    %c0_i32 = arith.constant 0 : i32
    %c0_i32_0 = arith.constant 0 : i32
    %c0_i32_1 = arith.constant 0 : i32
    return %c0_i32, %c0_i32_0 : i32, i32
  }
  func.func @transform_19(%arg0: i32) -> (i32, i32) {
    %c0_i32 = arith.constant 0 : i32
    %c0_i32_0 = arith.constant 0 : i32
    %c0_i32_1 = arith.constant 0 : i32
    return %c0_i32, %c0_i32_0 : i32, i32
  }
  func.func @transform_20(%arg0: i32) -> (i32, i32) {
    %c0_i32 = arith.constant 0 : i32
    %c0_i32_0 = arith.constant 0 : i32
    %c0_i32_1 = arith.constant 0 : i32
    return %c0_i32, %c0_i32_0 : i32, i32
  }
  func.func @transform_21(%arg0: i32) -> (i32, i32) {
    %c0_i32 = arith.constant 0 : i32
    %c0_i32_0 = arith.constant 0 : i32
    %c0_i32_1 = arith.constant 0 : i32
    return %c0_i32, %c0_i32_0 : i32, i32
  }
  func.func @transform_22(%arg0: i32) -> (i32, i32) {
    %c0_i32 = arith.constant 0 : i32
    %c0_i32_0 = arith.constant 0 : i32
    %c0_i32_1 = arith.constant 0 : i32
    return %c0_i32, %c0_i32_0 : i32, i32
  }
  func.func @transform_23(%arg0: i32) -> (i32, i32) {
    %c0_i32 = arith.constant 0 : i32
    %c0_i32_0 = arith.constant 0 : i32
    %c0_i32_1 = arith.constant 0 : i32
    return %c0_i32, %c0_i32_0 : i32, i32
  }
  func.func @transform_24(%arg0: i32) -> (i32, i32) {
    %c0_i32 = arith.constant 0 : i32
    %c0_i32_0 = arith.constant 0 : i32
    %c0_i32_1 = arith.constant 0 : i32
    return %c0_i32, %c0_i32_0 : i32, i32
  }
  func.func @transform_25(%arg0: i32) -> (i32, i32) {
    %c0_i32 = arith.constant 0 : i32
    %c0_i32_0 = arith.constant 0 : i32
    %c0_i32_1 = arith.constant 0 : i32
    return %c0_i32, %c0_i32_0 : i32, i32
  }
  func.func @transform_26(%arg0: i32) -> (i32, i32) {
    %c0_i32 = arith.constant 0 : i32
    %c0_i32_0 = arith.constant 0 : i32
    %c0_i32_1 = arith.constant 0 : i32
    return %c0_i32, %c0_i32_0 : i32, i32
  }
  func.func @transform_27(%arg0: i32) -> (i32, i32) {
    %c0_i32 = arith.constant 0 : i32
    %c0_i32_0 = arith.constant 0 : i32
    %c0_i32_1 = arith.constant 0 : i32
    return %c0_i32, %c0_i32_0 : i32, i32
  }
  func.func @transform_28(%arg0: i32) -> (i32, i32) {
    %c0_i32 = arith.constant 0 : i32
    %c0_i32_0 = arith.constant 0 : i32
    %c0_i32_1 = arith.constant 0 : i32
    return %c0_i32, %c0_i32_0 : i32, i32
  }
  func.func @transform_29(%arg0: i32) -> (i32, i32) {
    %c0_i32 = arith.constant 0 : i32
    %c0_i32_0 = arith.constant 0 : i32
    %c0_i32_1 = arith.constant 0 : i32
    return %c0_i32, %c0_i32_0 : i32, i32
  }
  func.func @transform_30(%arg0: i32) -> (i32, i32) {
    %c0_i32 = arith.constant 0 : i32
    %c0_i32_0 = arith.constant 0 : i32
    %c0_i32_1 = arith.constant 0 : i32
    return %c0_i32, %c0_i32_0 : i32, i32
  }
  func.func @transform_31(%arg0: i32) -> (i32, i32) {
    %c0_i32 = arith.constant 0 : i32
    %c0_i32_0 = arith.constant 0 : i32
    %c0_i32_1 = arith.constant 0 : i32
    return %c0_i32, %c0_i32_0 : i32, i32
  }
  func.func @transform_32(%arg0: i32) -> (i32, i32) {
    %c0_i32 = arith.constant 0 : i32
    %c0_i32_0 = arith.constant 0 : i32
    return %arg0, %c0_i32 : i32, i32
  }
  func.func @transform_33(%arg0: i32) -> (i32, i32) {
    %c0_i32 = arith.constant 0 : i32
    %c0_i32_0 = arith.constant 0 : i32
    %c0_i32_1 = arith.constant 0 : i32
    return %c0_i32, %c0_i32_0 : i32, i32
  }
}

module attributes {stable_mosaic.version = 14 : i64} {
  func.func @_t5_kernel(%arg0: i32, %arg1: memref<2000x64xf32, #tpu.memory_space<vmem>>, %arg2: memref<2x64xf32, #tpu.memory_space<vmem>>, %arg3: memref<64xf32, #tpu.memory_space<vmem>>, %arg4: memref<64xf32, #tpu.memory_space<vmem>>, %arg5: memref<2000x64xf32, #tpu.memory_space<vmem>>) attributes {dimension_semantics = [#tpu.dimension_semantics<arbitrary>], iteration_bounds = array<i64: 5>, scalar_prefetch = 0 : i64, scratch_operands = 0 : i64, tpu.core_type = #tpu.core_type<tc>, window_params = [{transform_indices = @transform_0, window_bounds = array<i64: 2000, 64>}, {pipeline_mode = #tpu.pipeline_mode<synchronous>, transform_indices = @transform_1, window_bounds = array<i64: 2, 64>}, {pipeline_mode = #tpu.pipeline_mode<synchronous>, transform_indices = @transform_2, window_bounds = array<i64: 64>}, {pipeline_mode = #tpu.pipeline_mode<synchronous>, transform_indices = @transform_3, window_bounds = array<i64: 64>}, {transform_indices = @transform_4, window_bounds = array<i64: 2000, 64>}]} {
    %get3A = arith.constant 0 : index
    %get3A_0 = arith.constant 0 : index
    %get3A_1 = vector.load %arg2[%get3A, %get3A_0] : memref<2x64xf32, #tpu.memory_space<vmem>>, vector<1x64xf32>
    %get3A_2 = vector.shape_cast %get3A_1 : vector<1x64xf32> to vector<64xf32>
    %get3A_3 = arith.constant 1 : index
    %get3A_4 = arith.constant 0 : index
    %get3A_5 = vector.load %arg2[%get3A_3, %get3A_4] : memref<2x64xf32, #tpu.memory_space<vmem>>, vector<1x64xf32>
    %get3A_6 = vector.shape_cast %get3A_5 : vector<1x64xf32> to vector<64xf32>
    %div3A = arith.constant 1.000000e+04 : f32
    %div3A_7 = vector.broadcast %div3A : f32 to vector<64xf32>
    %div3A_8 = arith.divf %get3A_2, %div3A_7 : vector<64xf32>
    %div3A_9 = arith.constant 1.000000e+04 : f32
    %div3A_10 = vector.broadcast %div3A_9 : f32 to vector<64xf32>
    %div3A_11 = arith.divf %get3A_6, %div3A_10 : vector<64xf32>
    %mul3A = arith.mulf %div3A_8, %div3A_8 : vector<64xf32>
    %sub3A = arith.subf %div3A_11, %mul3A : vector<64xf32>
    %get3A_12 = arith.constant 0 : index
    %get3A_13 = arith.constant 0 : index
    %get3A_14 = vector.load %arg1[%get3A_12, %get3A_13] : memref<2000x64xf32, #tpu.memory_space<vmem>>, vector<2000x64xf32>
    %broadcast_in_dim3A = vector.shape_cast %div3A_8 : vector<64xf32> to vector<1x64xf32>
    %sub3A_15 = vector.broadcast %broadcast_in_dim3A : vector<1x64xf32> to vector<2000x64xf32>
    %sub3A_16 = arith.subf %get3A_14, %sub3A_15 : vector<2000x64xf32>
    %add3A = arith.constant 9.99999974E-6 : f32
    %add3A_17 = vector.broadcast %add3A : f32 to vector<64xf32>
    %add3A_18 = arith.addf %sub3A, %add3A_17 : vector<64xf32>
    %sqrt3A = math.sqrt %add3A_18 : vector<64xf32>
    %broadcast_in_dim3A_19 = vector.shape_cast %sqrt3A : vector<64xf32> to vector<1x64xf32>
    %div3A_20 = vector.broadcast %broadcast_in_dim3A_19 : vector<1x64xf32> to vector<2000x64xf32>
    %div3A_21 = arith.divf %sub3A_16, %div3A_20 : vector<2000x64xf32>
    %get3A_22 = arith.constant 0 : index
    %get3A_23 = vector.load %arg3[%get3A_22] : memref<64xf32, #tpu.memory_space<vmem>>, vector<64xf32>
    %broadcast_in_dim3A_24 = vector.shape_cast %get3A_23 : vector<64xf32> to vector<1x64xf32>
    %mul3A_25 = vector.broadcast %broadcast_in_dim3A_24 : vector<1x64xf32> to vector<2000x64xf32>
    %mul3A_26 = arith.mulf %div3A_21, %mul3A_25 : vector<2000x64xf32>
    %get3A_27 = arith.constant 0 : index
    %get3A_28 = vector.load %arg4[%get3A_27] : memref<64xf32, #tpu.memory_space<vmem>>, vector<64xf32>
    %broadcast_in_dim3A_29 = vector.shape_cast %get3A_28 : vector<64xf32> to vector<1x64xf32>
    %add3A_30 = vector.broadcast %broadcast_in_dim3A_29 : vector<1x64xf32> to vector<2000x64xf32>
    %add3A_31 = arith.addf %mul3A_26, %add3A_30 : vector<2000x64xf32>
    %swap3A = arith.constant 0 : index
    %swap3A_32 = arith.constant 0 : index
    %swap3A_33 = vector.load %arg5[%swap3A, %swap3A_32] : memref<2000x64xf32, #tpu.memory_space<vmem>>, vector<2000x64xf32>
    tpu.vector_store %arg5[%swap3A, %swap3A_32], %add3A_31 {strides = array<i32>} : memref<2000x64xf32, #tpu.memory_space<vmem>>, vector<2000x64xf32>,
    return
  }
  func.func @transform_0(%arg0: i32) -> (i32, i32) {
    %c0_i32 = arith.constant 0 : i32
    %c0_i32_0 = arith.constant 0 : i32
    return %arg0, %c0_i32 : i32, i32
  }
  func.func @transform_1(%arg0: i32) -> (i32, i32) {
    %c0_i32 = arith.constant 0 : i32
    %c0_i32_0 = arith.constant 0 : i32
    %c0_i32_1 = arith.constant 0 : i32
    return %c0_i32, %c0_i32_0 : i32, i32
  }
  func.func @transform_2(%arg0: i32) -> i32 {
    %c0_i32 = arith.constant 0 : i32
    %c0_i32_0 = arith.constant 0 : i32
    return %c0_i32 : i32
  }
  func.func @transform_3(%arg0: i32) -> i32 {
    %c0_i32 = arith.constant 0 : i32
    %c0_i32_0 = arith.constant 0 : i32
    return %c0_i32 : i32
  }
  func.func @transform_4(%arg0: i32) -> (i32, i32) {
    %c0_i32 = arith.constant 0 : i32
    %c0_i32_0 = arith.constant 0 : i32
    return %arg0, %c0_i32 : i32, i32
  }
}

</mosaic_0001>

<sc_bundles>
// kernel: kernel.12.cloned.1.call-start
scs
__scs_entry_jumppad:
0x0: {  	(pc) =	sbr.rel $0x88, $3  }
0x1: {  	(tag) =	ssettag $0x0;
	lr =	simm.s32 $0x1  }
0x2: {  	[smem:$0x3F7D] =	sst lr;
	_ =	strace $0xD0000000  }
0x3: {  	_ = 	snop  }
0x4: {  	_ = 	snop  }
0x5: {  	_ = 	snop  }
0x6: {  	_ = 	snop  }
0x7: {  	_ = 	snop  }
__scs_overlays_trampoline_lowered:
0x8: {  	[smem:$0x3F8C] =	sst s0  }
0x9: {  	[smem:$0x3F8D] =	sst s1  }
0xa: {  	[smem:$0x3F8E] =	sst s2  }
0xb: {  	[smem:$0x3F8F] =	sst s3  }
0xc: {  	[smem:$0x3F90] =	sst s4  }
0xd: {  	[smem:$0x3F91] =	sst s5  }
0xe: {  	[smem:$0x3F92] =	sst s6  }
0xf: {  	[smem:$0x3F93] =	sst s7  }
0x10: {  	[smem:$0x3F94] =	sst s8  }
0x11: {  	[smem:$0x3F95] =	sst s9;
	s0 =	simm.s32 @!p0 $0x0  }
0x12: {  	s1 =	sld [smem:$0x3F7B];
	s0 =	simm.s32 @p0 $0x1  }
0x13: {  	[smem:$0x3F96] =	sst s0;
	s0 =	simm.s32 @!p1 $0x0  }
0x14: {  	s2 =	sld [smem:$0x3F7A];
	s0 =	simm.s32 @p1 $0x1  }
0x15: {  	[smem:$0x3F97] =	sst s0;
	s0 =	simm.s32 @!p2 $0x0  }
0x16: {  	s3 =	sld [smem:$0x3FDB];
	s0 =	simm.s32 @p2 $0x1  }
0x17: {  	s4 =	simm.s32 $0x1BF5;
	[smem:$0x3F99] =	sst s0  }
0x18: {  	s0 =	sld [smem:$0x3F7C];
	_ =	swait.ge [sflag:s4], $0x0  }
0x19: {  	s7 =	sld [smem:$0x3F7D]  }
0x1a: {  	s8 =	sadd.s32 $0xFFFFE003, lr  }
0x1b: {  	s9 =	sadd.s32 $0xFFFFFEF7, lr;
	s5 =	simm.s32 $0xFFFFFFFF;
	p2 =	slt.u32 s8, $0xFFFFF086  }
0x1c: {  	p1 =	slt.u32 s9, $0xF7A;
	s5 =	simm.s32 @!p2 $0x0  }
0x1d: {  	s5 =	simm.s32 @p1 $0x1;
	p0 =	seq.s32 s7, s2  }
0x1e: {  	s7 =	smul.u32 @!p0 $0xF7A, s2;
	p2 =	seq.s32 @!p0 s5, $0x0  }
0x1f: {  	s9 =	smul.u32 $0xF7A, s1;
	s8 =	simm.s32 @!p0 $0x1BF5;
	p2 =	por !p2, p0  }
0x20: {  	[sflag:s8] =	ssyncset.s32 @!p0 $0xFFFFF086;
	s6 =	sadd.s32 @!p0 s3, s7;
	s7 =	simm.s32 @!p0 $0x108  }
0x21: {  	s3 =	sadd.s32 s3, s9;
	s6 =	sadd.s32 @!p0 $0x88, s6;
	s7 =	simm.s32 @p2 $0x1082  }
0x22: {  	[simem:s7], [sflag:s8] =	dma.local @!p0 [hbm:s6], $0xF7A  }
0x23: {  	s9 =	sor.u32 $0xD0000000, s2;
	s6 =	simm.s32 $0x108;
	_ =	swait.ge @!p0 [sflag:s8], $0x0  }
0x24: {  	s3 =	sadd.s32 $0x88, s3;
	s6 =	simm.s32 @!p1 $0x1082;
	[sflag:s4] =	ssyncset.s32 $0xFFFFF086  }
0x25: {  	[simem:s6], [sflag:s4] =	dma.local [hbm:s3], $0xF7A  }
0x26: {  	[smem:$0x3F7D] =	sst s1;
	(tag) =	ssettag s2;
	_ =	strace s9  }
0x27: {  	s1 =	sld [smem:$0x3F8D]  }
0x28: {  	s2 =	sld [smem:$0x3F8E]  }
0x29: {  	s4 =	sld [smem:$0x3F90]  }
0x2a: {  	p0 =	seq.s32 s5, $0x0;
	s5 =	sld [smem:$0x3F91]  }
0x2b: {  	s6 =	sld [smem:$0x3F92]  }
0x2c: {  	s7 =	sld [smem:$0x3F93]  }
0x2d: {  	s3 =	simm.s32 $0x108;
	s8 =	sld [smem:$0x3F94]  }
0x2e: {  	s3 =	simm.s32 @!p0 $0x1082;
	s9 =	sld [smem:$0x3F95]  }
0x2f: {  	lr =	sadd.s32 s0, s3;
	s0 =	sld [smem:$0x3F8C]  }
0x30: {  	s3 =	sld [smem:$0x3F8F]  }
0x31: {  	[smem:$0x3F98] =	sst s10  }
0x32: {  	s10 =	sld [smem:$0x3F96];
	_ =	sdelay $0x3  }
0x33: {  	p0 =	seq.s32 s10, $0x1;
	s10 =	sld [smem:$0x3F98];
	_ =	sdelay $0x3  }
0x34: {  	[smem:$0x3F98] =	sst s10  }
0x35: {  	s10 =	sld [smem:$0x3F97];
	_ =	sdelay $0x3  }
0x36: {  	p1 =	seq.s32 s10, $0x1;
	s10 =	sld [smem:$0x3F98];
	_ =	sdelay $0x3  }
0x37: {  	[smem:$0x3F98] =	sst s10  }
0x38: {  	s10 =	sld [smem:$0x3F99]  }
0x39: {  	_ = 	snop;
	(pc) =	sbr.ind lr, $3  }
0x3a: {  	_ = 	snop  }
0x3b: {  	_ = 	snop  }
0x3c: {  	p2 =	seq.s32 s10, $0x1;
	s10 =	sld [smem:$0x3F98]  }
0x3d: {  	_ =	shalt  }
0x3e: {  	_ =	shalt  }
0x3f: {  	_ =	shalt  }
0x40: {  	_ =	shalt  }
0x41: {  	_ =	shalt  }
0x42: {  	_ =	shalt  }
0x43: {  	_ =	shalt  }
0x44: {  	_ =	shalt  }
0x45: {  	_ =	shalt  }
0x46: {  	_ =	shalt  }
0x47: {  	_ =	shalt  }
0x48: {  	_ =	shalt  }
0x49: {  	_ =	shalt  }
0x4a: {  	_ =	shalt  }
0x4b: {  	_ =	shalt  }
0x4c: {  	_ =	shalt  }
0x4d: {  	_ =	shalt  }
0x4e: {  	_ =	shalt  }
0x4f: {  	_ =	shalt  }
0x50: {  	_ =	shalt  }
0x51: {  	_ =	shalt  }
0x52: {  	_ =	shalt  }
0x53: {  	_ =	shalt  }
0x54: {  	_ =	shalt  }
0x55: {  	_ =	shalt  }
0x56: {  	_ =	shalt  }
0x57: {  	_ =	shalt  }
0x58: {  	_ =	shalt  }
0x59: {  	_ =	shalt  }
0x5a: {  	_ =	shalt  }
0x5b: {  	_ =	shalt  }
0x5c: {  	_ =	shalt  }
0x5d: {  	_ =	shalt  }
0x5e: {  	_ =	shalt  }
0x5f: {  	_ =	shalt  }
0x60: {  	_ =	shalt  }
0x61: {  	_ =	shalt  }
0x62: {  	_ =	shalt  }
0x63: {  	_ =	shalt  }
0x64: {  	_ =	shalt  }
0x65: {  	_ =	shalt  }
0x66: {  	_ =	shalt  }
0x67: {  	_ =	shalt  }
0x68: {  	_ =	shalt  }
0x69: {  	_ =	shalt  }
0x6a: {  	_ =	shalt  }
0x6b: {  	_ =	shalt  }
0x6c: {  	_ =	shalt  }
0x6d: {  	_ =	shalt  }
0x6e: {  	_ =	shalt  }
0x6f: {  	_ =	shalt  }
0x70: {  	_ =	shalt  }
0x71: {  	_ =	shalt  }
0x72: {  	_ =	shalt  }
0x73: {  	_ =	shalt  }
0x74: {  	_ =	shalt  }
0x75: {  	_ =	shalt  }
0x76: {  	_ =	shalt  }
0x77: {  	_ =	shalt  }
0x78: {  	_ =	shalt  }
0x79: {  	_ =	shalt  }
0x7a: {  	_ =	shalt  }
0x7b: {  	_ =	shalt  }
0x7c: {  	_ =	shalt  }
0x7d: {  	_ =	shalt  }
0x7e: {  	_ =	shalt  }
0x7f: {  	_ =	shalt  }
0x80: {  	_ =	shalt  }
0x81: {  	_ =	shalt  }
0x82: {  	_ =	shalt  }
0x83: {  	_ =	shalt  }
0x84: {  	_ =	shalt  }
0x85: {  	_ =	shalt  }
0x86: {  	_ =	shalt  }
0x87: {  	_ =	shalt  }
.Lfunc_end0:
.L_simem_size_0:
called_computation.1_lowered:
.L_overlay_start_0:
0x88: {  	s2 =	sld [smem:$0x3FD9]  }
0x89: {  	s3 =	sld [smem:$0x3FFE];
	_ =	sdelay $0x1  }
0x8a: {  	s1 =	srdreg.scid  }
0x8b: {  	s0 =	sand.u32 $0x1, s1  }
0x8c: {  	s16 =	sshll.u32 s0, $0xA;
	s2 =	sadd.s32 s3, s2  }
0x8d: {  	s2 =	sadd.s32 s2, s16  }
0x8e: {  	[smem:$0x3FA4] =	sst s2  }
0x8f: {  	_ = 	snop  }
0x90: {  	(tm) =	ssettm $0x1  }
0x91: {  	s17 =	sld [smem:$0x3FFB];
	_ =	sdelay $0x3  }
0x92: {  	_ =	strace s17  }
0x93: {  	s2 =	sld [smem:$0x3FFC];
	_ =	sdelay $0x3  }
0x94: {  	_ =	strace s2  }
0x95: {  	s2 =	sld [smem:$0x3FFD];
	_ =	sdelay $0x3  }
0x96: {  	_ =	strace s2  }
0x97: {  	_ =	strace $0x8FFFFFFF  }
0x98: {  	s18 =	sld [smem:$0x3FDB];
	_ =	sdelay $0x1  }
0x99: {  	s19 =	simm.s32 $_scs_section_size  }
0x9a: {  	s4 =	simm.s32 $_size__tile_overlayer_lowered;
	s5 =	simm.s32 $_tile_overlayer_lowered  }
0x9b: {  	s22 =	simm.s32 $0x1BFF;
	s21 =	sshll.u32 s5, $0x1;
	s2 =	sadd.s32 s19, s18  }
0x9c: {  	s6 =	simm.s32 $0x0;
	s20 =	sshll.u32 s4, $0x1;
	s4 =	sadd.s32 s21, s2  }
0x9d: {  	[timem:s6], [sflag:s22] =	dma.local [hbm:s4], s20  }
0x9e: {  	_ =	swait.ge [sflag:s22], s20  }
0x9f: {  	s3 =	ssub.s32 $0x0, s20;
	[sflag:s22] =	ssyncset.done $0x0  }
0xa0: {  	[sflag:s22] =	ssyncadd.s32 s3;
	_ =	sdelay $0x1  }
0xa1: {  	s23 =	simm.s32 $0x1B8B  }
0xa2: {  	_ =	swait.ge [sflag:s23], $0x1  }
0xa3: {  	[sflag:s23] =	ssyncset.done $0x0  }
0xa4: {  	s25 =	simm.s32 $0x1B8E;
	s24 =	sld [smem:$0x3FFE];
	[sflag:s23] =	ssyncadd.s32 $0xFFFFFFFF  }
0xa5: {  	s26 =	simm.s32 $execute0_lowered;
	[smem:$0x3FD2] =	sst s25  }
0xa6: {  	s4 =	sshll.u32 s26, $0x1;
	_ =	strace $0x80000049;
	[dreg:$0x1] =	wrdreg $0xFFFFFFFF  }
0xa7: {  	s28 =	simm.s32 $_size_execute0_lowered;
	s2 =	sadd.s32 s2, s4;
	[dreg:$0x0] =	wrdreg $0x0  }
0xa8: {  	s4 =	sshll.u32 s28, $0x1;
	[dreg:$0x2] =	wrdreg s2  }
0xa9: {  	[dreg:$0x3] =	wrdreg s4  }
0xaa: {  	[dreg:$0x4] =	wrdreg $0xC0  }
0xab: {  	_ =	task [dreg:s6], $0x5FFFF  }
0xac: {  	[dreg:$0x1] =	wrdreg $0xFFFFFFFF  }
0xad: {  	[dreg:$0x0] =	wrdreg $0x60  }
0xae: {  	[dreg:$0x2] =	wrdreg s24  }
0xaf: {  	[dreg:$0x3] =	wrdreg $0xA8000  }
0xb0: {  	[dreg:$0x4] =	wrdreg $0x9  }
0xb1: {  	_ =	task.clear_ibuf [dreg:s6], $0x5FFFF;
	_ =	strace $0x90000049  }
0xb2: {  	s29 =	simm.s32 $0x9;
	_ =	strace $0x8000004B  }
0xb3: {  	_ =	swait.ge [sflag:s29], $0x1  }
0xb4: {  	[sflag:s29] =	ssyncadd.s32 $0xFFFFFFFF  }
0xb5: {  	_ =	strace $0x9000004B  }
0xb6: {  	_ =	sfence  }
0xb7: {  	s30 =	sld [smem:$0x0];
	_ =	sdelay $0x2  }
0xb8: {  	s31 =	sshll.u32 s1, $0xD;
	s1 =	sshrl.u32 s1, $0x2  }
0xb9: {  	s3 =	sand.u32 $0x4000, s31;
	s1 =	sadd.s32 s1, s30  }
0xba: {  	s0 =	sor.u32 s3, s0;
	s1 =	sshll.u32 s1, $0x11  }
0xbb: {  	s0 =	sor.u32 s1, s0  }
0xbc: {  	s0 =	sadd.s32 $0x8F2B, s0  }
0xbd: {  	[sflag:s0] =	ssyncadd.remote.s32 $0x1  }
0xbe: {  	_ =	sfence.sel $0xFFFF  }
0xbf: {  	[dreg:$0x0] =	wrdreg $0xFFFFFFFF;
	(pc) =	sbr.abs _section_cstart, $3  }
0xc0: {  	[dreg:$0x1] =	wrdreg $0xFFFFFFFF  }
0xc1: {  	_ =	task.clear_ibuf [dreg:s6], $0x2FFFF;
	_ =	strace $0x9FFFFFFF  }
0xc2: {  	(tm) =	ssettm $0x7FFFFFFF  }
0xc3: {  	_ =	shalt  }
tec
execute0_lowered:
.L_overlay_start_1:
0x0: {  	(tag) =	ssettag $0x1  }
0x1: {  	s0 =	rddreg [dreg:$0x0]  }
0x2: {  	s1 =	rddreg [dreg:$0x1];
	s2 =	simm.s32 $0x0;
	s8 =	stileid.u32  }
0x3: {  	s4 =	srdreg.scid;
	s28 =	simm.s32 $0x3;
	s29 =	simm.s32 $0x80  }
0x4: {  	s30 =	simm.s32 $0x2800;
	s31 =	simm.s32 $0x6800;
	[smem:$0x7FF] =	sst s2  }
0x5: {  	s3 =	sadd.s32 $0x2B9400, s0;
	s9 =	sadd.s32 $0x14600, s0;
	s5 =	smul.u32 $0x13800, s8  }
0x6: {  	s4 =	sand.u32 $0x1, s4;
	s10 =	sadd.s32 $0x43400, s0;
	s12 =	smul.u32 $0x2700, s8  }
0x7: {  	s14 =	sadd.s32 $0x3F1C00, s0;
	s18 =	sshll.u32 s8, $0x6;
	p0 =	sne.s32 s8, $0x0  }
0x8: {  	p1 =	sgt.u32 s8, $0x1;
	_ =	strace $0x8000004A;
	s6 =	ssub.s32 $0x2, s4  }
0x9: {  	s11 =	smul.u32 $0x9C400, s4;
	s4 =	sshrl.u32 s5, $0x3;
	s7 =	sshrl.u32 s6, $0x1  }
0xa: {  	s5 =	sadd.s32 s5, s1;
	s13 =	sadd.s32 s4, s0;
	s20 =	ssub.s32 s6, s7  }
0xb: {  	s17 =	sadd.s32 s12, s11;
	s16 =	sadd.s32 $0x27100, s11;
	s7 =	sor.u32 $0x1C03, s18  }
0xc: {  	s22 =	sshrl.u32 s11, $0x3;
	s18 =	sadd.s32 $0x75300, s11;
	s6 =	sadd.s32 $0x180C00, s13  }
0xd: {  	s15 =	sshrl.u32 s17, $0x3;
	s21 =	sadd.s32 s12, s16;
	s17 =	sadd.s32 $0x4E200, s11  }
0xe: {  	s24 =	sshrl.u32 s16, $0x3;
	s26 =	sshrl.u32 s18, $0x3;
	s11 =	sadd.s32 s14, s11  }
0xf: {  	s19 =	sadd.s32 s9, s15;
	s13 =	sshrl.u32 s21, $0x3;
	s21 =	sadd.s32 s9, s22  }
0x10: {  	s23 =	sadd.s32 s12, s17;
	s22 =	sadd.s32 s9, s24;
	[dreg:$0x8] =	wrdreg s11  }
0x11: {  	s12 =	sadd.s32 s12, s18;
	s15 =	sadd.s32 $0x138000, s1;
	[dreg:$0x3] =	wrdreg s19  }
0x12: {  	s25 =	sshrl.u32 s17, $0x3;
	s24 =	sadd.s32 s14, s18;
	[dreg:$0x7] =	wrdreg s15  }
0x13: {  	s11 =	simm.s32 $0x2680;
	s13 =	sadd.s32 s9, s13;
	[dreg:$0xb] =	wrdreg s24  }
0x14: {  	s12 =	sshrl.u32 s12, $0x3;
	s19 =	sadd.s32 s14, s16;
	[dreg:$0x4] =	wrdreg s13  }
0x15: {  	s13 =	sshrl.u32 s23, $0x3;
	s12 =	sadd.s32 s9, s12;
	[dreg:$0x9] =	wrdreg s19  }
0x16: {  	s23 =	sadd.s32 s14, s17;
	s17 =	sadd.s32 $0x1A7C00, s0;
	[dreg:$0x6] =	wrdreg s12  }
0x17: {  	s13 =	sadd.s32 s9, s13;
	[dreg:$0xa] =	wrdreg s23;
	s12 =	simm.s32 $0x0  }
0x18: {  	[dreg:$0x5] =	wrdreg s13;
	s13 =	sadd.s32 s9, s25;
	s25 =	smul.u32 $0x4E0, s8  }
0x19: {  	s9 =	sadd.s32 s9, s26;
	s8 =	sshll.u32 s8, $0x4;
	s26 =	smax.u32 s20, $0x1  }
0x1a: {  	s0 =	sor.u32 $0x4E00, s8;
	[dreg:$0xc] =	wrdreg s26;
	s18 =	sadd.s32 s25, s10  }
0x1b: {  	s19 =	sadd.s32 s10, s0;
	s8 =	sadd.s32 @!p1 s0, s21;
	s10 =	simm.s32 $0x2  }
0x1c: {  	[dreg:$0xd] =	wrdreg s8;
	s8 =	sadd.s32 @!p1 s0, s22;
	s25 =	sadd.s32 $0x4C0, s18  }
0x1d: {  	s26 =	sadd.s32 $0x4D0, s18;
	[dreg:$0xe] =	wrdreg s8;
	s8 =	sadd.s32 @!p1 s0, s13  }
0x1e: {  	s0 =	sadd.s32 @!p1 s0, s9;
	s9 =	simm.s32 $0x2780;
	[dreg:$0xf] =	wrdreg s8  }
0x1f: {  	[dreg:$0x10] =	wrdreg s0;
	s0 =	simm.s32 $0x2700;
	s8 =	simm.s32 $0x1  }
.LBB2_1:
0x20: {  	s20 =	sshrl.u32 s5, $0x3  }
0x21: {  	[spmem:s20], [sflag:s7] =	dma.local [hbm:s6], $0x2700  }
0x22: {  	_ =	swait.ge [sflag:s28], $0x2700  }
0x23: {  	[sflag:s28] =	ssyncset.done $0x0;
	s13 =	rddreg [dreg:$0x7]  }
0x24: {  	[sflag:s28] =	ssyncadd.s32 $0xFFFFD900;
	s21 =	sshrl.u32 @!p0 s13, $0x3;
	s13 =	simm.s32 @!p0 $0x3  }
0x25: {  	[spmem:s21], [sflag:s7] =	dma.local @!p0 [hbm:s17], $0x100  }
0x26: {  	_ =	swait.ge @!p0 [sflag:s13], $0x100  }
0x27: {  	[sflag:s13] =	ssyncset.done @!p0 $0x0  }
0x28: {  	s16 =	rddreg [dreg:$0x3];
	[sflag:s13] =	ssyncadd.s32 @!p0 $0xFFFFFF00  }
0x29: {  	[tilespmem:s2], [sflag:$0x3] =	stream.linear.gather [hbm4b:s16+s2], $0x2700, $0x38;
	[tilespmem:$0x1E080] =	vst v63  }
0x2a: {  	_ =	swait.ge [sflag:s28], $0x2700  }
0x2b: {  	[sflag:s28] =	ssyncset.done $0x0  }
0x2c: {  	s14 =	simm.s32 @!p1 $0x2700;
	[sflag:s28] =	ssyncadd.s32 $0xFFFFD900  }
0x2d: {  	s22 =	simm.s32 @!p1 $0x3;
	s13 =	simm.s32 @!p1 $0x0;
	[bflag:$0x0] =	sbarrier.arrive $0xFFFF  }
0x2e: {  	[tilespmem:s14], [sflag:$0x3] =	stream.linear.gather @!p1 [hbm4b:s19+s13], $0x80, $0x38;
	[tilespmem:$0x1E080] =	vst v63  }
0x2f: {  	_ =	swait.ge @!p1 [sflag:s22], $0x80  }
0x30: {  	[sflag:s22] =	ssyncset.done @!p1 $0x0  }
0x31: {  	s23 =	simm.s32 @!p1 $0x2780;
	s15 =	rddreg [dreg:$0xd];
	[sflag:s22] =	ssyncadd.s32 @!p1 $0xFFFFFF80  }
0x32: {  	[tilespmem:s23], [sflag:$0x3] =	stream.linear.gather @!p1 [hbm4b:s15+s13], $0x80, $0x38;
	[tilespmem:$0x1E080] =	vst v63  }
0x33: {  	_ =	swait.ge @!p1 [sflag:s22], $0x80  }
0x34: {  	[sflag:s22] =	ssyncset.done @!p1 $0x0  }
0x35: {  	s24 =	simm.s32 @!p1 $0x2800;
	s13 =	simm.s32 @!p1 $0x80;
	[sflag:s22] =	ssyncadd.s32 @!p1 $0xFFFFFF80  }
0x36: {  	[tilespmem:s24], [sflag:$0x1] =	stream.indirect.gather @!p1 [hbm4b:s3+s13], $0x80, s23, s13, $0xb8;
	[tilespmem:$0x1E080] =	vst v63  }
0x37: {  	s23 =	simm.s32 @!p1 $0x1  }
0x38: {  	_ =	swait.ge @!p1 [sflag:s23], $0x4000  }
0x39: {  	[sflag:s23] =	ssyncset.done @!p1 $0x0  }
0x3a: {  	[sflag:s23] =	ssyncadd.s32 @!p1 $0xFFFFC000  }
0x3b: {  	[spmem:s1] =	stream.indirect.scatter.add.f32 @!p1 [tilespmem:s24], [sflag:$0x3], $0x80, s14, s13, $0xb8;
	[tilespmem:$0x1E080] =	vst v63  }
0x3c: {  	_ =	swait.ge @!p1 [sflag:s22], $0x4000  }
0x3d: {  	[sflag:s22] =	ssyncset.done @!p1 $0x0  }
0x3e: {  	[sflag:s22] =	ssyncadd.s32 @!p1 $0xFFFFC000  }
0x3f: {  	[tilespmem:s30], [sflag:$0x1] =	stream.indirect.gather [hbm4b:s3+s29], $0x80, s2, s29, $0xb8;
	[tilespmem:$0x1E080] =	vst v63  }
0x40: {  	s22 =	simm.s32 $0x80  }
0x41: {  	[tilespmem:s31], [sflag:$0x2] =	stream.indirect.gather [hbm4b:s3+s29], $0x80, s22, s29, $0xb8;
	[tilespmem:$0x1E080] =	vst v63  }
0x42: {  	s23 =	sadd.s32 $0x0, s18  }
0x43: {  	[tilespmem:s0], [sflag:$0x3] =	stream.linear.gather [hbm4b:s23+s2], $0x80, $0x38;
	[tilespmem:$0x1E080] =	vst v63  }
0x44: {  	_ =	swait.ge [sflag:s28], $0x80  }
0x45: {  	[sflag:s28] =	ssyncset.done $0x0  }
0x46: {  	[sflag:s28] =	ssyncadd.s32 $0xFFFFFF80  }
0x47: {  	_ =	swait.ge [sflag:s8], $0x4000  }
0x48: {  	[sflag:s8] =	ssyncset.done $0x0  }
0x49: {  	[sflag:s8] =	ssyncadd.s32 $0xFFFFC000  }
0x4a: {  	[spmem:s1] =	stream.indirect.scatter.add.f32 [tilespmem:s30], [sflag:$0x3], $0x80, s0, s29, $0xb8;
	[tilespmem:$0x1E080] =	vst v63  }
0x4b: {  	_ =	swait.ge [sflag:s28], $0x4000  }
0x4c: {  	[sflag:s28] =	ssyncset.done $0x0  }
0x4d: {  	s24 =	simm.s32 $0x100;
	[sflag:s28] =	ssyncadd.s32 $0xFFFFC000  }
0x4e: {  	[tilespmem:s30], [sflag:$0x1] =	stream.indirect.gather [hbm4b:s3+s29], $0x80, s24, s29, $0xb8;
	[tilespmem:$0x1E080] =	vst v63  }
0x4f: {  	s13 =	sadd.s32 $0x10, s23  }
0x50: {  	[tilespmem:s9], [sflag:$0x3] =	stream.linear.gather [hbm4b:s13+s2], $0x80, $0x38;
	[tilespmem:$0x1E080] =	vst v63  }
0x51: {  	_ =	swait.ge [sflag:s28], $0x80  }
0x52: {  	[sflag:s28] =	ssyncset.done $0x0  }
0x53: {  	[sflag:s28] =	ssyncadd.s32 $0xFFFFFF80  }
0x54: {  	_ =	swait.ge [sflag:s10], $0x4000  }
0x55: {  	[sflag:s10] =	ssyncset.done $0x0  }
0x56: {  	[sflag:s10] =	ssyncadd.s32 $0xFFFFC000  }
0x57: {  	[spmem:s1] =	stream.indirect.scatter.add.f32 [tilespmem:s31], [sflag:$0x3], $0x80, s9, s29, $0xb8;
	[tilespmem:$0x1E080] =	vst v63  }
0x58: {  	s22 =	simm.s32 $0x200;
	_ =	swait.ge [sflag:s28], $0x4000  }
0x59: {  	s23 =	simm.s32 $0x20;
	s13 =	simm.s32 $0x40;
	[sflag:s28] =	ssyncset.done $0x0  }
.LBB2_2:
0x5a: {  	p2 =	sne.s32 s13, $0x4A0;
	s14 =	sadd.s32 $0xFFFFFF80, s22;
	[sflag:s28] =	ssyncadd.s32 $0xFFFFC000  }
0x5b: {  	[tilespmem:s31], [sflag:$0x2] =	stream.indirect.gather [hbm4b:s3+s29], $0x80, s14, s29, $0xb8;
	[tilespmem:$0x1E080] =	vst v63  }
0x5c: {  	s14 =	sadd.s32 s23, s18;
	s23 =	smov.u32 s13;
	s13 =	sadd.s32 $0x20, s13  }
0x5d: {  	[tilespmem:s0], [sflag:$0x3] =	stream.linear.gather [hbm4b:s14+s2], $0x80, $0x38;
	[tilespmem:$0x1E080] =	vst v63  }
0x5e: {  	_ =	swait.ge [sflag:s28], $0x80  }
0x5f: {  	[sflag:s28] =	ssyncset.done $0x0  }
0x60: {  	[sflag:s28] =	ssyncadd.s32 $0xFFFFFF80  }
0x61: {  	_ =	swait.ge [sflag:s8], $0x4000  }
0x62: {  	[sflag:s8] =	ssyncset.done $0x0  }
0x63: {  	[sflag:s8] =	ssyncadd.s32 $0xFFFFC000  }
0x64: {  	[spmem:s1] =	stream.indirect.scatter.add.f32 [tilespmem:s30], [sflag:$0x3], $0x80, s0, s29, $0xb8;
	[tilespmem:$0x1E080] =	vst v63  }
0x65: {  	_ =	swait.ge [sflag:s28], $0x4000  }
0x66: {  	[sflag:s28] =	ssyncset.done $0x0  }
0x67: {  	[sflag:s28] =	ssyncadd.s32 $0xFFFFC000  }
0x68: {  	[tilespmem:s30], [sflag:$0x1] =	stream.indirect.gather [hbm4b:s3+s29], $0x80, s22, s29, $0xb8;
	[tilespmem:$0x1E080] =	vst v63  }
0x69: {  	s14 =	sadd.s32 $0x10, s14  }
0x6a: {  	[tilespmem:s9], [sflag:$0x3] =	stream.linear.gather [hbm4b:s14+s2], $0x80, $0x38;
	[tilespmem:$0x1E080] =	vst v63  }
0x6b: {  	_ =	swait.ge [sflag:s28], $0x80  }
0x6c: {  	[sflag:s28] =	ssyncset.done $0x0  }
0x6d: {  	[sflag:s28] =	ssyncadd.s32 $0xFFFFFF80  }
0x6e: {  	_ =	swait.ge [sflag:s10], $0x4000  }
.Ltmp0:
0x6f: {  	[sflag:s10] =	ssyncset.done $0x0;
	(pc) =	sbr.rel @p2 .LBB2_2-.Ltmp0, $4  }
0x70: {  	[sflag:s10] =	ssyncadd.s32 $0xFFFFC000  }
0x71: {  	[spmem:s1] =	stream.indirect.scatter.add.f32 [tilespmem:s31], [sflag:$0x3], $0x80, s9, s29, $0xb8;
	[tilespmem:$0x1E080] =	vst v63  }
0x72: {  	_ =	swait.ge [sflag:s28], $0x4000  }
0x73: {  	s22 =	sadd.s32 $0x100, s22;
	[sflag:s28] =	ssyncset.done $0x0  }
0x74: {  	s13 =	sadd.s32 $0xFFFFFF80, s22;
	[sflag:s28] =	ssyncadd.s32 $0xFFFFC000  }
0x75: {  	[tilespmem:s31], [sflag:$0x2] =	stream.indirect.gather [hbm4b:s3+s29], $0x80, s13, s29, $0xb8;
	[tilespmem:$0x1E080] =	vst v63  }
0x76: {  	s16 =	sadd.s32 s23, s18  }
0x77: {  	[tilespmem:s0], [sflag:$0x3] =	stream.linear.gather [hbm4b:s16+s2], $0x80, $0x38;
	[tilespmem:$0x1E080] =	vst v63  }
0x78: {  	_ =	swait.ge [sflag:s28], $0x80  }
0x79: {  	[sflag:s28] =	ssyncset.done $0x0  }
0x7a: {  	[sflag:s28] =	ssyncadd.s32 $0xFFFFFF80  }
0x7b: {  	_ =	swait.ge [sflag:s8], $0x4000  }
0x7c: {  	[sflag:s8] =	ssyncset.done $0x0  }
0x7d: {  	[sflag:s8] =	ssyncadd.s32 $0xFFFFC000  }
0x7e: {  	[spmem:s1] =	stream.indirect.scatter.add.f32 [tilespmem:s30], [sflag:$0x3], $0x80, s0, s29, $0xb8;
	[tilespmem:$0x1E080] =	vst v63  }
0x7f: {  	_ =	swait.ge [sflag:s28], $0x4000  }
0x80: {  	[sflag:s28] =	ssyncset.done $0x0  }
0x81: {  	[sflag:s28] =	ssyncadd.s32 $0xFFFFC000  }
0x82: {  	[tilespmem:s30], [sflag:$0x1] =	stream.indirect.gather [hbm4b:s3+s29], $0x80, s22, s29, $0xb8;
	[tilespmem:$0x1E080] =	vst v63  }
0x83: {  	s13 =	sadd.s32 $0x10, s16  }
0x84: {  	[tilespmem:s9], [sflag:$0x3] =	stream.linear.gather [hbm4b:s13+s2], $0x80, $0x38;
	[tilespmem:$0x1E080] =	vst v63  }
0x85: {  	_ =	swait.ge [sflag:s28], $0x80  }
0x86: {  	[sflag:s28] =	ssyncset.done $0x0  }
0x87: {  	[sflag:s28] =	ssyncadd.s32 $0xFFFFFF80  }
0x88: {  	_ =	swait.ge [sflag:s10], $0x4000  }
0x89: {  	[sflag:s10] =	ssyncset.done $0x0  }
0x8a: {  	[sflag:s10] =	ssyncadd.s32 $0xFFFFC000  }
0x8b: {  	[spmem:s1] =	stream.indirect.scatter.add.f32 [tilespmem:s31], [sflag:$0x3], $0x80, s9, s29, $0xb8;
	[tilespmem:$0x1E080] =	vst v63  }
0x8c: {  	_ =	swait.ge [sflag:s28], $0x4000  }
0x8d: {  	[sflag:s28] =	ssyncset.done $0x0  }
0x8e: {  	[sflag:s28] =	ssyncadd.s32 $0xFFFFC000  }
0x8f: {  	[tilespmem:s31], [sflag:$0x2] =	stream.indirect.gather [hbm4b:s3+s29], $0x80, s11, s29, $0xb8;
	[tilespmem:$0x1E080] =	vst v63  }
0x90: {  	_ = 	snop  }
0x91: {  	[tilespmem:s0], [sflag:$0x3] =	stream.linear.gather [hbm4b:s25+s2], $0x80, $0x38;
	[tilespmem:$0x1E080] =	vst v63  }
0x92: {  	_ =	swait.ge [sflag:s28], $0x80  }
0x93: {  	[sflag:s28] =	ssyncset.done $0x0  }
0x94: {  	[sflag:s28] =	ssyncadd.s32 $0xFFFFFF80  }
0x95: {  	_ =	swait.ge [sflag:s8], $0x4000  }
0x96: {  	[sflag:s8] =	ssyncset.done $0x0  }
0x97: {  	[sflag:s8] =	ssyncadd.s32 $0xFFFFC000  }
0x98: {  	[spmem:s1] =	stream.indirect.scatter.add.f32 [tilespmem:s30], [sflag:$0x3], $0x80, s0, s29, $0xb8;
	[tilespmem:$0x1E080] =	vst v63  }
0x99: {  	_ =	swait.ge [sflag:s28], $0x4000  }
0x9a: {  	[sflag:s28] =	ssyncset.done $0x0  }
0x9b: {  	[sflag:s28] =	ssyncadd.s32 $0xFFFFC000  }
0x9c: {  	[tilespmem:s9], [sflag:$0x3] =	stream.linear.gather [hbm4b:s26+s2], $0x80, $0x38;
	[tilespmem:$0x1E080] =	vst v63  }
0x9d: {  	_ =	swait.ge [sflag:s28], $0x80  }
0x9e: {  	[sflag:s28] =	ssyncset.done $0x0  }
0x9f: {  	[sflag:s28] =	ssyncadd.s32 $0xFFFFFF80  }
0xa0: {  	_ =	swait.ge [sflag:s10], $0x4000  }
0xa1: {  	[sflag:s10] =	ssyncset.done $0x0  }
0xa2: {  	[sflag:s10] =	ssyncadd.s32 $0xFFFFC000  }
0xa3: {  	[spmem:s1] =	stream.indirect.scatter.add.f32 [tilespmem:s31], [sflag:$0x3], $0x80, s9, s29, $0xb8;
	[tilespmem:$0x1E080] =	vst v63  }
0xa4: {  	_ =	swait.ge [sflag:s28], $0x4000  }
0xa5: {  	[sflag:s28] =	ssyncset.done $0x0  }
0xa6: {  	[sflag:s28] =	ssyncadd.s32 $0xFFFFC000  }
0xa7: {  	[bflag:$0x0] =	sbarrier.arrive $0xFFFF  }
0xa8: {  	s14 =	rddreg [dreg:$0x8]  }
0xa9: {  	s23 =	sadd.s32 s4, s14  }
0xaa: {  	[hbm:s23], [sflag:s7] =	dma.local [spmem:s20], $0x2700  }
0xab: {  	_ =	swait.ge [sflag:s28], $0x2700  }
0xac: {  	[sflag:s28] =	ssyncset.done $0x0  }
0xad: {  	[sflag:s28] =	ssyncadd.s32 $0xFFFFD900  }
0xae: {  	s22 =	sshrl.u32 @p0 s5, $0x3;
	s13 =	simm.s32 @p0 $0x3;
	[bflag:$0x0] =	sbarrier.arrive @p0 $0xFFFF  }
0xaf: {  	[spmem:s22], [sflag:s7] =	dma.local @p0 [hbm:s6], $0x2700  }
0xb0: {  	_ =	swait.ge @p0 [sflag:s13], $0x2700  }
0xb1: {  	[sflag:s13] =	ssyncset.done @p0 $0x0  }
0xb2: {  	[sflag:s13] =	ssyncadd.s32 @p0 $0xFFFFD900;
	s13 =	sadd.s32 @!p0 $0x27000, s14  }
0xb3: {  	[hbm:s13], [sflag:s7] =	dma.local @!p0 [spmem:s21], $0x100  }
0xb4: {  	s13 =	simm.s32 @!p0 $0x3  }
0xb5: {  	_ =	swait.ge @!p0 [sflag:s13], $0x100  }
0xb6: {  	[sflag:s13] =	ssyncset.done @!p0 $0x0  }
0xb7: {  	[sflag:s13] =	ssyncadd.s32 @!p0 $0xFFFFFF00  }
0xb8: {  	s23 =	sshrl.u32 @!p0 s5, $0x3;
	[bflag:$0x0] =	sbarrier.arrive @!p0 $0xFFFF  }
0xb9: {  	[spmem:s23], [sflag:s7] =	dma.local @!p0 [hbm:s6], $0x2700  }
0xba: {  	_ =	swait.ge @!p0 [sflag:s13], $0x2700  }
0xbb: {  	[sflag:s13] =	ssyncset.done @!p0 $0x0  }
0xbc: {  	[sflag:s13] =	ssyncadd.s32 @!p0 $0xFFFFD900  }
0xbd: {  	[spmem:s21], [sflag:s7] =	dma.local @!p0 [hbm:s17], $0x100  }
0xbe: {  	_ =	swait.ge @!p0 [sflag:s13], $0x100  }
0xbf: {  	[sflag:s13] =	ssyncset.done @!p0 $0x0  }
0xc0: {  	s24 =	rddreg [dreg:$0x4];
	[sflag:s13] =	ssyncadd.s32 @!p0 $0xFFFFFF00  }
0xc1: {  	[tilespmem:s2], [sflag:$0x3] =	stream.linear.gather [hbm4b:s24+s2], $0x2700, $0x38;
	[tilespmem:$0x1E080] =	vst v63  }
0xc2: {  	_ =	swait.ge [sflag:s28], $0x2700  }
0xc3: {  	[sflag:s28] =	ssyncset.done $0x0  }
0xc4: {  	s14 =	simm.s32 @!p1 $0x2700;
	[sflag:s28] =	ssyncadd.s32 $0xFFFFD900  }
0xc5: {  	s13 =	simm.s32 @!p1 $0x0;
	s24 =	simm.s32 @!p1 $0x3;
	[bflag:$0x0] =	sbarrier.arrive $0xFFFF  }
0xc6: {  	[tilespmem:s14], [sflag:$0x3] =	stream.linear.gather @!p1 [hbm4b:s19+s13], $0x80, $0x38;
	[tilespmem:$0x1E080] =	vst v63  }
0xc7: {  	_ =	swait.ge @!p1 [sflag:s24], $0x80  }
0xc8: {  	[sflag:s24] =	ssyncset.done @!p1 $0x0  }
0xc9: {  	s15 =	simm.s32 @!p1 $0x2780;
	s16 =	rddreg [dreg:$0xe];
	[sflag:s24] =	ssyncadd.s32 @!p1 $0xFFFFFF80  }
0xca: {  	[tilespmem:s15], [sflag:$0x3] =	stream.linear.gather @!p1 [hbm4b:s16+s13], $0x80, $0x38;
	[tilespmem:$0x1E080] =	vst v63  }
0xcb: {  	_ =	swait.ge @!p1 [sflag:s24], $0x80  }
0xcc: {  	[sflag:s24] =	ssyncset.done @!p1 $0x0  }
0xcd: {  	s13 =	simm.s32 @!p1 $0x80;
	s16 =	simm.s32 @!p1 $0x2800;
	[sflag:s24] =	ssyncadd.s32 @!p1 $0xFFFFFF80  }
0xce: {  	[tilespmem:s16], [sflag:$0x1] =	stream.indirect.gather @!p1 [hbm4b:s3+s13], $0x80, s15, s13, $0xb8;
	[tilespmem:$0x1E080] =	vst v63  }
0xcf: {  	s15 =	simm.s32 @!p1 $0x1  }
0xd0: {  	_ =	swait.ge @!p1 [sflag:s15], $0x4000  }
0xd1: {  	[sflag:s15] =	ssyncset.done @!p1 $0x0  }
0xd2: {  	[sflag:s15] =	ssyncadd.s32 @!p1 $0xFFFFC000  }
0xd3: {  	[spmem:s1] =	stream.indirect.scatter.add.f32 @!p1 [tilespmem:s16], [sflag:$0x3], $0x80, s14, s13, $0xb8;
	[tilespmem:$0x1E080] =	vst v63  }
0xd4: {  	_ =	swait.ge @!p1 [sflag:s24], $0x4000  }
0xd5: {  	[sflag:s24] =	ssyncset.done @!p1 $0x0  }
0xd6: {  	s14 =	simm.s32 $0x0;
	[sflag:s24] =	ssyncadd.s32 @!p1 $0xFFFFC000  }
0xd7: {  	[tilespmem:s30], [sflag:$0x1] =	stream.indirect.gather [hbm4b:s3+s29], $0x80, s14, s29, $0xb8;
	[tilespmem:$0x1E080] =	vst v63  }
0xd8: {  	s15 =	simm.s32 $0x80  }
0xd9: {  	[tilespmem:s31], [sflag:$0x2] =	stream.indirect.gather [hbm4b:s3+s29], $0x80, s15, s29, $0xb8;
	[tilespmem:$0x1E080] =	vst v63  }
0xda: {  	s16 =	sadd.s32 $0x0, s18  }
0xdb: {  	[tilespmem:s0], [sflag:$0x3] =	stream.linear.gather [hbm4b:s16+s2], $0x80, $0x38;
	[tilespmem:$0x1E080] =	vst v63  }
0xdc: {  	_ =	swait.ge [sflag:s28], $0x80  }
0xdd: {  	[sflag:s28] =	ssyncset.done $0x0  }
0xde: {  	[sflag:s28] =	ssyncadd.s32 $0xFFFFFF80  }
0xdf: {  	_ =	swait.ge [sflag:s8], $0x4000  }
0xe0: {  	[sflag:s8] =	ssyncset.done $0x0  }
0xe1: {  	[sflag:s8] =	ssyncadd.s32 $0xFFFFC000  }
0xe2: {  	[spmem:s1] =	stream.indirect.scatter.add.f32 [tilespmem:s30], [sflag:$0x3], $0x80, s0, s29, $0xb8;
	[tilespmem:$0x1E080] =	vst v63  }
0xe3: {  	_ =	swait.ge [sflag:s28], $0x4000  }
0xe4: {  	[sflag:s28] =	ssyncset.done $0x0  }
0xe5: {  	s24 =	simm.s32 $0x100;
	[sflag:s28] =	ssyncadd.s32 $0xFFFFC000  }
0xe6: {  	[tilespmem:s30], [sflag:$0x1] =	stream.indirect.gather [hbm4b:s3+s29], $0x80, s24, s29, $0xb8;
	[tilespmem:$0x1E080] =	vst v63  }
0xe7: {  	s13 =	sadd.s32 $0x10, s16  }
0xe8: {  	[tilespmem:s9], [sflag:$0x3] =	stream.linear.gather [hbm4b:s13+s2], $0x80, $0x38;
	[tilespmem:$0x1E080] =	vst v63  }
0xe9: {  	_ =	swait.ge [sflag:s28], $0x80  }
0xea: {  	[sflag:s28] =	ssyncset.done $0x0  }
0xeb: {  	[sflag:s28] =	ssyncadd.s32 $0xFFFFFF80  }
0xec: {  	_ =	swait.ge [sflag:s10], $0x4000  }
0xed: {  	[sflag:s10] =	ssyncset.done $0x0  }
0xee: {  	[sflag:s10] =	ssyncadd.s32 $0xFFFFC000  }
0xef: {  	[spmem:s1] =	stream.indirect.scatter.add.f32 [tilespmem:s31], [sflag:$0x3], $0x80, s9, s29, $0xb8;
	[tilespmem:$0x1E080] =	vst v63  }
0xf0: {  	s14 =	simm.s32 $0x40;
	_ =	swait.ge [sflag:s28], $0x4000  }
0xf1: {  	s24 =	simm.s32 $0x200;
	s13 =	simm.s32 $0x20;
	[sflag:s28] =	ssyncset.done $0x0  }
.LBB2_4:
0xf2: {  	p2 =	sne.s32 s14, $0x4A0;
	s15 =	sadd.s32 $0xFFFFFF80, s24;
	[sflag:s28] =	ssyncadd.s32 $0xFFFFC000  }
0xf3: {  	[tilespmem:s31], [sflag:$0x2] =	stream.indirect.gather [hbm4b:s3+s29], $0x80, s15, s29, $0xb8;
	[tilespmem:$0x1E080] =	vst v63  }
0xf4: {  	s15 =	sadd.s32 s13, s18;
	s13 =	smov.u32 s14;
	s14 =	sadd.s32 $0x20, s14  }
0xf5: {  	[tilespmem:s0], [sflag:$0x3] =	stream.linear.gather [hbm4b:s15+s2], $0x80, $0x38;
	[tilespmem:$0x1E080] =	vst v63  }
0xf6: {  	_ =	swait.ge [sflag:s28], $0x80  }
0xf7: {  	[sflag:s28] =	ssyncset.done $0x0  }
0xf8: {  	[sflag:s28] =	ssyncadd.s32 $0xFFFFFF80  }
0xf9: {  	_ =	swait.ge [sflag:s8], $0x4000  }
0xfa: {  	[sflag:s8] =	ssyncset.done $0x0  }
0xfb: {  	[sflag:s8] =	ssyncadd.s32 $0xFFFFC000  }
0xfc: {  	[spmem:s1] =	stream.indirect.scatter.add.f32 [tilespmem:s30], [sflag:$0x3], $0x80, s0, s29, $0xb8;
	[tilespmem:$0x1E080] =	vst v63  }
0xfd: {  	_ =	swait.ge [sflag:s28], $0x4000  }
0xfe: {  	[sflag:s28] =	ssyncset.done $0x0  }
0xff: {  	[sflag:s28] =	ssyncadd.s32 $0xFFFFC000  }
0x100: {  	[tilespmem:s30], [sflag:$0x1] =	stream.indirect.gather [hbm4b:s3+s29], $0x80, s24, s29, $0xb8;
	[tilespmem:$0x1E080] =	vst v63  }
0x101: {  	s15 =	sadd.s32 $0x10, s15  }
0x102: {  	[tilespmem:s9], [sflag:$0x3] =	stream.linear.gather [hbm4b:s15+s2], $0x80, $0x38;
	[tilespmem:$0x1E080] =	vst v63  }
0x103: {  	_ =	swait.ge [sflag:s28], $0x80  }
0x104: {  	[sflag:s28] =	ssyncset.done $0x0  }
0x105: {  	[sflag:s28] =	ssyncadd.s32 $0xFFFFFF80  }
0x106: {  	_ =	swait.ge [sflag:s10], $0x4000  }
.Ltmp1:
0x107: {  	[sflag:s10] =	ssyncset.done $0x0;
	(pc) =	sbr.rel @p2 .LBB2_4-.Ltmp1, $4  }
0x108: {  	[sflag:s10] =	ssyncadd.s32 $0xFFFFC000  }
0x109: {  	[spmem:s1] =	stream.indirect.scatter.add.f32 [tilespmem:s31], [sflag:$0x3], $0x80, s9, s29, $0xb8;
	[tilespmem:$0x1E080] =	vst v63  }
0x10a: {  	_ =	swait.ge [sflag:s28], $0x4000  }
0x10b: {  	s24 =	sadd.s32 $0x100, s24;
	[sflag:s28] =	ssyncset.done $0x0  }
0x10c: {  	s14 =	sadd.s32 $0xFFFFFF80, s24;
	[sflag:s28] =	ssyncadd.s32 $0xFFFFC000  }
0x10d: {  	[tilespmem:s31], [sflag:$0x2] =	stream.indirect.gather [hbm4b:s3+s29], $0x80, s14, s29, $0xb8;
	[tilespmem:$0x1E080] =	vst v63  }
0x10e: {  	s13 =	sadd.s32 s13, s18  }
0x10f: {  	[tilespmem:s0], [sflag:$0x3] =	stream.linear.gather [hbm4b:s13+s2], $0x80, $0x38;
	[tilespmem:$0x1E080] =	vst v63  }
0x110: {  	_ =	swait.ge [sflag:s28], $0x80  }
0x111: {  	[sflag:s28] =	ssyncset.done $0x0  }
0x112: {  	[sflag:s28] =	ssyncadd.s32 $0xFFFFFF80  }
0x113: {  	_ =	swait.ge [sflag:s8], $0x4000  }
0x114: {  	[sflag:s8] =	ssyncset.done $0x0  }
0x115: {  	[sflag:s8] =	ssyncadd.s32 $0xFFFFC000  }
0x116: {  	[spmem:s1] =	stream.indirect.scatter.add.f32 [tilespmem:s30], [sflag:$0x3], $0x80, s0, s29, $0xb8;
	[tilespmem:$0x1E080] =	vst v63  }
0x117: {  	_ =	swait.ge [sflag:s28], $0x4000  }
0x118: {  	[sflag:s28] =	ssyncset.done $0x0  }
0x119: {  	[sflag:s28] =	ssyncadd.s32 $0xFFFFC000  }
0x11a: {  	[tilespmem:s30], [sflag:$0x1] =	stream.indirect.gather [hbm4b:s3+s29], $0x80, s24, s29, $0xb8;
	[tilespmem:$0x1E080] =	vst v63  }
0x11b: {  	s13 =	sadd.s32 $0x10, s13  }
0x11c: {  	[tilespmem:s9], [sflag:$0x3] =	stream.linear.gather [hbm4b:s13+s2], $0x80, $0x38;
	[tilespmem:$0x1E080] =	vst v63  }
0x11d: {  	_ =	swait.ge [sflag:s28], $0x80  }
0x11e: {  	[sflag:s28] =	ssyncset.done $0x0  }
0x11f: {  	[sflag:s28] =	ssyncadd.s32 $0xFFFFFF80  }
0x120: {  	_ =	swait.ge [sflag:s10], $0x4000  }
0x121: {  	[sflag:s10] =	ssyncset.done $0x0  }
0x122: {  	[sflag:s10] =	ssyncadd.s32 $0xFFFFC000  }
0x123: {  	[spmem:s1] =	stream.indirect.scatter.add.f32 [tilespmem:s31], [sflag:$0x3], $0x80, s9, s29, $0xb8;
	[tilespmem:$0x1E080] =	vst v63  }
0x124: {  	_ =	swait.ge [sflag:s28], $0x4000  }
0x125: {  	[sflag:s28] =	ssyncset.done $0x0  }
0x126: {  	[sflag:s28] =	ssyncadd.s32 $0xFFFFC000  }
0x127: {  	[tilespmem:s31], [sflag:$0x2] =	stream.indirect.gather [hbm4b:s3+s29], $0x80, s11, s29, $0xb8;
	[tilespmem:$0x1E080] =	vst v63  }
0x128: {  	_ = 	snop  }
0x129: {  	[tilespmem:s0], [sflag:$0x3] =	stream.linear.gather [hbm4b:s25+s2], $0x80, $0x38;
	[tilespmem:$0x1E080] =	vst v63  }
0x12a: {  	_ =	swait.ge [sflag:s28], $0x80  }
0x12b: {  	[sflag:s28] =	ssyncset.done $0x0  }
0x12c: {  	[sflag:s28] =	ssyncadd.s32 $0xFFFFFF80  }
0x12d: {  	_ =	swait.ge [sflag:s8], $0x4000  }
0x12e: {  	[sflag:s8] =	ssyncset.done $0x0  }
0x12f: {  	[sflag:s8] =	ssyncadd.s32 $0xFFFFC000  }
0x130: {  	[spmem:s1] =	stream.indirect.scatter.add.f32 [tilespmem:s30], [sflag:$0x3], $0x80, s0, s29, $0xb8;
	[tilespmem:$0x1E080] =	vst v63  }
0x131: {  	_ =	swait.ge [sflag:s28], $0x4000  }
0x132: {  	[sflag:s28] =	ssyncset.done $0x0  }
0x133: {  	[sflag:s28] =	ssyncadd.s32 $0xFFFFC000  }
0x134: {  	[tilespmem:s9], [sflag:$0x3] =	stream.linear.gather [hbm4b:s26+s2], $0x80, $0x38;
	[tilespmem:$0x1E080] =	vst v63  }
0x135: {  	_ =	swait.ge [sflag:s28], $0x80  }
0x136: {  	[sflag:s28] =	ssyncset.done $0x0  }
0x137: {  	[sflag:s28] =	ssyncadd.s32 $0xFFFFFF80  }
0x138: {  	_ =	swait.ge [sflag:s10], $0x4000  }
0x139: {  	[sflag:s10] =	ssyncset.done $0x0  }
0x13a: {  	[sflag:s10] =	ssyncadd.s32 $0xFFFFC000  }
0x13b: {  	[spmem:s1] =	stream.indirect.scatter.add.f32 [tilespmem:s31], [sflag:$0x3], $0x80, s9, s29, $0xb8;
	[tilespmem:$0x1E080] =	vst v63  }
0x13c: {  	_ =	swait.ge [sflag:s28], $0x4000  }
0x13d: {  	[sflag:s28] =	ssyncset.done $0x0  }
0x13e: {  	[sflag:s28] =	ssyncadd.s32 $0xFFFFC000  }
0x13f: {  	[bflag:$0x0] =	sbarrier.arrive $0xFFFF  }
0x140: {  	s14 =	rddreg [dreg:$0x9]  }
0x141: {  	s16 =	sadd.s32 s4, s14  }
0x142: {  	[hbm:s16], [sflag:s7] =	dma.local [spmem:s20], $0x2700  }
0x143: {  	_ =	swait.ge [sflag:s28], $0x2700  }
0x144: {  	[sflag:s28] =	ssyncset.done $0x0  }
0x145: {  	[sflag:s28] =	ssyncadd.s32 $0xFFFFD900  }
0x146: {  	s13 =	simm.s32 @p0 $0x3;
	[bflag:$0x0] =	sbarrier.arrive @p0 $0xFFFF  }
0x147: {  	[spmem:s22], [sflag:s7] =	dma.local @p0 [hbm:s6], $0x2700  }
0x148: {  	_ =	swait.ge @p0 [sflag:s13], $0x2700  }
0x149: {  	[sflag:s13] =	ssyncset.done @p0 $0x0  }
0x14a: {  	[sflag:s13] =	ssyncadd.s32 @p0 $0xFFFFD900;
	s13 =	sadd.s32 @!p0 $0x27000, s14  }
0x14b: {  	[hbm:s13], [sflag:s7] =	dma.local @!p0 [spmem:s21], $0x100  }
0x14c: {  	s13 =	simm.s32 @!p0 $0x3  }
0x14d: {  	_ =	swait.ge @!p0 [sflag:s13], $0x100  }
0x14e: {  	[sflag:s13] =	ssyncset.done @!p0 $0x0  }
0x14f: {  	[sflag:s13] =	ssyncadd.s32 @!p0 $0xFFFFFF00  }
0x150: {  	[bflag:$0x0] =	sbarrier.arrive @!p0 $0xFFFF  }
0x151: {  	[spmem:s23], [sflag:s7] =	dma.local @!p0 [hbm:s6], $0x2700  }
0x152: {  	_ =	swait.ge @!p0 [sflag:s13], $0x2700  }
0x153: {  	[sflag:s13] =	ssyncset.done @!p0 $0x0  }
0x154: {  	[sflag:s13] =	ssyncadd.s32 @!p0 $0xFFFFD900  }
0x155: {  	[spmem:s21], [sflag:s7] =	dma.local @!p0 [hbm:s17], $0x100  }
0x156: {  	_ =	swait.ge @!p0 [sflag:s13], $0x100  }
0x157: {  	[sflag:s13] =	ssyncset.done @!p0 $0x0  }
0x158: {  	s24 =	rddreg [dreg:$0x5];
	[sflag:s13] =	ssyncadd.s32 @!p0 $0xFFFFFF00  }
0x159: {  	[tilespmem:s2], [sflag:$0x3] =	stream.linear.gather [hbm4b:s24+s2], $0x2700, $0x38;
	[tilespmem:$0x1E080] =	vst v63  }
0x15a: {  	_ =	swait.ge [sflag:s28], $0x2700  }
0x15b: {  	[sflag:s28] =	ssyncset.done $0x0  }
0x15c: {  	s15 =	simm.s32 @!p1 $0x3;
	[sflag:s28] =	ssyncadd.s32 $0xFFFFD900  }
0x15d: {  	s14 =	simm.s32 @!p1 $0x2700;
	s13 =	simm.s32 @!p1 $0x0;
	[bflag:$0x0] =	sbarrier.arrive $0xFFFF  }
0x15e: {  	[tilespmem:s14], [sflag:$0x3] =	stream.linear.gather @!p1 [hbm4b:s19+s13], $0x80, $0x38;
	[tilespmem:$0x1E080] =	vst v63  }
0x15f: {  	_ =	swait.ge @!p1 [sflag:s15], $0x80  }
0x160: {  	[sflag:s15] =	ssyncset.done @!p1 $0x0  }
0x161: {  	s16 =	simm.s32 @!p1 $0x2780;
	s24 =	rddreg [dreg:$0xf];
	[sflag:s15] =	ssyncadd.s32 @!p1 $0xFFFFFF80  }
0x162: {  	[tilespmem:s16], [sflag:$0x3] =	stream.linear.gather @!p1 [hbm4b:s24+s13], $0x80, $0x38;
	[tilespmem:$0x1E080] =	vst v63  }
0x163: {  	_ =	swait.ge @!p1 [sflag:s15], $0x80  }
0x164: {  	[sflag:s15] =	ssyncset.done @!p1 $0x0  }
0x165: {  	s13 =	simm.s32 @!p1 $0x80;
	s24 =	simm.s32 @!p1 $0x2800;
	[sflag:s15] =	ssyncadd.s32 @!p1 $0xFFFFFF80  }
0x166: {  	[tilespmem:s24], [sflag:$0x1] =	stream.indirect.gather @!p1 [hbm4b:s3+s13], $0x80, s16, s13, $0xb8;
	[tilespmem:$0x1E080] =	vst v63  }
0x167: {  	s16 =	simm.s32 @!p1 $0x1  }
0x168: {  	_ =	swait.ge @!p1 [sflag:s16], $0x4000  }
0x169: {  	[sflag:s16] =	ssyncset.done @!p1 $0x0  }
0x16a: {  	[sflag:s16] =	ssyncadd.s32 @!p1 $0xFFFFC000  }
0x16b: {  	[spmem:s1] =	stream.indirect.scatter.add.f32 @!p1 [tilespmem:s24], [sflag:$0x3], $0x80, s14, s13, $0xb8;
	[tilespmem:$0x1E080] =	vst v63  }
0x16c: {  	_ =	swait.ge @!p1 [sflag:s15], $0x4000  }
0x16d: {  	[sflag:s15] =	ssyncset.done @!p1 $0x0  }
0x16e: {  	s14 =	simm.s32 $0x0;
	[sflag:s15] =	ssyncadd.s32 @!p1 $0xFFFFC000  }
0x16f: {  	[tilespmem:s30], [sflag:$0x1] =	stream.indirect.gather [hbm4b:s3+s29], $0x80, s14, s29, $0xb8;
	[tilespmem:$0x1E080] =	vst v63  }
0x170: {  	s15 =	simm.s32 $0x80  }
0x171: {  	[tilespmem:s31], [sflag:$0x2] =	stream.indirect.gather [hbm4b:s3+s29], $0x80, s15, s29, $0xb8;
	[tilespmem:$0x1E080] =	vst v63  }
0x172: {  	s16 =	sadd.s32 $0x0, s18  }
0x173: {  	[tilespmem:s0], [sflag:$0x3] =	stream.linear.gather [hbm4b:s16+s2], $0x80, $0x38;
	[tilespmem:$0x1E080] =	vst v63  }
0x174: {  	_ =	swait.ge [sflag:s28], $0x80  }
0x175: {  	[sflag:s28] =	ssyncset.done $0x0  }
0x176: {  	[sflag:s28] =	ssyncadd.s32 $0xFFFFFF80  }
0x177: {  	_ =	swait.ge [sflag:s8], $0x4000  }
0x178: {  	[sflag:s8] =	ssyncset.done $0x0  }
0x179: {  	[sflag:s8] =	ssyncadd.s32 $0xFFFFC000  }
0x17a: {  	[spmem:s1] =	stream.indirect.scatter.add.f32 [tilespmem:s30], [sflag:$0x3], $0x80, s0, s29, $0xb8;
	[tilespmem:$0x1E080] =	vst v63  }
0x17b: {  	_ =	swait.ge [sflag:s28], $0x4000  }
0x17c: {  	[sflag:s28] =	ssyncset.done $0x0  }
0x17d: {  	s24 =	simm.s32 $0x100;
	[sflag:s28] =	ssyncadd.s32 $0xFFFFC000  }
0x17e: {  	[tilespmem:s30], [sflag:$0x1] =	stream.indirect.gather [hbm4b:s3+s29], $0x80, s24, s29, $0xb8;
	[tilespmem:$0x1E080] =	vst v63  }
0x17f: {  	s13 =	sadd.s32 $0x10, s16  }
0x180: {  	[tilespmem:s9], [sflag:$0x3] =	stream.linear.gather [hbm4b:s13+s2], $0x80, $0x38;
	[tilespmem:$0x1E080] =	vst v63  }
0x181: {  	_ =	swait.ge [sflag:s28], $0x80  }
0x182: {  	[sflag:s28] =	ssyncset.done $0x0  }
0x183: {  	[sflag:s28] =	ssyncadd.s32 $0xFFFFFF80  }
0x184: {  	_ =	swait.ge [sflag:s10], $0x4000  }
0x185: {  	[sflag:s10] =	ssyncset.done $0x0  }
0x186: {  	[sflag:s10] =	ssyncadd.s32 $0xFFFFC000  }
0x187: {  	[spmem:s1] =	stream.indirect.scatter.add.f32 [tilespmem:s31], [sflag:$0x3], $0x80, s9, s29, $0xb8;
	[tilespmem:$0x1E080] =	vst v63  }
0x188: {  	s14 =	simm.s32 $0x40;
	_ =	swait.ge [sflag:s28], $0x4000  }
0x189: {  	s24 =	simm.s32 $0x200;
	s13 =	simm.s32 $0x20;
	[sflag:s28] =	ssyncset.done $0x0  }
.LBB2_6:
0x18a: {  	p2 =	sne.s32 s14, $0x4A0;
	s15 =	sadd.s32 $0xFFFFFF80, s24;
	[sflag:s28] =	ssyncadd.s32 $0xFFFFC000  }
0x18b: {  	[tilespmem:s31], [sflag:$0x2] =	stream.indirect.gather [hbm4b:s3+s29], $0x80, s15, s29, $0xb8;
	[tilespmem:$0x1E080] =	vst v63  }
0x18c: {  	s15 =	sadd.s32 s13, s18;
	s13 =	smov.u32 s14;
	s14 =	sadd.s32 $0x20, s14  }
0x18d: {  	[tilespmem:s0], [sflag:$0x3] =	stream.linear.gather [hbm4b:s15+s2], $0x80, $0x38;
	[tilespmem:$0x1E080] =	vst v63  }
0x18e: {  	_ =	swait.ge [sflag:s28], $0x80  }
0x18f: {  	[sflag:s28] =	ssyncset.done $0x0  }
0x190: {  	[sflag:s28] =	ssyncadd.s32 $0xFFFFFF80  }
0x191: {  	_ =	swait.ge [sflag:s8], $0x4000  }
0x192: {  	[sflag:s8] =	ssyncset.done $0x0  }
0x193: {  	[sflag:s8] =	ssyncadd.s32 $0xFFFFC000  }
0x194: {  	[spmem:s1] =	stream.indirect.scatter.add.f32 [tilespmem:s30], [sflag:$0x3], $0x80, s0, s29, $0xb8;
	[tilespmem:$0x1E080] =	vst v63  }
0x195: {  	_ =	swait.ge [sflag:s28], $0x4000  }
0x196: {  	[sflag:s28] =	ssyncset.done $0x0  }
0x197: {  	[sflag:s28] =	ssyncadd.s32 $0xFFFFC000  }
0x198: {  	[tilespmem:s30], [sflag:$0x1] =	stream.indirect.gather [hbm4b:s3+s29], $0x80, s24, s29, $0xb8;
	[tilespmem:$0x1E080] =	vst v63  }
0x199: {  	s15 =	sadd.s32 $0x10, s15  }
0x19a: {  	[tilespmem:s9], [sflag:$0x3] =	stream.linear.gather [hbm4b:s15+s2], $0x80, $0x38;
	[tilespmem:$0x1E080] =	vst v63  }
0x19b: {  	_ =	swait.ge [sflag:s28], $0x80  }
0x19c: {  	[sflag:s28] =	ssyncset.done $0x0  }
0x19d: {  	[sflag:s28] =	ssyncadd.s32 $0xFFFFFF80  }
0x19e: {  	_ =	swait.ge [sflag:s10], $0x4000  }
.Ltmp2:
0x19f: {  	[sflag:s10] =	ssyncset.done $0x0;
	(pc) =	sbr.rel @p2 .LBB2_6-.Ltmp2, $4  }
0x1a0: {  	[sflag:s10] =	ssyncadd.s32 $0xFFFFC000  }
0x1a1: {  	[spmem:s1] =	stream.indirect.scatter.add.f32 [tilespmem:s31], [sflag:$0x3], $0x80, s9, s29, $0xb8;
	[tilespmem:$0x1E080] =	vst v63  }
0x1a2: {  	_ =	swait.ge [sflag:s28], $0x4000  }
0x1a3: {  	s24 =	sadd.s32 $0x100, s24;
	[sflag:s28] =	ssyncset.done $0x0  }
0x1a4: {  	s14 =	sadd.s32 $0xFFFFFF80, s24;
	[sflag:s28] =	ssyncadd.s32 $0xFFFFC000  }
0x1a5: {  	[tilespmem:s31], [sflag:$0x2] =	stream.indirect.gather [hbm4b:s3+s29], $0x80, s14, s29, $0xb8;
	[tilespmem:$0x1E080] =	vst v63  }
0x1a6: {  	s13 =	sadd.s32 s13, s18  }
0x1a7: {  	[tilespmem:s0], [sflag:$0x3] =	stream.linear.gather [hbm4b:s13+s2], $0x80, $0x38;
	[tilespmem:$0x1E080] =	vst v63  }
0x1a8: {  	_ =	swait.ge [sflag:s28], $0x80  }
0x1a9: {  	[sflag:s28] =	ssyncset.done $0x0  }
0x1aa: {  	[sflag:s28] =	ssyncadd.s32 $0xFFFFFF80  }
0x1ab: {  	_ =	swait.ge [sflag:s8], $0x4000  }
0x1ac: {  	[sflag:s8] =	ssyncset.done $0x0  }
0x1ad: {  	[sflag:s8] =	ssyncadd.s32 $0xFFFFC000  }
0x1ae: {  	[spmem:s1] =	stream.indirect.scatter.add.f32 [tilespmem:s30], [sflag:$0x3], $0x80, s0, s29, $0xb8;
	[tilespmem:$0x1E080] =	vst v63  }
0x1af: {  	_ =	swait.ge [sflag:s28], $0x4000  }
0x1b0: {  	[sflag:s28] =	ssyncset.done $0x0  }
0x1b1: {  	[sflag:s28] =	ssyncadd.s32 $0xFFFFC000  }
0x1b2: {  	[tilespmem:s30], [sflag:$0x1] =	stream.indirect.gather [hbm4b:s3+s29], $0x80, s24, s29, $0xb8;
	[tilespmem:$0x1E080] =	vst v63  }
0x1b3: {  	s13 =	sadd.s32 $0x10, s13  }
0x1b4: {  	[tilespmem:s9], [sflag:$0x3] =	stream.linear.gather [hbm4b:s13+s2], $0x80, $0x38;
	[tilespmem:$0x1E080] =	vst v63  }
0x1b5: {  	_ =	swait.ge [sflag:s28], $0x80  }
0x1b6: {  	[sflag:s28] =	ssyncset.done $0x0  }
0x1b7: {  	[sflag:s28] =	ssyncadd.s32 $0xFFFFFF80  }
0x1b8: {  	_ =	swait.ge [sflag:s10], $0x4000  }
0x1b9: {  	[sflag:s10] =	ssyncset.done $0x0  }
0x1ba: {  	[sflag:s10] =	ssyncadd.s32 $0xFFFFC000  }
0x1bb: {  	[spmem:s1] =	stream.indirect.scatter.add.f32 [tilespmem:s31], [sflag:$0x3], $0x80, s9, s29, $0xb8;
	[tilespmem:$0x1E080] =	vst v63  }
0x1bc: {  	_ =	swait.ge [sflag:s28], $0x4000  }
0x1bd: {  	[sflag:s28] =	ssyncset.done $0x0  }
0x1be: {  	[sflag:s28] =	ssyncadd.s32 $0xFFFFC000  }
0x1bf: {  	[tilespmem:s31], [sflag:$0x2] =	stream.indirect.gather [hbm4b:s3+s29], $0x80, s11, s29, $0xb8;
	[tilespmem:$0x1E080] =	vst v63  }
0x1c0: {  	_ = 	snop  }
0x1c1: {  	[tilespmem:s0], [sflag:$0x3] =	stream.linear.gather [hbm4b:s25+s2], $0x80, $0x38;
	[tilespmem:$0x1E080] =	vst v63  }
0x1c2: {  	_ =	swait.ge [sflag:s28], $0x80  }
0x1c3: {  	[sflag:s28] =	ssyncset.done $0x0  }
0x1c4: {  	[sflag:s28] =	ssyncadd.s32 $0xFFFFFF80  }
0x1c5: {  	_ =	swait.ge [sflag:s8], $0x4000  }
0x1c6: {  	[sflag:s8] =	ssyncset.done $0x0  }
0x1c7: {  	[sflag:s8] =	ssyncadd.s32 $0xFFFFC000  }
0x1c8: {  	[spmem:s1] =	stream.indirect.scatter.add.f32 [tilespmem:s30], [sflag:$0x3], $0x80, s0, s29, $0xb8;
	[tilespmem:$0x1E080] =	vst v63  }
0x1c9: {  	_ =	swait.ge [sflag:s28], $0x4000  }
0x1ca: {  	[sflag:s28] =	ssyncset.done $0x0  }
0x1cb: {  	[sflag:s28] =	ssyncadd.s32 $0xFFFFC000  }
0x1cc: {  	[tilespmem:s9], [sflag:$0x3] =	stream.linear.gather [hbm4b:s26+s2], $0x80, $0x38;
	[tilespmem:$0x1E080] =	vst v63  }
0x1cd: {  	_ =	swait.ge [sflag:s28], $0x80  }
0x1ce: {  	[sflag:s28] =	ssyncset.done $0x0  }
0x1cf: {  	[sflag:s28] =	ssyncadd.s32 $0xFFFFFF80  }
0x1d0: {  	_ =	swait.ge [sflag:s10], $0x4000  }
0x1d1: {  	[sflag:s10] =	ssyncset.done $0x0  }
0x1d2: {  	[sflag:s10] =	ssyncadd.s32 $0xFFFFC000  }
0x1d3: {  	[spmem:s1] =	stream.indirect.scatter.add.f32 [tilespmem:s31], [sflag:$0x3], $0x80, s9, s29, $0xb8;
	[tilespmem:$0x1E080] =	vst v63  }
0x1d4: {  	_ =	swait.ge [sflag:s28], $0x4000  }
0x1d5: {  	[sflag:s28] =	ssyncset.done $0x0  }
0x1d6: {  	[sflag:s28] =	ssyncadd.s32 $0xFFFFC000  }
0x1d7: {  	[bflag:$0x0] =	sbarrier.arrive $0xFFFF  }
0x1d8: {  	s14 =	rddreg [dreg:$0xa]  }
0x1d9: {  	s24 =	sadd.s32 s4, s14  }
0x1da: {  	[hbm:s24], [sflag:s7] =	dma.local [spmem:s20], $0x2700  }
0x1db: {  	_ =	swait.ge [sflag:s28], $0x2700  }
0x1dc: {  	[sflag:s28] =	ssyncset.done $0x0  }
0x1dd: {  	[sflag:s28] =	ssyncadd.s32 $0xFFFFD900  }
0x1de: {  	s13 =	simm.s32 @p0 $0x3;
	[bflag:$0x0] =	sbarrier.arrive @p0 $0xFFFF  }
0x1df: {  	[spmem:s22], [sflag:s7] =	dma.local @p0 [hbm:s6], $0x2700  }
0x1e0: {  	_ =	swait.ge @p0 [sflag:s13], $0x2700  }
0x1e1: {  	[sflag:s13] =	ssyncset.done @p0 $0x0  }
0x1e2: {  	[sflag:s13] =	ssyncadd.s32 @p0 $0xFFFFD900;
	s13 =	sadd.s32 @!p0 $0x27000, s14  }
0x1e3: {  	[hbm:s13], [sflag:s7] =	dma.local @!p0 [spmem:s21], $0x100  }
0x1e4: {  	s13 =	simm.s32 @!p0 $0x3  }
0x1e5: {  	_ =	swait.ge @!p0 [sflag:s13], $0x100  }
0x1e6: {  	[sflag:s13] =	ssyncset.done @!p0 $0x0  }
0x1e7: {  	[sflag:s13] =	ssyncadd.s32 @!p0 $0xFFFFFF00  }
0x1e8: {  	[bflag:$0x0] =	sbarrier.arrive @!p0 $0xFFFF  }
0x1e9: {  	[spmem:s23], [sflag:s7] =	dma.local @!p0 [hbm:s6], $0x2700  }
0x1ea: {  	_ =	swait.ge @!p0 [sflag:s13], $0x2700  }
0x1eb: {  	[sflag:s13] =	ssyncset.done @!p0 $0x0  }
0x1ec: {  	[sflag:s13] =	ssyncadd.s32 @!p0 $0xFFFFD900  }
0x1ed: {  	[spmem:s21], [sflag:s7] =	dma.local @!p0 [hbm:s17], $0x100  }
0x1ee: {  	_ =	swait.ge @!p0 [sflag:s13], $0x100  }
0x1ef: {  	[sflag:s13] =	ssyncset.done @!p0 $0x0  }
0x1f0: {  	s15 =	rddreg [dreg:$0x6];
	[sflag:s13] =	ssyncadd.s32 @!p0 $0xFFFFFF00  }
0x1f1: {  	[tilespmem:s2], [sflag:$0x3] =	stream.linear.gather [hbm4b:s15+s2], $0x2700, $0x38;
	[tilespmem:$0x1E080] =	vst v63  }
0x1f2: {  	_ =	swait.ge [sflag:s28], $0x2700  }
0x1f3: {  	[sflag:s28] =	ssyncset.done $0x0  }
0x1f4: {  	s14 =	simm.s32 @!p1 $0x2700;
	[sflag:s28] =	ssyncadd.s32 $0xFFFFD900  }
0x1f5: {  	s13 =	simm.s32 @!p1 $0x0;
	s15 =	simm.s32 @!p1 $0x3;
	[bflag:$0x0] =	sbarrier.arrive $0xFFFF  }
0x1f6: {  	[tilespmem:s14], [sflag:$0x3] =	stream.linear.gather @!p1 [hbm4b:s19+s13], $0x80, $0x38;
	[tilespmem:$0x1E080] =	vst v63  }
0x1f7: {  	_ =	swait.ge @!p1 [sflag:s15], $0x80  }
0x1f8: {  	[sflag:s15] =	ssyncset.done @!p1 $0x0  }
0x1f9: {  	s16 =	simm.s32 @!p1 $0x2780;
	s22 =	rddreg [dreg:$0x10];
	[sflag:s15] =	ssyncadd.s32 @!p1 $0xFFFFFF80  }
0x1fa: {  	[tilespmem:s16], [sflag:$0x3] =	stream.linear.gather @!p1 [hbm4b:s22+s13], $0x80, $0x38;
	[tilespmem:$0x1E080] =	vst v63  }
0x1fb: {  	_ =	swait.ge @!p1 [sflag:s15], $0x80  }
0x1fc: {  	[sflag:s15] =	ssyncset.done @!p1 $0x0  }
0x1fd: {  	s13 =	simm.s32 @!p1 $0x80;
	s22 =	simm.s32 @!p1 $0x2800;
	[sflag:s15] =	ssyncadd.s32 @!p1 $0xFFFFFF80  }
0x1fe: {  	[tilespmem:s22], [sflag:$0x1] =	stream.indirect.gather @!p1 [hbm4b:s3+s13], $0x80, s16, s13, $0xb8;
	[tilespmem:$0x1E080] =	vst v63  }
0x1ff: {  	s16 =	simm.s32 @!p1 $0x1  }
0x200: {  	_ =	swait.ge @!p1 [sflag:s16], $0x4000  }
0x201: {  	[sflag:s16] =	ssyncset.done @!p1 $0x0  }
0x202: {  	[sflag:s16] =	ssyncadd.s32 @!p1 $0xFFFFC000  }
0x203: {  	[spmem:s1] =	stream.indirect.scatter.add.f32 @!p1 [tilespmem:s22], [sflag:$0x3], $0x80, s14, s13, $0xb8;
	[tilespmem:$0x1E080] =	vst v63  }
0x204: {  	_ =	swait.ge @!p1 [sflag:s15], $0x4000  }
0x205: {  	[sflag:s15] =	ssyncset.done @!p1 $0x0  }
0x206: {  	s16 =	simm.s32 $0x0;
	[sflag:s15] =	ssyncadd.s32 @!p1 $0xFFFFC000  }
0x207: {  	[tilespmem:s30], [sflag:$0x1] =	stream.indirect.gather [hbm4b:s3+s29], $0x80, s16, s29, $0xb8;
	[tilespmem:$0x1E080] =	vst v63  }
0x208: {  	s22 =	simm.s32 $0x80  }
0x209: {  	[tilespmem:s31], [sflag:$0x2] =	stream.indirect.gather [hbm4b:s3+s29], $0x80, s22, s29, $0xb8;
	[tilespmem:$0x1E080] =	vst v63  }
0x20a: {  	s23 =	sadd.s32 $0x0, s18  }
0x20b: {  	[tilespmem:s0], [sflag:$0x3] =	stream.linear.gather [hbm4b:s23+s2], $0x80, $0x38;
	[tilespmem:$0x1E080] =	vst v63  }
0x20c: {  	_ =	swait.ge [sflag:s28], $0x80  }
0x20d: {  	[sflag:s28] =	ssyncset.done $0x0  }
0x20e: {  	[sflag:s28] =	ssyncadd.s32 $0xFFFFFF80  }
0x20f: {  	_ =	swait.ge [sflag:s8], $0x4000  }
0x210: {  	[sflag:s8] =	ssyncset.done $0x0  }
0x211: {  	[sflag:s8] =	ssyncadd.s32 $0xFFFFC000  }
0x212: {  	[spmem:s1] =	stream.indirect.scatter.add.f32 [tilespmem:s30], [sflag:$0x3], $0x80, s0, s29, $0xb8;
	[tilespmem:$0x1E080] =	vst v63  }
0x213: {  	_ =	swait.ge [sflag:s28], $0x4000  }
0x214: {  	[sflag:s28] =	ssyncset.done $0x0  }
0x215: {  	s24 =	simm.s32 $0x100;
	[sflag:s28] =	ssyncadd.s32 $0xFFFFC000  }
0x216: {  	[tilespmem:s30], [sflag:$0x1] =	stream.indirect.gather [hbm4b:s3+s29], $0x80, s24, s29, $0xb8;
	[tilespmem:$0x1E080] =	vst v63  }
0x217: {  	s13 =	sadd.s32 $0x10, s23  }
0x218: {  	[tilespmem:s9], [sflag:$0x3] =	stream.linear.gather [hbm4b:s13+s2], $0x80, $0x38;
	[tilespmem:$0x1E080] =	vst v63  }
0x219: {  	_ =	swait.ge [sflag:s28], $0x80  }
0x21a: {  	[sflag:s28] =	ssyncset.done $0x0  }
0x21b: {  	[sflag:s28] =	ssyncadd.s32 $0xFFFFFF80  }
0x21c: {  	_ =	swait.ge [sflag:s10], $0x4000  }
0x21d: {  	[sflag:s10] =	ssyncset.done $0x0  }
0x21e: {  	[sflag:s10] =	ssyncadd.s32 $0xFFFFC000  }
0x21f: {  	[spmem:s1] =	stream.indirect.scatter.add.f32 [tilespmem:s31], [sflag:$0x3], $0x80, s9, s29, $0xb8;
	[tilespmem:$0x1E080] =	vst v63  }
0x220: {  	s14 =	simm.s32 $0x40;
	_ =	swait.ge [sflag:s28], $0x4000  }
0x221: {  	s22 =	simm.s32 $0x200;
	s13 =	simm.s32 $0x20;
	[sflag:s28] =	ssyncset.done $0x0  }
.LBB2_8:
0x222: {  	p2 =	sne.s32 s14, $0x4A0;
	s15 =	sadd.s32 $0xFFFFFF80, s22;
	[sflag:s28] =	ssyncadd.s32 $0xFFFFC000  }
0x223: {  	[tilespmem:s31], [sflag:$0x2] =	stream.indirect.gather [hbm4b:s3+s29], $0x80, s15, s29, $0xb8;
	[tilespmem:$0x1E080] =	vst v63  }
0x224: {  	s15 =	sadd.s32 s13, s18;
	s13 =	smov.u32 s14;
	s14 =	sadd.s32 $0x20, s14  }
0x225: {  	[tilespmem:s0], [sflag:$0x3] =	stream.linear.gather [hbm4b:s15+s2], $0x80, $0x38;
	[tilespmem:$0x1E080] =	vst v63  }
0x226: {  	_ =	swait.ge [sflag:s28], $0x80  }
0x227: {  	[sflag:s28] =	ssyncset.done $0x0  }
0x228: {  	[sflag:s28] =	ssyncadd.s32 $0xFFFFFF80  }
0x229: {  	_ =	swait.ge [sflag:s8], $0x4000  }
0x22a: {  	[sflag:s8] =	ssyncset.done $0x0  }
0x22b: {  	[sflag:s8] =	ssyncadd.s32 $0xFFFFC000  }
0x22c: {  	[spmem:s1] =	stream.indirect.scatter.add.f32 [tilespmem:s30], [sflag:$0x3], $0x80, s0, s29, $0xb8;
	[tilespmem:$0x1E080] =	vst v63  }
0x22d: {  	_ =	swait.ge [sflag:s28], $0x4000  }
0x22e: {  	[sflag:s28] =	ssyncset.done $0x0  }
0x22f: {  	[sflag:s28] =	ssyncadd.s32 $0xFFFFC000  }
0x230: {  	[tilespmem:s30], [sflag:$0x1] =	stream.indirect.gather [hbm4b:s3+s29], $0x80, s22, s29, $0xb8;
	[tilespmem:$0x1E080] =	vst v63  }
0x231: {  	s15 =	sadd.s32 $0x10, s15  }
0x232: {  	[tilespmem:s9], [sflag:$0x3] =	stream.linear.gather [hbm4b:s15+s2], $0x80, $0x38;
	[tilespmem:$0x1E080] =	vst v63  }
0x233: {  	_ =	swait.ge [sflag:s28], $0x80  }
0x234: {  	[sflag:s28] =	ssyncset.done $0x0  }
0x235: {  	[sflag:s28] =	ssyncadd.s32 $0xFFFFFF80  }
0x236: {  	_ =	swait.ge [sflag:s10], $0x4000  }
.Ltmp3:
0x237: {  	[sflag:s10] =	ssyncset.done $0x0;
	(pc) =	sbr.rel @p2 .LBB2_8-.Ltmp3, $4  }
0x238: {  	[sflag:s10] =	ssyncadd.s32 $0xFFFFC000  }
0x239: {  	[spmem:s1] =	stream.indirect.scatter.add.f32 [tilespmem:s31], [sflag:$0x3], $0x80, s9, s29, $0xb8;
	[tilespmem:$0x1E080] =	vst v63  }
0x23a: {  	_ =	swait.ge [sflag:s28], $0x4000  }
0x23b: {  	s22 =	sadd.s32 $0x100, s22;
	[sflag:s28] =	ssyncset.done $0x0  }
0x23c: {  	s14 =	sadd.s32 $0xFFFFFF80, s22;
	[sflag:s28] =	ssyncadd.s32 $0xFFFFC000  }
0x23d: {  	[tilespmem:s31], [sflag:$0x2] =	stream.indirect.gather [hbm4b:s3+s29], $0x80, s14, s29, $0xb8;
	[tilespmem:$0x1E080] =	vst v63  }
0x23e: {  	s13 =	sadd.s32 s13, s18  }
0x23f: {  	[tilespmem:s0], [sflag:$0x3] =	stream.linear.gather [hbm4b:s13+s2], $0x80, $0x38;
	[tilespmem:$0x1E080] =	vst v63  }
0x240: {  	_ =	swait.ge [sflag:s28], $0x80  }
0x241: {  	[sflag:s28] =	ssyncset.done $0x0  }
0x242: {  	[sflag:s28] =	ssyncadd.s32 $0xFFFFFF80  }
0x243: {  	_ =	swait.ge [sflag:s8], $0x4000  }
0x244: {  	[sflag:s8] =	ssyncset.done $0x0  }
0x245: {  	[sflag:s8] =	ssyncadd.s32 $0xFFFFC000  }
0x246: {  	[spmem:s1] =	stream.indirect.scatter.add.f32 [tilespmem:s30], [sflag:$0x3], $0x80, s0, s29, $0xb8;
	[tilespmem:$0x1E080] =	vst v63  }
0x247: {  	_ =	swait.ge [sflag:s28], $0x4000  }
0x248: {  	[sflag:s28] =	ssyncset.done $0x0  }
0x249: {  	[sflag:s28] =	ssyncadd.s32 $0xFFFFC000  }
0x24a: {  	[tilespmem:s30], [sflag:$0x1] =	stream.indirect.gather [hbm4b:s3+s29], $0x80, s22, s29, $0xb8;
	[tilespmem:$0x1E080] =	vst v63  }
0x24b: {  	s13 =	sadd.s32 $0x10, s13  }
0x24c: {  	[tilespmem:s9], [sflag:$0x3] =	stream.linear.gather [hbm4b:s13+s2], $0x80, $0x38;
	[tilespmem:$0x1E080] =	vst v63  }
0x24d: {  	_ =	swait.ge [sflag:s28], $0x80  }
0x24e: {  	[sflag:s28] =	ssyncset.done $0x0  }
0x24f: {  	[sflag:s28] =	ssyncadd.s32 $0xFFFFFF80  }
0x250: {  	_ =	swait.ge [sflag:s10], $0x4000  }
0x251: {  	[sflag:s10] =	ssyncset.done $0x0  }
0x252: {  	[sflag:s10] =	ssyncadd.s32 $0xFFFFC000  }
0x253: {  	[spmem:s1] =	stream.indirect.scatter.add.f32 [tilespmem:s31], [sflag:$0x3], $0x80, s9, s29, $0xb8;
	[tilespmem:$0x1E080] =	vst v63  }
0x254: {  	_ =	swait.ge [sflag:s28], $0x4000  }
0x255: {  	[sflag:s28] =	ssyncset.done $0x0  }
0x256: {  	[sflag:s28] =	ssyncadd.s32 $0xFFFFC000  }
0x257: {  	[tilespmem:s31], [sflag:$0x2] =	stream.indirect.gather [hbm4b:s3+s29], $0x80, s11, s29, $0xb8;
	[tilespmem:$0x1E080] =	vst v63  }
0x258: {  	_ = 	snop  }
0x259: {  	[tilespmem:s0], [sflag:$0x3] =	stream.linear.gather [hbm4b:s25+s2], $0x80, $0x38;
	[tilespmem:$0x1E080] =	vst v63  }
0x25a: {  	_ =	swait.ge [sflag:s28], $0x80  }
0x25b: {  	[sflag:s28] =	ssyncset.done $0x0  }
0x25c: {  	[sflag:s28] =	ssyncadd.s32 $0xFFFFFF80  }
0x25d: {  	_ =	swait.ge [sflag:s8], $0x4000  }
0x25e: {  	[sflag:s8] =	ssyncset.done $0x0  }
0x25f: {  	[sflag:s8] =	ssyncadd.s32 $0xFFFFC000  }
0x260: {  	[spmem:s1] =	stream.indirect.scatter.add.f32 [tilespmem:s30], [sflag:$0x3], $0x80, s0, s29, $0xb8;
	[tilespmem:$0x1E080] =	vst v63  }
0x261: {  	_ =	swait.ge [sflag:s28], $0x4000  }
0x262: {  	[sflag:s28] =	ssyncset.done $0x0  }
0x263: {  	[sflag:s28] =	ssyncadd.s32 $0xFFFFC000  }
0x264: {  	[tilespmem:s9], [sflag:$0x3] =	stream.linear.gather [hbm4b:s26+s2], $0x80, $0x38;
	[tilespmem:$0x1E080] =	vst v63  }
0x265: {  	_ =	swait.ge [sflag:s28], $0x80  }
0x266: {  	[sflag:s28] =	ssyncset.done $0x0  }
0x267: {  	[sflag:s28] =	ssyncadd.s32 $0xFFFFFF80  }
0x268: {  	_ =	swait.ge [sflag:s10], $0x4000  }
0x269: {  	[sflag:s10] =	ssyncset.done $0x0  }
0x26a: {  	[sflag:s10] =	ssyncadd.s32 $0xFFFFC000  }
0x26b: {  	[spmem:s1] =	stream.indirect.scatter.add.f32 [tilespmem:s31], [sflag:$0x3], $0x80, s9, s29, $0xb8;
	[tilespmem:$0x1E080] =	vst v63  }
0x26c: {  	_ =	swait.ge [sflag:s28], $0x4000  }
0x26d: {  	[sflag:s28] =	ssyncset.done $0x0  }
0x26e: {  	[sflag:s28] =	ssyncadd.s32 $0xFFFFC000  }
0x26f: {  	[bflag:$0x0] =	sbarrier.arrive $0xFFFF  }
0x270: {  	s14 =	rddreg [dreg:$0xb]  }
0x271: {  	s23 =	sadd.s32 s4, s14  }
0x272: {  	[hbm:s23], [sflag:s7] =	dma.local [spmem:s20], $0x2700  }
0x273: {  	_ =	swait.ge [sflag:s28], $0x2700  }
0x274: {  	[sflag:s28] =	ssyncset.done $0x0  }
0x275: {  	s13 =	sadd.s32 @!p0 $0x27000, s14;
	[sflag:s28] =	ssyncadd.s32 $0xFFFFD900  }
0x276: {  	[hbm:s13], [sflag:s7] =	dma.local @!p0 [spmem:s21], $0x100  }
0x277: {  	s13 =	simm.s32 @!p0 $0x3  }
0x278: {  	_ =	swait.ge @!p0 [sflag:s13], $0x100  }
0x279: {  	s12 =	sadd.s32 $0x1, s12;
	s24 =	rddreg [dreg:$0xc]  }
0x27a: {  	p2 =	sne.s32 s12, s24  }
.Ltmp4:
0x27b: {  	_ = 	snop;
	(pc) =	sbr.rel @p2 .LBB2_1-.Ltmp4, $3  }
0x27c: {  	[sflag:s13] =	ssyncset.done @!p0 $0x0  }
0x27d: {  	[sflag:s13] =	ssyncadd.s32 @!p0 $0xFFFFFF00  }
0x27e: {  	[bflag:$0x0] =	sbarrier.arrive $0xFFFF;
	_ =	sdelay $0x1  }
0x27f: {  	_ =	sfence.sel $0x180000  }
0x280: {  	[bflag:$0x0] =	sbarrier.arrive $0xFFFF  }
0x281: {  	_ =	strace $0x9000004A  }
0x282: {  	[bflag:$0x2] =	sbarrier.arrive $0xFFFF  }
0x283: {  	s0 =	rddreg [dreg:$0x2]  }
0x284: {  	s0 =	sadd.s32 @!p0 $0x100000, s0  }
0x285: {  	[sflag:s0] =	ssyncadd.tile.s32 @!p0 $0x1;
	_ =	shalt  }
.Lfunc_end2:
_tile_overlayer_lowered:
.L_overlay_start_2:
0x286: {  	(tag) =	ssettag $0x2  }
0x287: {  	s0 =	rddreg [dreg:$0x0];
	s2 =	stileid.u32  }
0x288: {  	s1 =	rddreg [dreg:$0x1];
	p0 =	sne.s32 s2, $0x0  }
0x289: {  	s3 =	rddreg [dreg:$0x2];
	[bflag:$0x3] =	sbarrier.arrive $0xFFFF;
	s2 =	simm.s32 @!p0 $0x1C03  }
0x28a: {  	[timem:s3], [sflag:s2] =	dma.local @!p0 [hbm:s0], s1  }
0x28b: {  	s0 =	simm.s32 @!p0 $0x3  }
0x28c: {  	_ =	swait.ge @!p0 [sflag:s0], s1  }
0x28d: {  	s1 =	ssub.s32 @!p0 $0x0, s1;
	[sflag:s0] =	ssyncset.done @!p0 $0x0  }
0x28e: {  	[sflag:s0] =	ssyncadd.s32 @!p0 s1  }
0x28f: {  	[bflag:$0x3] =	sbarrier.arrive $0xFFFF  }
0x290: {  	_ =	shalt  }

// kernel: kernel.9.cloned.1.call-start
scs
__scs_entry_jumppad:
0x0: {  	(pc) =	sbr.rel $0x88, $3  }
0x1: {  	(tag) =	ssettag $0x0;
	lr =	simm.s32 $0x1  }
0x2: {  	[smem:$0x3F7D] =	sst lr;
	_ =	strace $0xD0000000  }
0x3: {  	_ = 	snop  }
0x4: {  	_ = 	snop  }
0x5: {  	_ = 	snop  }
0x6: {  	_ = 	snop  }
0x7: {  	_ = 	snop  }
__scs_overlays_trampoline_lowered:
0x8: {  	[smem:$0x3F8C] =	sst s0  }
0x9: {  	[smem:$0x3F8D] =	sst s1  }
0xa: {  	[smem:$0x3F8E] =	sst s2  }
0xb: {  	[smem:$0x3F8F] =	sst s3  }
0xc: {  	[smem:$0x3F90] =	sst s4  }
0xd: {  	[smem:$0x3F91] =	sst s5  }
0xe: {  	[smem:$0x3F92] =	sst s6  }
0xf: {  	[smem:$0x3F93] =	sst s7  }
0x10: {  	[smem:$0x3F94] =	sst s8  }
0x11: {  	[smem:$0x3F95] =	sst s9;
	s0 =	simm.s32 @!p0 $0x0  }
0x12: {  	s1 =	sld [smem:$0x3F7B];
	s0 =	simm.s32 @p0 $0x1  }
0x13: {  	[smem:$0x3F96] =	sst s0;
	s0 =	simm.s32 @!p1 $0x0  }
0x14: {  	s2 =	sld [smem:$0x3F7A];
	s0 =	simm.s32 @p1 $0x1  }
0x15: {  	[smem:$0x3F97] =	sst s0;
	s0 =	simm.s32 @!p2 $0x0  }
0x16: {  	s3 =	sld [smem:$0x3FDB];
	s0 =	simm.s32 @p2 $0x1  }
0x17: {  	s4 =	simm.s32 $0x1BF5;
	[smem:$0x3F99] =	sst s0  }
0x18: {  	s0 =	sld [smem:$0x3F7C];
	_ =	swait.ge [sflag:s4], $0x0  }
0x19: {  	s7 =	sld [smem:$0x3F7D]  }
0x1a: {  	s8 =	sadd.s32 $0xFFFFE003, lr  }
0x1b: {  	s9 =	sadd.s32 $0xFFFFFEF7, lr;
	s5 =	simm.s32 $0xFFFFFFFF;
	p2 =	slt.u32 s8, $0xFFFFF086  }
0x1c: {  	p1 =	slt.u32 s9, $0xF7A;
	s5 =	simm.s32 @!p2 $0x0  }
0x1d: {  	s5 =	simm.s32 @p1 $0x1;
	p0 =	seq.s32 s7, s2  }
0x1e: {  	s7 =	smul.u32 @!p0 $0xF7A, s2;
	p2 =	seq.s32 @!p0 s5, $0x0  }
0x1f: {  	s9 =	smul.u32 $0xF7A, s1;
	s8 =	simm.s32 @!p0 $0x1BF5;
	p2 =	por !p2, p0  }
0x20: {  	[sflag:s8] =	ssyncset.s32 @!p0 $0xFFFFF086;
	s6 =	sadd.s32 @!p0 s3, s7;
	s7 =	simm.s32 @!p0 $0x108  }
0x21: {  	s3 =	sadd.s32 s3, s9;
	s6 =	sadd.s32 @!p0 $0x88, s6;
	s7 =	simm.s32 @p2 $0x1082  }
0x22: {  	[simem:s7], [sflag:s8] =	dma.local @!p0 [hbm:s6], $0xF7A  }
0x23: {  	s9 =	sor.u32 $0xD0000000, s2;
	s6 =	simm.s32 $0x108;
	_ =	swait.ge @!p0 [sflag:s8], $0x0  }
0x24: {  	s3 =	sadd.s32 $0x88, s3;
	s6 =	simm.s32 @!p1 $0x1082;
	[sflag:s4] =	ssyncset.s32 $0xFFFFF086  }
0x25: {  	[simem:s6], [sflag:s4] =	dma.local [hbm:s3], $0xF7A  }
0x26: {  	[smem:$0x3F7D] =	sst s1;
	(tag) =	ssettag s2;
	_ =	strace s9  }
0x27: {  	s1 =	sld [smem:$0x3F8D]  }
0x28: {  	s2 =	sld [smem:$0x3F8E]  }
0x29: {  	s4 =	sld [smem:$0x3F90]  }
0x2a: {  	p0 =	seq.s32 s5, $0x0;
	s5 =	sld [smem:$0x3F91]  }
0x2b: {  	s6 =	sld [smem:$0x3F92]  }
0x2c: {  	s7 =	sld [smem:$0x3F93]  }
0x2d: {  	s3 =	simm.s32 $0x108;
	s8 =	sld [smem:$0x3F94]  }
0x2e: {  	s3 =	simm.s32 @!p0 $0x1082;
	s9 =	sld [smem:$0x3F95]  }
0x2f: {  	lr =	sadd.s32 s0, s3;
	s0 =	sld [smem:$0x3F8C]  }
0x30: {  	s3 =	sld [smem:$0x3F8F]  }
0x31: {  	[smem:$0x3F98] =	sst s10  }
0x32: {  	s10 =	sld [smem:$0x3F96];
	_ =	sdelay $0x3  }
0x33: {  	p0 =	seq.s32 s10, $0x1;
	s10 =	sld [smem:$0x3F98];
	_ =	sdelay $0x3  }
0x34: {  	[smem:$0x3F98] =	sst s10  }
0x35: {  	s10 =	sld [smem:$0x3F97];
	_ =	sdelay $0x3  }
0x36: {  	p1 =	seq.s32 s10, $0x1;
	s10 =	sld [smem:$0x3F98];
	_ =	sdelay $0x3  }
0x37: {  	[smem:$0x3F98] =	sst s10  }
0x38: {  	s10 =	sld [smem:$0x3F99]  }
0x39: {  	_ = 	snop;
	(pc) =	sbr.ind lr, $3  }
0x3a: {  	_ = 	snop  }
0x3b: {  	_ = 	snop  }
0x3c: {  	p2 =	seq.s32 s10, $0x1;
	s10 =	sld [smem:$0x3F98]  }
0x3d: {  	_ =	shalt  }
0x3e: {  	_ =	shalt  }
0x3f: {  	_ =	shalt  }
0x40: {  	_ =	shalt  }
0x41: {  	_ =	shalt  }
0x42: {  	_ =	shalt  }
0x43: {  	_ =	shalt  }
0x44: {  	_ =	shalt  }
0x45: {  	_ =	shalt  }
0x46: {  	_ =	shalt  }
0x47: {  	_ =	shalt  }
0x48: {  	_ =	shalt  }
0x49: {  	_ =	shalt  }
0x4a: {  	_ =	shalt  }
0x4b: {  	_ =	shalt  }
0x4c: {  	_ =	shalt  }
0x4d: {  	_ =	shalt  }
0x4e: {  	_ =	shalt  }
0x4f: {  	_ =	shalt  }
0x50: {  	_ =	shalt  }
0x51: {  	_ =	shalt  }
0x52: {  	_ =	shalt  }
0x53: {  	_ =	shalt  }
0x54: {  	_ =	shalt  }
0x55: {  	_ =	shalt  }
0x56: {  	_ =	shalt  }
0x57: {  	_ =	shalt  }
0x58: {  	_ =	shalt  }
0x59: {  	_ =	shalt  }
0x5a: {  	_ =	shalt  }
0x5b: {  	_ =	shalt  }
0x5c: {  	_ =	shalt  }
0x5d: {  	_ =	shalt  }
0x5e: {  	_ =	shalt  }
0x5f: {  	_ =	shalt  }
0x60: {  	_ =	shalt  }
0x61: {  	_ =	shalt  }
0x62: {  	_ =	shalt  }
0x63: {  	_ =	shalt  }
0x64: {  	_ =	shalt  }
0x65: {  	_ =	shalt  }
0x66: {  	_ =	shalt  }
0x67: {  	_ =	shalt  }
0x68: {  	_ =	shalt  }
0x69: {  	_ =	shalt  }
0x6a: {  	_ =	shalt  }
0x6b: {  	_ =	shalt  }
0x6c: {  	_ =	shalt  }
0x6d: {  	_ =	shalt  }
0x6e: {  	_ =	shalt  }
0x6f: {  	_ =	shalt  }
0x70: {  	_ =	shalt  }
0x71: {  	_ =	shalt  }
0x72: {  	_ =	shalt  }
0x73: {  	_ =	shalt  }
0x74: {  	_ =	shalt  }
0x75: {  	_ =	shalt  }
0x76: {  	_ =	shalt  }
0x77: {  	_ =	shalt  }
0x78: {  	_ =	shalt  }
0x79: {  	_ =	shalt  }
0x7a: {  	_ =	shalt  }
0x7b: {  	_ =	shalt  }
0x7c: {  	_ =	shalt  }
0x7d: {  	_ =	shalt  }
0x7e: {  	_ =	shalt  }
0x7f: {  	_ =	shalt  }
0x80: {  	_ =	shalt  }
0x81: {  	_ =	shalt  }
0x82: {  	_ =	shalt  }
0x83: {  	_ =	shalt  }
0x84: {  	_ =	shalt  }
0x85: {  	_ =	shalt  }
0x86: {  	_ =	shalt  }
0x87: {  	_ =	shalt  }
.Lfunc_end0:
.L_simem_size_0:
called_computation_lowered:
.L_overlay_start_0:
0x88: {  	s2 =	sld [smem:$0x3FD9]  }
0x89: {  	s3 =	sld [smem:$0x3FFE];
	_ =	sdelay $0x1  }
0x8a: {  	s1 =	srdreg.scid  }
0x8b: {  	s0 =	sand.u32 $0x1, s1  }
0x8c: {  	s17 =	sshll.u32 s0, $0xA;
	s2 =	sadd.s32 s3, s2  }
0x8d: {  	s2 =	sadd.s32 s2, s17  }
0x8e: {  	[smem:$0x3FA4] =	sst s2  }
0x8f: {  	_ = 	snop  }
0x90: {  	s2 =	sld [smem:$0x3FD0];
	(tm) =	ssettm $0x1  }
0x91: {  	s18 =	sld [smem:$0x3FFB];
	_ =	sdelay $0x3  }
0x92: {  	_ =	strace s18  }
0x93: {  	s3 =	sld [smem:$0x3FFC];
	_ =	sdelay $0x3  }
0x94: {  	_ =	strace s3  }
0x95: {  	s3 =	sld [smem:$0x3FFD];
	_ =	sdelay $0x3  }
0x96: {  	_ =	strace s3  }
0x97: {  	_ =	strace $0x8FFFFFFF  }
0x98: {  	s19 =	sld [smem:$0x3FDB];
	_ =	sdelay $0x1  }
0x99: {  	s4 =	simm.s32 $_scs_section_size  }
0x9a: {  	s5 =	simm.s32 $_size__tile_overlayer_lowered;
	s6 =	simm.s32 $_tile_overlayer_lowered  }
0x9b: {  	s22 =	simm.s32 $0x1BFF;
	s21 =	sshll.u32 s6, $0x1;
	s3 =	sadd.s32 s4, s19  }
0x9c: {  	s7 =	simm.s32 $0x0;
	s20 =	sshll.u32 s5, $0x1;
	s5 =	sadd.s32 s21, s3  }
0x9d: {  	[timem:s7], [sflag:s22] =	dma.local [hbm:s5], s20  }
0x9e: {  	_ =	swait.ge [sflag:s22], s20  }
0x9f: {  	s4 =	ssub.s32 $0x0, s20;
	[sflag:s22] =	ssyncset.done $0x0  }
0xa0: {  	[sflag:s22] =	ssyncadd.s32 s4;
	_ =	sdelay $0x1  }
0xa1: {  	s23 =	simm.s32 $0x1B8B  }
0xa2: {  	_ =	swait.ge [sflag:s23], $0x1  }
0xa3: {  	[sflag:s23] =	ssyncset.done $0x0  }
0xa4: {  	s25 =	simm.s32 $0x1B8E;
	s24 =	sld [smem:$0x3FFE];
	[sflag:s23] =	ssyncadd.s32 $0xFFFFFFFF  }
0xa5: {  	s26 =	simm.s32 $execute0_lowered;
	[smem:$0x3FD2] =	sst s25  }
0xa6: {  	s5 =	sshll.u32 s26, $0x1;
	_ =	strace $0x80000046;
	[dreg:$0x1] =	wrdreg $0xFFFFFFFF  }
0xa7: {  	s28 =	simm.s32 $_size_execute0_lowered;
	s3 =	sadd.s32 s3, s5;
	[dreg:$0x0] =	wrdreg $0x0  }
0xa8: {  	s5 =	sshll.u32 s28, $0x1;
	[dreg:$0x2] =	wrdreg s3  }
0xa9: {  	[dreg:$0x3] =	wrdreg s5  }
0xaa: {  	[dreg:$0x4] =	wrdreg $0xC0  }
0xab: {  	_ =	task [dreg:s7], $0x5FFFF  }
0xac: {  	[dreg:$0x1] =	wrdreg $0xFFFFFFFF  }
0xad: {  	[dreg:$0x0] =	wrdreg $0x60  }
0xae: {  	[dreg:$0x2] =	wrdreg s24  }
0xaf: {  	[dreg:$0x3] =	wrdreg s2  }
0xb0: {  	[dreg:$0x4] =	wrdreg $0x5000  }
0xb1: {  	[dreg:$0x5] =	wrdreg $0x9  }
0xb2: {  	_ =	task.clear_ibuf [dreg:s7], $0x6FFFF;
	_ =	strace $0x90000046  }
0xb3: {  	s29 =	simm.s32 $0x9;
	_ =	strace $0x80000048  }
0xb4: {  	_ =	swait.ge [sflag:s29], $0x1  }
0xb5: {  	[sflag:s29] =	ssyncadd.s32 $0xFFFFFFFF  }
0xb6: {  	_ =	strace $0x90000048  }
0xb7: {  	_ =	sfence  }
0xb8: {  	s30 =	sld [smem:$0x0];
	_ =	sdelay $0x2  }
0xb9: {  	s31 =	sshll.u32 s1, $0xD;
	s1 =	sshrl.u32 s1, $0x2  }
0xba: {  	s3 =	sand.u32 $0x4000, s31;
	s1 =	sadd.s32 s1, s30  }
0xbb: {  	s0 =	sor.u32 s3, s0;
	s1 =	sshll.u32 s1, $0x11  }
0xbc: {  	s0 =	sor.u32 s1, s0  }
0xbd: {  	s0 =	sadd.s32 $0x8F2B, s0  }
0xbe: {  	[sflag:s0] =	ssyncadd.remote.s32 $0x1  }
0xbf: {  	_ =	sfence.sel $0xFFFF  }
0xc0: {  	[dreg:$0x0] =	wrdreg $0xFFFFFFFF;
	(pc) =	sbr.abs _section_cstart, $3  }
0xc1: {  	[dreg:$0x1] =	wrdreg $0xFFFFFFFF  }
0xc2: {  	_ =	task.clear_ibuf [dreg:s7], $0x2FFFF;
	_ =	strace $0x9FFFFFFF  }
0xc3: {  	(tm) =	ssettm $0x7FFFFFFF  }
tec
execute0_lowered:
.L_overlay_start_1:
0x0: {  	(tag) =	ssettag $0x1  }
0x1: {  	s8 =	rddreg [dreg:$0x0]  }
0x2: {  	s13 =	rddreg [dreg:$0x1]  }
0x3: {  	s1 =	rddreg [dreg:$0x2]  }
0x4: {  	s0 =	rddreg [dreg:$0x3]  }
0x5: {  	s2 =	simm.s32 $0x0;
	s15 =	stileid.u32;
	s3 =	srdreg.scid  }
0x6: {  	s19 =	simm.s32 $0x100;
	s20 =	simm.s32 $0x1;
	s21 =	simm.s32 $0x0  }
0x7: {  	[smem:$0x7FF] =	sst s2;
	s5 =	smul.u32 $0x1380, s15;
	s9 =	sand.u32 $0x1, s3  }
0x8: {  	s3 =	sadd.s32 $0xA200, s8;
	s14 =	sadd.s32 $0x5200, s8;
	s16 =	smul.u32 $0x2700, s15  }
0x9: {  	s30 =	sshll.u32 s15, $0x6;
	s17 =	sadd.s32 $0x13800, s1;
	p0 =	sne.s32 s15, $0x0  }
0xa: {  	_ =	strace $0x80000047;
	s6 =	smul.u32 $0x2710, s9;
	s7 =	ssub.s32 $0x2, s9  }
0xb: {  	s31 =	smul.u32 $0x1380, s9;
	s9 =	sshll.u32 s9, $0x4;
	s17 =	sshrl.u32 @!p0 s17, $0x3  }
0xc: {  	s4 =	sshrl.u32 s5, $0x3;
	s29 =	sshrl.u32 s7, $0x1;
	s5 =	sadd.s32 s5, s1  }
0xd: {  	s18 =	sor.u32 $0x4E00, s9;
	s10 =	sadd.s32 s4, s8;
	s11 =	sadd.s32 s6, s8  }
0xe: {  	s12 =	ssub.s32 s7, s29;
	s7 =	sor.u32 $0x1C02, s30;
	s8 =	sadd.s32 $0xF100, s8  }
0xf: {  	s16 =	sadd.s32 s31, s16;
	s9 =	sadd.s32 s14, s18;
	s15 =	sshrl.u32 s5, $0x3  }
0x10: {  	s6 =	sadd.s32 $0xCA00, s10;
	s10 =	sadd.s32 s13, s18;
	s16 =	sshrl.u32 s16, $0x3  }
0x11: {  	s11 =	sadd.s32 $0xF200, s11;
	s12 =	smax.u32 s12, $0x1;
	s18 =	simm.s32 $0x80  }
0x12: {  	s13 =	sadd.s32 s16, s13;
	s14 =	sadd.s32 s16, s14;
	s16 =	simm.s32 $0x2  }
.LBB2_1:
0x13: {  	[spmem:s15], [sflag:s7] =	dma.local [hbm:s6], $0x270  }
0x14: {  	_ =	swait.ge [sflag:s16], $0x270  }
0x15: {  	[sflag:s16] =	ssyncset.done $0x0  }
0x16: {  	s22 =	simm.s32 @!p0 $0x2;
	[sflag:s16] =	ssyncadd.s32 $0xFFFFFD90  }
0x17: {  	[spmem:s17], [sflag:s7] =	dma.local @!p0 [hbm:s8], $0x10  }
0x18: {  	_ =	swait.ge @!p0 [sflag:s22], $0x10  }
0x19: {  	[sflag:s22] =	ssyncset.done @!p0 $0x0  }
0x1a: {  	[sflag:s22] =	ssyncadd.s32 @!p0 $0xFFFFFFF0  }
0x1b: {  	s30 =	sadd.s32 $0x0, s14;
	[bflag:$0x0] =	sbarrier.arrive $0xFFFF  }
0x1c: {  	[tilespmem:s2], [sflag:$0x2] =	stream.linear.gather [hbm4b:s30+s2], $0x80, $0x38;
	[tilespmem:$0x1888] =	vst v63  }
0x1d: {  	_ =	swait.ge [sflag:s16], $0x80  }
0x1e: {  	[sflag:s16] =	ssyncset.done $0x0  }
0x1f: {  	s31 =	sadd.s32 $0x0, s13;
	[sflag:s16] =	ssyncadd.s32 $0xFFFFFF80  }
0x20: {  	[tilespmem:s18], [sflag:$0x2] =	stream.linear.gather [hbm4b:s31+s2], $0x80, $0x38;
	[tilespmem:$0x1888] =	vst v63  }
0x21: {  	_ =	swait.ge [sflag:s16], $0x80  }
0x22: {  	[sflag:s16] =	ssyncset.done $0x0  }
0x23: {  	[sflag:s16] =	ssyncadd.s32 $0xFFFFFF80  }
0x24: {  	[tilespmem:s19], [sflag:$0x1] =	stream.indirect.gather [hbm4b:s3+s18], $0x8, s2, s18, $0xb8;
	[tilespmem:$0x1888] =	vst v63  }
0x25: {  	_ =	swait.ge [sflag:s20], $0x400  }
0x26: {  	[sflag:s20] =	ssyncset.done $0x0  }
0x27: {  	[sflag:s20] =	ssyncadd.s32 $0xFFFFFC00  }
0x28: {  	[spmem:s1] =	stream.indirect.scatter.add.f32 [tilespmem:s19], [sflag:$0x2], $0x8, s18, s18, $0xb8;
	[tilespmem:$0x1888] =	vst v63  }
0x29: {  	_ =	swait.ge [sflag:s16], $0x400  }
0x2a: {  	s23 =	simm.s32 $0x20;
	s22 =	simm.s32 $0x10;
	[sflag:s16] =	ssyncset.done $0x0  }
.LBB2_2:
0x2b: {  	s24 =	sadd.s32 s22, s14  }
0x2c: {  	[sflag:s16] =	ssyncadd.s32 $0xFFFFFC00;
	s25 =	smov.u32 s23;
	s26 =	sadd.s32 $0x10, s23  }
0x2d: {  	[tilespmem:s2], [sflag:$0x2] =	stream.linear.gather [hbm4b:s24+s2], $0x80, $0x38;
	[tilespmem:$0x1888] =	vst v63  }
0x2e: {  	p1 =	sne.s32 s23, $0x260;
	_ =	swait.ge [sflag:s16], $0x80  }
0x2f: {  	[sflag:s16] =	ssyncset.done $0x0  }
0x30: {  	s23 =	sadd.s32 s22, s13;
	s22 =	smov.u32 s25;
	[sflag:s16] =	ssyncadd.s32 $0xFFFFFF80  }
0x31: {  	[tilespmem:s18], [sflag:$0x2] =	stream.linear.gather [hbm4b:s23+s2], $0x80, $0x38;
	[tilespmem:$0x1888] =	vst v63  }
0x32: {  	_ =	swait.ge [sflag:s16], $0x80  }
0x33: {  	[sflag:s16] =	ssyncset.done $0x0  }
0x34: {  	[sflag:s16] =	ssyncadd.s32 $0xFFFFFF80  }
0x35: {  	[tilespmem:s19], [sflag:$0x1] =	stream.indirect.gather [hbm4b:s3+s18], $0x8, s2, s18, $0xb8;
	[tilespmem:$0x1888] =	vst v63  }
0x36: {  	_ =	swait.ge [sflag:s20], $0x400  }
.Ltmp0:
0x37: {  	[sflag:s20] =	ssyncset.done $0x0;
	(pc) =	sbr.rel @p1 .LBB2_2-.Ltmp0, $4  }
0x38: {  	[sflag:s20] =	ssyncadd.s32 $0xFFFFFC00  }
0x39: {  	[spmem:s1] =	stream.indirect.scatter.add.f32 [tilespmem:s19], [sflag:$0x2], $0x8, s18, s18, $0xb8;
	[tilespmem:$0x1888] =	vst v63  }
0x3a: {  	_ =	swait.ge [sflag:s16], $0x400  }
0x3b: {  	s23 =	smov.u32 s26;
	[sflag:s16] =	ssyncset.done $0x0  }
0x3c: {  	s23 =	sadd.s32 s22, s14;
	[sflag:s16] =	ssyncadd.s32 $0xFFFFFC00  }
0x3d: {  	[tilespmem:s2], [sflag:$0x2] =	stream.linear.gather [hbm4b:s23+s2], $0x80, $0x38;
	[tilespmem:$0x1888] =	vst v63  }
0x3e: {  	_ =	swait.ge [sflag:s16], $0x80  }
0x3f: {  	[sflag:s16] =	ssyncset.done $0x0  }
0x40: {  	s31 =	sadd.s32 s22, s13;
	[sflag:s16] =	ssyncadd.s32 $0xFFFFFF80  }
0x41: {  	[tilespmem:s18], [sflag:$0x2] =	stream.linear.gather [hbm4b:s31+s2], $0x80, $0x38;
	[tilespmem:$0x1888] =	vst v63  }
0x42: {  	_ =	swait.ge [sflag:s16], $0x80  }
0x43: {  	[sflag:s16] =	ssyncset.done $0x0  }
0x44: {  	[sflag:s16] =	ssyncadd.s32 $0xFFFFFF80  }
0x45: {  	[tilespmem:s19], [sflag:$0x1] =	stream.indirect.gather [hbm4b:s3+s18], $0x8, s2, s18, $0xb8;
	[tilespmem:$0x1888] =	vst v63  }
0x46: {  	_ =	swait.ge [sflag:s20], $0x400  }
0x47: {  	[sflag:s20] =	ssyncset.done $0x0  }
0x48: {  	[sflag:s20] =	ssyncadd.s32 $0xFFFFFC00  }
0x49: {  	[spmem:s1] =	stream.indirect.scatter.add.f32 [tilespmem:s19], [sflag:$0x2], $0x8, s18, s18, $0xb8;
	[tilespmem:$0x1888] =	vst v63  }
0x4a: {  	_ =	swait.ge [sflag:s16], $0x400  }
0x4b: {  	[sflag:s16] =	ssyncset.done $0x0  }
0x4c: {  	[sflag:s16] =	ssyncadd.s32 $0xFFFFFC00  }
0x4d: {  	s22 =	sadd.s32 @p0 s4, s11;
	s23 =	sshrl.u32 @p0 s5, $0x3;
	[bflag:$0x0] =	sbarrier.arrive @p0 $0xFFFF  }
0x4e: {  	[hbm:s22], [sflag:s7] =	dma.local @p0 [spmem:s23], $0x270  }
0x4f: {  	s22 =	simm.s32 @p0 $0x2  }
0x50: {  	_ =	swait.ge @p0 [sflag:s22], $0x270  }
0x51: {  	[sflag:s22] =	ssyncset.done @p0 $0x0  }
0x52: {  	s23 =	simm.s32 @!p0 $0x2;
	[sflag:s22] =	ssyncadd.s32 @p0 $0xFFFFFD90;
	s22 =	simm.s32 @!p0 $0x0  }
0x53: {  	[tilespmem:s22], [sflag:$0x2] =	stream.linear.gather @!p0 [hbm4b:s9+s22], $0x80, $0x38;
	[tilespmem:$0x1888] =	vst v63  }
0x54: {  	_ =	swait.ge @!p0 [sflag:s23], $0x80  }
0x55: {  	[sflag:s23] =	ssyncset.done @!p0 $0x0  }
0x56: {  	s24 =	simm.s32 @!p0 $0x80;
	[sflag:s23] =	ssyncadd.s32 @!p0 $0xFFFFFF80  }
0x57: {  	[tilespmem:s24], [sflag:$0x2] =	stream.linear.gather @!p0 [hbm4b:s10+s22], $0x80, $0x38;
	[tilespmem:$0x1888] =	vst v63  }
0x58: {  	_ =	swait.ge @!p0 [sflag:s23], $0x80  }
0x59: {  	[sflag:s23] =	ssyncset.done @!p0 $0x0  }
0x5a: {  	s25 =	simm.s32 @!p0 $0x100;
	[sflag:s23] =	ssyncadd.s32 @!p0 $0xFFFFFF80  }
0x5b: {  	[tilespmem:s25], [sflag:$0x1] =	stream.indirect.gather @!p0 [hbm4b:s3+s24], $0x8, s22, s24, $0xb8;
	[tilespmem:$0x1888] =	vst v63  }
0x5c: {  	s22 =	simm.s32 @!p0 $0x1  }
0x5d: {  	_ =	swait.ge @!p0 [sflag:s22], $0x400  }
0x5e: {  	[sflag:s22] =	ssyncset.done @!p0 $0x0  }
0x5f: {  	[sflag:s22] =	ssyncadd.s32 @!p0 $0xFFFFFC00  }
0x60: {  	[spmem:s1] =	stream.indirect.scatter.add.f32 @!p0 [tilespmem:s25], [sflag:$0x2], $0x8, s24, s24, $0xb8;
	[tilespmem:$0x1888] =	vst v63  }
0x61: {  	_ =	swait.ge @!p0 [sflag:s23], $0x400  }
0x62: {  	[sflag:s23] =	ssyncset.done @!p0 $0x0  }
0x63: {  	[sflag:s23] =	ssyncadd.s32 @!p0 $0xFFFFFC00  }
0x64: {  	s22 =	sshrl.u32 @!p0 s5, $0x3;
	[bflag:$0x0] =	sbarrier.arrive @!p0 $0xFFFF  }
0x65: {  	[hbm:s11], [sflag:s7] =	dma.local @!p0 [spmem:s22], $0x270  }
0x66: {  	s21 =	sadd.s32 $0x1, s21;
	_ =	swait.ge @!p0 [sflag:s23], $0x270  }
0x67: {  	p1 =	sne.s32 s21, s12;
	[sflag:s23] =	ssyncset.done @!p0 $0x0  }
.Ltmp1:
0x68: {  	s22 =	sadd.s32 @!p0 $0x2700, s11;
	[sflag:s23] =	ssyncadd.s32 @!p0 $0xFFFFFD90;
	(pc) =	sbr.rel @p1 .LBB2_1-.Ltmp1, $4  }
0x69: {  	[hbm:s22], [sflag:s7] =	dma.local @!p0 [spmem:s17], $0x10  }
0x6a: {  	_ =	swait.ge @!p0 [sflag:s23], $0x10  }
0x6b: {  	[sflag:s23] =	ssyncset.done @!p0 $0x0  }
0x6c: {  	[sflag:s23] =	ssyncadd.s32 @!p0 $0xFFFFFFF0  }
0x6d: {  	_ =	sfence.sel $0x180000  }
0x6e: {  	[bflag:$0x0] =	sbarrier.arrive $0xFFFF  }
0x6f: {  	_ =	strace $0x90000047  }
0x70: {  	s0 =	sadd.s32 @!p0 $0x100000, s0;
	[bflag:$0x2] =	sbarrier.arrive $0xFFFF  }
0x71: {  	[sflag:s0] =	ssyncadd.tile.s32 @!p0 $0x1;
	_ =	shalt  }
.Lfunc_end2:
_tile_overlayer_lowered:
.L_overlay_start_2:
0x72: {  	(tag) =	ssettag $0x2  }
0x73: {  	s0 =	rddreg [dreg:$0x0];
	s2 =	stileid.u32  }
0x74: {  	s1 =	rddreg [dreg:$0x1];
	p0 =	sne.s32 s2, $0x0  }
0x75: {  	s3 =	rddreg [dreg:$0x2];
	[bflag:$0x3] =	sbarrier.arrive $0xFFFF;
	s2 =	simm.s32 @!p0 $0x1C02  }
0x76: {  	[timem:s3], [sflag:s2] =	dma.local @!p0 [hbm:s0], s1  }
0x77: {  	s0 =	simm.s32 @!p0 $0x2  }
0x78: {  	_ =	swait.ge @!p0 [sflag:s0], s1  }
0x79: {  	s1 =	ssub.s32 @!p0 $0x0, s1;
	[sflag:s0] =	ssyncset.done @!p0 $0x0  }
0x7a: {  	[sflag:s0] =	ssyncadd.s32 @!p0 s1  }
0x7b: {  	[bflag:$0x3] =	sbarrier.arrive $0xFFFF  }
0x7c: {  	_ =	shalt  }

</sc_bundles>
